<compile_context>
chip_gen: v7x
topology: tpu7x:2x2x1
jax: 0.10.2.dev20260603
libtpu: 0.0.44.dev20260713+nightly
codegen_flags: <defaults>
</compile_context>

<pallas_src>
import functools

import jax
import jax.numpy as jnp
from jax import lax
from jax.experimental import pallas as pl
from jax.experimental.pallas import tpu as pltpu
from jax.experimental.pallas import tpu_sc as plsc

N = 50000
E = 800000
F = 5
T = 12
H = 64

NPAD = 50176

DEG_TILES = 32
EPAD_DEG = 802816
DEG_EPT = EPAD_DEG // DEG_TILES
DEG_NB = DEG_EPT // 128
DEG_ROWS = NPAD // 16

EPAD_SP = 823296
SP_EPT = EPAD_SP // 16
SP_NB = SP_EPT // 128
CHB = 3
NCH = SP_NB // CHB

@functools.lru_cache(maxsize=None)
def _sc_mesh():
    return plsc.VectorSubcoreMesh(core_axis_name="c", subcore_axis_name="s",
                                  num_cores=2, num_subcores=16)


def _deg_body(dst_hbm, w_hbm, out_hbm, dstv, wv, rowv, expA, expB, zb,
              deg_sh, semA, semB):
    c = lax.axis_index("c")
    s = lax.axis_index("s")
    wid = c * 16 + s
    pltpu.sync_copy(dst_hbm.at[pl.ds(wid * DEG_EPT, DEG_EPT)], dstv)
    pltpu.sync_copy(w_hbm.at[pl.ds(wid * DEG_EPT, DEG_EPT)], wv)

    zeros16 = jnp.zeros((16,), jnp.float32)
    rows_per_tile = DEG_ROWS // 16

    @plsc.parallel_loop(0, rows_per_tile)
    def _(i):
        zb[i, :] = zeros16

    pltpu.sync_copy(zb, deg_sh.at[pl.ds(s * rows_per_tile, rows_per_tile)])
    plsc.subcore_barrier()

    def _rowv_body(b, _):
        for l in range(8):
            v = dstv[pl.ds(b * 128 + l * 16, 16)]
            rowv[b, pl.ds(l * 16, 16)] = jnp.right_shift(v, 4)
        return 0
    lax.fori_loop(0, DEG_NB, _rowv_body, 0)

    iota16 = lax.iota(jnp.int32, 16)

    def _one_batch(b, exp, sem, first):
        @pl.when(jnp.logical_not(first))
        def _():
            pltpu.make_async_copy(exp, deg_sh.at[rowv.at[b]], sem).wait()

        @plsc.parallel_loop(0, 128, unroll=2)
        def _(j):
            jj = jnp.full((16,), b * 128 + j, jnp.int32)
            dv = plsc.load_gather(dstv, [jj])
            wvv = plsc.load_gather(wv, [jj])
            row = jnp.where(iota16 == jnp.bitwise_and(dv, 15), wvv, 0.0)
            exp[j, :] = row

        pltpu.async_copy(exp, deg_sh.at[rowv.at[b]], sem, add=True)

    def _pair_body(k, _):
        _one_batch(2 * k, expA, semA, k == 0)
        _one_batch(2 * k + 1, expB, semB, k == 0)
        return 0
    lax.fori_loop(0, DEG_NB // 2, _pair_body, 0)

    pltpu.make_async_copy(expA, deg_sh.at[rowv.at[0]], semA).wait()
    pltpu.make_async_copy(expB, deg_sh.at[rowv.at[0]], semB).wait()
    plsc.subcore_barrier()
    pltpu.sync_copy(deg_sh.at[pl.ds(s * rows_per_tile, rows_per_tile)],
                    out_hbm.at[c, pl.ds(s * rows_per_tile, rows_per_tile)])


@functools.lru_cache(maxsize=None)
def _deg_kernel():
  return pl.kernel(
    _deg_body,
    out_type=jax.ShapeDtypeStruct((2, DEG_ROWS, 16), jnp.float32),
    mesh=_sc_mesh(),
    compiler_params=pltpu.CompilerParams(needs_layout_passes=False, use_tc_tiling_on_sc=False),
    scratch_types=[
        pltpu.VMEM((DEG_EPT,), jnp.int32),
        pltpu.VMEM((DEG_EPT,), jnp.float32),
        pltpu.VMEM((DEG_NB, 128), jnp.int32),
        pltpu.VMEM((128, 16), jnp.float32),
        pltpu.VMEM((128, 16), jnp.float32),
        pltpu.VMEM((DEG_ROWS // 16, 16), jnp.float32),
        pltpu.VMEM_SHARED((DEG_ROWS, 16), jnp.float32),
        pltpu.SemaphoreType.DMA,
        pltpu.SemaphoreType.DMA,
    ],
  )


def _spmm_body(y_hbm, src_hbm, src2_hbm, dst_hbm, w_hbm, out_hbm,
               srcA, dstA, wA, srcB, dstB, wB, rowsA, rowsB,
               acc_sh, gatA, gatB, scatA, scatB, idxA, idxB):
    c = lax.axis_index("c")
    s = lax.axis_index("s")
    rows_per_tile = NPAD // 16

    zeros16 = jnp.zeros((16,), jnp.float32)

    @plsc.parallel_loop(0, 128)
    def _(j):
        rowsA[0, j, pl.ds(0, 16)] = zeros16
        rowsA[0, j, pl.ds(16, 16)] = zeros16

    for m in range(rows_per_tile // 128):
        pltpu.sync_copy(rowsA.at[0],
                        acc_sh.at[pl.ds(s * rows_per_tile + m * 128, 128)])
    pltpu.sync_copy(
        rowsA.at[0, pl.ds(0, rows_per_tile % 128)],
        acc_sh.at[pl.ds(s * rows_per_tile + (rows_per_tile // 128) * 128,
                        rows_per_tile % 128)])
    plsc.subcore_barrier()

    def _issue_idx(g, srcR, dstR, wR, sem):
        @pl.when(c == 0)
        def _():
            pltpu.async_copy(src_hbm.at[s, pl.ds(g * CHB, CHB)], srcR, sem)

        @pl.when(c == 1)
        def _():
            pltpu.async_copy(src2_hbm.at[s, pl.ds(g * CHB, CHB)], srcR, sem)
        pltpu.async_copy(dst_hbm.at[s, pl.ds(g * CHB, CHB)], dstR, sem)
        pltpu.async_copy(w_hbm.at[s, pl.ds(g * CHB, CHB)], wR, sem)

    def _wait_idx(g, srcR, dstR, wR, sem):
        pltpu.make_async_copy(src_hbm.at[s, pl.ds(g * CHB, CHB)], srcR,
                              sem).wait()
        pltpu.make_async_copy(dst_hbm.at[s, pl.ds(g * CHB, CHB)], dstR,
                              sem).wait()
        pltpu.make_async_copy(w_hbm.at[s, pl.ds(g * CHB, CHB)], wR,
                              sem).wait()

    def _scale_and_scatter(gdescs, rowsR, wR, dstR, sem):
        descs = []
        for b in range(CHB):
            gdescs[b].wait()

            @plsc.parallel_loop(0, 128, unroll=8)
            def _(j, _b=b):
                jv = jnp.full((16,), j, jnp.int32)
                wv = plsc.load_gather(
                    wR, [jnp.full((16,), _b, jnp.int32), jv])
                rowsR[_b, j, pl.ds(0, 16)] = rowsR[_b, j, pl.ds(0, 16)] * wv
                rowsR[_b, j, pl.ds(16, 16)] = rowsR[_b, j, pl.ds(16, 16)] * wv
            descs.append(pltpu.async_copy(rowsR.at[b], acc_sh.at[dstR.at[b]],
                                          sem, add=True))
        return descs

    def _fire_gathers(srcR, rowsR, sem):
        return [pltpu.async_copy(y_hbm.at[srcR.at[b]], rowsR.at[b], sem)
                for b in range(CHB)]

    _issue_idx(0, srcA, dstA, wA, idxA)

    def _pair(k, _):
        gA = 2 * k
        gB = 2 * k + 1
        _wait_idx(gA, srcA, dstA, wA, idxA)
        gdA = _fire_gathers(srcA, rowsA, gatA)

        @pl.when(k > 0)
        def _():
            for b in range(CHB):
                pltpu.make_async_copy(rowsB.at[b], acc_sh.at[dstB.at[b]],
                                      scatB).wait()
        _issue_idx(gB, srcB, dstB, wB, idxB)

        sdA = _scale_and_scatter(gdA, rowsA, wA, dstA, scatA)

        _wait_idx(gB, srcB, dstB, wB, idxB)
        gdB = _fire_gathers(srcB, rowsB, gatB)

        for d in sdA:
            d.wait()

        @pl.when(k < NCH // 2 - 1)
        def _():
            _issue_idx(gA + 2, srcA, dstA, wA, idxA)

        _scale_and_scatter(gdB, rowsB, wB, dstB, scatB)
        return 0

    lax.fori_loop(0, NCH // 2, _pair, 0)

    for b in range(CHB):
        pltpu.make_async_copy(rowsB.at[b], acc_sh.at[dstB.at[b]],
                              scatB).wait()
    plsc.subcore_barrier()
    pltpu.sync_copy(acc_sh.at[pl.ds(s * rows_per_tile, rows_per_tile)],
                    out_hbm.at[c, pl.ds(s * rows_per_tile, rows_per_tile)])


@functools.lru_cache(maxsize=None)
def _spmm_kernel():
  return pl.kernel(
    _spmm_body,
    out_type=jax.ShapeDtypeStruct((2, NPAD, 32), jnp.float32),
    mesh=_sc_mesh(),
    compiler_params=pltpu.CompilerParams(needs_layout_passes=False, use_tc_tiling_on_sc=False),
    scratch_types=[
        pltpu.VMEM((CHB, 128), jnp.int32),
        pltpu.VMEM((CHB, 128), jnp.int32),
        pltpu.VMEM((CHB, 128), jnp.float32),
        pltpu.VMEM((CHB, 128), jnp.int32),
        pltpu.VMEM((CHB, 128), jnp.int32),
        pltpu.VMEM((CHB, 128), jnp.float32),
        pltpu.VMEM((CHB, 128, 32), jnp.float32),
        pltpu.VMEM((CHB, 128, 32), jnp.float32),
        pltpu.VMEM_SHARED((NPAD, 32), jnp.float32),
        pltpu.SemaphoreType.DMA,
        pltpu.SemaphoreType.DMA,
        pltpu.SemaphoreType.DMA,
        pltpu.SemaphoreType.DMA,
        pltpu.SemaphoreType.DMA,
        pltpu.SemaphoreType.DMA,
    ],
  )


BN = 1024
_GRID = NPAD // BN
BN2 = 1024
_GRID2 = NPAD // BN2


def _t1_body(d0_ref, d1_ref, x_ref, y_ref, dinv_ref):
    dc = lax.rsqrt(d0_ref[...] + d1_ref[...] + 1.0)
    dinv_ref[...] = dc
    xb = x_ref[...]
    z2 = jnp.zeros((BN, 2), jnp.float32)
    y_ref[0] = jnp.concatenate([xb[:, 0:30] * dc, z2], axis=1)
    y_ref[1] = jnp.concatenate([xb[:, 30:60] * dc, z2], axis=1)


def _make_t1(interpret=False):
  return pl.pallas_call(
    _t1_body,
    interpret=interpret,
    grid=(_GRID,),
    in_specs=[
        pl.BlockSpec((BN, 1), lambda i: (i, 0)),
        pl.BlockSpec((BN, 1), lambda i: (i, 0)),
        pl.BlockSpec((BN, 60), lambda i: (i, 0)),
    ],
    out_specs=[
        pl.BlockSpec((2, BN, 32), lambda i: (0, i, 0)),
        pl.BlockSpec((BN, 1), lambda i: (i, 0)),
    ],
    out_shape=[
        jax.ShapeDtypeStruct((2, NPAD, 32), jnp.float32),
        jax.ShapeDtypeStruct((NPAD, 1), jnp.float32),
    ],
  )


_t1_kernel = _make_t1()


def _head_body(spmm_ref, y_ref, dinv_ref, attp_ref, Wz_ref, Wh_ref,
               WlzT_ref, WlhT_ref, bz_ref, bh_ref, blz_ref, blh_ref,
               fc1w_ref, fc1b_ref, fc2r_ref, fc2b_ref, hacc_ref, o_ref):
    f32 = jnp.float32
    d = dinv_ref[...]

    att = attp_ref[...]
    m = jnp.max(att, axis=1, keepdims=True)
    ee = jnp.exp(att - m)
    pr = ee / jnp.sum(ee, axis=1, keepdims=True)

    WlzT = WlzT_ref[...]
    WlhT = WlhT_ref[...]
    Az = jnp.dot(Wz_ref[...], WlzT, preferred_element_type=f32)
    Ah = jnp.dot(Wh_ref[...], WlhT, preferred_element_type=f32)
    cz = jnp.dot(bz_ref[...], WlzT, preferred_element_type=f32) + blz_ref[...]
    ch = jnp.dot(bh_ref[...], WlhT, preferred_element_type=f32) + blh_ref[...]

    z8 = jnp.zeros((BN2, 8), f32)
    a0 = jnp.concatenate([d * (spmm_ref[0] + y_ref[0]), z8], axis=1)
    a1 = jnp.concatenate([d * (spmm_ref[1] + y_ref[1]), z8], axis=1)

    hacc = jnp.zeros((BN2, H), f32)
    for t in range(T):
        src = a0 if t < 6 else a1
        tau = t % 6
        at8 = src[:, 5 * tau:5 * tau + 8]
        zp = jnp.dot(at8, Az, preferred_element_type=f32) + cz
        hp = jnp.dot(at8, Ah, preferred_element_type=f32) + ch
        pt = pr[0:1, t:t + 1]
        gate = 1.0 + jnp.tanh(-0.5 * zp)
        hacc = hacc + (0.5 * pt) * gate * jnp.tanh(hp)

    hacc_ref[...] = hacc
    hid = jax.nn.relu(
        jnp.dot(hacc, fc1w_ref[...], preferred_element_type=f32)
        + fc1b_ref[...])
    o = jnp.sum(hid * fc2r_ref[...], axis=1, keepdims=True)
    o_ref[...] = o + fc2b_ref[0:1, 0:1]


def _full(shape):
    return pl.BlockSpec(shape, lambda i: tuple(0 for _ in shape))


def _make_head(interpret=False):
  return pl.pallas_call(
    _head_body,
    interpret=interpret,
    grid=(_GRID2,),
    in_specs=[
        pl.BlockSpec((2, BN2, 32), lambda i: (0, i, 0)),
        pl.BlockSpec((2, BN2, 32), lambda i: (0, i, 0)),
        pl.BlockSpec((BN2, 1), lambda i: (i, 0)),
        _full((1, 128)),
        _full((8, 64)),
        _full((8, 64)),
        _full((64, 64)),
        _full((64, 64)),
        _full((1, 64)),
        _full((1, 64)),
        _full((1, 64)),
        _full((1, 64)),
        _full((64, 32)),
        _full((1, 32)),
        _full((1, 32)),
        _full((1, 128)),
    ],
    out_specs=[
        pl.BlockSpec((BN2, 64), lambda i: (i, 0)),
        pl.BlockSpec((BN2, 1), lambda i: (i, 0)),
    ],
    out_shape=[
        jax.ShapeDtypeStruct((N, 64), jnp.float32),
        jax.ShapeDtypeStruct((N, 1), jnp.float32),
    ],
  )


_head_kernel = _make_head()


def kernel(x, edge_index, edge_weight, attention, Wz, bz, Wr, br, Wh, bh,
           Wlz, blz, Wlr, blr, Wlh, blh, fc1_w, fc1_b, fc2_w, fc2_b):
    f32 = jnp.float32
    src = edge_index[0].astype(jnp.int32)
    dst = edge_index[1].astype(jnp.int32)
    w = edge_weight.astype(f32)

    padE = EPAD_SP - E
    srcp = jnp.pad(src, (0, padE))
    dstp = jnp.pad(dst, (0, padE))
    wp = jnp.pad(w, (0, padE))

    deg2 = _deg_kernel()(dstp[:EPAD_DEG], wp[:EPAD_DEG])
    d0 = deg2[0].reshape(NPAD, 1)
    d1 = deg2[1].reshape(NPAD, 1)

    xf = x.reshape(N, T * F).astype(f32)
    yv, dinv = _t1_kernel(d0, d1, xf)

    yflat = yv.reshape(2 * NPAD, 32)
    spmm = _spmm_kernel()(yflat,
                          srcp.reshape(16, SP_NB, 128),
                          (srcp + NPAD).reshape(16, SP_NB, 128),
                          dstp.reshape(16, SP_NB, 128),
                          wp.reshape(16, SP_NB, 128))

    attp = jnp.pad(attention.astype(f32), (0, 128 - T),
                   constant_values=-1e30).reshape(1, 128)
    Wz8 = jnp.pad(Wz.astype(f32), ((0, 3), (0, 0)))
    Wh8 = jnp.pad(Wh.astype(f32), ((0, 3), (0, 0)))
    hacc_p, o_p = _head_kernel(
        spmm, yv, dinv, attp, Wz8, Wh8,
        Wlz[:H].astype(f32), Wlh[:H].astype(f32),
        bz.reshape(1, H).astype(f32), bh.reshape(1, H).astype(f32),
        blz.reshape(1, H).astype(f32), blh.reshape(1, H).astype(f32),
        fc1_w.astype(f32), fc1_b.reshape(1, 32).astype(f32),
        fc2_w.reshape(1, 32).astype(f32),
        jnp.pad(fc2_b.astype(f32), (0, 127)).reshape(1, 128))

    return o_p, hacc_p

# --- scband reference (transcript-rebuilt; emitter-appended) ---
"""Pipeline reference for scband-a3-tgcnforecaster-30820685316434 (READ-ONLY COPY).

The authoritative reference and input builder live on the scoring server;
editing this copy changes nothing except your own understanding.
"""

import jax, jax.numpy as jnp
import numpy as np

N = 50000
E = 800000
F_IN = 5
T = 12
H = 64

def _gcn(x, src, dst, ew, W, b):
    n = x.shape[0]
    xw = x @ W
    loop = jnp.arange(n)
    s = jnp.concatenate([src, loop])
    d = jnp.concatenate([dst, loop])
    w = jnp.concatenate([ew, jnp.ones((n,), x.dtype)])
    deg = jnp.zeros((n,), x.dtype).at[d].add(w)
    dinv = jnp.where(deg > 0, jax.lax.rsqrt(jnp.maximum(deg, 1e-12)), 0.0)
    norm = dinv[s] * w * dinv[d]
    out = jnp.zeros((n, W.shape[1]), x.dtype).at[d].add(xw[s] * norm[:, None])
    return out + b

def _tgcn_cell(xt, src, dst, ew, h, p):
    cz = _gcn(xt, src, dst, ew, p['Wz'], p['bz'])
    z = jax.nn.sigmoid(jnp.concatenate([cz, h], axis=1) @ p['Wlz'] + p['blz'])
    cr = _gcn(xt, src, dst, ew, p['Wr'], p['br'])
    r = jax.nn.sigmoid(jnp.concatenate([cr, h], axis=1) @ p['Wlr'] + p['blr'])
    ch = _gcn(xt, src, dst, ew, p['Wh'], p['bh'])
    ht = jnp.tanh(jnp.concatenate([ch, h * r], axis=1) @ p['Wlh'] + p['blh'])
    return z * h + (1.0 - z) * ht

def _glorot(k, shape):
    lim = float(np.sqrt(6.0 / (shape[0] + shape[1])))
    return jax.random.uniform(k, shape, jnp.float32, -lim, lim)

def setup_inputs(seed: int = 0):
    key = jax.random.key(seed)
    ks = jax.random.split(key, 24)
    inp = {}
    inp['x'] = jax.random.normal(ks[0], (N, T, F_IN), jnp.float32)
    inp['edge_index'] = jax.random.randint(ks[1], (2, E), 0, N, jnp.int32).astype(jnp.int64)
    inp['edge_weight'] = jax.random.uniform(ks[2], (E,), jnp.float32)
    inp['attention'] = jax.random.uniform(ks[3], (T,), jnp.float32)
    inp['Wz'] = _glorot(ks[4], (F_IN, H)); inp['bz'] = jnp.zeros((H,), jnp.float32)
    inp['Wr'] = _glorot(ks[5], (F_IN, H)); inp['br'] = jnp.zeros((H,), jnp.float32)
    inp['Wh'] = _glorot(ks[6], (F_IN, H)); inp['bh'] = jnp.zeros((H,), jnp.float32)
    inp['Wlz'] = _glorot(ks[7], (2 * H, H)); inp['blz'] = jnp.zeros((H,), jnp.float32)
    inp['Wlr'] = _glorot(ks[8], (2 * H, H)); inp['blr'] = jnp.zeros((H,), jnp.float32)
    inp['Wlh'] = _glorot(ks[9], (2 * H, H)); inp['blh'] = jnp.zeros((H,), jnp.float32)
    inp['fc1_w'] = _glorot(ks[10], (H, H // 2)); inp['fc1_b'] = jnp.zeros((H // 2,), jnp.float32)
    inp['fc2_w'] = _glorot(ks[11], (H // 2, 1)); inp['fc2_b'] = jnp.zeros((1,), jnp.float32)
    return inp

def reference(x, edge_index, edge_weight, attention, Wz, bz, Wr, br, Wh, bh, Wlz, blz, Wlr, blr, Wlh, blh, fc1_w, fc1_b, fc2_w, fc2_b):
    # x: (N, T, F) -> permute to (N, F, T) as in the torch module
    xp = jnp.transpose(x, (0, 2, 1))
    src = edge_index[0]
    dst = edge_index[1]
    p = dict(Wz=Wz, bz=bz, Wr=Wr, br=br, Wh=Wh, bh=bh,
             Wlz=Wlz, blz=blz, Wlr=Wlr, blr=blr, Wlh=Wlh, blh=blh)
    h0 = jnp.zeros((xp.shape[0], H), jnp.float32)
    probs = jax.nn.softmax(attention)
    hacc = jnp.zeros_like(h0)
    for t in range(T):
        hacc = hacc + probs[t] * _tgcn_cell(xp[:, :, t], src, dst, edge_weight, h0, p)
    # fc head (dropout is identity in eval mode)
    hid = jax.nn.relu(hacc @ fc1_w + fc1_b)
    out = hid @ fc2_w + fc2_b
    return out, hacc

if __name__ == "__main__":
    import jax
    _d = setup_inputs()
    print(jax.jit(kernel)(*tuple(_d.values())))

</pallas_src>

<mosaic_0001>
#map = affine_map<(d0, d1) -> (0)>
#map1 = affine_map<(d0, d1) -> (0, 0, 0)>
module attributes {stable_mosaic.version = 14 : i64} {
  func.func @_deg_body(%arg0: i32, %arg1: i32, %arg2: memref<802816xi32, #tpu.memory_space<hbm>>, %arg3: memref<802816xf32, #tpu.memory_space<hbm>>, %arg4: memref<2x3136x16xf32, #tpu.memory_space<hbm>>, %arg5: memref<25088xi32, #tpu.memory_space<vmem>>, %arg6: memref<25088xf32, #tpu.memory_space<vmem>>, %arg7: memref<196x128xi32, #tpu.memory_space<vmem>>, %arg8: memref<128x16xf32, #tpu.memory_space<vmem>>, %arg9: memref<128x16xf32, #tpu.memory_space<vmem>>, %arg10: memref<196x16xf32, #tpu.memory_space<vmem>>, %arg11: memref<3136x16xf32, #tpu.memory_space<vmem_shared>>, %arg12: memref<!tpu.dma_semaphore, #tpu.memory_space<semaphore_mem>>, %arg13: memref<!tpu.dma_semaphore, #tpu.memory_space<semaphore_mem>>) attributes {dimension_semantics = [#tpu.dimension_semantics<core_parallel>, #tpu.dimension_semantics<subcore_parallel>], iteration_bounds = array<i64: 2, 16>, scalar_prefetch = 0 : i64, scratch_operands = 9 : i64, tpu.core_type = #tpu.core_type<sc_vector_subcore>, window_params = [{transform_indices = #map}, {transform_indices = #map}, {transform_indices = #map1}]} {
    %mul3A = arith.constant 16 : i32
    %mul3A_0 = arith.muli %arg0, %mul3A : i32
    %add3A = arith.addi %mul3A_0, %arg1 : i32
    %mul3A_1 = arith.constant 25088 : i32
    %mul3A_2 = arith.muli %add3A, %mul3A_1 : i32
    "tpu.region"() ({
      %run_scoped3A = tpu.sem_alloc : memref<!tpu.dma_semaphore, #tpu.memory_space<semaphore_mem>>
      %dma_start3A = tpu.memref_slice %arg2[%mul3A_2] : memref<802816xi32, #tpu.memory_space<hbm>> -> memref<25088xi32, #tpu.memory_space<hbm>>
      %dma_start3A_41 = tpu.memref_slice %arg2[%mul3A_2] : memref<802816xi32, #tpu.memory_space<hbm>> -> memref<25088xi32, #tpu.memory_space<hbm>>
      tpu.enqueue_dma source(%dma_start3A_41 : memref<25088xi32, #tpu.memory_space<hbm>>) target(%arg5 : memref<25088xi32, #tpu.memory_space<vmem>>) target_semaphore(%run_scoped3A : memref<!tpu.dma_semaphore, #tpu.memory_space<semaphore_mem>>)
      %dma_wait3A_42 = tpu.memref_slice %arg2[%mul3A_2] : memref<802816xi32, #tpu.memory_space<hbm>> -> memref<25088xi32, #tpu.memory_space<hbm>>
      %dma_wait3A_43 = tpu.memref_slice %arg2[%mul3A_2] : memref<802816xi32, #tpu.memory_space<hbm>> -> memref<25088xi32, #tpu.memory_space<hbm>>
      tpu.wait_dma2 semaphore(%run_scoped3A : memref<!tpu.dma_semaphore, #tpu.memory_space<semaphore_mem>>) src(%dma_wait3A_43 : memref<25088xi32, #tpu.memory_space<hbm>>) dst(%arg5 : memref<25088xi32, #tpu.memory_space<vmem>>)
      tpu.yield
    }) : () -> ()
    %mul3A_3 = arith.constant 25088 : i32
    %mul3A_4 = arith.muli %add3A, %mul3A_3 : i32
    "tpu.region"() ({
      %run_scoped3A = tpu.sem_alloc : memref<!tpu.dma_semaphore, #tpu.memory_space<semaphore_mem>>
      %dma_start3A = tpu.memref_slice %arg3[%mul3A_4] : memref<802816xf32, #tpu.memory_space<hbm>> -> memref<25088xf32, #tpu.memory_space<hbm>>
      %dma_start3A_41 = tpu.memref_slice %arg3[%mul3A_4] : memref<802816xf32, #tpu.memory_space<hbm>> -> memref<25088xf32, #tpu.memory_space<hbm>>
      tpu.enqueue_dma source(%dma_start3A_41 : memref<25088xf32, #tpu.memory_space<hbm>>) target(%arg6 : memref<25088xf32, #tpu.memory_space<vmem>>) target_semaphore(%run_scoped3A : memref<!tpu.dma_semaphore, #tpu.memory_space<semaphore_mem>>)
      %dma_wait3A_42 = tpu.memref_slice %arg3[%mul3A_4] : memref<802816xf32, #tpu.memory_space<hbm>> -> memref<25088xf32, #tpu.memory_space<hbm>>
      %dma_wait3A_43 = tpu.memref_slice %arg3[%mul3A_4] : memref<802816xf32, #tpu.memory_space<hbm>> -> memref<25088xf32, #tpu.memory_space<hbm>>
      tpu.wait_dma2 semaphore(%run_scoped3A : memref<!tpu.dma_semaphore, #tpu.memory_space<semaphore_mem>>) src(%dma_wait3A_43 : memref<25088xf32, #tpu.memory_space<hbm>>) dst(%arg6 : memref<25088xf32, #tpu.memory_space<vmem>>)
      tpu.yield
    }) : () -> ()
    %broadcast_in_dim3A = arith.constant 0.000000e+00 : f32
    %broadcast_in_dim3A_5 = vector.broadcast %broadcast_in_dim3A : f32 to vector<16xf32>
    %parallel_loop3A = arith.constant 0 : i32
    %parallel_loop3A_6 = arith.constant 196 : i32
    %parallel_loop3A_7 = arith.constant 1 : i32
    scf.for %parallel_loop3A_41 = %parallel_loop3A to %parallel_loop3A_6 step %parallel_loop3A_7  : i32 {
      %parallel_loop3A_42 = arith.index_cast %parallel_loop3A_41 : i32 to index
      %parallel_loop3A_43 = arith.constant 0 : index
      %parallel_loop3A_44 = tpu.vector_load %arg10[%parallel_loop3A_42, %parallel_loop3A_43] {strides = array<i32>} : memref<196x16xf32, #tpu.memory_space<vmem>>, vector<16xf32>,
      tpu.vector_store %arg10[%parallel_loop3A_42, %parallel_loop3A_43], %broadcast_in_dim3A_5 {strides = array<i32>} : memref<196x16xf32, #tpu.memory_space<vmem>>, vector<16xf32>,
    } {sc.loop_unroll_factor = 1 : i64, sc.parallel_access}
    %mul3A_8 = arith.constant 196 : i32
    %mul3A_9 = arith.muli %arg1, %mul3A_8 : i32
    "tpu.region"() ({
      %run_scoped3A = tpu.sem_alloc : memref<!tpu.dma_semaphore, #tpu.memory_space<semaphore_mem>>
      %dma_start3A = arith.constant 0 : i32
      %dma_start3A_41 = tpu.memref_slice %arg11[%mul3A_9, %dma_start3A] : memref<3136x16xf32, #tpu.memory_space<vmem_shared>> -> memref<196x16xf32, #tpu.memory_space<vmem_shared>>
      %dma_start3A_42 = arith.constant 0 : i32
      %dma_start3A_43 = tpu.memref_slice %arg11[%mul3A_9, %dma_start3A_42] : memref<3136x16xf32, #tpu.memory_space<vmem_shared>> -> memref<196x16xf32, #tpu.memory_space<vmem_shared>>
      tpu.enqueue_dma source(%arg10 : memref<196x16xf32, #tpu.memory_space<vmem>>) target(%dma_start3A_43 : memref<196x16xf32, #tpu.memory_space<vmem_shared>>) target_semaphore(%run_scoped3A : memref<!tpu.dma_semaphore, #tpu.memory_space<semaphore_mem>>)
      %dma_wait3A_44 = arith.constant 0 : i32
      %dma_wait3A_45 = tpu.memref_slice %arg11[%mul3A_9, %dma_wait3A_44] : memref<3136x16xf32, #tpu.memory_space<vmem_shared>> -> memref<196x16xf32, #tpu.memory_space<vmem_shared>>
      %dma_wait3A_46 = arith.constant 0 : i32
      %dma_wait3A_47 = tpu.memref_slice %arg11[%mul3A_9, %dma_wait3A_46] : memref<3136x16xf32, #tpu.memory_space<vmem_shared>> -> memref<196x16xf32, #tpu.memory_space<vmem_shared>>
      tpu.wait_dma2 semaphore(%run_scoped3A : memref<!tpu.dma_semaphore, #tpu.memory_space<semaphore_mem>>) src(%arg10 : memref<196x16xf32, #tpu.memory_space<vmem>>) dst(%dma_wait3A_47 : memref<196x16xf32, #tpu.memory_space<vmem_shared>>)
      tpu.yield
    }) : () -> ()
    %barrier3A = arith.constant 0 : index
    tpu.barrier barrier_id(%barrier3A)
    %scan3A = arith.constant 0 : i32
    %scan3A_10 = arith.constant 0 : i32
    %scan3A_11 = arith.constant 196 : i32
    %scan3A_12 = arith.addi %scan3A_10, %scan3A_11 : i32
    %scan3A_13 = arith.constant 1 : i32
    %scan3A_14 = scf.for %scan3A_41 = %scan3A_10 to %scan3A_12 step %scan3A_13 iter_args(%scan3A_42 = %scan3A) -> (i32)  : i32 {
      %mul3A_43 = arith.constant 128 : i32
      %mul3A_44 = arith.muli %scan3A_41, %mul3A_43 : i32
      %add3A_45 = arith.constant 0 : i32
      %add3A_46 = arith.addi %mul3A_44, %add3A_45 : i32
      %get3A = arith.index_cast %add3A_46 : i32 to index
      %get3A_47 = tpu.vector_load %arg5[%get3A] {strides = array<i32>} : memref<25088xi32, #tpu.memory_space<vmem>>, vector<16xi32>,
      %shift_right_arithmetic3A = arith.constant 4 : i32
      %shift_right_arithmetic3A_48 = vector.broadcast %shift_right_arithmetic3A : i32 to vector<16xi32>
      %shift_right_arithmetic3A_49 = arith.shrsi %get3A_47, %shift_right_arithmetic3A_48 : vector<16xi32>
      %swap3A = arith.index_cast %scan3A_41 : i32 to index
      %swap3A_50 = arith.constant 0 : index
      %swap3A_51 = tpu.vector_load %arg7[%swap3A, %swap3A_50] {strides = array<i32>} : memref<196x128xi32, #tpu.memory_space<vmem>>, vector<16xi32>,
      tpu.vector_store %arg7[%swap3A, %swap3A_50], %shift_right_arithmetic3A_49 {strides = array<i32>} : memref<196x128xi32, #tpu.memory_space<vmem>>, vector<16xi32>,
      %mul3A_52 = arith.constant 128 : i32
      %mul3A_53 = arith.muli %scan3A_41, %mul3A_52 : i32
      %add3A_54 = arith.constant 16 : i32
      %add3A_55 = arith.addi %mul3A_53, %add3A_54 : i32
      %get3A_56 = arith.index_cast %add3A_55 : i32 to index
      %get3A_57 = tpu.vector_load %arg5[%get3A_56] {strides = array<i32>} : memref<25088xi32, #tpu.memory_space<vmem>>, vector<16xi32>,
      %shift_right_arithmetic3A_58 = arith.constant 4 : i32
      %shift_right_arithmetic3A_59 = vector.broadcast %shift_right_arithmetic3A_58 : i32 to vector<16xi32>
      %shift_right_arithmetic3A_60 = arith.shrsi %get3A_57, %shift_right_arithmetic3A_59 : vector<16xi32>
      %swap3A_61 = arith.index_cast %scan3A_41 : i32 to index
      %swap3A_62 = arith.constant 16 : index
      %swap3A_63 = tpu.vector_load %arg7[%swap3A_61, %swap3A_62] {strides = array<i32>} : memref<196x128xi32, #tpu.memory_space<vmem>>, vector<16xi32>,
      tpu.vector_store %arg7[%swap3A_61, %swap3A_62], %shift_right_arithmetic3A_60 {strides = array<i32>} : memref<196x128xi32, #tpu.memory_space<vmem>>, vector<16xi32>,
      %mul3A_64 = arith.constant 128 : i32
      %mul3A_65 = arith.muli %scan3A_41, %mul3A_64 : i32
      %add3A_66 = arith.constant 32 : i32
      %add3A_67 = arith.addi %mul3A_65, %add3A_66 : i32
      %get3A_68 = arith.index_cast %add3A_67 : i32 to index
      %get3A_69 = tpu.vector_load %arg5[%get3A_68] {strides = array<i32>} : memref<25088xi32, #tpu.memory_space<vmem>>, vector<16xi32>,
      %shift_right_arithmetic3A_70 = arith.constant 4 : i32
      %shift_right_arithmetic3A_71 = vector.broadcast %shift_right_arithmetic3A_70 : i32 to vector<16xi32>
      %shift_right_arithmetic3A_72 = arith.shrsi %get3A_69, %shift_right_arithmetic3A_71 : vector<16xi32>
      %swap3A_73 = arith.index_cast %scan3A_41 : i32 to index
      %swap3A_74 = arith.constant 32 : index
      %swap3A_75 = tpu.vector_load %arg7[%swap3A_73, %swap3A_74] {strides = array<i32>} : memref<196x128xi32, #tpu.memory_space<vmem>>, vector<16xi32>,
      tpu.vector_store %arg7[%swap3A_73, %swap3A_74], %shift_right_arithmetic3A_72 {strides = array<i32>} : memref<196x128xi32, #tpu.memory_space<vmem>>, vector<16xi32>,
      %mul3A_76 = arith.constant 128 : i32
      %mul3A_77 = arith.muli %scan3A_41, %mul3A_76 : i32
      %add3A_78 = arith.constant 48 : i32
      %add3A_79 = arith.addi %mul3A_77, %add3A_78 : i32
      %get3A_80 = arith.index_cast %add3A_79 : i32 to index
      %get3A_81 = tpu.vector_load %arg5[%get3A_80] {strides = array<i32>} : memref<25088xi32, #tpu.memory_space<vmem>>, vector<16xi32>,
      %shift_right_arithmetic3A_82 = arith.constant 4 : i32
      %shift_right_arithmetic3A_83 = vector.broadcast %shift_right_arithmetic3A_82 : i32 to vector<16xi32>
      %shift_right_arithmetic3A_84 = arith.shrsi %get3A_81, %shift_right_arithmetic3A_83 : vector<16xi32>
      %swap3A_85 = arith.index_cast %scan3A_41 : i32 to index
      %swap3A_86 = arith.constant 48 : index
      %swap3A_87 = tpu.vector_load %arg7[%swap3A_85, %swap3A_86] {strides = array<i32>} : memref<196x128xi32, #tpu.memory_space<vmem>>, vector<16xi32>,
      tpu.vector_store %arg7[%swap3A_85, %swap3A_86], %shift_right_arithmetic3A_84 {strides = array<i32>} : memref<196x128xi32, #tpu.memory_space<vmem>>, vector<16xi32>,
      %mul3A_88 = arith.constant 128 : i32
      %mul3A_89 = arith.muli %scan3A_41, %mul3A_88 : i32
      %add3A_90 = arith.constant 64 : i32
      %add3A_91 = arith.addi %mul3A_89, %add3A_90 : i32
      %get3A_92 = arith.index_cast %add3A_91 : i32 to index
      %get3A_93 = tpu.vector_load %arg5[%get3A_92] {strides = array<i32>} : memref<25088xi32, #tpu.memory_space<vmem>>, vector<16xi32>,
      %shift_right_arithmetic3A_94 = arith.constant 4 : i32
      %shift_right_arithmetic3A_95 = vector.broadcast %shift_right_arithmetic3A_94 : i32 to vector<16xi32>
      %shift_right_arithmetic3A_96 = arith.shrsi %get3A_93, %shift_right_arithmetic3A_95 : vector<16xi32>
      %swap3A_97 = arith.index_cast %scan3A_41 : i32 to index
      %swap3A_98 = arith.constant 64 : index
      %swap3A_99 = tpu.vector_load %arg7[%swap3A_97, %swap3A_98] {strides = array<i32>} : memref<196x128xi32, #tpu.memory_space<vmem>>, vector<16xi32>,
      tpu.vector_store %arg7[%swap3A_97, %swap3A_98], %shift_right_arithmetic3A_96 {strides = array<i32>} : memref<196x128xi32, #tpu.memory_space<vmem>>, vector<16xi32>,
      %mul3A_100 = arith.constant 128 : i32
      %mul3A_101 = arith.muli %scan3A_41, %mul3A_100 : i32
      %add3A_102 = arith.constant 80 : i32
      %add3A_103 = arith.addi %mul3A_101, %add3A_102 : i32
      %get3A_104 = arith.index_cast %add3A_103 : i32 to index
      %get3A_105 = tpu.vector_load %arg5[%get3A_104] {strides = array<i32>} : memref<25088xi32, #tpu.memory_space<vmem>>, vector<16xi32>,
      %shift_right_arithmetic3A_106 = arith.constant 4 : i32
      %shift_right_arithmetic3A_107 = vector.broadcast %shift_right_arithmetic3A_106 : i32 to vector<16xi32>
      %shift_right_arithmetic3A_108 = arith.shrsi %get3A_105, %shift_right_arithmetic3A_107 : vector<16xi32>
      %swap3A_109 = arith.index_cast %scan3A_41 : i32 to index
      %swap3A_110 = arith.constant 80 : index
      %swap3A_111 = tpu.vector_load %arg7[%swap3A_109, %swap3A_110] {strides = array<i32>} : memref<196x128xi32, #tpu.memory_space<vmem>>, vector<16xi32>,
      tpu.vector_store %arg7[%swap3A_109, %swap3A_110], %shift_right_arithmetic3A_108 {strides = array<i32>} : memref<196x128xi32, #tpu.memory_space<vmem>>, vector<16xi32>,
      %mul3A_112 = arith.constant 128 : i32
      %mul3A_113 = arith.muli %scan3A_41, %mul3A_112 : i32
      %add3A_114 = arith.constant 96 : i32
      %add3A_115 = arith.addi %mul3A_113, %add3A_114 : i32
      %get3A_116 = arith.index_cast %add3A_115 : i32 to index
      %get3A_117 = tpu.vector_load %arg5[%get3A_116] {strides = array<i32>} : memref<25088xi32, #tpu.memory_space<vmem>>, vector<16xi32>,
      %shift_right_arithmetic3A_118 = arith.constant 4 : i32
      %shift_right_arithmetic3A_119 = vector.broadcast %shift_right_arithmetic3A_118 : i32 to vector<16xi32>
      %shift_right_arithmetic3A_120 = arith.shrsi %get3A_117, %shift_right_arithmetic3A_119 : vector<16xi32>
      %swap3A_121 = arith.index_cast %scan3A_41 : i32 to index
      %swap3A_122 = arith.constant 96 : index
      %swap3A_123 = tpu.vector_load %arg7[%swap3A_121, %swap3A_122] {strides = array<i32>} : memref<196x128xi32, #tpu.memory_space<vmem>>, vector<16xi32>,
      tpu.vector_store %arg7[%swap3A_121, %swap3A_122], %shift_right_arithmetic3A_120 {strides = array<i32>} : memref<196x128xi32, #tpu.memory_space<vmem>>, vector<16xi32>,
      %mul3A_124 = arith.constant 128 : i32
      %mul3A_125 = arith.muli %scan3A_41, %mul3A_124 : i32
      %add3A_126 = arith.constant 112 : i32
      %add3A_127 = arith.addi %mul3A_125, %add3A_126 : i32
      %get3A_128 = arith.index_cast %add3A_127 : i32 to index
      %get3A_129 = tpu.vector_load %arg5[%get3A_128] {strides = array<i32>} : memref<25088xi32, #tpu.memory_space<vmem>>, vector<16xi32>,
      %shift_right_arithmetic3A_130 = arith.constant 4 : i32
      %shift_right_arithmetic3A_131 = vector.broadcast %shift_right_arithmetic3A_130 : i32 to vector<16xi32>
      %shift_right_arithmetic3A_132 = arith.shrsi %get3A_129, %shift_right_arithmetic3A_131 : vector<16xi32>
      %swap3A_133 = arith.index_cast %scan3A_41 : i32 to index
      %swap3A_134 = arith.constant 112 : index
      %swap3A_135 = tpu.vector_load %arg7[%swap3A_133, %swap3A_134] {strides = array<i32>} : memref<196x128xi32, #tpu.memory_space<vmem>>, vector<16xi32>,
      tpu.vector_store %arg7[%swap3A_133, %swap3A_134], %shift_right_arithmetic3A_132 {strides = array<i32>} : memref<196x128xi32, #tpu.memory_space<vmem>>, vector<16xi32>,
      %scan3A_136 = arith.constant 0 : i32
      scf.yield %scan3A_136 : i32
    }
    %scan3A_15 = arith.constant 196 : i32
    %iota3A = tpu.iota {dimensions = array<i32: 0>} : vector<16xi32>
    %scan3A_16 = arith.constant 0 : i32
    %scan3A_17 = arith.constant 0 : i32
    %scan3A_18 = arith.constant 98 : i32
    %scan3A_19 = arith.addi %scan3A_17, %scan3A_18 : i32
    %scan3A_20 = arith.constant 1 : i32
    %scan3A_21 = scf.for %scan3A_41 = %scan3A_17 to %scan3A_19 step %scan3A_20 iter_args(%scan3A_42 = %scan3A_16) -> (i32)  : i32 {
      %mul3A_43 = arith.constant 2 : i32
      %mul3A_44 = arith.muli %mul3A_43, %scan3A_41 : i32
      %eq3A = arith.constant 0 : i32
      %eq3A_45 = arith.cmpi eq, %scan3A_41, %eq3A : i32
      %not3A = arith.constant true
      %not3A_46 = arith.xori %eq3A_45, %not3A : i1
      %convert_element_type3A = arith.extui %not3A_46 : i1 to i32
      %cond3A = arith.constant 0 : i32
      %cond3A_47 = arith.cmpi ne, %convert_element_type3A, %cond3A : i32
      scf.if %cond3A_47 {
        %dma_wait3A_77 = arith.constant 0 : i32
        %dma_wait3A_78 = tpu.memref_slice %arg7[%mul3A_44, %dma_wait3A_77] : memref<196x128xi32, #tpu.memory_space<vmem>> -> memref<1x128xi32, #tpu.memory_space<vmem>>
        %dma_wait3A_79 = tpu.memref_squeeze %dma_wait3A_78 : memref<1x128xi32, #tpu.memory_space<vmem>> -> memref<128xi32, #tpu.memory_space<vmem>>
        %dma_wait3A_80 = arith.constant 0 : i32
        %dma_wait3A_81 = arith.constant 0 : i32
        %dma_wait3A_82 = tpu.memref_slice %arg11[%dma_wait3A_80, %dma_wait3A_81] : memref<3136x16xf32, #tpu.memory_space<vmem_shared>> -> memref<3136x16xf32, #tpu.memory_space<vmem_shared>>
        tpu.wait_indirect_dma semaphore(%arg12 : memref<!tpu.dma_semaphore, #tpu.memory_space<semaphore_mem>>) src(%arg8 : memref<128x16xf32, #tpu.memory_space<vmem>>) dst(%dma_wait3A_82 : memref<3136x16xf32, #tpu.memory_space<vmem_shared>>)
      } else {
      }
      %parallel_loop3A_48 = arith.constant 0 : i32
      %parallel_loop3A_49 = arith.constant 128 : i32
      %parallel_loop3A_50 = arith.constant 1 : i32
      scf.for %parallel_loop3A_77 = %parallel_loop3A_48 to %parallel_loop3A_49 step %parallel_loop3A_50  : i32 {
        %parallel_loop3A_78 = arith.constant 128 : i32
        %parallel_loop3A_79 = arith.muli %mul3A_44, %parallel_loop3A_78 : i32
        %parallel_loop3A_80 = arith.addi %parallel_loop3A_79, %parallel_loop3A_77 : i32
        %parallel_loop3A_81 = vector.broadcast %parallel_loop3A_80 : i32 to vector<16xi32>
        %parallel_loop3A_82 = tpu.vector_load_idx %arg5[%parallel_loop3A_81] : memref<25088xi32, #tpu.memory_space<vmem>>[vector<16xi32>], vector<16xi32>,
        %parallel_loop3A_83 = tpu.vector_load_idx %arg6[%parallel_loop3A_81] : memref<25088xf32, #tpu.memory_space<vmem>>[vector<16xi32>], vector<16xf32>,
        %parallel_loop3A_84 = arith.constant 15 : i32
        %parallel_loop3A_85 = vector.broadcast %parallel_loop3A_84 : i32 to vector<16xi32>
        %parallel_loop3A_86 = arith.andi %parallel_loop3A_82, %parallel_loop3A_85 : vector<16xi32>
        %parallel_loop3A_87 = arith.cmpi eq, %iota3A, %parallel_loop3A_86 : vector<16xi32>
        %parallel_loop3A_88 = arith.constant 0.000000e+00 : f32
        %parallel_loop3A_89 = vector.broadcast %parallel_loop3A_88 : f32 to vector<16xf32>
        %parallel_loop3A_90 = arith.select %parallel_loop3A_87, %parallel_loop3A_83, %parallel_loop3A_89 : vector<16xi1>, vector<16xf32>
        %parallel_loop3A_91 = arith.index_cast %parallel_loop3A_77 : i32 to index
        %parallel_loop3A_92 = arith.constant 0 : index
        %parallel_loop3A_93 = tpu.vector_load %arg8[%parallel_loop3A_91, %parallel_loop3A_92] {strides = array<i32>} : memref<128x16xf32, #tpu.memory_space<vmem>>, vector<16xf32>,
        tpu.vector_store %arg8[%parallel_loop3A_91, %parallel_loop3A_92], %parallel_loop3A_90 {strides = array<i32>} : memref<128x16xf32, #tpu.memory_space<vmem>>, vector<16xf32>,
      } {sc.loop_unroll_factor = 2 : i64, sc.parallel_access}
      %dma_start3A = arith.constant 0 : i32
      %dma_start3A_51 = tpu.memref_slice %arg7[%mul3A_44, %dma_start3A] : memref<196x128xi32, #tpu.memory_space<vmem>> -> memref<1x128xi32, #tpu.memory_space<vmem>>
      %dma_start3A_52 = tpu.memref_squeeze %dma_start3A_51 : memref<1x128xi32, #tpu.memory_space<vmem>> -> memref<128xi32, #tpu.memory_space<vmem>>
      %dma_start3A_53 = arith.constant 0 : i32
      %dma_start3A_54 = arith.constant 0 : i32
      %dma_start3A_55 = tpu.memref_slice %arg11[%dma_start3A_53, %dma_start3A_54] : memref<3136x16xf32, #tpu.memory_space<vmem_shared>> -> memref<3136x16xf32, #tpu.memory_space<vmem_shared>>
      tpu.enqueue_indirect_dma source(%arg8 : memref<128x16xf32, #tpu.memory_space<vmem>>) target(%dma_start3A_55 : memref<3136x16xf32, #tpu.memory_space<vmem_shared>>) offsets(%dma_start3A_52 : memref<128xi32, #tpu.memory_space<vmem>>) semaphore(%arg12 : memref<!tpu.dma_semaphore, #tpu.memory_space<semaphore_mem>>) {add = true}
      %mul3A_56 = arith.constant 2 : i32
      %mul3A_57 = arith.muli %mul3A_56, %scan3A_41 : i32
      %add3A_58 = arith.constant 1 : i32
      %add3A_59 = arith.addi %mul3A_57, %add3A_58 : i32
      %eq3A_60 = arith.constant 0 : i32
      %eq3A_61 = arith.cmpi eq, %scan3A_41, %eq3A_60 : i32
      %not3A_62 = arith.constant true
      %not3A_63 = arith.xori %eq3A_61, %not3A_62 : i1
      %convert_element_type3A_64 = arith.extui %not3A_63 : i1 to i32
      %cond3A_65 = arith.constant 0 : i32
      %cond3A_66 = arith.cmpi ne, %convert_element_type3A_64, %cond3A_65 : i32
      scf.if %cond3A_66 {
        %dma_wait3A_77 = arith.constant 0 : i32
        %dma_wait3A_78 = tpu.memref_slice %arg7[%add3A_59, %dma_wait3A_77] : memref<196x128xi32, #tpu.memory_space<vmem>> -> memref<1x128xi32, #tpu.memory_space<vmem>>
        %dma_wait3A_79 = tpu.memref_squeeze %dma_wait3A_78 : memref<1x128xi32, #tpu.memory_space<vmem>> -> memref<128xi32, #tpu.memory_space<vmem>>
        %dma_wait3A_80 = arith.constant 0 : i32
        %dma_wait3A_81 = arith.constant 0 : i32
        %dma_wait3A_82 = tpu.memref_slice %arg11[%dma_wait3A_80, %dma_wait3A_81] : memref<3136x16xf32, #tpu.memory_space<vmem_shared>> -> memref<3136x16xf32, #tpu.memory_space<vmem_shared>>
        tpu.wait_indirect_dma semaphore(%arg13 : memref<!tpu.dma_semaphore, #tpu.memory_space<semaphore_mem>>) src(%arg9 : memref<128x16xf32, #tpu.memory_space<vmem>>) dst(%dma_wait3A_82 : memref<3136x16xf32, #tpu.memory_space<vmem_shared>>)
      } else {
      }
      %parallel_loop3A_67 = arith.constant 0 : i32
      %parallel_loop3A_68 = arith.constant 128 : i32
      %parallel_loop3A_69 = arith.constant 1 : i32
      scf.for %parallel_loop3A_77 = %parallel_loop3A_67 to %parallel_loop3A_68 step %parallel_loop3A_69  : i32 {
        %parallel_loop3A_78 = arith.constant 128 : i32
        %parallel_loop3A_79 = arith.muli %add3A_59, %parallel_loop3A_78 : i32
        %parallel_loop3A_80 = arith.addi %parallel_loop3A_79, %parallel_loop3A_77 : i32
        %parallel_loop3A_81 = vector.broadcast %parallel_loop3A_80 : i32 to vector<16xi32>
        %parallel_loop3A_82 = tpu.vector_load_idx %arg5[%parallel_loop3A_81] : memref<25088xi32, #tpu.memory_space<vmem>>[vector<16xi32>], vector<16xi32>,
        %parallel_loop3A_83 = tpu.vector_load_idx %arg6[%parallel_loop3A_81] : memref<25088xf32, #tpu.memory_space<vmem>>[vector<16xi32>], vector<16xf32>,
        %parallel_loop3A_84 = arith.constant 15 : i32
        %parallel_loop3A_85 = vector.broadcast %parallel_loop3A_84 : i32 to vector<16xi32>
        %parallel_loop3A_86 = arith.andi %parallel_loop3A_82, %parallel_loop3A_85 : vector<16xi32>
        %parallel_loop3A_87 = arith.cmpi eq, %iota3A, %parallel_loop3A_86 : vector<16xi32>
        %parallel_loop3A_88 = arith.constant 0.000000e+00 : f32
        %parallel_loop3A_89 = vector.broadcast %parallel_loop3A_88 : f32 to vector<16xf32>
        %parallel_loop3A_90 = arith.select %parallel_loop3A_87, %parallel_loop3A_83, %parallel_loop3A_89 : vector<16xi1>, vector<16xf32>
        %parallel_loop3A_91 = arith.index_cast %parallel_loop3A_77 : i32 to index
        %parallel_loop3A_92 = arith.constant 0 : index
        %parallel_loop3A_93 = tpu.vector_load %arg9[%parallel_loop3A_91, %parallel_loop3A_92] {strides = array<i32>} : memref<128x16xf32, #tpu.memory_space<vmem>>, vector<16xf32>,
        tpu.vector_store %arg9[%parallel_loop3A_91, %parallel_loop3A_92], %parallel_loop3A_90 {strides = array<i32>} : memref<128x16xf32, #tpu.memory_space<vmem>>, vector<16xf32>,
      } {sc.loop_unroll_factor = 2 : i64, sc.parallel_access}
      %dma_start3A_70 = arith.constant 0 : i32
      %dma_start3A_71 = tpu.memref_slice %arg7[%add3A_59, %dma_start3A_70] : memref<196x128xi32, #tpu.memory_space<vmem>> -> memref<1x128xi32, #tpu.memory_space<vmem>>
      %dma_start3A_72 = tpu.memref_squeeze %dma_start3A_71 : memref<1x128xi32, #tpu.memory_space<vmem>> -> memref<128xi32, #tpu.memory_space<vmem>>
      %dma_start3A_73 = arith.constant 0 : i32
      %dma_start3A_74 = arith.constant 0 : i32
      %dma_start3A_75 = tpu.memref_slice %arg11[%dma_start3A_73, %dma_start3A_74] : memref<3136x16xf32, #tpu.memory_space<vmem_shared>> -> memref<3136x16xf32, #tpu.memory_space<vmem_shared>>
      tpu.enqueue_indirect_dma source(%arg9 : memref<128x16xf32, #tpu.memory_space<vmem>>) target(%dma_start3A_75 : memref<3136x16xf32, #tpu.memory_space<vmem_shared>>) offsets(%dma_start3A_72 : memref<128xi32, #tpu.memory_space<vmem>>) semaphore(%arg13 : memref<!tpu.dma_semaphore, #tpu.memory_space<semaphore_mem>>) {add = true}
      %scan3A_76 = arith.constant 0 : i32
      scf.yield %scan3A_76 : i32
    }
    %scan3A_22 = arith.constant 98 : i32
    %dma_wait3A = arith.constant 0 : i32
    %dma_wait3A_23 = arith.constant 0 : i32
    %dma_wait3A_24 = tpu.memref_slice %arg7[%dma_wait3A, %dma_wait3A_23] : memref<196x128xi32, #tpu.memory_space<vmem>> -> memref<1x128xi32, #tpu.memory_space<vmem>>
    %dma_wait3A_25 = tpu.memref_squeeze %dma_wait3A_24 : memref<1x128xi32, #tpu.memory_space<vmem>> -> memref<128xi32, #tpu.memory_space<vmem>>
    %dma_wait3A_26 = arith.constant 0 : i32
    %dma_wait3A_27 = arith.constant 0 : i32
    %dma_wait3A_28 = tpu.memref_slice %arg11[%dma_wait3A_26, %dma_wait3A_27] : memref<3136x16xf32, #tpu.memory_space<vmem_shared>> -> memref<3136x16xf32, #tpu.memory_space<vmem_shared>>
    tpu.wait_indirect_dma semaphore(%arg12 : memref<!tpu.dma_semaphore, #tpu.memory_space<semaphore_mem>>) src(%arg8 : memref<128x16xf32, #tpu.memory_space<vmem>>) dst(%dma_wait3A_28 : memref<3136x16xf32, #tpu.memory_space<vmem_shared>>)
    %dma_wait3A_29 = arith.constant 0 : i32
    %dma_wait3A_30 = arith.constant 0 : i32
    %dma_wait3A_31 = tpu.memref_slice %arg7[%dma_wait3A_29, %dma_wait3A_30] : memref<196x128xi32, #tpu.memory_space<vmem>> -> memref<1x128xi32, #tpu.memory_space<vmem>>
    %dma_wait3A_32 = tpu.memref_squeeze %dma_wait3A_31 : memref<1x128xi32, #tpu.memory_space<vmem>> -> memref<128xi32, #tpu.memory_space<vmem>>
    %dma_wait3A_33 = arith.constant 0 : i32
    %dma_wait3A_34 = arith.constant 0 : i32
    %dma_wait3A_35 = tpu.memref_slice %arg11[%dma_wait3A_33, %dma_wait3A_34] : memref<3136x16xf32, #tpu.memory_space<vmem_shared>> -> memref<3136x16xf32, #tpu.memory_space<vmem_shared>>
    tpu.wait_indirect_dma semaphore(%arg13 : memref<!tpu.dma_semaphore, #tpu.memory_space<semaphore_mem>>) src(%arg9 : memref<128x16xf32, #tpu.memory_space<vmem>>) dst(%dma_wait3A_35 : memref<3136x16xf32, #tpu.memory_space<vmem_shared>>)
    %barrier3A_36 = arith.constant 0 : index
    tpu.barrier barrier_id(%barrier3A_36)
    %mul3A_37 = arith.constant 196 : i32
    %mul3A_38 = arith.muli %arg1, %mul3A_37 : i32
    %mul3A_39 = arith.constant 196 : i32
    %mul3A_40 = arith.muli %arg1, %mul3A_39 : i32
    "tpu.region"() ({
      %run_scoped3A = tpu.sem_alloc : memref<!tpu.dma_semaphore, #tpu.memory_space<semaphore_mem>>
      %dma_start3A = arith.constant 0 : i32
      %dma_start3A_41 = tpu.memref_slice %arg4[%arg0, %mul3A_40, %dma_start3A] : memref<2x3136x16xf32, #tpu.memory_space<hbm>> -> memref<1x196x16xf32, #tpu.memory_space<hbm>>
      %dma_start3A_42 = tpu.memref_squeeze %dma_start3A_41 : memref<1x196x16xf32, #tpu.memory_space<hbm>> -> memref<196x16xf32, #tpu.memory_space<hbm>>
      %dma_start3A_43 = arith.constant 0 : i32
      %dma_start3A_44 = tpu.memref_slice %arg11[%mul3A_38, %dma_start3A_43] : memref<3136x16xf32, #tpu.memory_space<vmem_shared>> -> memref<196x16xf32, #tpu.memory_space<vmem_shared>>
      tpu.enqueue_dma source(%dma_start3A_44 : memref<196x16xf32, #tpu.memory_space<vmem_shared>>) target(%dma_start3A_42 : memref<196x16xf32, #tpu.memory_space<hbm>>) target_semaphore(%run_scoped3A : memref<!tpu.dma_semaphore, #tpu.memory_space<semaphore_mem>>)
      %dma_wait3A_45 = arith.constant 0 : i32
      %dma_wait3A_46 = tpu.memref_slice %arg4[%arg0, %mul3A_40, %dma_wait3A_45] : memref<2x3136x16xf32, #tpu.memory_space<hbm>> -> memref<1x196x16xf32, #tpu.memory_space<hbm>>
      %dma_wait3A_47 = tpu.memref_squeeze %dma_wait3A_46 : memref<1x196x16xf32, #tpu.memory_space<hbm>> -> memref<196x16xf32, #tpu.memory_space<hbm>>
      %dma_wait3A_48 = arith.constant 0 : i32
      %dma_wait3A_49 = tpu.memref_slice %arg11[%mul3A_38, %dma_wait3A_48] : memref<3136x16xf32, #tpu.memory_space<vmem_shared>> -> memref<196x16xf32, #tpu.memory_space<vmem_shared>>
      tpu.wait_dma2 semaphore(%run_scoped3A : memref<!tpu.dma_semaphore, #tpu.memory_space<semaphore_mem>>) src(%dma_wait3A_49 : memref<196x16xf32, #tpu.memory_space<vmem_shared>>) dst(%dma_wait3A_47 : memref<196x16xf32, #tpu.memory_space<hbm>>)
      tpu.yield
    }) : () -> ()
    return
  }
}

#map = affine_map<(d0, d1) -> (0, 0)>
#map1 = affine_map<(d0, d1) -> (0, 0, 0)>
module attributes {stable_mosaic.version = 14 : i64} {
  func.func @_spmm_body(%arg0: i32, %arg1: i32, %arg2: memref<100352x32xf32, #tpu.memory_space<hbm>>, %arg3: memref<16x402x128xi32, #tpu.memory_space<hbm>>, %arg4: memref<16x402x128xi32, #tpu.memory_space<hbm>>, %arg5: memref<16x402x128xi32, #tpu.memory_space<hbm>>, %arg6: memref<16x402x128xf32, #tpu.memory_space<hbm>>, %arg7: memref<2x50176x32xf32, #tpu.memory_space<hbm>>, %arg8: memref<3x128xi32, #tpu.memory_space<vmem>>, %arg9: memref<3x128xi32, #tpu.memory_space<vmem>>, %arg10: memref<3x128xf32, #tpu.memory_space<vmem>>, %arg11: memref<3x128xi32, #tpu.memory_space<vmem>>, %arg12: memref<3x128xi32, #tpu.memory_space<vmem>>, %arg13: memref<3x128xf32, #tpu.memory_space<vmem>>, %arg14: memref<3x128x32xf32, #tpu.memory_space<vmem>>, %arg15: memref<3x128x32xf32, #tpu.memory_space<vmem>>, %arg16: memref<50176x32xf32, #tpu.memory_space<vmem_shared>>, %arg17: memref<!tpu.dma_semaphore, #tpu.memory_space<semaphore_mem>>, %arg18: memref<!tpu.dma_semaphore, #tpu.memory_space<semaphore_mem>>, %arg19: memref<!tpu.dma_semaphore, #tpu.memory_space<semaphore_mem>>, %arg20: memref<!tpu.dma_semaphore, #tpu.memory_space<semaphore_mem>>, %arg21: memref<!tpu.dma_semaphore, #tpu.memory_space<semaphore_mem>>, %arg22: memref<!tpu.dma_semaphore, #tpu.memory_space<semaphore_mem>>) attributes {dimension_semantics = [#tpu.dimension_semantics<core_parallel>, #tpu.dimension_semantics<subcore_parallel>], iteration_bounds = array<i64: 2, 16>, scalar_prefetch = 0 : i64, scratch_operands = 15 : i64, tpu.core_type = #tpu.core_type<sc_vector_subcore>, window_params = [{transform_indices = #map}, {transform_indices = #map1}, {transform_indices = #map1}, {transform_indices = #map1}, {transform_indices = #map1}, {transform_indices = #map1}]} {
    %broadcast_in_dim3A = arith.constant 0.000000e+00 : f32
    %broadcast_in_dim3A_0 = vector.broadcast %broadcast_in_dim3A : f32 to vector<16xf32>
    %parallel_loop3A = arith.constant 0 : i32
    %parallel_loop3A_1 = arith.constant 128 : i32
    %parallel_loop3A_2 = arith.constant 1 : i32
    scf.for %parallel_loop3A_193 = %parallel_loop3A to %parallel_loop3A_1 step %parallel_loop3A_2  : i32 {
      %parallel_loop3A_194 = arith.constant 0 : i32
      %parallel_loop3A_195 = arith.index_cast %parallel_loop3A_194 : i32 to index
      %parallel_loop3A_196 = arith.index_cast %parallel_loop3A_193 : i32 to index
      %parallel_loop3A_197 = arith.constant 0 : index
      %parallel_loop3A_198 = tpu.vector_load %arg14[%parallel_loop3A_195, %parallel_loop3A_196, %parallel_loop3A_197] {strides = array<i32>} : memref<3x128x32xf32, #tpu.memory_space<vmem>>, vector<16xf32>,
      tpu.vector_store %arg14[%parallel_loop3A_195, %parallel_loop3A_196, %parallel_loop3A_197], %broadcast_in_dim3A_0 {strides = array<i32>} : memref<3x128x32xf32, #tpu.memory_space<vmem>>, vector<16xf32>,
      %parallel_loop3A_199 = arith.constant 0 : i32
      %parallel_loop3A_200 = arith.index_cast %parallel_loop3A_199 : i32 to index
      %parallel_loop3A_201 = arith.index_cast %parallel_loop3A_193 : i32 to index
      %parallel_loop3A_202 = arith.constant 16 : index
      %parallel_loop3A_203 = tpu.vector_load %arg14[%parallel_loop3A_200, %parallel_loop3A_201, %parallel_loop3A_202] {strides = array<i32>} : memref<3x128x32xf32, #tpu.memory_space<vmem>>, vector<16xf32>,
      tpu.vector_store %arg14[%parallel_loop3A_200, %parallel_loop3A_201, %parallel_loop3A_202], %broadcast_in_dim3A_0 {strides = array<i32>} : memref<3x128x32xf32, #tpu.memory_space<vmem>>, vector<16xf32>,
    } {sc.loop_unroll_factor = 1 : i64, sc.parallel_access}
    %mul3A = arith.constant 3136 : i32
    %mul3A_3 = arith.muli %arg1, %mul3A : i32
    %add3A = arith.constant 0 : i32
    %add3A_4 = arith.addi %mul3A_3, %add3A : i32
    %run_scoped3A = arith.constant 0 : i32
    "tpu.region"() ({
      %run_scoped3A_193 = tpu.sem_alloc : memref<!tpu.dma_semaphore, #tpu.memory_space<semaphore_mem>>
      %dma_start3A_194 = arith.constant 0 : i32
      %dma_start3A_195 = arith.constant 0 : i32
      %dma_start3A_196 = tpu.memref_slice %arg14[%run_scoped3A, %dma_start3A_194, %dma_start3A_195] : memref<3x128x32xf32, #tpu.memory_space<vmem>> -> memref<1x128x32xf32, #tpu.memory_space<vmem>>
      %dma_start3A_197 = tpu.memref_squeeze %dma_start3A_196 : memref<1x128x32xf32, #tpu.memory_space<vmem>> -> memref<128x32xf32, #tpu.memory_space<vmem>>
      %dma_start3A_198 = arith.constant 0 : i32
      %dma_start3A_199 = tpu.memref_slice %arg16[%add3A_4, %dma_start3A_198] : memref<50176x32xf32, #tpu.memory_space<vmem_shared>> -> memref<128x32xf32, #tpu.memory_space<vmem_shared>>
      %dma_start3A_200 = arith.constant 0 : i32
      %dma_start3A_201 = tpu.memref_slice %arg16[%add3A_4, %dma_start3A_200] : memref<50176x32xf32, #tpu.memory_space<vmem_shared>> -> memref<128x32xf32, #tpu.memory_space<vmem_shared>>
      %dma_start3A_202 = arith.constant 0 : i32
      %dma_start3A_203 = arith.constant 0 : i32
      %dma_start3A_204 = tpu.memref_slice %arg14[%run_scoped3A, %dma_start3A_202, %dma_start3A_203] : memref<3x128x32xf32, #tpu.memory_space<vmem>> -> memref<1x128x32xf32, #tpu.memory_space<vmem>>
      %dma_start3A_205 = tpu.memref_squeeze %dma_start3A_204 : memref<1x128x32xf32, #tpu.memory_space<vmem>> -> memref<128x32xf32, #tpu.memory_space<vmem>>
      tpu.enqueue_dma source(%dma_start3A_205 : memref<128x32xf32, #tpu.memory_space<vmem>>) target(%dma_start3A_201 : memref<128x32xf32, #tpu.memory_space<vmem_shared>>) target_semaphore(%run_scoped3A_193 : memref<!tpu.dma_semaphore, #tpu.memory_space<semaphore_mem>>)
      %dma_wait3A_206 = arith.constant 0 : i32
      %dma_wait3A_207 = arith.constant 0 : i32
      %dma_wait3A_208 = tpu.memref_slice %arg14[%run_scoped3A, %dma_wait3A_206, %dma_wait3A_207] : memref<3x128x32xf32, #tpu.memory_space<vmem>> -> memref<1x128x32xf32, #tpu.memory_space<vmem>>
      %dma_wait3A_209 = tpu.memref_squeeze %dma_wait3A_208 : memref<1x128x32xf32, #tpu.memory_space<vmem>> -> memref<128x32xf32, #tpu.memory_space<vmem>>
      %dma_wait3A_210 = arith.constant 0 : i32
      %dma_wait3A_211 = tpu.memref_slice %arg16[%add3A_4, %dma_wait3A_210] : memref<50176x32xf32, #tpu.memory_space<vmem_shared>> -> memref<128x32xf32, #tpu.memory_space<vmem_shared>>
      %dma_wait3A_212 = arith.constant 0 : i32
      %dma_wait3A_213 = tpu.memref_slice %arg16[%add3A_4, %dma_wait3A_212] : memref<50176x32xf32, #tpu.memory_space<vmem_shared>> -> memref<128x32xf32, #tpu.memory_space<vmem_shared>>
      %dma_wait3A_214 = arith.constant 0 : i32
      %dma_wait3A_215 = arith.constant 0 : i32
      %dma_wait3A_216 = tpu.memref_slice %arg14[%run_scoped3A, %dma_wait3A_214, %dma_wait3A_215] : memref<3x128x32xf32, #tpu.memory_space<vmem>> -> memref<1x128x32xf32, #tpu.memory_space<vmem>>
      %dma_wait3A_217 = tpu.memref_squeeze %dma_wait3A_216 : memref<1x128x32xf32, #tpu.memory_space<vmem>> -> memref<128x32xf32, #tpu.memory_space<vmem>>
      tpu.wait_dma2 semaphore(%run_scoped3A_193 : memref<!tpu.dma_semaphore, #tpu.memory_space<semaphore_mem>>) src(%dma_wait3A_217 : memref<128x32xf32, #tpu.memory_space<vmem>>) dst(%dma_wait3A_213 : memref<128x32xf32, #tpu.memory_space<vmem_shared>>)
      tpu.yield
    }) : () -> ()
    %mul3A_5 = arith.constant 3136 : i32
    %mul3A_6 = arith.muli %arg1, %mul3A_5 : i32
    %add3A_7 = arith.constant 128 : i32
    %add3A_8 = arith.addi %mul3A_6, %add3A_7 : i32
    %run_scoped3A_9 = arith.constant 0 : i32
    "tpu.region"() ({
      %run_scoped3A_193 = tpu.sem_alloc : memref<!tpu.dma_semaphore, #tpu.memory_space<semaphore_mem>>
      %dma_start3A_194 = arith.constant 0 : i32
      %dma_start3A_195 = arith.constant 0 : i32
      %dma_start3A_196 = tpu.memref_slice %arg14[%run_scoped3A_9, %dma_start3A_194, %dma_start3A_195] : memref<3x128x32xf32, #tpu.memory_space<vmem>> -> memref<1x128x32xf32, #tpu.memory_space<vmem>>
      %dma_start3A_197 = tpu.memref_squeeze %dma_start3A_196 : memref<1x128x32xf32, #tpu.memory_space<vmem>> -> memref<128x32xf32, #tpu.memory_space<vmem>>
      %dma_start3A_198 = arith.constant 0 : i32
      %dma_start3A_199 = tpu.memref_slice %arg16[%add3A_8, %dma_start3A_198] : memref<50176x32xf32, #tpu.memory_space<vmem_shared>> -> memref<128x32xf32, #tpu.memory_space<vmem_shared>>
      %dma_start3A_200 = arith.constant 0 : i32
      %dma_start3A_201 = tpu.memref_slice %arg16[%add3A_8, %dma_start3A_200] : memref<50176x32xf32, #tpu.memory_space<vmem_shared>> -> memref<128x32xf32, #tpu.memory_space<vmem_shared>>
      %dma_start3A_202 = arith.constant 0 : i32
      %dma_start3A_203 = arith.constant 0 : i32
      %dma_start3A_204 = tpu.memref_slice %arg14[%run_scoped3A_9, %dma_start3A_202, %dma_start3A_203] : memref<3x128x32xf32, #tpu.memory_space<vmem>> -> memref<1x128x32xf32, #tpu.memory_space<vmem>>
      %dma_start3A_205 = tpu.memref_squeeze %dma_start3A_204 : memref<1x128x32xf32, #tpu.memory_space<vmem>> -> memref<128x32xf32, #tpu.memory_space<vmem>>
      tpu.enqueue_dma source(%dma_start3A_205 : memref<128x32xf32, #tpu.memory_space<vmem>>) target(%dma_start3A_201 : memref<128x32xf32, #tpu.memory_space<vmem_shared>>) target_semaphore(%run_scoped3A_193 : memref<!tpu.dma_semaphore, #tpu.memory_space<semaphore_mem>>)
      %dma_wait3A_206 = arith.constant 0 : i32
      %dma_wait3A_207 = arith.constant 0 : i32
      %dma_wait3A_208 = tpu.memref_slice %arg14[%run_scoped3A_9, %dma_wait3A_206, %dma_wait3A_207] : memref<3x128x32xf32, #tpu.memory_space<vmem>> -> memref<1x128x32xf32, #tpu.memory_space<vmem>>
      %dma_wait3A_209 = tpu.memref_squeeze %dma_wait3A_208 : memref<1x128x32xf32, #tpu.memory_space<vmem>> -> memref<128x32xf32, #tpu.memory_space<vmem>>
      %dma_wait3A_210 = arith.constant 0 : i32
      %dma_wait3A_211 = tpu.memref_slice %arg16[%add3A_8, %dma_wait3A_210] : memref<50176x32xf32, #tpu.memory_space<vmem_shared>> -> memref<128x32xf32, #tpu.memory_space<vmem_shared>>
      %dma_wait3A_212 = arith.constant 0 : i32
      %dma_wait3A_213 = tpu.memref_slice %arg16[%add3A_8, %dma_wait3A_212] : memref<50176x32xf32, #tpu.memory_space<vmem_shared>> -> memref<128x32xf32, #tpu.memory_space<vmem_shared>>
      %dma_wait3A_214 = arith.constant 0 : i32
      %dma_wait3A_215 = arith.constant 0 : i32
      %dma_wait3A_216 = tpu.memref_slice %arg14[%run_scoped3A_9, %dma_wait3A_214, %dma_wait3A_215] : memref<3x128x32xf32, #tpu.memory_space<vmem>> -> memref<1x128x32xf32, #tpu.memory_space<vmem>>
      %dma_wait3A_217 = tpu.memref_squeeze %dma_wait3A_216 : memref<1x128x32xf32, #tpu.memory_space<vmem>> -> memref<128x32xf32, #tpu.memory_space<vmem>>
      tpu.wait_dma2 semaphore(%run_scoped3A_193 : memref<!tpu.dma_semaphore, #tpu.memory_space<semaphore_mem>>) src(%dma_wait3A_217 : memref<128x32xf32, #tpu.memory_space<vmem>>) dst(%dma_wait3A_213 : memref<128x32xf32, #tpu.memory_space<vmem_shared>>)
      tpu.yield
    }) : () -> ()
    %mul3A_10 = arith.constant 3136 : i32
    %mul3A_11 = arith.muli %arg1, %mul3A_10 : i32
    %add3A_12 = arith.constant 256 : i32
    %add3A_13 = arith.addi %mul3A_11, %add3A_12 : i32
    %run_scoped3A_14 = arith.constant 0 : i32
    "tpu.region"() ({
      %run_scoped3A_193 = tpu.sem_alloc : memref<!tpu.dma_semaphore, #tpu.memory_space<semaphore_mem>>
      %dma_start3A_194 = arith.constant 0 : i32
      %dma_start3A_195 = arith.constant 0 : i32
      %dma_start3A_196 = tpu.memref_slice %arg14[%run_scoped3A_14, %dma_start3A_194, %dma_start3A_195] : memref<3x128x32xf32, #tpu.memory_space<vmem>> -> memref<1x128x32xf32, #tpu.memory_space<vmem>>
      %dma_start3A_197 = tpu.memref_squeeze %dma_start3A_196 : memref<1x128x32xf32, #tpu.memory_space<vmem>> -> memref<128x32xf32, #tpu.memory_space<vmem>>
      %dma_start3A_198 = arith.constant 0 : i32
      %dma_start3A_199 = tpu.memref_slice %arg16[%add3A_13, %dma_start3A_198] : memref<50176x32xf32, #tpu.memory_space<vmem_shared>> -> memref<128x32xf32, #tpu.memory_space<vmem_shared>>
      %dma_start3A_200 = arith.constant 0 : i32
      %dma_start3A_201 = tpu.memref_slice %arg16[%add3A_13, %dma_start3A_200] : memref<50176x32xf32, #tpu.memory_space<vmem_shared>> -> memref<128x32xf32, #tpu.memory_space<vmem_shared>>
      %dma_start3A_202 = arith.constant 0 : i32
      %dma_start3A_203 = arith.constant 0 : i32
      %dma_start3A_204 = tpu.memref_slice %arg14[%run_scoped3A_14, %dma_start3A_202, %dma_start3A_203] : memref<3x128x32xf32, #tpu.memory_space<vmem>> -> memref<1x128x32xf32, #tpu.memory_space<vmem>>
      %dma_start3A_205 = tpu.memref_squeeze %dma_start3A_204 : memref<1x128x32xf32, #tpu.memory_space<vmem>> -> memref<128x32xf32, #tpu.memory_space<vmem>>
      tpu.enqueue_dma source(%dma_start3A_205 : memref<128x32xf32, #tpu.memory_space<vmem>>) target(%dma_start3A_201 : memref<128x32xf32, #tpu.memory_space<vmem_shared>>) target_semaphore(%run_scoped3A_193 : memref<!tpu.dma_semaphore, #tpu.memory_space<semaphore_mem>>)
      %dma_wait3A_206 = arith.constant 0 : i32
      %dma_wait3A_207 = arith.constant 0 : i32
      %dma_wait3A_208 = tpu.memref_slice %arg14[%run_scoped3A_14, %dma_wait3A_206, %dma_wait3A_207] : memref<3x128x32xf32, #tpu.memory_space<vmem>> -> memref<1x128x32xf32, #tpu.memory_space<vmem>>
      %dma_wait3A_209 = tpu.memref_squeeze %dma_wait3A_208 : memref<1x128x32xf32, #tpu.memory_space<vmem>> -> memref<128x32xf32, #tpu.memory_space<vmem>>
      %dma_wait3A_210 = arith.constant 0 : i32
      %dma_wait3A_211 = tpu.memref_slice %arg16[%add3A_13, %dma_wait3A_210] : memref<50176x32xf32, #tpu.memory_space<vmem_shared>> -> memref<128x32xf32, #tpu.memory_space<vmem_shared>>
      %dma_wait3A_212 = arith.constant 0 : i32
      %dma_wait3A_213 = tpu.memref_slice %arg16[%add3A_13, %dma_wait3A_212] : memref<50176x32xf32, #tpu.memory_space<vmem_shared>> -> memref<128x32xf32, #tpu.memory_space<vmem_shared>>
      %dma_wait3A_214 = arith.constant 0 : i32
      %dma_wait3A_215 = arith.constant 0 : i32
      %dma_wait3A_216 = tpu.memref_slice %arg14[%run_scoped3A_14, %dma_wait3A_214, %dma_wait3A_215] : memref<3x128x32xf32, #tpu.memory_space<vmem>> -> memref<1x128x32xf32, #tpu.memory_space<vmem>>
      %dma_wait3A_217 = tpu.memref_squeeze %dma_wait3A_216 : memref<1x128x32xf32, #tpu.memory_space<vmem>> -> memref<128x32xf32, #tpu.memory_space<vmem>>
      tpu.wait_dma2 semaphore(%run_scoped3A_193 : memref<!tpu.dma_semaphore, #tpu.memory_space<semaphore_mem>>) src(%dma_wait3A_217 : memref<128x32xf32, #tpu.memory_space<vmem>>) dst(%dma_wait3A_213 : memref<128x32xf32, #tpu.memory_space<vmem_shared>>)
      tpu.yield
    }) : () -> ()
    %mul3A_15 = arith.constant 3136 : i32
    %mul3A_16 = arith.muli %arg1, %mul3A_15 : i32
    %add3A_17 = arith.constant 384 : i32
    %add3A_18 = arith.addi %mul3A_16, %add3A_17 : i32
    %run_scoped3A_19 = arith.constant 0 : i32
    "tpu.region"() ({
      %run_scoped3A_193 = tpu.sem_alloc : memref<!tpu.dma_semaphore, #tpu.memory_space<semaphore_mem>>
      %dma_start3A_194 = arith.constant 0 : i32
      %dma_start3A_195 = arith.constant 0 : i32
      %dma_start3A_196 = tpu.memref_slice %arg14[%run_scoped3A_19, %dma_start3A_194, %dma_start3A_195] : memref<3x128x32xf32, #tpu.memory_space<vmem>> -> memref<1x128x32xf32, #tpu.memory_space<vmem>>
      %dma_start3A_197 = tpu.memref_squeeze %dma_start3A_196 : memref<1x128x32xf32, #tpu.memory_space<vmem>> -> memref<128x32xf32, #tpu.memory_space<vmem>>
      %dma_start3A_198 = arith.constant 0 : i32
      %dma_start3A_199 = tpu.memref_slice %arg16[%add3A_18, %dma_start3A_198] : memref<50176x32xf32, #tpu.memory_space<vmem_shared>> -> memref<128x32xf32, #tpu.memory_space<vmem_shared>>
      %dma_start3A_200 = arith.constant 0 : i32
      %dma_start3A_201 = tpu.memref_slice %arg16[%add3A_18, %dma_start3A_200] : memref<50176x32xf32, #tpu.memory_space<vmem_shared>> -> memref<128x32xf32, #tpu.memory_space<vmem_shared>>
      %dma_start3A_202 = arith.constant 0 : i32
      %dma_start3A_203 = arith.constant 0 : i32
      %dma_start3A_204 = tpu.memref_slice %arg14[%run_scoped3A_19, %dma_start3A_202, %dma_start3A_203] : memref<3x128x32xf32, #tpu.memory_space<vmem>> -> memref<1x128x32xf32, #tpu.memory_space<vmem>>
      %dma_start3A_205 = tpu.memref_squeeze %dma_start3A_204 : memref<1x128x32xf32, #tpu.memory_space<vmem>> -> memref<128x32xf32, #tpu.memory_space<vmem>>
      tpu.enqueue_dma source(%dma_start3A_205 : memref<128x32xf32, #tpu.memory_space<vmem>>) target(%dma_start3A_201 : memref<128x32xf32, #tpu.memory_space<vmem_shared>>) target_semaphore(%run_scoped3A_193 : memref<!tpu.dma_semaphore, #tpu.memory_space<semaphore_mem>>)
      %dma_wait3A_206 = arith.constant 0 : i32
      %dma_wait3A_207 = arith.constant 0 : i32
      %dma_wait3A_208 = tpu.memref_slice %arg14[%run_scoped3A_19, %dma_wait3A_206, %dma_wait3A_207] : memref<3x128x32xf32, #tpu.memory_space<vmem>> -> memref<1x128x32xf32, #tpu.memory_space<vmem>>
      %dma_wait3A_209 = tpu.memref_squeeze %dma_wait3A_208 : memref<1x128x32xf32, #tpu.memory_space<vmem>> -> memref<128x32xf32, #tpu.memory_space<vmem>>
      %dma_wait3A_210 = arith.constant 0 : i32
      %dma_wait3A_211 = tpu.memref_slice %arg16[%add3A_18, %dma_wait3A_210] : memref<50176x32xf32, #tpu.memory_space<vmem_shared>> -> memref<128x32xf32, #tpu.memory_space<vmem_shared>>
      %dma_wait3A_212 = arith.constant 0 : i32
      %dma_wait3A_213 = tpu.memref_slice %arg16[%add3A_18, %dma_wait3A_212] : memref<50176x32xf32, #tpu.memory_space<vmem_shared>> -> memref<128x32xf32, #tpu.memory_space<vmem_shared>>
      %dma_wait3A_214 = arith.constant 0 : i32
      %dma_wait3A_215 = arith.constant 0 : i32
      %dma_wait3A_216 = tpu.memref_slice %arg14[%run_scoped3A_19, %dma_wait3A_214, %dma_wait3A_215] : memref<3x128x32xf32, #tpu.memory_space<vmem>> -> memref<1x128x32xf32, #tpu.memory_space<vmem>>
      %dma_wait3A_217 = tpu.memref_squeeze %dma_wait3A_216 : memref<1x128x32xf32, #tpu.memory_space<vmem>> -> memref<128x32xf32, #tpu.memory_space<vmem>>
      tpu.wait_dma2 semaphore(%run_scoped3A_193 : memref<!tpu.dma_semaphore, #tpu.memory_space<semaphore_mem>>) src(%dma_wait3A_217 : memref<128x32xf32, #tpu.memory_space<vmem>>) dst(%dma_wait3A_213 : memref<128x32xf32, #tpu.memory_space<vmem_shared>>)
      tpu.yield
    }) : () -> ()
    %mul3A_20 = arith.constant 3136 : i32
    %mul3A_21 = arith.muli %arg1, %mul3A_20 : i32
    %add3A_22 = arith.constant 512 : i32
    %add3A_23 = arith.addi %mul3A_21, %add3A_22 : i32
    %run_scoped3A_24 = arith.constant 0 : i32
    "tpu.region"() ({
      %run_scoped3A_193 = tpu.sem_alloc : memref<!tpu.dma_semaphore, #tpu.memory_space<semaphore_mem>>
      %dma_start3A_194 = arith.constant 0 : i32
      %dma_start3A_195 = arith.constant 0 : i32
      %dma_start3A_196 = tpu.memref_slice %arg14[%run_scoped3A_24, %dma_start3A_194, %dma_start3A_195] : memref<3x128x32xf32, #tpu.memory_space<vmem>> -> memref<1x128x32xf32, #tpu.memory_space<vmem>>
      %dma_start3A_197 = tpu.memref_squeeze %dma_start3A_196 : memref<1x128x32xf32, #tpu.memory_space<vmem>> -> memref<128x32xf32, #tpu.memory_space<vmem>>
      %dma_start3A_198 = arith.constant 0 : i32
      %dma_start3A_199 = tpu.memref_slice %arg16[%add3A_23, %dma_start3A_198] : memref<50176x32xf32, #tpu.memory_space<vmem_shared>> -> memref<128x32xf32, #tpu.memory_space<vmem_shared>>
      %dma_start3A_200 = arith.constant 0 : i32
      %dma_start3A_201 = tpu.memref_slice %arg16[%add3A_23, %dma_start3A_200] : memref<50176x32xf32, #tpu.memory_space<vmem_shared>> -> memref<128x32xf32, #tpu.memory_space<vmem_shared>>
      %dma_start3A_202 = arith.constant 0 : i32
      %dma_start3A_203 = arith.constant 0 : i32
      %dma_start3A_204 = tpu.memref_slice %arg14[%run_scoped3A_24, %dma_start3A_202, %dma_start3A_203] : memref<3x128x32xf32, #tpu.memory_space<vmem>> -> memref<1x128x32xf32, #tpu.memory_space<vmem>>
      %dma_start3A_205 = tpu.memref_squeeze %dma_start3A_204 : memref<1x128x32xf32, #tpu.memory_space<vmem>> -> memref<128x32xf32, #tpu.memory_space<vmem>>
      tpu.enqueue_dma source(%dma_start3A_205 : memref<128x32xf32, #tpu.memory_space<vmem>>) target(%dma_start3A_201 : memref<128x32xf32, #tpu.memory_space<vmem_shared>>) target_semaphore(%run_scoped3A_193 : memref<!tpu.dma_semaphore, #tpu.memory_space<semaphore_mem>>)
      %dma_wait3A_206 = arith.constant 0 : i32
      %dma_wait3A_207 = arith.constant 0 : i32
      %dma_wait3A_208 = tpu.memref_slice %arg14[%run_scoped3A_24, %dma_wait3A_206, %dma_wait3A_207] : memref<3x128x32xf32, #tpu.memory_space<vmem>> -> memref<1x128x32xf32, #tpu.memory_space<vmem>>
      %dma_wait3A_209 = tpu.memref_squeeze %dma_wait3A_208 : memref<1x128x32xf32, #tpu.memory_space<vmem>> -> memref<128x32xf32, #tpu.memory_space<vmem>>
      %dma_wait3A_210 = arith.constant 0 : i32
      %dma_wait3A_211 = tpu.memref_slice %arg16[%add3A_23, %dma_wait3A_210] : memref<50176x32xf32, #tpu.memory_space<vmem_shared>> -> memref<128x32xf32, #tpu.memory_space<vmem_shared>>
      %dma_wait3A_212 = arith.constant 0 : i32
      %dma_wait3A_213 = tpu.memref_slice %arg16[%add3A_23, %dma_wait3A_212] : memref<50176x32xf32, #tpu.memory_space<vmem_shared>> -> memref<128x32xf32, #tpu.memory_space<vmem_shared>>
      %dma_wait3A_214 = arith.constant 0 : i32
      %dma_wait3A_215 = arith.constant 0 : i32
      %dma_wait3A_216 = tpu.memref_slice %arg14[%run_scoped3A_24, %dma_wait3A_214, %dma_wait3A_215] : memref<3x128x32xf32, #tpu.memory_space<vmem>> -> memref<1x128x32xf32, #tpu.memory_space<vmem>>
      %dma_wait3A_217 = tpu.memref_squeeze %dma_wait3A_216 : memref<1x128x32xf32, #tpu.memory_space<vmem>> -> memref<128x32xf32, #tpu.memory_space<vmem>>
      tpu.wait_dma2 semaphore(%run_scoped3A_193 : memref<!tpu.dma_semaphore, #tpu.memory_space<semaphore_mem>>) src(%dma_wait3A_217 : memref<128x32xf32, #tpu.memory_space<vmem>>) dst(%dma_wait3A_213 : memref<128x32xf32, #tpu.memory_space<vmem_shared>>)
      tpu.yield
    }) : () -> ()
    %mul3A_25 = arith.constant 3136 : i32
    %mul3A_26 = arith.muli %arg1, %mul3A_25 : i32
    %add3A_27 = arith.constant 640 : i32
    %add3A_28 = arith.addi %mul3A_26, %add3A_27 : i32
    %run_scoped3A_29 = arith.constant 0 : i32
    "tpu.region"() ({
      %run_scoped3A_193 = tpu.sem_alloc : memref<!tpu.dma_semaphore, #tpu.memory_space<semaphore_mem>>
      %dma_start3A_194 = arith.constant 0 : i32
      %dma_start3A_195 = arith.constant 0 : i32
      %dma_start3A_196 = tpu.memref_slice %arg14[%run_scoped3A_29, %dma_start3A_194, %dma_start3A_195] : memref<3x128x32xf32, #tpu.memory_space<vmem>> -> memref<1x128x32xf32, #tpu.memory_space<vmem>>
      %dma_start3A_197 = tpu.memref_squeeze %dma_start3A_196 : memref<1x128x32xf32, #tpu.memory_space<vmem>> -> memref<128x32xf32, #tpu.memory_space<vmem>>
      %dma_start3A_198 = arith.constant 0 : i32
      %dma_start3A_199 = tpu.memref_slice %arg16[%add3A_28, %dma_start3A_198] : memref<50176x32xf32, #tpu.memory_space<vmem_shared>> -> memref<128x32xf32, #tpu.memory_space<vmem_shared>>
      %dma_start3A_200 = arith.constant 0 : i32
      %dma_start3A_201 = tpu.memref_slice %arg16[%add3A_28, %dma_start3A_200] : memref<50176x32xf32, #tpu.memory_space<vmem_shared>> -> memref<128x32xf32, #tpu.memory_space<vmem_shared>>
      %dma_start3A_202 = arith.constant 0 : i32
      %dma_start3A_203 = arith.constant 0 : i32
      %dma_start3A_204 = tpu.memref_slice %arg14[%run_scoped3A_29, %dma_start3A_202, %dma_start3A_203] : memref<3x128x32xf32, #tpu.memory_space<vmem>> -> memref<1x128x32xf32, #tpu.memory_space<vmem>>
      %dma_start3A_205 = tpu.memref_squeeze %dma_start3A_204 : memref<1x128x32xf32, #tpu.memory_space<vmem>> -> memref<128x32xf32, #tpu.memory_space<vmem>>
      tpu.enqueue_dma source(%dma_start3A_205 : memref<128x32xf32, #tpu.memory_space<vmem>>) target(%dma_start3A_201 : memref<128x32xf32, #tpu.memory_space<vmem_shared>>) target_semaphore(%run_scoped3A_193 : memref<!tpu.dma_semaphore, #tpu.memory_space<semaphore_mem>>)
      %dma_wait3A_206 = arith.constant 0 : i32
      %dma_wait3A_207 = arith.constant 0 : i32
      %dma_wait3A_208 = tpu.memref_slice %arg14[%run_scoped3A_29, %dma_wait3A_206, %dma_wait3A_207] : memref<3x128x32xf32, #tpu.memory_space<vmem>> -> memref<1x128x32xf32, #tpu.memory_space<vmem>>
      %dma_wait3A_209 = tpu.memref_squeeze %dma_wait3A_208 : memref<1x128x32xf32, #tpu.memory_space<vmem>> -> memref<128x32xf32, #tpu.memory_space<vmem>>
      %dma_wait3A_210 = arith.constant 0 : i32
      %dma_wait3A_211 = tpu.memref_slice %arg16[%add3A_28, %dma_wait3A_210] : memref<50176x32xf32, #tpu.memory_space<vmem_shared>> -> memref<128x32xf32, #tpu.memory_space<vmem_shared>>
      %dma_wait3A_212 = arith.constant 0 : i32
      %dma_wait3A_213 = tpu.memref_slice %arg16[%add3A_28, %dma_wait3A_212] : memref<50176x32xf32, #tpu.memory_space<vmem_shared>> -> memref<128x32xf32, #tpu.memory_space<vmem_shared>>
      %dma_wait3A_214 = arith.constant 0 : i32
      %dma_wait3A_215 = arith.constant 0 : i32
      %dma_wait3A_216 = tpu.memref_slice %arg14[%run_scoped3A_29, %dma_wait3A_214, %dma_wait3A_215] : memref<3x128x32xf32, #tpu.memory_space<vmem>> -> memref<1x128x32xf32, #tpu.memory_space<vmem>>
      %dma_wait3A_217 = tpu.memref_squeeze %dma_wait3A_216 : memref<1x128x32xf32, #tpu.memory_space<vmem>> -> memref<128x32xf32, #tpu.memory_space<vmem>>
      tpu.wait_dma2 semaphore(%run_scoped3A_193 : memref<!tpu.dma_semaphore, #tpu.memory_space<semaphore_mem>>) src(%dma_wait3A_217 : memref<128x32xf32, #tpu.memory_space<vmem>>) dst(%dma_wait3A_213 : memref<128x32xf32, #tpu.memory_space<vmem_shared>>)
      tpu.yield
    }) : () -> ()
    %mul3A_30 = arith.constant 3136 : i32
    %mul3A_31 = arith.muli %arg1, %mul3A_30 : i32
    %add3A_32 = arith.constant 768 : i32
    %add3A_33 = arith.addi %mul3A_31, %add3A_32 : i32
    %run_scoped3A_34 = arith.constant 0 : i32
    "tpu.region"() ({
      %run_scoped3A_193 = tpu.sem_alloc : memref<!tpu.dma_semaphore, #tpu.memory_space<semaphore_mem>>
      %dma_start3A_194 = arith.constant 0 : i32
      %dma_start3A_195 = arith.constant 0 : i32
      %dma_start3A_196 = tpu.memref_slice %arg14[%run_scoped3A_34, %dma_start3A_194, %dma_start3A_195] : memref<3x128x32xf32, #tpu.memory_space<vmem>> -> memref<1x128x32xf32, #tpu.memory_space<vmem>>
      %dma_start3A_197 = tpu.memref_squeeze %dma_start3A_196 : memref<1x128x32xf32, #tpu.memory_space<vmem>> -> memref<128x32xf32, #tpu.memory_space<vmem>>
      %dma_start3A_198 = arith.constant 0 : i32
      %dma_start3A_199 = tpu.memref_slice %arg16[%add3A_33, %dma_start3A_198] : memref<50176x32xf32, #tpu.memory_space<vmem_shared>> -> memref<128x32xf32, #tpu.memory_space<vmem_shared>>
      %dma_start3A_200 = arith.constant 0 : i32
      %dma_start3A_201 = tpu.memref_slice %arg16[%add3A_33, %dma_start3A_200] : memref<50176x32xf32, #tpu.memory_space<vmem_shared>> -> memref<128x32xf32, #tpu.memory_space<vmem_shared>>
      %dma_start3A_202 = arith.constant 0 : i32
      %dma_start3A_203 = arith.constant 0 : i32
      %dma_start3A_204 = tpu.memref_slice %arg14[%run_scoped3A_34, %dma_start3A_202, %dma_start3A_203] : memref<3x128x32xf32, #tpu.memory_space<vmem>> -> memref<1x128x32xf32, #tpu.memory_space<vmem>>
      %dma_start3A_205 = tpu.memref_squeeze %dma_start3A_204 : memref<1x128x32xf32, #tpu.memory_space<vmem>> -> memref<128x32xf32, #tpu.memory_space<vmem>>
      tpu.enqueue_dma source(%dma_start3A_205 : memref<128x32xf32, #tpu.memory_space<vmem>>) target(%dma_start3A_201 : memref<128x32xf32, #tpu.memory_space<vmem_shared>>) target_semaphore(%run_scoped3A_193 : memref<!tpu.dma_semaphore, #tpu.memory_space<semaphore_mem>>)
      %dma_wait3A_206 = arith.constant 0 : i32
      %dma_wait3A_207 = arith.constant 0 : i32
      %dma_wait3A_208 = tpu.memref_slice %arg14[%run_scoped3A_34, %dma_wait3A_206, %dma_wait3A_207] : memref<3x128x32xf32, #tpu.memory_space<vmem>> -> memref<1x128x32xf32, #tpu.memory_space<vmem>>
      %dma_wait3A_209 = tpu.memref_squeeze %dma_wait3A_208 : memref<1x128x32xf32, #tpu.memory_space<vmem>> -> memref<128x32xf32, #tpu.memory_space<vmem>>
      %dma_wait3A_210 = arith.constant 0 : i32
      %dma_wait3A_211 = tpu.memref_slice %arg16[%add3A_33, %dma_wait3A_210] : memref<50176x32xf32, #tpu.memory_space<vmem_shared>> -> memref<128x32xf32, #tpu.memory_space<vmem_shared>>
      %dma_wait3A_212 = arith.constant 0 : i32
      %dma_wait3A_213 = tpu.memref_slice %arg16[%add3A_33, %dma_wait3A_212] : memref<50176x32xf32, #tpu.memory_space<vmem_shared>> -> memref<128x32xf32, #tpu.memory_space<vmem_shared>>
      %dma_wait3A_214 = arith.constant 0 : i32
      %dma_wait3A_215 = arith.constant 0 : i32
      %dma_wait3A_216 = tpu.memref_slice %arg14[%run_scoped3A_34, %dma_wait3A_214, %dma_wait3A_215] : memref<3x128x32xf32, #tpu.memory_space<vmem>> -> memref<1x128x32xf32, #tpu.memory_space<vmem>>
      %dma_wait3A_217 = tpu.memref_squeeze %dma_wait3A_216 : memref<1x128x32xf32, #tpu.memory_space<vmem>> -> memref<128x32xf32, #tpu.memory_space<vmem>>
      tpu.wait_dma2 semaphore(%run_scoped3A_193 : memref<!tpu.dma_semaphore, #tpu.memory_space<semaphore_mem>>) src(%dma_wait3A_217 : memref<128x32xf32, #tpu.memory_space<vmem>>) dst(%dma_wait3A_213 : memref<128x32xf32, #tpu.memory_space<vmem_shared>>)
      tpu.yield
    }) : () -> ()
    %mul3A_35 = arith.constant 3136 : i32
    %mul3A_36 = arith.muli %arg1, %mul3A_35 : i32
    %add3A_37 = arith.constant 896 : i32
    %add3A_38 = arith.addi %mul3A_36, %add3A_37 : i32
    %run_scoped3A_39 = arith.constant 0 : i32
    "tpu.region"() ({
      %run_scoped3A_193 = tpu.sem_alloc : memref<!tpu.dma_semaphore, #tpu.memory_space<semaphore_mem>>
      %dma_start3A_194 = arith.constant 0 : i32
      %dma_start3A_195 = arith.constant 0 : i32
      %dma_start3A_196 = tpu.memref_slice %arg14[%run_scoped3A_39, %dma_start3A_194, %dma_start3A_195] : memref<3x128x32xf32, #tpu.memory_space<vmem>> -> memref<1x128x32xf32, #tpu.memory_space<vmem>>
      %dma_start3A_197 = tpu.memref_squeeze %dma_start3A_196 : memref<1x128x32xf32, #tpu.memory_space<vmem>> -> memref<128x32xf32, #tpu.memory_space<vmem>>
      %dma_start3A_198 = arith.constant 0 : i32
      %dma_start3A_199 = tpu.memref_slice %arg16[%add3A_38, %dma_start3A_198] : memref<50176x32xf32, #tpu.memory_space<vmem_shared>> -> memref<128x32xf32, #tpu.memory_space<vmem_shared>>
      %dma_start3A_200 = arith.constant 0 : i32
      %dma_start3A_201 = tpu.memref_slice %arg16[%add3A_38, %dma_start3A_200] : memref<50176x32xf32, #tpu.memory_space<vmem_shared>> -> memref<128x32xf32, #tpu.memory_space<vmem_shared>>
      %dma_start3A_202 = arith.constant 0 : i32
      %dma_start3A_203 = arith.constant 0 : i32
      %dma_start3A_204 = tpu.memref_slice %arg14[%run_scoped3A_39, %dma_start3A_202, %dma_start3A_203] : memref<3x128x32xf32, #tpu.memory_space<vmem>> -> memref<1x128x32xf32, #tpu.memory_space<vmem>>
      %dma_start3A_205 = tpu.memref_squeeze %dma_start3A_204 : memref<1x128x32xf32, #tpu.memory_space<vmem>> -> memref<128x32xf32, #tpu.memory_space<vmem>>
      tpu.enqueue_dma source(%dma_start3A_205 : memref<128x32xf32, #tpu.memory_space<vmem>>) target(%dma_start3A_201 : memref<128x32xf32, #tpu.memory_space<vmem_shared>>) target_semaphore(%run_scoped3A_193 : memref<!tpu.dma_semaphore, #tpu.memory_space<semaphore_mem>>)
      %dma_wait3A_206 = arith.constant 0 : i32
      %dma_wait3A_207 = arith.constant 0 : i32
      %dma_wait3A_208 = tpu.memref_slice %arg14[%run_scoped3A_39, %dma_wait3A_206, %dma_wait3A_207] : memref<3x128x32xf32, #tpu.memory_space<vmem>> -> memref<1x128x32xf32, #tpu.memory_space<vmem>>
      %dma_wait3A_209 = tpu.memref_squeeze %dma_wait3A_208 : memref<1x128x32xf32, #tpu.memory_space<vmem>> -> memref<128x32xf32, #tpu.memory_space<vmem>>
      %dma_wait3A_210 = arith.constant 0 : i32
      %dma_wait3A_211 = tpu.memref_slice %arg16[%add3A_38, %dma_wait3A_210] : memref<50176x32xf32, #tpu.memory_space<vmem_shared>> -> memref<128x32xf32, #tpu.memory_space<vmem_shared>>
      %dma_wait3A_212 = arith.constant 0 : i32
      %dma_wait3A_213 = tpu.memref_slice %arg16[%add3A_38, %dma_wait3A_212] : memref<50176x32xf32, #tpu.memory_space<vmem_shared>> -> memref<128x32xf32, #tpu.memory_space<vmem_shared>>
      %dma_wait3A_214 = arith.constant 0 : i32
      %dma_wait3A_215 = arith.constant 0 : i32
      %dma_wait3A_216 = tpu.memref_slice %arg14[%run_scoped3A_39, %dma_wait3A_214, %dma_wait3A_215] : memref<3x128x32xf32, #tpu.memory_space<vmem>> -> memref<1x128x32xf32, #tpu.memory_space<vmem>>
      %dma_wait3A_217 = tpu.memref_squeeze %dma_wait3A_216 : memref<1x128x32xf32, #tpu.memory_space<vmem>> -> memref<128x32xf32, #tpu.memory_space<vmem>>
      tpu.wait_dma2 semaphore(%run_scoped3A_193 : memref<!tpu.dma_semaphore, #tpu.memory_space<semaphore_mem>>) src(%dma_wait3A_217 : memref<128x32xf32, #tpu.memory_space<vmem>>) dst(%dma_wait3A_213 : memref<128x32xf32, #tpu.memory_space<vmem_shared>>)
      tpu.yield
    }) : () -> ()
    %mul3A_40 = arith.constant 3136 : i32
    %mul3A_41 = arith.muli %arg1, %mul3A_40 : i32
    %add3A_42 = arith.constant 1024 : i32
    %add3A_43 = arith.addi %mul3A_41, %add3A_42 : i32
    %run_scoped3A_44 = arith.constant 0 : i32
    "tpu.region"() ({
      %run_scoped3A_193 = tpu.sem_alloc : memref<!tpu.dma_semaphore, #tpu.memory_space<semaphore_mem>>
      %dma_start3A_194 = arith.constant 0 : i32
      %dma_start3A_195 = arith.constant 0 : i32
      %dma_start3A_196 = tpu.memref_slice %arg14[%run_scoped3A_44, %dma_start3A_194, %dma_start3A_195] : memref<3x128x32xf32, #tpu.memory_space<vmem>> -> memref<1x128x32xf32, #tpu.memory_space<vmem>>
      %dma_start3A_197 = tpu.memref_squeeze %dma_start3A_196 : memref<1x128x32xf32, #tpu.memory_space<vmem>> -> memref<128x32xf32, #tpu.memory_space<vmem>>
      %dma_start3A_198 = arith.constant 0 : i32
      %dma_start3A_199 = tpu.memref_slice %arg16[%add3A_43, %dma_start3A_198] : memref<50176x32xf32, #tpu.memory_space<vmem_shared>> -> memref<128x32xf32, #tpu.memory_space<vmem_shared>>
      %dma_start3A_200 = arith.constant 0 : i32
      %dma_start3A_201 = tpu.memref_slice %arg16[%add3A_43, %dma_start3A_200] : memref<50176x32xf32, #tpu.memory_space<vmem_shared>> -> memref<128x32xf32, #tpu.memory_space<vmem_shared>>
      %dma_start3A_202 = arith.constant 0 : i32
      %dma_start3A_203 = arith.constant 0 : i32
      %dma_start3A_204 = tpu.memref_slice %arg14[%run_scoped3A_44, %dma_start3A_202, %dma_start3A_203] : memref<3x128x32xf32, #tpu.memory_space<vmem>> -> memref<1x128x32xf32, #tpu.memory_space<vmem>>
      %dma_start3A_205 = tpu.memref_squeeze %dma_start3A_204 : memref<1x128x32xf32, #tpu.memory_space<vmem>> -> memref<128x32xf32, #tpu.memory_space<vmem>>
      tpu.enqueue_dma source(%dma_start3A_205 : memref<128x32xf32, #tpu.memory_space<vmem>>) target(%dma_start3A_201 : memref<128x32xf32, #tpu.memory_space<vmem_shared>>) target_semaphore(%run_scoped3A_193 : memref<!tpu.dma_semaphore, #tpu.memory_space<semaphore_mem>>)
      %dma_wait3A_206 = arith.constant 0 : i32
      %dma_wait3A_207 = arith.constant 0 : i32
      %dma_wait3A_208 = tpu.memref_slice %arg14[%run_scoped3A_44, %dma_wait3A_206, %dma_wait3A_207] : memref<3x128x32xf32, #tpu.memory_space<vmem>> -> memref<1x128x32xf32, #tpu.memory_space<vmem>>
      %dma_wait3A_209 = tpu.memref_squeeze %dma_wait3A_208 : memref<1x128x32xf32, #tpu.memory_space<vmem>> -> memref<128x32xf32, #tpu.memory_space<vmem>>
      %dma_wait3A_210 = arith.constant 0 : i32
      %dma_wait3A_211 = tpu.memref_slice %arg16[%add3A_43, %dma_wait3A_210] : memref<50176x32xf32, #tpu.memory_space<vmem_shared>> -> memref<128x32xf32, #tpu.memory_space<vmem_shared>>
      %dma_wait3A_212 = arith.constant 0 : i32
      %dma_wait3A_213 = tpu.memref_slice %arg16[%add3A_43, %dma_wait3A_212] : memref<50176x32xf32, #tpu.memory_space<vmem_shared>> -> memref<128x32xf32, #tpu.memory_space<vmem_shared>>
      %dma_wait3A_214 = arith.constant 0 : i32
      %dma_wait3A_215 = arith.constant 0 : i32
      %dma_wait3A_216 = tpu.memref_slice %arg14[%run_scoped3A_44, %dma_wait3A_214, %dma_wait3A_215] : memref<3x128x32xf32, #tpu.memory_space<vmem>> -> memref<1x128x32xf32, #tpu.memory_space<vmem>>
      %dma_wait3A_217 = tpu.memref_squeeze %dma_wait3A_216 : memref<1x128x32xf32, #tpu.memory_space<vmem>> -> memref<128x32xf32, #tpu.memory_space<vmem>>
      tpu.wait_dma2 semaphore(%run_scoped3A_193 : memref<!tpu.dma_semaphore, #tpu.memory_space<semaphore_mem>>) src(%dma_wait3A_217 : memref<128x32xf32, #tpu.memory_space<vmem>>) dst(%dma_wait3A_213 : memref<128x32xf32, #tpu.memory_space<vmem_shared>>)
      tpu.yield
    }) : () -> ()
    %mul3A_45 = arith.constant 3136 : i32
    %mul3A_46 = arith.muli %arg1, %mul3A_45 : i32
    %add3A_47 = arith.constant 1152 : i32
    %add3A_48 = arith.addi %mul3A_46, %add3A_47 : i32
    %run_scoped3A_49 = arith.constant 0 : i32
    "tpu.region"() ({
      %run_scoped3A_193 = tpu.sem_alloc : memref<!tpu.dma_semaphore, #tpu.memory_space<semaphore_mem>>
      %dma_start3A_194 = arith.constant 0 : i32
      %dma_start3A_195 = arith.constant 0 : i32
      %dma_start3A_196 = tpu.memref_slice %arg14[%run_scoped3A_49, %dma_start3A_194, %dma_start3A_195] : memref<3x128x32xf32, #tpu.memory_space<vmem>> -> memref<1x128x32xf32, #tpu.memory_space<vmem>>
      %dma_start3A_197 = tpu.memref_squeeze %dma_start3A_196 : memref<1x128x32xf32, #tpu.memory_space<vmem>> -> memref<128x32xf32, #tpu.memory_space<vmem>>
      %dma_start3A_198 = arith.constant 0 : i32
      %dma_start3A_199 = tpu.memref_slice %arg16[%add3A_48, %dma_start3A_198] : memref<50176x32xf32, #tpu.memory_space<vmem_shared>> -> memref<128x32xf32, #tpu.memory_space<vmem_shared>>
      %dma_start3A_200 = arith.constant 0 : i32
      %dma_start3A_201 = tpu.memref_slice %arg16[%add3A_48, %dma_start3A_200] : memref<50176x32xf32, #tpu.memory_space<vmem_shared>> -> memref<128x32xf32, #tpu.memory_space<vmem_shared>>
      %dma_start3A_202 = arith.constant 0 : i32
      %dma_start3A_203 = arith.constant 0 : i32
      %dma_start3A_204 = tpu.memref_slice %arg14[%run_scoped3A_49, %dma_start3A_202, %dma_start3A_203] : memref<3x128x32xf32, #tpu.memory_space<vmem>> -> memref<1x128x32xf32, #tpu.memory_space<vmem>>
      %dma_start3A_205 = tpu.memref_squeeze %dma_start3A_204 : memref<1x128x32xf32, #tpu.memory_space<vmem>> -> memref<128x32xf32, #tpu.memory_space<vmem>>
      tpu.enqueue_dma source(%dma_start3A_205 : memref<128x32xf32, #tpu.memory_space<vmem>>) target(%dma_start3A_201 : memref<128x32xf32, #tpu.memory_space<vmem_shared>>) target_semaphore(%run_scoped3A_193 : memref<!tpu.dma_semaphore, #tpu.memory_space<semaphore_mem>>)
      %dma_wait3A_206 = arith.constant 0 : i32
      %dma_wait3A_207 = arith.constant 0 : i32
      %dma_wait3A_208 = tpu.memref_slice %arg14[%run_scoped3A_49, %dma_wait3A_206, %dma_wait3A_207] : memref<3x128x32xf32, #tpu.memory_space<vmem>> -> memref<1x128x32xf32, #tpu.memory_space<vmem>>
      %dma_wait3A_209 = tpu.memref_squeeze %dma_wait3A_208 : memref<1x128x32xf32, #tpu.memory_space<vmem>> -> memref<128x32xf32, #tpu.memory_space<vmem>>
      %dma_wait3A_210 = arith.constant 0 : i32
      %dma_wait3A_211 = tpu.memref_slice %arg16[%add3A_48, %dma_wait3A_210] : memref<50176x32xf32, #tpu.memory_space<vmem_shared>> -> memref<128x32xf32, #tpu.memory_space<vmem_shared>>
      %dma_wait3A_212 = arith.constant 0 : i32
      %dma_wait3A_213 = tpu.memref_slice %arg16[%add3A_48, %dma_wait3A_212] : memref<50176x32xf32, #tpu.memory_space<vmem_shared>> -> memref<128x32xf32, #tpu.memory_space<vmem_shared>>
      %dma_wait3A_214 = arith.constant 0 : i32
      %dma_wait3A_215 = arith.constant 0 : i32
      %dma_wait3A_216 = tpu.memref_slice %arg14[%run_scoped3A_49, %dma_wait3A_214, %dma_wait3A_215] : memref<3x128x32xf32, #tpu.memory_space<vmem>> -> memref<1x128x32xf32, #tpu.memory_space<vmem>>
      %dma_wait3A_217 = tpu.memref_squeeze %dma_wait3A_216 : memref<1x128x32xf32, #tpu.memory_space<vmem>> -> memref<128x32xf32, #tpu.memory_space<vmem>>
      tpu.wait_dma2 semaphore(%run_scoped3A_193 : memref<!tpu.dma_semaphore, #tpu.memory_space<semaphore_mem>>) src(%dma_wait3A_217 : memref<128x32xf32, #tpu.memory_space<vmem>>) dst(%dma_wait3A_213 : memref<128x32xf32, #tpu.memory_space<vmem_shared>>)
      tpu.yield
    }) : () -> ()
    %mul3A_50 = arith.constant 3136 : i32
    %mul3A_51 = arith.muli %arg1, %mul3A_50 : i32
    %add3A_52 = arith.constant 1280 : i32
    %add3A_53 = arith.addi %mul3A_51, %add3A_52 : i32
    %run_scoped3A_54 = arith.constant 0 : i32
    "tpu.region"() ({
      %run_scoped3A_193 = tpu.sem_alloc : memref<!tpu.dma_semaphore, #tpu.memory_space<semaphore_mem>>
      %dma_start3A_194 = arith.constant 0 : i32
      %dma_start3A_195 = arith.constant 0 : i32
      %dma_start3A_196 = tpu.memref_slice %arg14[%run_scoped3A_54, %dma_start3A_194, %dma_start3A_195] : memref<3x128x32xf32, #tpu.memory_space<vmem>> -> memref<1x128x32xf32, #tpu.memory_space<vmem>>
      %dma_start3A_197 = tpu.memref_squeeze %dma_start3A_196 : memref<1x128x32xf32, #tpu.memory_space<vmem>> -> memref<128x32xf32, #tpu.memory_space<vmem>>
      %dma_start3A_198 = arith.constant 0 : i32
      %dma_start3A_199 = tpu.memref_slice %arg16[%add3A_53, %dma_start3A_198] : memref<50176x32xf32, #tpu.memory_space<vmem_shared>> -> memref<128x32xf32, #tpu.memory_space<vmem_shared>>
      %dma_start3A_200 = arith.constant 0 : i32
      %dma_start3A_201 = tpu.memref_slice %arg16[%add3A_53, %dma_start3A_200] : memref<50176x32xf32, #tpu.memory_space<vmem_shared>> -> memref<128x32xf32, #tpu.memory_space<vmem_shared>>
      %dma_start3A_202 = arith.constant 0 : i32
      %dma_start3A_203 = arith.constant 0 : i32
      %dma_start3A_204 = tpu.memref_slice %arg14[%run_scoped3A_54, %dma_start3A_202, %dma_start3A_203] : memref<3x128x32xf32, #tpu.memory_space<vmem>> -> memref<1x128x32xf32, #tpu.memory_space<vmem>>
      %dma_start3A_205 = tpu.memref_squeeze %dma_start3A_204 : memref<1x128x32xf32, #tpu.memory_space<vmem>> -> memref<128x32xf32, #tpu.memory_space<vmem>>
      tpu.enqueue_dma source(%dma_start3A_205 : memref<128x32xf32, #tpu.memory_space<vmem>>) target(%dma_start3A_201 : memref<128x32xf32, #tpu.memory_space<vmem_shared>>) target_semaphore(%run_scoped3A_193 : memref<!tpu.dma_semaphore, #tpu.memory_space<semaphore_mem>>)
      %dma_wait3A_206 = arith.constant 0 : i32
      %dma_wait3A_207 = arith.constant 0 : i32
      %dma_wait3A_208 = tpu.memref_slice %arg14[%run_scoped3A_54, %dma_wait3A_206, %dma_wait3A_207] : memref<3x128x32xf32, #tpu.memory_space<vmem>> -> memref<1x128x32xf32, #tpu.memory_space<vmem>>
      %dma_wait3A_209 = tpu.memref_squeeze %dma_wait3A_208 : memref<1x128x32xf32, #tpu.memory_space<vmem>> -> memref<128x32xf32, #tpu.memory_space<vmem>>
      %dma_wait3A_210 = arith.constant 0 : i32
      %dma_wait3A_211 = tpu.memref_slice %arg16[%add3A_53, %dma_wait3A_210] : memref<50176x32xf32, #tpu.memory_space<vmem_shared>> -> memref<128x32xf32, #tpu.memory_space<vmem_shared>>
      %dma_wait3A_212 = arith.constant 0 : i32
      %dma_wait3A_213 = tpu.memref_slice %arg16[%add3A_53, %dma_wait3A_212] : memref<50176x32xf32, #tpu.memory_space<vmem_shared>> -> memref<128x32xf32, #tpu.memory_space<vmem_shared>>
      %dma_wait3A_214 = arith.constant 0 : i32
      %dma_wait3A_215 = arith.constant 0 : i32
      %dma_wait3A_216 = tpu.memref_slice %arg14[%run_scoped3A_54, %dma_wait3A_214, %dma_wait3A_215] : memref<3x128x32xf32, #tpu.memory_space<vmem>> -> memref<1x128x32xf32, #tpu.memory_space<vmem>>
      %dma_wait3A_217 = tpu.memref_squeeze %dma_wait3A_216 : memref<1x128x32xf32, #tpu.memory_space<vmem>> -> memref<128x32xf32, #tpu.memory_space<vmem>>
      tpu.wait_dma2 semaphore(%run_scoped3A_193 : memref<!tpu.dma_semaphore, #tpu.memory_space<semaphore_mem>>) src(%dma_wait3A_217 : memref<128x32xf32, #tpu.memory_space<vmem>>) dst(%dma_wait3A_213 : memref<128x32xf32, #tpu.memory_space<vmem_shared>>)
      tpu.yield
    }) : () -> ()
    %mul3A_55 = arith.constant 3136 : i32
    %mul3A_56 = arith.muli %arg1, %mul3A_55 : i32
    %add3A_57 = arith.constant 1408 : i32
    %add3A_58 = arith.addi %mul3A_56, %add3A_57 : i32
    %run_scoped3A_59 = arith.constant 0 : i32
    "tpu.region"() ({
      %run_scoped3A_193 = tpu.sem_alloc : memref<!tpu.dma_semaphore, #tpu.memory_space<semaphore_mem>>
      %dma_start3A_194 = arith.constant 0 : i32
      %dma_start3A_195 = arith.constant 0 : i32
      %dma_start3A_196 = tpu.memref_slice %arg14[%run_scoped3A_59, %dma_start3A_194, %dma_start3A_195] : memref<3x128x32xf32, #tpu.memory_space<vmem>> -> memref<1x128x32xf32, #tpu.memory_space<vmem>>
      %dma_start3A_197 = tpu.memref_squeeze %dma_start3A_196 : memref<1x128x32xf32, #tpu.memory_space<vmem>> -> memref<128x32xf32, #tpu.memory_space<vmem>>
      %dma_start3A_198 = arith.constant 0 : i32
      %dma_start3A_199 = tpu.memref_slice %arg16[%add3A_58, %dma_start3A_198] : memref<50176x32xf32, #tpu.memory_space<vmem_shared>> -> memref<128x32xf32, #tpu.memory_space<vmem_shared>>
      %dma_start3A_200 = arith.constant 0 : i32
      %dma_start3A_201 = tpu.memref_slice %arg16[%add3A_58, %dma_start3A_200] : memref<50176x32xf32, #tpu.memory_space<vmem_shared>> -> memref<128x32xf32, #tpu.memory_space<vmem_shared>>
      %dma_start3A_202 = arith.constant 0 : i32
      %dma_start3A_203 = arith.constant 0 : i32
      %dma_start3A_204 = tpu.memref_slice %arg14[%run_scoped3A_59, %dma_start3A_202, %dma_start3A_203] : memref<3x128x32xf32, #tpu.memory_space<vmem>> -> memref<1x128x32xf32, #tpu.memory_space<vmem>>
      %dma_start3A_205 = tpu.memref_squeeze %dma_start3A_204 : memref<1x128x32xf32, #tpu.memory_space<vmem>> -> memref<128x32xf32, #tpu.memory_space<vmem>>
      tpu.enqueue_dma source(%dma_start3A_205 : memref<128x32xf32, #tpu.memory_space<vmem>>) target(%dma_start3A_201 : memref<128x32xf32, #tpu.memory_space<vmem_shared>>) target_semaphore(%run_scoped3A_193 : memref<!tpu.dma_semaphore, #tpu.memory_space<semaphore_mem>>)
      %dma_wait3A_206 = arith.constant 0 : i32
      %dma_wait3A_207 = arith.constant 0 : i32
      %dma_wait3A_208 = tpu.memref_slice %arg14[%run_scoped3A_59, %dma_wait3A_206, %dma_wait3A_207] : memref<3x128x32xf32, #tpu.memory_space<vmem>> -> memref<1x128x32xf32, #tpu.memory_space<vmem>>
      %dma_wait3A_209 = tpu.memref_squeeze %dma_wait3A_208 : memref<1x128x32xf32, #tpu.memory_space<vmem>> -> memref<128x32xf32, #tpu.memory_space<vmem>>
      %dma_wait3A_210 = arith.constant 0 : i32
      %dma_wait3A_211 = tpu.memref_slice %arg16[%add3A_58, %dma_wait3A_210] : memref<50176x32xf32, #tpu.memory_space<vmem_shared>> -> memref<128x32xf32, #tpu.memory_space<vmem_shared>>
      %dma_wait3A_212 = arith.constant 0 : i32
      %dma_wait3A_213 = tpu.memref_slice %arg16[%add3A_58, %dma_wait3A_212] : memref<50176x32xf32, #tpu.memory_space<vmem_shared>> -> memref<128x32xf32, #tpu.memory_space<vmem_shared>>
      %dma_wait3A_214 = arith.constant 0 : i32
      %dma_wait3A_215 = arith.constant 0 : i32
      %dma_wait3A_216 = tpu.memref_slice %arg14[%run_scoped3A_59, %dma_wait3A_214, %dma_wait3A_215] : memref<3x128x32xf32, #tpu.memory_space<vmem>> -> memref<1x128x32xf32, #tpu.memory_space<vmem>>
      %dma_wait3A_217 = tpu.memref_squeeze %dma_wait3A_216 : memref<1x128x32xf32, #tpu.memory_space<vmem>> -> memref<128x32xf32, #tpu.memory_space<vmem>>
      tpu.wait_dma2 semaphore(%run_scoped3A_193 : memref<!tpu.dma_semaphore, #tpu.memory_space<semaphore_mem>>) src(%dma_wait3A_217 : memref<128x32xf32, #tpu.memory_space<vmem>>) dst(%dma_wait3A_213 : memref<128x32xf32, #tpu.memory_space<vmem_shared>>)
      tpu.yield
    }) : () -> ()
    %mul3A_60 = arith.constant 3136 : i32
    %mul3A_61 = arith.muli %arg1, %mul3A_60 : i32
    %add3A_62 = arith.constant 1536 : i32
    %add3A_63 = arith.addi %mul3A_61, %add3A_62 : i32
    %run_scoped3A_64 = arith.constant 0 : i32
    "tpu.region"() ({
      %run_scoped3A_193 = tpu.sem_alloc : memref<!tpu.dma_semaphore, #tpu.memory_space<semaphore_mem>>
      %dma_start3A_194 = arith.constant 0 : i32
      %dma_start3A_195 = arith.constant 0 : i32
      %dma_start3A_196 = tpu.memref_slice %arg14[%run_scoped3A_64, %dma_start3A_194, %dma_start3A_195] : memref<3x128x32xf32, #tpu.memory_space<vmem>> -> memref<1x128x32xf32, #tpu.memory_space<vmem>>
      %dma_start3A_197 = tpu.memref_squeeze %dma_start3A_196 : memref<1x128x32xf32, #tpu.memory_space<vmem>> -> memref<128x32xf32, #tpu.memory_space<vmem>>
      %dma_start3A_198 = arith.constant 0 : i32
      %dma_start3A_199 = tpu.memref_slice %arg16[%add3A_63, %dma_start3A_198] : memref<50176x32xf32, #tpu.memory_space<vmem_shared>> -> memref<128x32xf32, #tpu.memory_space<vmem_shared>>
      %dma_start3A_200 = arith.constant 0 : i32
      %dma_start3A_201 = tpu.memref_slice %arg16[%add3A_63, %dma_start3A_200] : memref<50176x32xf32, #tpu.memory_space<vmem_shared>> -> memref<128x32xf32, #tpu.memory_space<vmem_shared>>
      %dma_start3A_202 = arith.constant 0 : i32
      %dma_start3A_203 = arith.constant 0 : i32
      %dma_start3A_204 = tpu.memref_slice %arg14[%run_scoped3A_64, %dma_start3A_202, %dma_start3A_203] : memref<3x128x32xf32, #tpu.memory_space<vmem>> -> memref<1x128x32xf32, #tpu.memory_space<vmem>>
      %dma_start3A_205 = tpu.memref_squeeze %dma_start3A_204 : memref<1x128x32xf32, #tpu.memory_space<vmem>> -> memref<128x32xf32, #tpu.memory_space<vmem>>
      tpu.enqueue_dma source(%dma_start3A_205 : memref<128x32xf32, #tpu.memory_space<vmem>>) target(%dma_start3A_201 : memref<128x32xf32, #tpu.memory_space<vmem_shared>>) target_semaphore(%run_scoped3A_193 : memref<!tpu.dma_semaphore, #tpu.memory_space<semaphore_mem>>)
      %dma_wait3A_206 = arith.constant 0 : i32
      %dma_wait3A_207 = arith.constant 0 : i32
      %dma_wait3A_208 = tpu.memref_slice %arg14[%run_scoped3A_64, %dma_wait3A_206, %dma_wait3A_207] : memref<3x128x32xf32, #tpu.memory_space<vmem>> -> memref<1x128x32xf32, #tpu.memory_space<vmem>>
      %dma_wait3A_209 = tpu.memref_squeeze %dma_wait3A_208 : memref<1x128x32xf32, #tpu.memory_space<vmem>> -> memref<128x32xf32, #tpu.memory_space<vmem>>
      %dma_wait3A_210 = arith.constant 0 : i32
      %dma_wait3A_211 = tpu.memref_slice %arg16[%add3A_63, %dma_wait3A_210] : memref<50176x32xf32, #tpu.memory_space<vmem_shared>> -> memref<128x32xf32, #tpu.memory_space<vmem_shared>>
      %dma_wait3A_212 = arith.constant 0 : i32
      %dma_wait3A_213 = tpu.memref_slice %arg16[%add3A_63, %dma_wait3A_212] : memref<50176x32xf32, #tpu.memory_space<vmem_shared>> -> memref<128x32xf32, #tpu.memory_space<vmem_shared>>
      %dma_wait3A_214 = arith.constant 0 : i32
      %dma_wait3A_215 = arith.constant 0 : i32
      %dma_wait3A_216 = tpu.memref_slice %arg14[%run_scoped3A_64, %dma_wait3A_214, %dma_wait3A_215] : memref<3x128x32xf32, #tpu.memory_space<vmem>> -> memref<1x128x32xf32, #tpu.memory_space<vmem>>
      %dma_wait3A_217 = tpu.memref_squeeze %dma_wait3A_216 : memref<1x128x32xf32, #tpu.memory_space<vmem>> -> memref<128x32xf32, #tpu.memory_space<vmem>>
      tpu.wait_dma2 semaphore(%run_scoped3A_193 : memref<!tpu.dma_semaphore, #tpu.memory_space<semaphore_mem>>) src(%dma_wait3A_217 : memref<128x32xf32, #tpu.memory_space<vmem>>) dst(%dma_wait3A_213 : memref<128x32xf32, #tpu.memory_space<vmem_shared>>)
      tpu.yield
    }) : () -> ()
    %mul3A_65 = arith.constant 3136 : i32
    %mul3A_66 = arith.muli %arg1, %mul3A_65 : i32
    %add3A_67 = arith.constant 1664 : i32
    %add3A_68 = arith.addi %mul3A_66, %add3A_67 : i32
    %run_scoped3A_69 = arith.constant 0 : i32
    "tpu.region"() ({
      %run_scoped3A_193 = tpu.sem_alloc : memref<!tpu.dma_semaphore, #tpu.memory_space<semaphore_mem>>
      %dma_start3A_194 = arith.constant 0 : i32
      %dma_start3A_195 = arith.constant 0 : i32
      %dma_start3A_196 = tpu.memref_slice %arg14[%run_scoped3A_69, %dma_start3A_194, %dma_start3A_195] : memref<3x128x32xf32, #tpu.memory_space<vmem>> -> memref<1x128x32xf32, #tpu.memory_space<vmem>>
      %dma_start3A_197 = tpu.memref_squeeze %dma_start3A_196 : memref<1x128x32xf32, #tpu.memory_space<vmem>> -> memref<128x32xf32, #tpu.memory_space<vmem>>
      %dma_start3A_198 = arith.constant 0 : i32
      %dma_start3A_199 = tpu.memref_slice %arg16[%add3A_68, %dma_start3A_198] : memref<50176x32xf32, #tpu.memory_space<vmem_shared>> -> memref<128x32xf32, #tpu.memory_space<vmem_shared>>
      %dma_start3A_200 = arith.constant 0 : i32
      %dma_start3A_201 = tpu.memref_slice %arg16[%add3A_68, %dma_start3A_200] : memref<50176x32xf32, #tpu.memory_space<vmem_shared>> -> memref<128x32xf32, #tpu.memory_space<vmem_shared>>
      %dma_start3A_202 = arith.constant 0 : i32
      %dma_start3A_203 = arith.constant 0 : i32
      %dma_start3A_204 = tpu.memref_slice %arg14[%run_scoped3A_69, %dma_start3A_202, %dma_start3A_203] : memref<3x128x32xf32, #tpu.memory_space<vmem>> -> memref<1x128x32xf32, #tpu.memory_space<vmem>>
      %dma_start3A_205 = tpu.memref_squeeze %dma_start3A_204 : memref<1x128x32xf32, #tpu.memory_space<vmem>> -> memref<128x32xf32, #tpu.memory_space<vmem>>
      tpu.enqueue_dma source(%dma_start3A_205 : memref<128x32xf32, #tpu.memory_space<vmem>>) target(%dma_start3A_201 : memref<128x32xf32, #tpu.memory_space<vmem_shared>>) target_semaphore(%run_scoped3A_193 : memref<!tpu.dma_semaphore, #tpu.memory_space<semaphore_mem>>)
      %dma_wait3A_206 = arith.constant 0 : i32
      %dma_wait3A_207 = arith.constant 0 : i32
      %dma_wait3A_208 = tpu.memref_slice %arg14[%run_scoped3A_69, %dma_wait3A_206, %dma_wait3A_207] : memref<3x128x32xf32, #tpu.memory_space<vmem>> -> memref<1x128x32xf32, #tpu.memory_space<vmem>>
      %dma_wait3A_209 = tpu.memref_squeeze %dma_wait3A_208 : memref<1x128x32xf32, #tpu.memory_space<vmem>> -> memref<128x32xf32, #tpu.memory_space<vmem>>
      %dma_wait3A_210 = arith.constant 0 : i32
      %dma_wait3A_211 = tpu.memref_slice %arg16[%add3A_68, %dma_wait3A_210] : memref<50176x32xf32, #tpu.memory_space<vmem_shared>> -> memref<128x32xf32, #tpu.memory_space<vmem_shared>>
      %dma_wait3A_212 = arith.constant 0 : i32
      %dma_wait3A_213 = tpu.memref_slice %arg16[%add3A_68, %dma_wait3A_212] : memref<50176x32xf32, #tpu.memory_space<vmem_shared>> -> memref<128x32xf32, #tpu.memory_space<vmem_shared>>
      %dma_wait3A_214 = arith.constant 0 : i32
      %dma_wait3A_215 = arith.constant 0 : i32
      %dma_wait3A_216 = tpu.memref_slice %arg14[%run_scoped3A_69, %dma_wait3A_214, %dma_wait3A_215] : memref<3x128x32xf32, #tpu.memory_space<vmem>> -> memref<1x128x32xf32, #tpu.memory_space<vmem>>
      %dma_wait3A_217 = tpu.memref_squeeze %dma_wait3A_216 : memref<1x128x32xf32, #tpu.memory_space<vmem>> -> memref<128x32xf32, #tpu.memory_space<vmem>>
      tpu.wait_dma2 semaphore(%run_scoped3A_193 : memref<!tpu.dma_semaphore, #tpu.memory_space<semaphore_mem>>) src(%dma_wait3A_217 : memref<128x32xf32, #tpu.memory_space<vmem>>) dst(%dma_wait3A_213 : memref<128x32xf32, #tpu.memory_space<vmem_shared>>)
      tpu.yield
    }) : () -> ()
    %mul3A_70 = arith.constant 3136 : i32
    %mul3A_71 = arith.muli %arg1, %mul3A_70 : i32
    %add3A_72 = arith.constant 1792 : i32
    %add3A_73 = arith.addi %mul3A_71, %add3A_72 : i32
    %run_scoped3A_74 = arith.constant 0 : i32
    "tpu.region"() ({
      %run_scoped3A_193 = tpu.sem_alloc : memref<!tpu.dma_semaphore, #tpu.memory_space<semaphore_mem>>
      %dma_start3A_194 = arith.constant 0 : i32
      %dma_start3A_195 = arith.constant 0 : i32
      %dma_start3A_196 = tpu.memref_slice %arg14[%run_scoped3A_74, %dma_start3A_194, %dma_start3A_195] : memref<3x128x32xf32, #tpu.memory_space<vmem>> -> memref<1x128x32xf32, #tpu.memory_space<vmem>>
      %dma_start3A_197 = tpu.memref_squeeze %dma_start3A_196 : memref<1x128x32xf32, #tpu.memory_space<vmem>> -> memref<128x32xf32, #tpu.memory_space<vmem>>
      %dma_start3A_198 = arith.constant 0 : i32
      %dma_start3A_199 = tpu.memref_slice %arg16[%add3A_73, %dma_start3A_198] : memref<50176x32xf32, #tpu.memory_space<vmem_shared>> -> memref<128x32xf32, #tpu.memory_space<vmem_shared>>
      %dma_start3A_200 = arith.constant 0 : i32
      %dma_start3A_201 = tpu.memref_slice %arg16[%add3A_73, %dma_start3A_200] : memref<50176x32xf32, #tpu.memory_space<vmem_shared>> -> memref<128x32xf32, #tpu.memory_space<vmem_shared>>
      %dma_start3A_202 = arith.constant 0 : i32
      %dma_start3A_203 = arith.constant 0 : i32
      %dma_start3A_204 = tpu.memref_slice %arg14[%run_scoped3A_74, %dma_start3A_202, %dma_start3A_203] : memref<3x128x32xf32, #tpu.memory_space<vmem>> -> memref<1x128x32xf32, #tpu.memory_space<vmem>>
      %dma_start3A_205 = tpu.memref_squeeze %dma_start3A_204 : memref<1x128x32xf32, #tpu.memory_space<vmem>> -> memref<128x32xf32, #tpu.memory_space<vmem>>
      tpu.enqueue_dma source(%dma_start3A_205 : memref<128x32xf32, #tpu.memory_space<vmem>>) target(%dma_start3A_201 : memref<128x32xf32, #tpu.memory_space<vmem_shared>>) target_semaphore(%run_scoped3A_193 : memref<!tpu.dma_semaphore, #tpu.memory_space<semaphore_mem>>)
      %dma_wait3A_206 = arith.constant 0 : i32
      %dma_wait3A_207 = arith.constant 0 : i32
      %dma_wait3A_208 = tpu.memref_slice %arg14[%run_scoped3A_74, %dma_wait3A_206, %dma_wait3A_207] : memref<3x128x32xf32, #tpu.memory_space<vmem>> -> memref<1x128x32xf32, #tpu.memory_space<vmem>>
      %dma_wait3A_209 = tpu.memref_squeeze %dma_wait3A_208 : memref<1x128x32xf32, #tpu.memory_space<vmem>> -> memref<128x32xf32, #tpu.memory_space<vmem>>
      %dma_wait3A_210 = arith.constant 0 : i32
      %dma_wait3A_211 = tpu.memref_slice %arg16[%add3A_73, %dma_wait3A_210] : memref<50176x32xf32, #tpu.memory_space<vmem_shared>> -> memref<128x32xf32, #tpu.memory_space<vmem_shared>>
      %dma_wait3A_212 = arith.constant 0 : i32
      %dma_wait3A_213 = tpu.memref_slice %arg16[%add3A_73, %dma_wait3A_212] : memref<50176x32xf32, #tpu.memory_space<vmem_shared>> -> memref<128x32xf32, #tpu.memory_space<vmem_shared>>
      %dma_wait3A_214 = arith.constant 0 : i32
      %dma_wait3A_215 = arith.constant 0 : i32
      %dma_wait3A_216 = tpu.memref_slice %arg14[%run_scoped3A_74, %dma_wait3A_214, %dma_wait3A_215] : memref<3x128x32xf32, #tpu.memory_space<vmem>> -> memref<1x128x32xf32, #tpu.memory_space<vmem>>
      %dma_wait3A_217 = tpu.memref_squeeze %dma_wait3A_216 : memref<1x128x32xf32, #tpu.memory_space<vmem>> -> memref<128x32xf32, #tpu.memory_space<vmem>>
      tpu.wait_dma2 semaphore(%run_scoped3A_193 : memref<!tpu.dma_semaphore, #tpu.memory_space<semaphore_mem>>) src(%dma_wait3A_217 : memref<128x32xf32, #tpu.memory_space<vmem>>) dst(%dma_wait3A_213 : memref<128x32xf32, #tpu.memory_space<vmem_shared>>)
      tpu.yield
    }) : () -> ()
    %mul3A_75 = arith.constant 3136 : i32
    %mul3A_76 = arith.muli %arg1, %mul3A_75 : i32
    %add3A_77 = arith.constant 1920 : i32
    %add3A_78 = arith.addi %mul3A_76, %add3A_77 : i32
    %run_scoped3A_79 = arith.constant 0 : i32
    "tpu.region"() ({
      %run_scoped3A_193 = tpu.sem_alloc : memref<!tpu.dma_semaphore, #tpu.memory_space<semaphore_mem>>
      %dma_start3A_194 = arith.constant 0 : i32
      %dma_start3A_195 = arith.constant 0 : i32
      %dma_start3A_196 = tpu.memref_slice %arg14[%run_scoped3A_79, %dma_start3A_194, %dma_start3A_195] : memref<3x128x32xf32, #tpu.memory_space<vmem>> -> memref<1x128x32xf32, #tpu.memory_space<vmem>>
      %dma_start3A_197 = tpu.memref_squeeze %dma_start3A_196 : memref<1x128x32xf32, #tpu.memory_space<vmem>> -> memref<128x32xf32, #tpu.memory_space<vmem>>
      %dma_start3A_198 = arith.constant 0 : i32
      %dma_start3A_199 = tpu.memref_slice %arg16[%add3A_78, %dma_start3A_198] : memref<50176x32xf32, #tpu.memory_space<vmem_shared>> -> memref<128x32xf32, #tpu.memory_space<vmem_shared>>
      %dma_start3A_200 = arith.constant 0 : i32
      %dma_start3A_201 = tpu.memref_slice %arg16[%add3A_78, %dma_start3A_200] : memref<50176x32xf32, #tpu.memory_space<vmem_shared>> -> memref<128x32xf32, #tpu.memory_space<vmem_shared>>
      %dma_start3A_202 = arith.constant 0 : i32
      %dma_start3A_203 = arith.constant 0 : i32
      %dma_start3A_204 = tpu.memref_slice %arg14[%run_scoped3A_79, %dma_start3A_202, %dma_start3A_203] : memref<3x128x32xf32, #tpu.memory_space<vmem>> -> memref<1x128x32xf32, #tpu.memory_space<vmem>>
      %dma_start3A_205 = tpu.memref_squeeze %dma_start3A_204 : memref<1x128x32xf32, #tpu.memory_space<vmem>> -> memref<128x32xf32, #tpu.memory_space<vmem>>
      tpu.enqueue_dma source(%dma_start3A_205 : memref<128x32xf32, #tpu.memory_space<vmem>>) target(%dma_start3A_201 : memref<128x32xf32, #tpu.memory_space<vmem_shared>>) target_semaphore(%run_scoped3A_193 : memref<!tpu.dma_semaphore, #tpu.memory_space<semaphore_mem>>)
      %dma_wait3A_206 = arith.constant 0 : i32
      %dma_wait3A_207 = arith.constant 0 : i32
      %dma_wait3A_208 = tpu.memref_slice %arg14[%run_scoped3A_79, %dma_wait3A_206, %dma_wait3A_207] : memref<3x128x32xf32, #tpu.memory_space<vmem>> -> memref<1x128x32xf32, #tpu.memory_space<vmem>>
      %dma_wait3A_209 = tpu.memref_squeeze %dma_wait3A_208 : memref<1x128x32xf32, #tpu.memory_space<vmem>> -> memref<128x32xf32, #tpu.memory_space<vmem>>
      %dma_wait3A_210 = arith.constant 0 : i32
      %dma_wait3A_211 = tpu.memref_slice %arg16[%add3A_78, %dma_wait3A_210] : memref<50176x32xf32, #tpu.memory_space<vmem_shared>> -> memref<128x32xf32, #tpu.memory_space<vmem_shared>>
      %dma_wait3A_212 = arith.constant 0 : i32
      %dma_wait3A_213 = tpu.memref_slice %arg16[%add3A_78, %dma_wait3A_212] : memref<50176x32xf32, #tpu.memory_space<vmem_shared>> -> memref<128x32xf32, #tpu.memory_space<vmem_shared>>
      %dma_wait3A_214 = arith.constant 0 : i32
      %dma_wait3A_215 = arith.constant 0 : i32
      %dma_wait3A_216 = tpu.memref_slice %arg14[%run_scoped3A_79, %dma_wait3A_214, %dma_wait3A_215] : memref<3x128x32xf32, #tpu.memory_space<vmem>> -> memref<1x128x32xf32, #tpu.memory_space<vmem>>
      %dma_wait3A_217 = tpu.memref_squeeze %dma_wait3A_216 : memref<1x128x32xf32, #tpu.memory_space<vmem>> -> memref<128x32xf32, #tpu.memory_space<vmem>>
      tpu.wait_dma2 semaphore(%run_scoped3A_193 : memref<!tpu.dma_semaphore, #tpu.memory_space<semaphore_mem>>) src(%dma_wait3A_217 : memref<128x32xf32, #tpu.memory_space<vmem>>) dst(%dma_wait3A_213 : memref<128x32xf32, #tpu.memory_space<vmem_shared>>)
      tpu.yield
    }) : () -> ()
    %mul3A_80 = arith.constant 3136 : i32
    %mul3A_81 = arith.muli %arg1, %mul3A_80 : i32
    %add3A_82 = arith.constant 2048 : i32
    %add3A_83 = arith.addi %mul3A_81, %add3A_82 : i32
    %run_scoped3A_84 = arith.constant 0 : i32
    "tpu.region"() ({
      %run_scoped3A_193 = tpu.sem_alloc : memref<!tpu.dma_semaphore, #tpu.memory_space<semaphore_mem>>
      %dma_start3A_194 = arith.constant 0 : i32
      %dma_start3A_195 = arith.constant 0 : i32
      %dma_start3A_196 = tpu.memref_slice %arg14[%run_scoped3A_84, %dma_start3A_194, %dma_start3A_195] : memref<3x128x32xf32, #tpu.memory_space<vmem>> -> memref<1x128x32xf32, #tpu.memory_space<vmem>>
      %dma_start3A_197 = tpu.memref_squeeze %dma_start3A_196 : memref<1x128x32xf32, #tpu.memory_space<vmem>> -> memref<128x32xf32, #tpu.memory_space<vmem>>
      %dma_start3A_198 = arith.constant 0 : i32
      %dma_start3A_199 = tpu.memref_slice %arg16[%add3A_83, %dma_start3A_198] : memref<50176x32xf32, #tpu.memory_space<vmem_shared>> -> memref<128x32xf32, #tpu.memory_space<vmem_shared>>
      %dma_start3A_200 = arith.constant 0 : i32
      %dma_start3A_201 = tpu.memref_slice %arg16[%add3A_83, %dma_start3A_200] : memref<50176x32xf32, #tpu.memory_space<vmem_shared>> -> memref<128x32xf32, #tpu.memory_space<vmem_shared>>
      %dma_start3A_202 = arith.constant 0 : i32
      %dma_start3A_203 = arith.constant 0 : i32
      %dma_start3A_204 = tpu.memref_slice %arg14[%run_scoped3A_84, %dma_start3A_202, %dma_start3A_203] : memref<3x128x32xf32, #tpu.memory_space<vmem>> -> memref<1x128x32xf32, #tpu.memory_space<vmem>>
      %dma_start3A_205 = tpu.memref_squeeze %dma_start3A_204 : memref<1x128x32xf32, #tpu.memory_space<vmem>> -> memref<128x32xf32, #tpu.memory_space<vmem>>
      tpu.enqueue_dma source(%dma_start3A_205 : memref<128x32xf32, #tpu.memory_space<vmem>>) target(%dma_start3A_201 : memref<128x32xf32, #tpu.memory_space<vmem_shared>>) target_semaphore(%run_scoped3A_193 : memref<!tpu.dma_semaphore, #tpu.memory_space<semaphore_mem>>)
      %dma_wait3A_206 = arith.constant 0 : i32
      %dma_wait3A_207 = arith.constant 0 : i32
      %dma_wait3A_208 = tpu.memref_slice %arg14[%run_scoped3A_84, %dma_wait3A_206, %dma_wait3A_207] : memref<3x128x32xf32, #tpu.memory_space<vmem>> -> memref<1x128x32xf32, #tpu.memory_space<vmem>>
      %dma_wait3A_209 = tpu.memref_squeeze %dma_wait3A_208 : memref<1x128x32xf32, #tpu.memory_space<vmem>> -> memref<128x32xf32, #tpu.memory_space<vmem>>
      %dma_wait3A_210 = arith.constant 0 : i32
      %dma_wait3A_211 = tpu.memref_slice %arg16[%add3A_83, %dma_wait3A_210] : memref<50176x32xf32, #tpu.memory_space<vmem_shared>> -> memref<128x32xf32, #tpu.memory_space<vmem_shared>>
      %dma_wait3A_212 = arith.constant 0 : i32
      %dma_wait3A_213 = tpu.memref_slice %arg16[%add3A_83, %dma_wait3A_212] : memref<50176x32xf32, #tpu.memory_space<vmem_shared>> -> memref<128x32xf32, #tpu.memory_space<vmem_shared>>
      %dma_wait3A_214 = arith.constant 0 : i32
      %dma_wait3A_215 = arith.constant 0 : i32
      %dma_wait3A_216 = tpu.memref_slice %arg14[%run_scoped3A_84, %dma_wait3A_214, %dma_wait3A_215] : memref<3x128x32xf32, #tpu.memory_space<vmem>> -> memref<1x128x32xf32, #tpu.memory_space<vmem>>
      %dma_wait3A_217 = tpu.memref_squeeze %dma_wait3A_216 : memref<1x128x32xf32, #tpu.memory_space<vmem>> -> memref<128x32xf32, #tpu.memory_space<vmem>>
      tpu.wait_dma2 semaphore(%run_scoped3A_193 : memref<!tpu.dma_semaphore, #tpu.memory_space<semaphore_mem>>) src(%dma_wait3A_217 : memref<128x32xf32, #tpu.memory_space<vmem>>) dst(%dma_wait3A_213 : memref<128x32xf32, #tpu.memory_space<vmem_shared>>)
      tpu.yield
    }) : () -> ()
    %mul3A_85 = arith.constant 3136 : i32
    %mul3A_86 = arith.muli %arg1, %mul3A_85 : i32
    %add3A_87 = arith.constant 2176 : i32
    %add3A_88 = arith.addi %mul3A_86, %add3A_87 : i32
    %run_scoped3A_89 = arith.constant 0 : i32
    "tpu.region"() ({
      %run_scoped3A_193 = tpu.sem_alloc : memref<!tpu.dma_semaphore, #tpu.memory_space<semaphore_mem>>
      %dma_start3A_194 = arith.constant 0 : i32
      %dma_start3A_195 = arith.constant 0 : i32
      %dma_start3A_196 = tpu.memref_slice %arg14[%run_scoped3A_89, %dma_start3A_194, %dma_start3A_195] : memref<3x128x32xf32, #tpu.memory_space<vmem>> -> memref<1x128x32xf32, #tpu.memory_space<vmem>>
      %dma_start3A_197 = tpu.memref_squeeze %dma_start3A_196 : memref<1x128x32xf32, #tpu.memory_space<vmem>> -> memref<128x32xf32, #tpu.memory_space<vmem>>
      %dma_start3A_198 = arith.constant 0 : i32
      %dma_start3A_199 = tpu.memref_slice %arg16[%add3A_88, %dma_start3A_198] : memref<50176x32xf32, #tpu.memory_space<vmem_shared>> -> memref<128x32xf32, #tpu.memory_space<vmem_shared>>
      %dma_start3A_200 = arith.constant 0 : i32
      %dma_start3A_201 = tpu.memref_slice %arg16[%add3A_88, %dma_start3A_200] : memref<50176x32xf32, #tpu.memory_space<vmem_shared>> -> memref<128x32xf32, #tpu.memory_space<vmem_shared>>
      %dma_start3A_202 = arith.constant 0 : i32
      %dma_start3A_203 = arith.constant 0 : i32
      %dma_start3A_204 = tpu.memref_slice %arg14[%run_scoped3A_89, %dma_start3A_202, %dma_start3A_203] : memref<3x128x32xf32, #tpu.memory_space<vmem>> -> memref<1x128x32xf32, #tpu.memory_space<vmem>>
      %dma_start3A_205 = tpu.memref_squeeze %dma_start3A_204 : memref<1x128x32xf32, #tpu.memory_space<vmem>> -> memref<128x32xf32, #tpu.memory_space<vmem>>
      tpu.enqueue_dma source(%dma_start3A_205 : memref<128x32xf32, #tpu.memory_space<vmem>>) target(%dma_start3A_201 : memref<128x32xf32, #tpu.memory_space<vmem_shared>>) target_semaphore(%run_scoped3A_193 : memref<!tpu.dma_semaphore, #tpu.memory_space<semaphore_mem>>)
      %dma_wait3A_206 = arith.constant 0 : i32
      %dma_wait3A_207 = arith.constant 0 : i32
      %dma_wait3A_208 = tpu.memref_slice %arg14[%run_scoped3A_89, %dma_wait3A_206, %dma_wait3A_207] : memref<3x128x32xf32, #tpu.memory_space<vmem>> -> memref<1x128x32xf32, #tpu.memory_space<vmem>>
      %dma_wait3A_209 = tpu.memref_squeeze %dma_wait3A_208 : memref<1x128x32xf32, #tpu.memory_space<vmem>> -> memref<128x32xf32, #tpu.memory_space<vmem>>
      %dma_wait3A_210 = arith.constant 0 : i32
      %dma_wait3A_211 = tpu.memref_slice %arg16[%add3A_88, %dma_wait3A_210] : memref<50176x32xf32, #tpu.memory_space<vmem_shared>> -> memref<128x32xf32, #tpu.memory_space<vmem_shared>>
      %dma_wait3A_212 = arith.constant 0 : i32
      %dma_wait3A_213 = tpu.memref_slice %arg16[%add3A_88, %dma_wait3A_212] : memref<50176x32xf32, #tpu.memory_space<vmem_shared>> -> memref<128x32xf32, #tpu.memory_space<vmem_shared>>
      %dma_wait3A_214 = arith.constant 0 : i32
      %dma_wait3A_215 = arith.constant 0 : i32
      %dma_wait3A_216 = tpu.memref_slice %arg14[%run_scoped3A_89, %dma_wait3A_214, %dma_wait3A_215] : memref<3x128x32xf32, #tpu.memory_space<vmem>> -> memref<1x128x32xf32, #tpu.memory_space<vmem>>
      %dma_wait3A_217 = tpu.memref_squeeze %dma_wait3A_216 : memref<1x128x32xf32, #tpu.memory_space<vmem>> -> memref<128x32xf32, #tpu.memory_space<vmem>>
      tpu.wait_dma2 semaphore(%run_scoped3A_193 : memref<!tpu.dma_semaphore, #tpu.memory_space<semaphore_mem>>) src(%dma_wait3A_217 : memref<128x32xf32, #tpu.memory_space<vmem>>) dst(%dma_wait3A_213 : memref<128x32xf32, #tpu.memory_space<vmem_shared>>)
      tpu.yield
    }) : () -> ()
    %mul3A_90 = arith.constant 3136 : i32
    %mul3A_91 = arith.muli %arg1, %mul3A_90 : i32
    %add3A_92 = arith.constant 2304 : i32
    %add3A_93 = arith.addi %mul3A_91, %add3A_92 : i32
    %run_scoped3A_94 = arith.constant 0 : i32
    "tpu.region"() ({
      %run_scoped3A_193 = tpu.sem_alloc : memref<!tpu.dma_semaphore, #tpu.memory_space<semaphore_mem>>
      %dma_start3A_194 = arith.constant 0 : i32
      %dma_start3A_195 = arith.constant 0 : i32
      %dma_start3A_196 = tpu.memref_slice %arg14[%run_scoped3A_94, %dma_start3A_194, %dma_start3A_195] : memref<3x128x32xf32, #tpu.memory_space<vmem>> -> memref<1x128x32xf32, #tpu.memory_space<vmem>>
      %dma_start3A_197 = tpu.memref_squeeze %dma_start3A_196 : memref<1x128x32xf32, #tpu.memory_space<vmem>> -> memref<128x32xf32, #tpu.memory_space<vmem>>
      %dma_start3A_198 = arith.constant 0 : i32
      %dma_start3A_199 = tpu.memref_slice %arg16[%add3A_93, %dma_start3A_198] : memref<50176x32xf32, #tpu.memory_space<vmem_shared>> -> memref<128x32xf32, #tpu.memory_space<vmem_shared>>
      %dma_start3A_200 = arith.constant 0 : i32
      %dma_start3A_201 = tpu.memref_slice %arg16[%add3A_93, %dma_start3A_200] : memref<50176x32xf32, #tpu.memory_space<vmem_shared>> -> memref<128x32xf32, #tpu.memory_space<vmem_shared>>
      %dma_start3A_202 = arith.constant 0 : i32
      %dma_start3A_203 = arith.constant 0 : i32
      %dma_start3A_204 = tpu.memref_slice %arg14[%run_scoped3A_94, %dma_start3A_202, %dma_start3A_203] : memref<3x128x32xf32, #tpu.memory_space<vmem>> -> memref<1x128x32xf32, #tpu.memory_space<vmem>>
      %dma_start3A_205 = tpu.memref_squeeze %dma_start3A_204 : memref<1x128x32xf32, #tpu.memory_space<vmem>> -> memref<128x32xf32, #tpu.memory_space<vmem>>
      tpu.enqueue_dma source(%dma_start3A_205 : memref<128x32xf32, #tpu.memory_space<vmem>>) target(%dma_start3A_201 : memref<128x32xf32, #tpu.memory_space<vmem_shared>>) target_semaphore(%run_scoped3A_193 : memref<!tpu.dma_semaphore, #tpu.memory_space<semaphore_mem>>)
      %dma_wait3A_206 = arith.constant 0 : i32
      %dma_wait3A_207 = arith.constant 0 : i32
      %dma_wait3A_208 = tpu.memref_slice %arg14[%run_scoped3A_94, %dma_wait3A_206, %dma_wait3A_207] : memref<3x128x32xf32, #tpu.memory_space<vmem>> -> memref<1x128x32xf32, #tpu.memory_space<vmem>>
      %dma_wait3A_209 = tpu.memref_squeeze %dma_wait3A_208 : memref<1x128x32xf32, #tpu.memory_space<vmem>> -> memref<128x32xf32, #tpu.memory_space<vmem>>
      %dma_wait3A_210 = arith.constant 0 : i32
      %dma_wait3A_211 = tpu.memref_slice %arg16[%add3A_93, %dma_wait3A_210] : memref<50176x32xf32, #tpu.memory_space<vmem_shared>> -> memref<128x32xf32, #tpu.memory_space<vmem_shared>>
      %dma_wait3A_212 = arith.constant 0 : i32
      %dma_wait3A_213 = tpu.memref_slice %arg16[%add3A_93, %dma_wait3A_212] : memref<50176x32xf32, #tpu.memory_space<vmem_shared>> -> memref<128x32xf32, #tpu.memory_space<vmem_shared>>
      %dma_wait3A_214 = arith.constant 0 : i32
      %dma_wait3A_215 = arith.constant 0 : i32
      %dma_wait3A_216 = tpu.memref_slice %arg14[%run_scoped3A_94, %dma_wait3A_214, %dma_wait3A_215] : memref<3x128x32xf32, #tpu.memory_space<vmem>> -> memref<1x128x32xf32, #tpu.memory_space<vmem>>
      %dma_wait3A_217 = tpu.memref_squeeze %dma_wait3A_216 : memref<1x128x32xf32, #tpu.memory_space<vmem>> -> memref<128x32xf32, #tpu.memory_space<vmem>>
      tpu.wait_dma2 semaphore(%run_scoped3A_193 : memref<!tpu.dma_semaphore, #tpu.memory_space<semaphore_mem>>) src(%dma_wait3A_217 : memref<128x32xf32, #tpu.memory_space<vmem>>) dst(%dma_wait3A_213 : memref<128x32xf32, #tpu.memory_space<vmem_shared>>)
      tpu.yield
    }) : () -> ()
    %mul3A_95 = arith.constant 3136 : i32
    %mul3A_96 = arith.muli %arg1, %mul3A_95 : i32
    %add3A_97 = arith.constant 2432 : i32
    %add3A_98 = arith.addi %mul3A_96, %add3A_97 : i32
    %run_scoped3A_99 = arith.constant 0 : i32
    "tpu.region"() ({
      %run_scoped3A_193 = tpu.sem_alloc : memref<!tpu.dma_semaphore, #tpu.memory_space<semaphore_mem>>
      %dma_start3A_194 = arith.constant 0 : i32
      %dma_start3A_195 = arith.constant 0 : i32
      %dma_start3A_196 = tpu.memref_slice %arg14[%run_scoped3A_99, %dma_start3A_194, %dma_start3A_195] : memref<3x128x32xf32, #tpu.memory_space<vmem>> -> memref<1x128x32xf32, #tpu.memory_space<vmem>>
      %dma_start3A_197 = tpu.memref_squeeze %dma_start3A_196 : memref<1x128x32xf32, #tpu.memory_space<vmem>> -> memref<128x32xf32, #tpu.memory_space<vmem>>
      %dma_start3A_198 = arith.constant 0 : i32
      %dma_start3A_199 = tpu.memref_slice %arg16[%add3A_98, %dma_start3A_198] : memref<50176x32xf32, #tpu.memory_space<vmem_shared>> -> memref<128x32xf32, #tpu.memory_space<vmem_shared>>
      %dma_start3A_200 = arith.constant 0 : i32
      %dma_start3A_201 = tpu.memref_slice %arg16[%add3A_98, %dma_start3A_200] : memref<50176x32xf32, #tpu.memory_space<vmem_shared>> -> memref<128x32xf32, #tpu.memory_space<vmem_shared>>
      %dma_start3A_202 = arith.constant 0 : i32
      %dma_start3A_203 = arith.constant 0 : i32
      %dma_start3A_204 = tpu.memref_slice %arg14[%run_scoped3A_99, %dma_start3A_202, %dma_start3A_203] : memref<3x128x32xf32, #tpu.memory_space<vmem>> -> memref<1x128x32xf32, #tpu.memory_space<vmem>>
      %dma_start3A_205 = tpu.memref_squeeze %dma_start3A_204 : memref<1x128x32xf32, #tpu.memory_space<vmem>> -> memref<128x32xf32, #tpu.memory_space<vmem>>
      tpu.enqueue_dma source(%dma_start3A_205 : memref<128x32xf32, #tpu.memory_space<vmem>>) target(%dma_start3A_201 : memref<128x32xf32, #tpu.memory_space<vmem_shared>>) target_semaphore(%run_scoped3A_193 : memref<!tpu.dma_semaphore, #tpu.memory_space<semaphore_mem>>)
      %dma_wait3A_206 = arith.constant 0 : i32
      %dma_wait3A_207 = arith.constant 0 : i32
      %dma_wait3A_208 = tpu.memref_slice %arg14[%run_scoped3A_99, %dma_wait3A_206, %dma_wait3A_207] : memref<3x128x32xf32, #tpu.memory_space<vmem>> -> memref<1x128x32xf32, #tpu.memory_space<vmem>>
      %dma_wait3A_209 = tpu.memref_squeeze %dma_wait3A_208 : memref<1x128x32xf32, #tpu.memory_space<vmem>> -> memref<128x32xf32, #tpu.memory_space<vmem>>
      %dma_wait3A_210 = arith.constant 0 : i32
      %dma_wait3A_211 = tpu.memref_slice %arg16[%add3A_98, %dma_wait3A_210] : memref<50176x32xf32, #tpu.memory_space<vmem_shared>> -> memref<128x32xf32, #tpu.memory_space<vmem_shared>>
      %dma_wait3A_212 = arith.constant 0 : i32
      %dma_wait3A_213 = tpu.memref_slice %arg16[%add3A_98, %dma_wait3A_212] : memref<50176x32xf32, #tpu.memory_space<vmem_shared>> -> memref<128x32xf32, #tpu.memory_space<vmem_shared>>
      %dma_wait3A_214 = arith.constant 0 : i32
      %dma_wait3A_215 = arith.constant 0 : i32
      %dma_wait3A_216 = tpu.memref_slice %arg14[%run_scoped3A_99, %dma_wait3A_214, %dma_wait3A_215] : memref<3x128x32xf32, #tpu.memory_space<vmem>> -> memref<1x128x32xf32, #tpu.memory_space<vmem>>
      %dma_wait3A_217 = tpu.memref_squeeze %dma_wait3A_216 : memref<1x128x32xf32, #tpu.memory_space<vmem>> -> memref<128x32xf32, #tpu.memory_space<vmem>>
      tpu.wait_dma2 semaphore(%run_scoped3A_193 : memref<!tpu.dma_semaphore, #tpu.memory_space<semaphore_mem>>) src(%dma_wait3A_217 : memref<128x32xf32, #tpu.memory_space<vmem>>) dst(%dma_wait3A_213 : memref<128x32xf32, #tpu.memory_space<vmem_shared>>)
      tpu.yield
    }) : () -> ()
    %mul3A_100 = arith.constant 3136 : i32
    %mul3A_101 = arith.muli %arg1, %mul3A_100 : i32
    %add3A_102 = arith.constant 2560 : i32
    %add3A_103 = arith.addi %mul3A_101, %add3A_102 : i32
    %run_scoped3A_104 = arith.constant 0 : i32
    "tpu.region"() ({
      %run_scoped3A_193 = tpu.sem_alloc : memref<!tpu.dma_semaphore, #tpu.memory_space<semaphore_mem>>
      %dma_start3A_194 = arith.constant 0 : i32
      %dma_start3A_195 = arith.constant 0 : i32
      %dma_start3A_196 = tpu.memref_slice %arg14[%run_scoped3A_104, %dma_start3A_194, %dma_start3A_195] : memref<3x128x32xf32, #tpu.memory_space<vmem>> -> memref<1x128x32xf32, #tpu.memory_space<vmem>>
      %dma_start3A_197 = tpu.memref_squeeze %dma_start3A_196 : memref<1x128x32xf32, #tpu.memory_space<vmem>> -> memref<128x32xf32, #tpu.memory_space<vmem>>
      %dma_start3A_198 = arith.constant 0 : i32
      %dma_start3A_199 = tpu.memref_slice %arg16[%add3A_103, %dma_start3A_198] : memref<50176x32xf32, #tpu.memory_space<vmem_shared>> -> memref<128x32xf32, #tpu.memory_space<vmem_shared>>
      %dma_start3A_200 = arith.constant 0 : i32
      %dma_start3A_201 = tpu.memref_slice %arg16[%add3A_103, %dma_start3A_200] : memref<50176x32xf32, #tpu.memory_space<vmem_shared>> -> memref<128x32xf32, #tpu.memory_space<vmem_shared>>
      %dma_start3A_202 = arith.constant 0 : i32
      %dma_start3A_203 = arith.constant 0 : i32
      %dma_start3A_204 = tpu.memref_slice %arg14[%run_scoped3A_104, %dma_start3A_202, %dma_start3A_203] : memref<3x128x32xf32, #tpu.memory_space<vmem>> -> memref<1x128x32xf32, #tpu.memory_space<vmem>>
      %dma_start3A_205 = tpu.memref_squeeze %dma_start3A_204 : memref<1x128x32xf32, #tpu.memory_space<vmem>> -> memref<128x32xf32, #tpu.memory_space<vmem>>
      tpu.enqueue_dma source(%dma_start3A_205 : memref<128x32xf32, #tpu.memory_space<vmem>>) target(%dma_start3A_201 : memref<128x32xf32, #tpu.memory_space<vmem_shared>>) target_semaphore(%run_scoped3A_193 : memref<!tpu.dma_semaphore, #tpu.memory_space<semaphore_mem>>)
      %dma_wait3A_206 = arith.constant 0 : i32
      %dma_wait3A_207 = arith.constant 0 : i32
      %dma_wait3A_208 = tpu.memref_slice %arg14[%run_scoped3A_104, %dma_wait3A_206, %dma_wait3A_207] : memref<3x128x32xf32, #tpu.memory_space<vmem>> -> memref<1x128x32xf32, #tpu.memory_space<vmem>>
      %dma_wait3A_209 = tpu.memref_squeeze %dma_wait3A_208 : memref<1x128x32xf32, #tpu.memory_space<vmem>> -> memref<128x32xf32, #tpu.memory_space<vmem>>
      %dma_wait3A_210 = arith.constant 0 : i32
      %dma_wait3A_211 = tpu.memref_slice %arg16[%add3A_103, %dma_wait3A_210] : memref<50176x32xf32, #tpu.memory_space<vmem_shared>> -> memref<128x32xf32, #tpu.memory_space<vmem_shared>>
      %dma_wait3A_212 = arith.constant 0 : i32
      %dma_wait3A_213 = tpu.memref_slice %arg16[%add3A_103, %dma_wait3A_212] : memref<50176x32xf32, #tpu.memory_space<vmem_shared>> -> memref<128x32xf32, #tpu.memory_space<vmem_shared>>
      %dma_wait3A_214 = arith.constant 0 : i32
      %dma_wait3A_215 = arith.constant 0 : i32
      %dma_wait3A_216 = tpu.memref_slice %arg14[%run_scoped3A_104, %dma_wait3A_214, %dma_wait3A_215] : memref<3x128x32xf32, #tpu.memory_space<vmem>> -> memref<1x128x32xf32, #tpu.memory_space<vmem>>
      %dma_wait3A_217 = tpu.memref_squeeze %dma_wait3A_216 : memref<1x128x32xf32, #tpu.memory_space<vmem>> -> memref<128x32xf32, #tpu.memory_space<vmem>>
      tpu.wait_dma2 semaphore(%run_scoped3A_193 : memref<!tpu.dma_semaphore, #tpu.memory_space<semaphore_mem>>) src(%dma_wait3A_217 : memref<128x32xf32, #tpu.memory_space<vmem>>) dst(%dma_wait3A_213 : memref<128x32xf32, #tpu.memory_space<vmem_shared>>)
      tpu.yield
    }) : () -> ()
    %mul3A_105 = arith.constant 3136 : i32
    %mul3A_106 = arith.muli %arg1, %mul3A_105 : i32
    %add3A_107 = arith.constant 2688 : i32
    %add3A_108 = arith.addi %mul3A_106, %add3A_107 : i32
    %run_scoped3A_109 = arith.constant 0 : i32
    "tpu.region"() ({
      %run_scoped3A_193 = tpu.sem_alloc : memref<!tpu.dma_semaphore, #tpu.memory_space<semaphore_mem>>
      %dma_start3A_194 = arith.constant 0 : i32
      %dma_start3A_195 = arith.constant 0 : i32
      %dma_start3A_196 = tpu.memref_slice %arg14[%run_scoped3A_109, %dma_start3A_194, %dma_start3A_195] : memref<3x128x32xf32, #tpu.memory_space<vmem>> -> memref<1x128x32xf32, #tpu.memory_space<vmem>>
      %dma_start3A_197 = tpu.memref_squeeze %dma_start3A_196 : memref<1x128x32xf32, #tpu.memory_space<vmem>> -> memref<128x32xf32, #tpu.memory_space<vmem>>
      %dma_start3A_198 = arith.constant 0 : i32
      %dma_start3A_199 = tpu.memref_slice %arg16[%add3A_108, %dma_start3A_198] : memref<50176x32xf32, #tpu.memory_space<vmem_shared>> -> memref<128x32xf32, #tpu.memory_space<vmem_shared>>
      %dma_start3A_200 = arith.constant 0 : i32
      %dma_start3A_201 = tpu.memref_slice %arg16[%add3A_108, %dma_start3A_200] : memref<50176x32xf32, #tpu.memory_space<vmem_shared>> -> memref<128x32xf32, #tpu.memory_space<vmem_shared>>
      %dma_start3A_202 = arith.constant 0 : i32
      %dma_start3A_203 = arith.constant 0 : i32
      %dma_start3A_204 = tpu.memref_slice %arg14[%run_scoped3A_109, %dma_start3A_202, %dma_start3A_203] : memref<3x128x32xf32, #tpu.memory_space<vmem>> -> memref<1x128x32xf32, #tpu.memory_space<vmem>>
      %dma_start3A_205 = tpu.memref_squeeze %dma_start3A_204 : memref<1x128x32xf32, #tpu.memory_space<vmem>> -> memref<128x32xf32, #tpu.memory_space<vmem>>
      tpu.enqueue_dma source(%dma_start3A_205 : memref<128x32xf32, #tpu.memory_space<vmem>>) target(%dma_start3A_201 : memref<128x32xf32, #tpu.memory_space<vmem_shared>>) target_semaphore(%run_scoped3A_193 : memref<!tpu.dma_semaphore, #tpu.memory_space<semaphore_mem>>)
      %dma_wait3A_206 = arith.constant 0 : i32
      %dma_wait3A_207 = arith.constant 0 : i32
      %dma_wait3A_208 = tpu.memref_slice %arg14[%run_scoped3A_109, %dma_wait3A_206, %dma_wait3A_207] : memref<3x128x32xf32, #tpu.memory_space<vmem>> -> memref<1x128x32xf32, #tpu.memory_space<vmem>>
      %dma_wait3A_209 = tpu.memref_squeeze %dma_wait3A_208 : memref<1x128x32xf32, #tpu.memory_space<vmem>> -> memref<128x32xf32, #tpu.memory_space<vmem>>
      %dma_wait3A_210 = arith.constant 0 : i32
      %dma_wait3A_211 = tpu.memref_slice %arg16[%add3A_108, %dma_wait3A_210] : memref<50176x32xf32, #tpu.memory_space<vmem_shared>> -> memref<128x32xf32, #tpu.memory_space<vmem_shared>>
      %dma_wait3A_212 = arith.constant 0 : i32
      %dma_wait3A_213 = tpu.memref_slice %arg16[%add3A_108, %dma_wait3A_212] : memref<50176x32xf32, #tpu.memory_space<vmem_shared>> -> memref<128x32xf32, #tpu.memory_space<vmem_shared>>
      %dma_wait3A_214 = arith.constant 0 : i32
      %dma_wait3A_215 = arith.constant 0 : i32
      %dma_wait3A_216 = tpu.memref_slice %arg14[%run_scoped3A_109, %dma_wait3A_214, %dma_wait3A_215] : memref<3x128x32xf32, #tpu.memory_space<vmem>> -> memref<1x128x32xf32, #tpu.memory_space<vmem>>
      %dma_wait3A_217 = tpu.memref_squeeze %dma_wait3A_216 : memref<1x128x32xf32, #tpu.memory_space<vmem>> -> memref<128x32xf32, #tpu.memory_space<vmem>>
      tpu.wait_dma2 semaphore(%run_scoped3A_193 : memref<!tpu.dma_semaphore, #tpu.memory_space<semaphore_mem>>) src(%dma_wait3A_217 : memref<128x32xf32, #tpu.memory_space<vmem>>) dst(%dma_wait3A_213 : memref<128x32xf32, #tpu.memory_space<vmem_shared>>)
      tpu.yield
    }) : () -> ()
    %mul3A_110 = arith.constant 3136 : i32
    %mul3A_111 = arith.muli %arg1, %mul3A_110 : i32
    %add3A_112 = arith.constant 2816 : i32
    %add3A_113 = arith.addi %mul3A_111, %add3A_112 : i32
    %run_scoped3A_114 = arith.constant 0 : i32
    "tpu.region"() ({
      %run_scoped3A_193 = tpu.sem_alloc : memref<!tpu.dma_semaphore, #tpu.memory_space<semaphore_mem>>
      %dma_start3A_194 = arith.constant 0 : i32
      %dma_start3A_195 = arith.constant 0 : i32
      %dma_start3A_196 = tpu.memref_slice %arg14[%run_scoped3A_114, %dma_start3A_194, %dma_start3A_195] : memref<3x128x32xf32, #tpu.memory_space<vmem>> -> memref<1x128x32xf32, #tpu.memory_space<vmem>>
      %dma_start3A_197 = tpu.memref_squeeze %dma_start3A_196 : memref<1x128x32xf32, #tpu.memory_space<vmem>> -> memref<128x32xf32, #tpu.memory_space<vmem>>
      %dma_start3A_198 = arith.constant 0 : i32
      %dma_start3A_199 = tpu.memref_slice %arg16[%add3A_113, %dma_start3A_198] : memref<50176x32xf32, #tpu.memory_space<vmem_shared>> -> memref<128x32xf32, #tpu.memory_space<vmem_shared>>
      %dma_start3A_200 = arith.constant 0 : i32
      %dma_start3A_201 = tpu.memref_slice %arg16[%add3A_113, %dma_start3A_200] : memref<50176x32xf32, #tpu.memory_space<vmem_shared>> -> memref<128x32xf32, #tpu.memory_space<vmem_shared>>
      %dma_start3A_202 = arith.constant 0 : i32
      %dma_start3A_203 = arith.constant 0 : i32
      %dma_start3A_204 = tpu.memref_slice %arg14[%run_scoped3A_114, %dma_start3A_202, %dma_start3A_203] : memref<3x128x32xf32, #tpu.memory_space<vmem>> -> memref<1x128x32xf32, #tpu.memory_space<vmem>>
      %dma_start3A_205 = tpu.memref_squeeze %dma_start3A_204 : memref<1x128x32xf32, #tpu.memory_space<vmem>> -> memref<128x32xf32, #tpu.memory_space<vmem>>
      tpu.enqueue_dma source(%dma_start3A_205 : memref<128x32xf32, #tpu.memory_space<vmem>>) target(%dma_start3A_201 : memref<128x32xf32, #tpu.memory_space<vmem_shared>>) target_semaphore(%run_scoped3A_193 : memref<!tpu.dma_semaphore, #tpu.memory_space<semaphore_mem>>)
      %dma_wait3A_206 = arith.constant 0 : i32
      %dma_wait3A_207 = arith.constant 0 : i32
      %dma_wait3A_208 = tpu.memref_slice %arg14[%run_scoped3A_114, %dma_wait3A_206, %dma_wait3A_207] : memref<3x128x32xf32, #tpu.memory_space<vmem>> -> memref<1x128x32xf32, #tpu.memory_space<vmem>>
      %dma_wait3A_209 = tpu.memref_squeeze %dma_wait3A_208 : memref<1x128x32xf32, #tpu.memory_space<vmem>> -> memref<128x32xf32, #tpu.memory_space<vmem>>
      %dma_wait3A_210 = arith.constant 0 : i32
      %dma_wait3A_211 = tpu.memref_slice %arg16[%add3A_113, %dma_wait3A_210] : memref<50176x32xf32, #tpu.memory_space<vmem_shared>> -> memref<128x32xf32, #tpu.memory_space<vmem_shared>>
      %dma_wait3A_212 = arith.constant 0 : i32
      %dma_wait3A_213 = tpu.memref_slice %arg16[%add3A_113, %dma_wait3A_212] : memref<50176x32xf32, #tpu.memory_space<vmem_shared>> -> memref<128x32xf32, #tpu.memory_space<vmem_shared>>
      %dma_wait3A_214 = arith.constant 0 : i32
      %dma_wait3A_215 = arith.constant 0 : i32
      %dma_wait3A_216 = tpu.memref_slice %arg14[%run_scoped3A_114, %dma_wait3A_214, %dma_wait3A_215] : memref<3x128x32xf32, #tpu.memory_space<vmem>> -> memref<1x128x32xf32, #tpu.memory_space<vmem>>
      %dma_wait3A_217 = tpu.memref_squeeze %dma_wait3A_216 : memref<1x128x32xf32, #tpu.memory_space<vmem>> -> memref<128x32xf32, #tpu.memory_space<vmem>>
      tpu.wait_dma2 semaphore(%run_scoped3A_193 : memref<!tpu.dma_semaphore, #tpu.memory_space<semaphore_mem>>) src(%dma_wait3A_217 : memref<128x32xf32, #tpu.memory_space<vmem>>) dst(%dma_wait3A_213 : memref<128x32xf32, #tpu.memory_space<vmem_shared>>)
      tpu.yield
    }) : () -> ()
    %mul3A_115 = arith.constant 3136 : i32
    %mul3A_116 = arith.muli %arg1, %mul3A_115 : i32
    %add3A_117 = arith.constant 2944 : i32
    %add3A_118 = arith.addi %mul3A_116, %add3A_117 : i32
    %run_scoped3A_119 = arith.constant 0 : i32
    "tpu.region"() ({
      %run_scoped3A_193 = tpu.sem_alloc : memref<!tpu.dma_semaphore, #tpu.memory_space<semaphore_mem>>
      %dma_start3A_194 = arith.constant 0 : i32
      %dma_start3A_195 = arith.constant 0 : i32
      %dma_start3A_196 = tpu.memref_slice %arg14[%run_scoped3A_119, %dma_start3A_194, %dma_start3A_195] : memref<3x128x32xf32, #tpu.memory_space<vmem>> -> memref<1x128x32xf32, #tpu.memory_space<vmem>>
      %dma_start3A_197 = tpu.memref_squeeze %dma_start3A_196 : memref<1x128x32xf32, #tpu.memory_space<vmem>> -> memref<128x32xf32, #tpu.memory_space<vmem>>
      %dma_start3A_198 = arith.constant 0 : i32
      %dma_start3A_199 = tpu.memref_slice %arg16[%add3A_118, %dma_start3A_198] : memref<50176x32xf32, #tpu.memory_space<vmem_shared>> -> memref<128x32xf32, #tpu.memory_space<vmem_shared>>
      %dma_start3A_200 = arith.constant 0 : i32
      %dma_start3A_201 = tpu.memref_slice %arg16[%add3A_118, %dma_start3A_200] : memref<50176x32xf32, #tpu.memory_space<vmem_shared>> -> memref<128x32xf32, #tpu.memory_space<vmem_shared>>
      %dma_start3A_202 = arith.constant 0 : i32
      %dma_start3A_203 = arith.constant 0 : i32
      %dma_start3A_204 = tpu.memref_slice %arg14[%run_scoped3A_119, %dma_start3A_202, %dma_start3A_203] : memref<3x128x32xf32, #tpu.memory_space<vmem>> -> memref<1x128x32xf32, #tpu.memory_space<vmem>>
      %dma_start3A_205 = tpu.memref_squeeze %dma_start3A_204 : memref<1x128x32xf32, #tpu.memory_space<vmem>> -> memref<128x32xf32, #tpu.memory_space<vmem>>
      tpu.enqueue_dma source(%dma_start3A_205 : memref<128x32xf32, #tpu.memory_space<vmem>>) target(%dma_start3A_201 : memref<128x32xf32, #tpu.memory_space<vmem_shared>>) target_semaphore(%run_scoped3A_193 : memref<!tpu.dma_semaphore, #tpu.memory_space<semaphore_mem>>)
      %dma_wait3A_206 = arith.constant 0 : i32
      %dma_wait3A_207 = arith.constant 0 : i32
      %dma_wait3A_208 = tpu.memref_slice %arg14[%run_scoped3A_119, %dma_wait3A_206, %dma_wait3A_207] : memref<3x128x32xf32, #tpu.memory_space<vmem>> -> memref<1x128x32xf32, #tpu.memory_space<vmem>>
      %dma_wait3A_209 = tpu.memref_squeeze %dma_wait3A_208 : memref<1x128x32xf32, #tpu.memory_space<vmem>> -> memref<128x32xf32, #tpu.memory_space<vmem>>
      %dma_wait3A_210 = arith.constant 0 : i32
      %dma_wait3A_211 = tpu.memref_slice %arg16[%add3A_118, %dma_wait3A_210] : memref<50176x32xf32, #tpu.memory_space<vmem_shared>> -> memref<128x32xf32, #tpu.memory_space<vmem_shared>>
      %dma_wait3A_212 = arith.constant 0 : i32
      %dma_wait3A_213 = tpu.memref_slice %arg16[%add3A_118, %dma_wait3A_212] : memref<50176x32xf32, #tpu.memory_space<vmem_shared>> -> memref<128x32xf32, #tpu.memory_space<vmem_shared>>
      %dma_wait3A_214 = arith.constant 0 : i32
      %dma_wait3A_215 = arith.constant 0 : i32
      %dma_wait3A_216 = tpu.memref_slice %arg14[%run_scoped3A_119, %dma_wait3A_214, %dma_wait3A_215] : memref<3x128x32xf32, #tpu.memory_space<vmem>> -> memref<1x128x32xf32, #tpu.memory_space<vmem>>
      %dma_wait3A_217 = tpu.memref_squeeze %dma_wait3A_216 : memref<1x128x32xf32, #tpu.memory_space<vmem>> -> memref<128x32xf32, #tpu.memory_space<vmem>>
      tpu.wait_dma2 semaphore(%run_scoped3A_193 : memref<!tpu.dma_semaphore, #tpu.memory_space<semaphore_mem>>) src(%dma_wait3A_217 : memref<128x32xf32, #tpu.memory_space<vmem>>) dst(%dma_wait3A_213 : memref<128x32xf32, #tpu.memory_space<vmem_shared>>)
      tpu.yield
    }) : () -> ()
    %mul3A_120 = arith.constant 3136 : i32
    %mul3A_121 = arith.muli %arg1, %mul3A_120 : i32
    %add3A_122 = arith.constant 3072 : i32
    %add3A_123 = arith.addi %mul3A_121, %add3A_122 : i32
    %run_scoped3A_124 = arith.constant 0 : i32
    "tpu.region"() ({
      %run_scoped3A_193 = tpu.sem_alloc : memref<!tpu.dma_semaphore, #tpu.memory_space<semaphore_mem>>
      %dma_start3A_194 = arith.constant 0 : i32
      %dma_start3A_195 = arith.constant 0 : i32
      %dma_start3A_196 = tpu.memref_slice %arg14[%run_scoped3A_124, %dma_start3A_194, %dma_start3A_195] : memref<3x128x32xf32, #tpu.memory_space<vmem>> -> memref<1x64x32xf32, #tpu.memory_space<vmem>>
      %dma_start3A_197 = tpu.memref_squeeze %dma_start3A_196 : memref<1x64x32xf32, #tpu.memory_space<vmem>> -> memref<64x32xf32, #tpu.memory_space<vmem>>
      %dma_start3A_198 = arith.constant 0 : i32
      %dma_start3A_199 = tpu.memref_slice %arg16[%add3A_123, %dma_start3A_198] : memref<50176x32xf32, #tpu.memory_space<vmem_shared>> -> memref<64x32xf32, #tpu.memory_space<vmem_shared>>
      %dma_start3A_200 = arith.constant 0 : i32
      %dma_start3A_201 = tpu.memref_slice %arg16[%add3A_123, %dma_start3A_200] : memref<50176x32xf32, #tpu.memory_space<vmem_shared>> -> memref<64x32xf32, #tpu.memory_space<vmem_shared>>
      %dma_start3A_202 = arith.constant 0 : i32
      %dma_start3A_203 = arith.constant 0 : i32
      %dma_start3A_204 = tpu.memref_slice %arg14[%run_scoped3A_124, %dma_start3A_202, %dma_start3A_203] : memref<3x128x32xf32, #tpu.memory_space<vmem>> -> memref<1x64x32xf32, #tpu.memory_space<vmem>>
      %dma_start3A_205 = tpu.memref_squeeze %dma_start3A_204 : memref<1x64x32xf32, #tpu.memory_space<vmem>> -> memref<64x32xf32, #tpu.memory_space<vmem>>
      tpu.enqueue_dma source(%dma_start3A_205 : memref<64x32xf32, #tpu.memory_space<vmem>>) target(%dma_start3A_201 : memref<64x32xf32, #tpu.memory_space<vmem_shared>>) target_semaphore(%run_scoped3A_193 : memref<!tpu.dma_semaphore, #tpu.memory_space<semaphore_mem>>)
      %dma_wait3A_206 = arith.constant 0 : i32
      %dma_wait3A_207 = arith.constant 0 : i32
      %dma_wait3A_208 = tpu.memref_slice %arg14[%run_scoped3A_124, %dma_wait3A_206, %dma_wait3A_207] : memref<3x128x32xf32, #tpu.memory_space<vmem>> -> memref<1x64x32xf32, #tpu.memory_space<vmem>>
      %dma_wait3A_209 = tpu.memref_squeeze %dma_wait3A_208 : memref<1x64x32xf32, #tpu.memory_space<vmem>> -> memref<64x32xf32, #tpu.memory_space<vmem>>
      %dma_wait3A_210 = arith.constant 0 : i32
      %dma_wait3A_211 = tpu.memref_slice %arg16[%add3A_123, %dma_wait3A_210] : memref<50176x32xf32, #tpu.memory_space<vmem_shared>> -> memref<64x32xf32, #tpu.memory_space<vmem_shared>>
      %dma_wait3A_212 = arith.constant 0 : i32
      %dma_wait3A_213 = tpu.memref_slice %arg16[%add3A_123, %dma_wait3A_212] : memref<50176x32xf32, #tpu.memory_space<vmem_shared>> -> memref<64x32xf32, #tpu.memory_space<vmem_shared>>
      %dma_wait3A_214 = arith.constant 0 : i32
      %dma_wait3A_215 = arith.constant 0 : i32
      %dma_wait3A_216 = tpu.memref_slice %arg14[%run_scoped3A_124, %dma_wait3A_214, %dma_wait3A_215] : memref<3x128x32xf32, #tpu.memory_space<vmem>> -> memref<1x64x32xf32, #tpu.memory_space<vmem>>
      %dma_wait3A_217 = tpu.memref_squeeze %dma_wait3A_216 : memref<1x64x32xf32, #tpu.memory_space<vmem>> -> memref<64x32xf32, #tpu.memory_space<vmem>>
      tpu.wait_dma2 semaphore(%run_scoped3A_193 : memref<!tpu.dma_semaphore, #tpu.memory_space<semaphore_mem>>) src(%dma_wait3A_217 : memref<64x32xf32, #tpu.memory_space<vmem>>) dst(%dma_wait3A_213 : memref<64x32xf32, #tpu.memory_space<vmem_shared>>)
      tpu.yield
    }) : () -> ()
    %barrier3A = arith.constant 0 : index
    tpu.barrier barrier_id(%barrier3A)
    %eq3A = arith.constant 0 : i32
    %eq3A_125 = arith.cmpi eq, %arg0, %eq3A : i32
    %convert_element_type3A = arith.extui %eq3A_125 : i1 to i32
    %cond3A = arith.constant 0 : i32
    %cond3A_126 = arith.cmpi ne, %convert_element_type3A, %cond3A : i32
    scf.if %cond3A_126 {
      %dma_start3A_193 = arith.constant 0 : i32
      %dma_start3A_194 = arith.constant 0 : i32
      %dma_start3A_195 = tpu.memref_slice %arg3[%arg1, %dma_start3A_193, %dma_start3A_194] : memref<16x402x128xi32, #tpu.memory_space<hbm>> -> memref<1x3x128xi32, #tpu.memory_space<hbm>>
      %dma_start3A_196 = tpu.memref_squeeze %dma_start3A_195 : memref<1x3x128xi32, #tpu.memory_space<hbm>> -> memref<3x128xi32, #tpu.memory_space<hbm>>
      %dma_start3A_197 = arith.constant 0 : i32
      %dma_start3A_198 = arith.constant 0 : i32
      %dma_start3A_199 = tpu.memref_slice %arg3[%arg1, %dma_start3A_197, %dma_start3A_198] : memref<16x402x128xi32, #tpu.memory_space<hbm>> -> memref<1x3x128xi32, #tpu.memory_space<hbm>>
      %dma_start3A_200 = tpu.memref_squeeze %dma_start3A_199 : memref<1x3x128xi32, #tpu.memory_space<hbm>> -> memref<3x128xi32, #tpu.memory_space<hbm>>
      tpu.enqueue_dma source(%dma_start3A_200 : memref<3x128xi32, #tpu.memory_space<hbm>>) target(%arg8 : memref<3x128xi32, #tpu.memory_space<vmem>>) target_semaphore(%arg21 : memref<!tpu.dma_semaphore, #tpu.memory_space<semaphore_mem>>)
    } else {
    }
    %eq3A_127 = arith.constant 1 : i32
    %eq3A_128 = arith.cmpi eq, %arg0, %eq3A_127 : i32
    %convert_element_type3A_129 = arith.extui %eq3A_128 : i1 to i32
    %cond3A_130 = arith.constant 0 : i32
    %cond3A_131 = arith.cmpi ne, %convert_element_type3A_129, %cond3A_130 : i32
    scf.if %cond3A_131 {
      %dma_start3A_193 = arith.constant 0 : i32
      %dma_start3A_194 = arith.constant 0 : i32
      %dma_start3A_195 = tpu.memref_slice %arg4[%arg1, %dma_start3A_193, %dma_start3A_194] : memref<16x402x128xi32, #tpu.memory_space<hbm>> -> memref<1x3x128xi32, #tpu.memory_space<hbm>>
      %dma_start3A_196 = tpu.memref_squeeze %dma_start3A_195 : memref<1x3x128xi32, #tpu.memory_space<hbm>> -> memref<3x128xi32, #tpu.memory_space<hbm>>
      %dma_start3A_197 = arith.constant 0 : i32
      %dma_start3A_198 = arith.constant 0 : i32
      %dma_start3A_199 = tpu.memref_slice %arg4[%arg1, %dma_start3A_197, %dma_start3A_198] : memref<16x402x128xi32, #tpu.memory_space<hbm>> -> memref<1x3x128xi32, #tpu.memory_space<hbm>>
      %dma_start3A_200 = tpu.memref_squeeze %dma_start3A_199 : memref<1x3x128xi32, #tpu.memory_space<hbm>> -> memref<3x128xi32, #tpu.memory_space<hbm>>
      tpu.enqueue_dma source(%dma_start3A_200 : memref<3x128xi32, #tpu.memory_space<hbm>>) target(%arg8 : memref<3x128xi32, #tpu.memory_space<vmem>>) target_semaphore(%arg21 : memref<!tpu.dma_semaphore, #tpu.memory_space<semaphore_mem>>)
    } else {
    }
    %dma_start3A = arith.constant 0 : i32
    %dma_start3A_132 = arith.constant 0 : i32
    %dma_start3A_133 = tpu.memref_slice %arg5[%arg1, %dma_start3A, %dma_start3A_132] : memref<16x402x128xi32, #tpu.memory_space<hbm>> -> memref<1x3x128xi32, #tpu.memory_space<hbm>>
    %dma_start3A_134 = tpu.memref_squeeze %dma_start3A_133 : memref<1x3x128xi32, #tpu.memory_space<hbm>> -> memref<3x128xi32, #tpu.memory_space<hbm>>
    %dma_start3A_135 = arith.constant 0 : i32
    %dma_start3A_136 = arith.constant 0 : i32
    %dma_start3A_137 = tpu.memref_slice %arg5[%arg1, %dma_start3A_135, %dma_start3A_136] : memref<16x402x128xi32, #tpu.memory_space<hbm>> -> memref<1x3x128xi32, #tpu.memory_space<hbm>>
    %dma_start3A_138 = tpu.memref_squeeze %dma_start3A_137 : memref<1x3x128xi32, #tpu.memory_space<hbm>> -> memref<3x128xi32, #tpu.memory_space<hbm>>
    tpu.enqueue_dma source(%dma_start3A_138 : memref<3x128xi32, #tpu.memory_space<hbm>>) target(%arg9 : memref<3x128xi32, #tpu.memory_space<vmem>>) target_semaphore(%arg21 : memref<!tpu.dma_semaphore, #tpu.memory_space<semaphore_mem>>)
    %dma_start3A_139 = arith.constant 0 : i32
    %dma_start3A_140 = arith.constant 0 : i32
    %dma_start3A_141 = tpu.memref_slice %arg6[%arg1, %dma_start3A_139, %dma_start3A_140] : memref<16x402x128xf32, #tpu.memory_space<hbm>> -> memref<1x3x128xf32, #tpu.memory_space<hbm>>
    %dma_start3A_142 = tpu.memref_squeeze %dma_start3A_141 : memref<1x3x128xf32, #tpu.memory_space<hbm>> -> memref<3x128xf32, #tpu.memory_space<hbm>>
    %dma_start3A_143 = arith.constant 0 : i32
    %dma_start3A_144 = arith.constant 0 : i32
    %dma_start3A_145 = tpu.memref_slice %arg6[%arg1, %dma_start3A_143, %dma_start3A_144] : memref<16x402x128xf32, #tpu.memory_space<hbm>> -> memref<1x3x128xf32, #tpu.memory_space<hbm>>
    %dma_start3A_146 = tpu.memref_squeeze %dma_start3A_145 : memref<1x3x128xf32, #tpu.memory_space<hbm>> -> memref<3x128xf32, #tpu.memory_space<hbm>>
    tpu.enqueue_dma source(%dma_start3A_146 : memref<3x128xf32, #tpu.memory_space<hbm>>) target(%arg10 : memref<3x128xf32, #tpu.memory_space<vmem>>) target_semaphore(%arg21 : memref<!tpu.dma_semaphore, #tpu.memory_space<semaphore_mem>>)
    %scan3A = arith.constant 0 : i32
    %scan3A_147 = arith.constant 0 : i32
    %scan3A_148 = arith.constant 67 : i32
    %scan3A_149 = arith.addi %scan3A_147, %scan3A_148 : i32
    %scan3A_150 = arith.constant 1 : i32
    %scan3A_151 = scf.for %scan3A_193 = %scan3A_147 to %scan3A_149 step %scan3A_150 iter_args(%scan3A_194 = %scan3A) -> (i32)  : i32 {
      %mul3A_195 = arith.constant 2 : i32
      %mul3A_196 = arith.muli %mul3A_195, %scan3A_193 : i32
      %mul3A_197 = arith.constant 2 : i32
      %mul3A_198 = arith.muli %mul3A_197, %scan3A_193 : i32
      %add3A_199 = arith.constant 1 : i32
      %add3A_200 = arith.addi %mul3A_198, %add3A_199 : i32
      %mul3A_201 = arith.constant 3 : i32
      %mul3A_202 = arith.muli %mul3A_196, %mul3A_201 : i32
      %dma_wait3A_203 = arith.constant 0 : i32
      %dma_wait3A_204 = tpu.memref_slice %arg3[%arg1, %mul3A_202, %dma_wait3A_203] : memref<16x402x128xi32, #tpu.memory_space<hbm>> -> memref<1x3x128xi32, #tpu.memory_space<hbm>>
      %dma_wait3A_205 = tpu.memref_squeeze %dma_wait3A_204 : memref<1x3x128xi32, #tpu.memory_space<hbm>> -> memref<3x128xi32, #tpu.memory_space<hbm>>
      %dma_wait3A_206 = arith.constant 0 : i32
      %dma_wait3A_207 = tpu.memref_slice %arg3[%arg1, %mul3A_202, %dma_wait3A_206] : memref<16x402x128xi32, #tpu.memory_space<hbm>> -> memref<1x3x128xi32, #tpu.memory_space<hbm>>
      %dma_wait3A_208 = tpu.memref_squeeze %dma_wait3A_207 : memref<1x3x128xi32, #tpu.memory_space<hbm>> -> memref<3x128xi32, #tpu.memory_space<hbm>>
      tpu.wait_dma2 semaphore(%arg21 : memref<!tpu.dma_semaphore, #tpu.memory_space<semaphore_mem>>) src(%dma_wait3A_208 : memref<3x128xi32, #tpu.memory_space<hbm>>) dst(%arg8 : memref<3x128xi32, #tpu.memory_space<vmem>>)
      %mul3A_209 = arith.constant 3 : i32
      %mul3A_210 = arith.muli %mul3A_196, %mul3A_209 : i32
      %dma_wait3A_211 = arith.constant 0 : i32
      %dma_wait3A_212 = tpu.memref_slice %arg5[%arg1, %mul3A_210, %dma_wait3A_211] : memref<16x402x128xi32, #tpu.memory_space<hbm>> -> memref<1x3x128xi32, #tpu.memory_space<hbm>>
      %dma_wait3A_213 = tpu.memref_squeeze %dma_wait3A_212 : memref<1x3x128xi32, #tpu.memory_space<hbm>> -> memref<3x128xi32, #tpu.memory_space<hbm>>
      %dma_wait3A_214 = arith.constant 0 : i32
      %dma_wait3A_215 = tpu.memref_slice %arg5[%arg1, %mul3A_210, %dma_wait3A_214] : memref<16x402x128xi32, #tpu.memory_space<hbm>> -> memref<1x3x128xi32, #tpu.memory_space<hbm>>
      %dma_wait3A_216 = tpu.memref_squeeze %dma_wait3A_215 : memref<1x3x128xi32, #tpu.memory_space<hbm>> -> memref<3x128xi32, #tpu.memory_space<hbm>>
      tpu.wait_dma2 semaphore(%arg21 : memref<!tpu.dma_semaphore, #tpu.memory_space<semaphore_mem>>) src(%dma_wait3A_216 : memref<3x128xi32, #tpu.memory_space<hbm>>) dst(%arg9 : memref<3x128xi32, #tpu.memory_space<vmem>>)
      %mul3A_217 = arith.constant 3 : i32
      %mul3A_218 = arith.muli %mul3A_196, %mul3A_217 : i32
      %dma_wait3A_219 = arith.constant 0 : i32
      %dma_wait3A_220 = tpu.memref_slice %arg6[%arg1, %mul3A_218, %dma_wait3A_219] : memref<16x402x128xf32, #tpu.memory_space<hbm>> -> memref<1x3x128xf32, #tpu.memory_space<hbm>>
      %dma_wait3A_221 = tpu.memref_squeeze %dma_wait3A_220 : memref<1x3x128xf32, #tpu.memory_space<hbm>> -> memref<3x128xf32, #tpu.memory_space<hbm>>
      %dma_wait3A_222 = arith.constant 0 : i32
      %dma_wait3A_223 = tpu.memref_slice %arg6[%arg1, %mul3A_218, %dma_wait3A_222] : memref<16x402x128xf32, #tpu.memory_space<hbm>> -> memref<1x3x128xf32, #tpu.memory_space<hbm>>
      %dma_wait3A_224 = tpu.memref_squeeze %dma_wait3A_223 : memref<1x3x128xf32, #tpu.memory_space<hbm>> -> memref<3x128xf32, #tpu.memory_space<hbm>>
      tpu.wait_dma2 semaphore(%arg21 : memref<!tpu.dma_semaphore, #tpu.memory_space<semaphore_mem>>) src(%dma_wait3A_224 : memref<3x128xf32, #tpu.memory_space<hbm>>) dst(%arg10 : memref<3x128xf32, #tpu.memory_space<vmem>>)
      %dma_start3A_225 = arith.constant 0 : i32
      %dma_start3A_226 = arith.constant 0 : i32
      %dma_start3A_227 = arith.constant 0 : i32
      %dma_start3A_228 = arith.constant 0 : i32
      %dma_start3A_229 = tpu.memref_slice %arg14[%dma_start3A_226, %dma_start3A_227, %dma_start3A_228] : memref<3x128x32xf32, #tpu.memory_space<vmem>> -> memref<1x128x32xf32, #tpu.memory_space<vmem>>
      %dma_start3A_230 = tpu.memref_squeeze %dma_start3A_229 : memref<1x128x32xf32, #tpu.memory_space<vmem>> -> memref<128x32xf32, #tpu.memory_space<vmem>>
      %dma_start3A_231 = arith.constant 0 : i32
      %dma_start3A_232 = tpu.memref_slice %arg8[%dma_start3A_225, %dma_start3A_231] : memref<3x128xi32, #tpu.memory_space<vmem>> -> memref<1x128xi32, #tpu.memory_space<vmem>>
      %dma_start3A_233 = tpu.memref_squeeze %dma_start3A_232 : memref<1x128xi32, #tpu.memory_space<vmem>> -> memref<128xi32, #tpu.memory_space<vmem>>
      %dma_start3A_234 = arith.constant 0 : i32
      %dma_start3A_235 = arith.constant 0 : i32
      %dma_start3A_236 = tpu.memref_slice %arg2[%dma_start3A_234, %dma_start3A_235] : memref<100352x32xf32, #tpu.memory_space<hbm>> -> memref<100352x32xf32, #tpu.memory_space<hbm>>
      tpu.enqueue_indirect_dma source(%dma_start3A_236 : memref<100352x32xf32, #tpu.memory_space<hbm>>) target(%dma_start3A_230 : memref<128x32xf32, #tpu.memory_space<vmem>>) offsets(%dma_start3A_233 : memref<128xi32, #tpu.memory_space<vmem>>) semaphore(%arg17 : memref<!tpu.dma_semaphore, #tpu.memory_space<semaphore_mem>>)
      %dma_start3A_237 = arith.constant 1 : i32
      %dma_start3A_238 = arith.constant 1 : i32
      %dma_start3A_239 = arith.constant 0 : i32
      %dma_start3A_240 = arith.constant 0 : i32
      %dma_start3A_241 = tpu.memref_slice %arg14[%dma_start3A_238, %dma_start3A_239, %dma_start3A_240] : memref<3x128x32xf32, #tpu.memory_space<vmem>> -> memref<1x128x32xf32, #tpu.memory_space<vmem>>
      %dma_start3A_242 = tpu.memref_squeeze %dma_start3A_241 : memref<1x128x32xf32, #tpu.memory_space<vmem>> -> memref<128x32xf32, #tpu.memory_space<vmem>>
      %dma_start3A_243 = arith.constant 0 : i32
      %dma_start3A_244 = tpu.memref_slice %arg8[%dma_start3A_237, %dma_start3A_243] : memref<3x128xi32, #tpu.memory_space<vmem>> -> memref<1x128xi32, #tpu.memory_space<vmem>>
      %dma_start3A_245 = tpu.memref_squeeze %dma_start3A_244 : memref<1x128xi32, #tpu.memory_space<vmem>> -> memref<128xi32, #tpu.memory_space<vmem>>
      %dma_start3A_246 = arith.constant 0 : i32
      %dma_start3A_247 = arith.constant 0 : i32
      %dma_start3A_248 = tpu.memref_slice %arg2[%dma_start3A_246, %dma_start3A_247] : memref<100352x32xf32, #tpu.memory_space<hbm>> -> memref<100352x32xf32, #tpu.memory_space<hbm>>
      tpu.enqueue_indirect_dma source(%dma_start3A_248 : memref<100352x32xf32, #tpu.memory_space<hbm>>) target(%dma_start3A_242 : memref<128x32xf32, #tpu.memory_space<vmem>>) offsets(%dma_start3A_245 : memref<128xi32, #tpu.memory_space<vmem>>) semaphore(%arg17 : memref<!tpu.dma_semaphore, #tpu.memory_space<semaphore_mem>>)
      %dma_start3A_249 = arith.constant 2 : i32
      %dma_start3A_250 = arith.constant 2 : i32
      %dma_start3A_251 = arith.constant 0 : i32
      %dma_start3A_252 = arith.constant 0 : i32
      %dma_start3A_253 = tpu.memref_slice %arg14[%dma_start3A_250, %dma_start3A_251, %dma_start3A_252] : memref<3x128x32xf32, #tpu.memory_space<vmem>> -> memref<1x128x32xf32, #tpu.memory_space<vmem>>
      %dma_start3A_254 = tpu.memref_squeeze %dma_start3A_253 : memref<1x128x32xf32, #tpu.memory_space<vmem>> -> memref<128x32xf32, #tpu.memory_space<vmem>>
      %dma_start3A_255 = arith.constant 0 : i32
      %dma_start3A_256 = tpu.memref_slice %arg8[%dma_start3A_249, %dma_start3A_255] : memref<3x128xi32, #tpu.memory_space<vmem>> -> memref<1x128xi32, #tpu.memory_space<vmem>>
      %dma_start3A_257 = tpu.memref_squeeze %dma_start3A_256 : memref<1x128xi32, #tpu.memory_space<vmem>> -> memref<128xi32, #tpu.memory_space<vmem>>
      %dma_start3A_258 = arith.constant 0 : i32
      %dma_start3A_259 = arith.constant 0 : i32
      %dma_start3A_260 = tpu.memref_slice %arg2[%dma_start3A_258, %dma_start3A_259] : memref<100352x32xf32, #tpu.memory_space<hbm>> -> memref<100352x32xf32, #tpu.memory_space<hbm>>
      tpu.enqueue_indirect_dma source(%dma_start3A_260 : memref<100352x32xf32, #tpu.memory_space<hbm>>) target(%dma_start3A_254 : memref<128x32xf32, #tpu.memory_space<vmem>>) offsets(%dma_start3A_257 : memref<128xi32, #tpu.memory_space<vmem>>) semaphore(%arg17 : memref<!tpu.dma_semaphore, #tpu.memory_space<semaphore_mem>>)
      %gt3A = arith.constant 0 : i32
      %gt3A_261 = arith.cmpi sgt, %scan3A_193, %gt3A : i32
      %convert_element_type3A_262 = arith.extui %gt3A_261 : i1 to i32
      %cond3A_263 = arith.constant 0 : i32
      %cond3A_264 = arith.cmpi ne, %convert_element_type3A_262, %cond3A_263 : i32
      scf.if %cond3A_264 {
        %dma_wait3A_554 = arith.constant 0 : i32
        %dma_wait3A_555 = arith.constant 0 : i32
        %dma_wait3A_556 = arith.constant 0 : i32
        %dma_wait3A_557 = arith.constant 0 : i32
        %dma_wait3A_558 = tpu.memref_slice %arg15[%dma_wait3A_554, %dma_wait3A_556, %dma_wait3A_557] : memref<3x128x32xf32, #tpu.memory_space<vmem>> -> memref<1x128x32xf32, #tpu.memory_space<vmem>>
        %dma_wait3A_559 = tpu.memref_squeeze %dma_wait3A_558 : memref<1x128x32xf32, #tpu.memory_space<vmem>> -> memref<128x32xf32, #tpu.memory_space<vmem>>
        %dma_wait3A_560 = arith.constant 0 : i32
        %dma_wait3A_561 = tpu.memref_slice %arg12[%dma_wait3A_555, %dma_wait3A_560] : memref<3x128xi32, #tpu.memory_space<vmem>> -> memref<1x128xi32, #tpu.memory_space<vmem>>
        %dma_wait3A_562 = tpu.memref_squeeze %dma_wait3A_561 : memref<1x128xi32, #tpu.memory_space<vmem>> -> memref<128xi32, #tpu.memory_space<vmem>>
        %dma_wait3A_563 = arith.constant 0 : i32
        %dma_wait3A_564 = arith.constant 0 : i32
        %dma_wait3A_565 = tpu.memref_slice %arg16[%dma_wait3A_563, %dma_wait3A_564] : memref<50176x32xf32, #tpu.memory_space<vmem_shared>> -> memref<50176x32xf32, #tpu.memory_space<vmem_shared>>
        tpu.wait_indirect_dma semaphore(%arg20 : memref<!tpu.dma_semaphore, #tpu.memory_space<semaphore_mem>>) src(%dma_wait3A_559 : memref<128x32xf32, #tpu.memory_space<vmem>>) dst(%dma_wait3A_565 : memref<50176x32xf32, #tpu.memory_space<vmem_shared>>)
        %dma_wait3A_566 = arith.constant 1 : i32
        %dma_wait3A_567 = arith.constant 1 : i32
        %dma_wait3A_568 = arith.constant 0 : i32
        %dma_wait3A_569 = arith.constant 0 : i32
        %dma_wait3A_570 = tpu.memref_slice %arg15[%dma_wait3A_566, %dma_wait3A_568, %dma_wait3A_569] : memref<3x128x32xf32, #tpu.memory_space<vmem>> -> memref<1x128x32xf32, #tpu.memory_space<vmem>>
        %dma_wait3A_571 = tpu.memref_squeeze %dma_wait3A_570 : memref<1x128x32xf32, #tpu.memory_space<vmem>> -> memref<128x32xf32, #tpu.memory_space<vmem>>
        %dma_wait3A_572 = arith.constant 0 : i32
        %dma_wait3A_573 = tpu.memref_slice %arg12[%dma_wait3A_567, %dma_wait3A_572] : memref<3x128xi32, #tpu.memory_space<vmem>> -> memref<1x128xi32, #tpu.memory_space<vmem>>
        %dma_wait3A_574 = tpu.memref_squeeze %dma_wait3A_573 : memref<1x128xi32, #tpu.memory_space<vmem>> -> memref<128xi32, #tpu.memory_space<vmem>>
        %dma_wait3A_575 = arith.constant 0 : i32
        %dma_wait3A_576 = arith.constant 0 : i32
        %dma_wait3A_577 = tpu.memref_slice %arg16[%dma_wait3A_575, %dma_wait3A_576] : memref<50176x32xf32, #tpu.memory_space<vmem_shared>> -> memref<50176x32xf32, #tpu.memory_space<vmem_shared>>
        tpu.wait_indirect_dma semaphore(%arg20 : memref<!tpu.dma_semaphore, #tpu.memory_space<semaphore_mem>>) src(%dma_wait3A_571 : memref<128x32xf32, #tpu.memory_space<vmem>>) dst(%dma_wait3A_577 : memref<50176x32xf32, #tpu.memory_space<vmem_shared>>)
        %dma_wait3A_578 = arith.constant 2 : i32
        %dma_wait3A_579 = arith.constant 2 : i32
        %dma_wait3A_580 = arith.constant 0 : i32
        %dma_wait3A_581 = arith.constant 0 : i32
        %dma_wait3A_582 = tpu.memref_slice %arg15[%dma_wait3A_578, %dma_wait3A_580, %dma_wait3A_581] : memref<3x128x32xf32, #tpu.memory_space<vmem>> -> memref<1x128x32xf32, #tpu.memory_space<vmem>>
        %dma_wait3A_583 = tpu.memref_squeeze %dma_wait3A_582 : memref<1x128x32xf32, #tpu.memory_space<vmem>> -> memref<128x32xf32, #tpu.memory_space<vmem>>
        %dma_wait3A_584 = arith.constant 0 : i32
        %dma_wait3A_585 = tpu.memref_slice %arg12[%dma_wait3A_579, %dma_wait3A_584] : memref<3x128xi32, #tpu.memory_space<vmem>> -> memref<1x128xi32, #tpu.memory_space<vmem>>
        %dma_wait3A_586 = tpu.memref_squeeze %dma_wait3A_585 : memref<1x128xi32, #tpu.memory_space<vmem>> -> memref<128xi32, #tpu.memory_space<vmem>>
        %dma_wait3A_587 = arith.constant 0 : i32
        %dma_wait3A_588 = arith.constant 0 : i32
        %dma_wait3A_589 = tpu.memref_slice %arg16[%dma_wait3A_587, %dma_wait3A_588] : memref<50176x32xf32, #tpu.memory_space<vmem_shared>> -> memref<50176x32xf32, #tpu.memory_space<vmem_shared>>
        tpu.wait_indirect_dma semaphore(%arg20 : memref<!tpu.dma_semaphore, #tpu.memory_space<semaphore_mem>>) src(%dma_wait3A_583 : memref<128x32xf32, #tpu.memory_space<vmem>>) dst(%dma_wait3A_589 : memref<50176x32xf32, #tpu.memory_space<vmem_shared>>)
      } else {
      }
      %eq3A_265 = arith.constant 0 : i32
      %eq3A_266 = arith.cmpi eq, %arg0, %eq3A_265 : i32
      %convert_element_type3A_267 = arith.extui %eq3A_266 : i1 to i32
      %cond3A_268 = arith.constant 0 : i32
      %cond3A_269 = arith.cmpi ne, %convert_element_type3A_267, %cond3A_268 : i32
      scf.if %cond3A_269 {
        %mul3A_554 = arith.constant 3 : i32
        %mul3A_555 = arith.muli %add3A_200, %mul3A_554 : i32
        %dma_start3A_556 = arith.constant 0 : i32
        %dma_start3A_557 = tpu.memref_slice %arg3[%arg1, %mul3A_555, %dma_start3A_556] : memref<16x402x128xi32, #tpu.memory_space<hbm>> -> memref<1x3x128xi32, #tpu.memory_space<hbm>>
        %dma_start3A_558 = tpu.memref_squeeze %dma_start3A_557 : memref<1x3x128xi32, #tpu.memory_space<hbm>> -> memref<3x128xi32, #tpu.memory_space<hbm>>
        %dma_start3A_559 = arith.constant 0 : i32
        %dma_start3A_560 = tpu.memref_slice %arg3[%arg1, %mul3A_555, %dma_start3A_559] : memref<16x402x128xi32, #tpu.memory_space<hbm>> -> memref<1x3x128xi32, #tpu.memory_space<hbm>>
        %dma_start3A_561 = tpu.memref_squeeze %dma_start3A_560 : memref<1x3x128xi32, #tpu.memory_space<hbm>> -> memref<3x128xi32, #tpu.memory_space<hbm>>
        tpu.enqueue_dma source(%dma_start3A_561 : memref<3x128xi32, #tpu.memory_space<hbm>>) target(%arg11 : memref<3x128xi32, #tpu.memory_space<vmem>>) target_semaphore(%arg22 : memref<!tpu.dma_semaphore, #tpu.memory_space<semaphore_mem>>)
      } else {
      }
      %eq3A_270 = arith.constant 1 : i32
      %eq3A_271 = arith.cmpi eq, %arg0, %eq3A_270 : i32
      %convert_element_type3A_272 = arith.extui %eq3A_271 : i1 to i32
      %cond3A_273 = arith.constant 0 : i32
      %cond3A_274 = arith.cmpi ne, %convert_element_type3A_272, %cond3A_273 : i32
      scf.if %cond3A_274 {
        %mul3A_554 = arith.constant 3 : i32
        %mul3A_555 = arith.muli %add3A_200, %mul3A_554 : i32
        %dma_start3A_556 = arith.constant 0 : i32
        %dma_start3A_557 = tpu.memref_slice %arg4[%arg1, %mul3A_555, %dma_start3A_556] : memref<16x402x128xi32, #tpu.memory_space<hbm>> -> memref<1x3x128xi32, #tpu.memory_space<hbm>>
        %dma_start3A_558 = tpu.memref_squeeze %dma_start3A_557 : memref<1x3x128xi32, #tpu.memory_space<hbm>> -> memref<3x128xi32, #tpu.memory_space<hbm>>
        %dma_start3A_559 = arith.constant 0 : i32
        %dma_start3A_560 = tpu.memref_slice %arg4[%arg1, %mul3A_555, %dma_start3A_559] : memref<16x402x128xi32, #tpu.memory_space<hbm>> -> memref<1x3x128xi32, #tpu.memory_space<hbm>>
        %dma_start3A_561 = tpu.memref_squeeze %dma_start3A_560 : memref<1x3x128xi32, #tpu.memory_space<hbm>> -> memref<3x128xi32, #tpu.memory_space<hbm>>
        tpu.enqueue_dma source(%dma_start3A_561 : memref<3x128xi32, #tpu.memory_space<hbm>>) target(%arg11 : memref<3x128xi32, #tpu.memory_space<vmem>>) target_semaphore(%arg22 : memref<!tpu.dma_semaphore, #tpu.memory_space<semaphore_mem>>)
      } else {
      }
      %mul3A_275 = arith.constant 3 : i32
      %mul3A_276 = arith.muli %add3A_200, %mul3A_275 : i32
      %dma_start3A_277 = arith.constant 0 : i32
      %dma_start3A_278 = tpu.memref_slice %arg5[%arg1, %mul3A_276, %dma_start3A_277] : memref<16x402x128xi32, #tpu.memory_space<hbm>> -> memref<1x3x128xi32, #tpu.memory_space<hbm>>
      %dma_start3A_279 = tpu.memref_squeeze %dma_start3A_278 : memref<1x3x128xi32, #tpu.memory_space<hbm>> -> memref<3x128xi32, #tpu.memory_space<hbm>>
      %dma_start3A_280 = arith.constant 0 : i32
      %dma_start3A_281 = tpu.memref_slice %arg5[%arg1, %mul3A_276, %dma_start3A_280] : memref<16x402x128xi32, #tpu.memory_space<hbm>> -> memref<1x3x128xi32, #tpu.memory_space<hbm>>
      %dma_start3A_282 = tpu.memref_squeeze %dma_start3A_281 : memref<1x3x128xi32, #tpu.memory_space<hbm>> -> memref<3x128xi32, #tpu.memory_space<hbm>>
      tpu.enqueue_dma source(%dma_start3A_282 : memref<3x128xi32, #tpu.memory_space<hbm>>) target(%arg12 : memref<3x128xi32, #tpu.memory_space<vmem>>) target_semaphore(%arg22 : memref<!tpu.dma_semaphore, #tpu.memory_space<semaphore_mem>>)
      %mul3A_283 = arith.constant 3 : i32
      %mul3A_284 = arith.muli %add3A_200, %mul3A_283 : i32
      %dma_start3A_285 = arith.constant 0 : i32
      %dma_start3A_286 = tpu.memref_slice %arg6[%arg1, %mul3A_284, %dma_start3A_285] : memref<16x402x128xf32, #tpu.memory_space<hbm>> -> memref<1x3x128xf32, #tpu.memory_space<hbm>>
      %dma_start3A_287 = tpu.memref_squeeze %dma_start3A_286 : memref<1x3x128xf32, #tpu.memory_space<hbm>> -> memref<3x128xf32, #tpu.memory_space<hbm>>
      %dma_start3A_288 = arith.constant 0 : i32
      %dma_start3A_289 = tpu.memref_slice %arg6[%arg1, %mul3A_284, %dma_start3A_288] : memref<16x402x128xf32, #tpu.memory_space<hbm>> -> memref<1x3x128xf32, #tpu.memory_space<hbm>>
      %dma_start3A_290 = tpu.memref_squeeze %dma_start3A_289 : memref<1x3x128xf32, #tpu.memory_space<hbm>> -> memref<3x128xf32, #tpu.memory_space<hbm>>
      tpu.enqueue_dma source(%dma_start3A_290 : memref<3x128xf32, #tpu.memory_space<hbm>>) target(%arg13 : memref<3x128xf32, #tpu.memory_space<vmem>>) target_semaphore(%arg22 : memref<!tpu.dma_semaphore, #tpu.memory_space<semaphore_mem>>)
      %dma_wait3A_291 = arith.constant 0 : i32
      %dma_wait3A_292 = arith.constant 0 : i32
      %dma_wait3A_293 = arith.constant 0 : i32
      %dma_wait3A_294 = arith.constant 0 : i32
      %dma_wait3A_295 = tpu.memref_slice %arg14[%dma_wait3A_292, %dma_wait3A_293, %dma_wait3A_294] : memref<3x128x32xf32, #tpu.memory_space<vmem>> -> memref<1x128x32xf32, #tpu.memory_space<vmem>>
      %dma_wait3A_296 = tpu.memref_squeeze %dma_wait3A_295 : memref<1x128x32xf32, #tpu.memory_space<vmem>> -> memref<128x32xf32, #tpu.memory_space<vmem>>
      %dma_wait3A_297 = arith.constant 0 : i32
      %dma_wait3A_298 = tpu.memref_slice %arg8[%dma_wait3A_291, %dma_wait3A_297] : memref<3x128xi32, #tpu.memory_space<vmem>> -> memref<1x128xi32, #tpu.memory_space<vmem>>
      %dma_wait3A_299 = tpu.memref_squeeze %dma_wait3A_298 : memref<1x128xi32, #tpu.memory_space<vmem>> -> memref<128xi32, #tpu.memory_space<vmem>>
      %dma_wait3A_300 = arith.constant 0 : i32
      %dma_wait3A_301 = arith.constant 0 : i32
      %dma_wait3A_302 = tpu.memref_slice %arg2[%dma_wait3A_300, %dma_wait3A_301] : memref<100352x32xf32, #tpu.memory_space<hbm>> -> memref<100352x32xf32, #tpu.memory_space<hbm>>
      tpu.wait_indirect_dma semaphore(%arg17 : memref<!tpu.dma_semaphore, #tpu.memory_space<semaphore_mem>>) src(%dma_wait3A_302 : memref<100352x32xf32, #tpu.memory_space<hbm>>) dst(%dma_wait3A_296 : memref<128x32xf32, #tpu.memory_space<vmem>>)
      %parallel_loop3A_303 = arith.constant 0 : i32
      %parallel_loop3A_304 = arith.constant 128 : i32
      %parallel_loop3A_305 = arith.constant 1 : i32
      scf.for %parallel_loop3A_554 = %parallel_loop3A_303 to %parallel_loop3A_304 step %parallel_loop3A_305  : i32 {
        %parallel_loop3A_555 = vector.broadcast %parallel_loop3A_554 : i32 to vector<16xi32>
        %parallel_loop3A_556 = arith.constant 0 : i32
        %parallel_loop3A_557 = vector.broadcast %parallel_loop3A_556 : i32 to vector<16xi32>
        %parallel_loop3A_558 = tpu.vector_load_idx %arg10[%parallel_loop3A_557, %parallel_loop3A_555] : memref<3x128xf32, #tpu.memory_space<vmem>>[vector<16xi32>, vector<16xi32>], vector<16xf32>,
        %parallel_loop3A_559 = arith.constant 0 : i32
        %parallel_loop3A_560 = arith.index_cast %parallel_loop3A_559 : i32 to index
        %parallel_loop3A_561 = arith.index_cast %parallel_loop3A_554 : i32 to index
        %parallel_loop3A_562 = arith.constant 0 : index
        %parallel_loop3A_563 = tpu.vector_load %arg14[%parallel_loop3A_560, %parallel_loop3A_561, %parallel_loop3A_562] {strides = array<i32>} : memref<3x128x32xf32, #tpu.memory_space<vmem>>, vector<16xf32>,
        %parallel_loop3A_564 = arith.mulf %parallel_loop3A_563, %parallel_loop3A_558 : vector<16xf32>
        %parallel_loop3A_565 = arith.constant 0 : i32
        %parallel_loop3A_566 = arith.index_cast %parallel_loop3A_565 : i32 to index
        %parallel_loop3A_567 = arith.index_cast %parallel_loop3A_554 : i32 to index
        %parallel_loop3A_568 = arith.constant 0 : index
        %parallel_loop3A_569 = tpu.vector_load %arg14[%parallel_loop3A_566, %parallel_loop3A_567, %parallel_loop3A_568] {strides = array<i32>} : memref<3x128x32xf32, #tpu.memory_space<vmem>>, vector<16xf32>,
        tpu.vector_store %arg14[%parallel_loop3A_566, %parallel_loop3A_567, %parallel_loop3A_568], %parallel_loop3A_564 {strides = array<i32>} : memref<3x128x32xf32, #tpu.memory_space<vmem>>, vector<16xf32>,
        %parallel_loop3A_570 = arith.constant 0 : i32
        %parallel_loop3A_571 = arith.index_cast %parallel_loop3A_570 : i32 to index
        %parallel_loop3A_572 = arith.index_cast %parallel_loop3A_554 : i32 to index
        %parallel_loop3A_573 = arith.constant 16 : index
        %parallel_loop3A_574 = tpu.vector_load %arg14[%parallel_loop3A_571, %parallel_loop3A_572, %parallel_loop3A_573] {strides = array<i32>} : memref<3x128x32xf32, #tpu.memory_space<vmem>>, vector<16xf32>,
        %parallel_loop3A_575 = arith.mulf %parallel_loop3A_574, %parallel_loop3A_558 : vector<16xf32>
        %parallel_loop3A_576 = arith.constant 0 : i32
        %parallel_loop3A_577 = arith.index_cast %parallel_loop3A_576 : i32 to index
        %parallel_loop3A_578 = arith.index_cast %parallel_loop3A_554 : i32 to index
        %parallel_loop3A_579 = arith.constant 16 : index
        %parallel_loop3A_580 = tpu.vector_load %arg14[%parallel_loop3A_577, %parallel_loop3A_578, %parallel_loop3A_579] {strides = array<i32>} : memref<3x128x32xf32, #tpu.memory_space<vmem>>, vector<16xf32>,
        tpu.vector_store %arg14[%parallel_loop3A_577, %parallel_loop3A_578, %parallel_loop3A_579], %parallel_loop3A_575 {strides = array<i32>} : memref<3x128x32xf32, #tpu.memory_space<vmem>>, vector<16xf32>,
      } {sc.loop_unroll_factor = 8 : i64, sc.parallel_access}
      %dma_start3A_306 = arith.constant 0 : i32
      %dma_start3A_307 = arith.constant 0 : i32
      %dma_start3A_308 = arith.constant 0 : i32
      %dma_start3A_309 = arith.constant 0 : i32
      %dma_start3A_310 = tpu.memref_slice %arg14[%dma_start3A_306, %dma_start3A_308, %dma_start3A_309] : memref<3x128x32xf32, #tpu.memory_space<vmem>> -> memref<1x128x32xf32, #tpu.memory_space<vmem>>
      %dma_start3A_311 = tpu.memref_squeeze %dma_start3A_310 : memref<1x128x32xf32, #tpu.memory_space<vmem>> -> memref<128x32xf32, #tpu.memory_space<vmem>>
      %dma_start3A_312 = arith.constant 0 : i32
      %dma_start3A_313 = tpu.memref_slice %arg9[%dma_start3A_307, %dma_start3A_312] : memref<3x128xi32, #tpu.memory_space<vmem>> -> memref<1x128xi32, #tpu.memory_space<vmem>>
      %dma_start3A_314 = tpu.memref_squeeze %dma_start3A_313 : memref<1x128xi32, #tpu.memory_space<vmem>> -> memref<128xi32, #tpu.memory_space<vmem>>
      %dma_start3A_315 = arith.constant 0 : i32
      %dma_start3A_316 = arith.constant 0 : i32
      %dma_start3A_317 = tpu.memref_slice %arg16[%dma_start3A_315, %dma_start3A_316] : memref<50176x32xf32, #tpu.memory_space<vmem_shared>> -> memref<50176x32xf32, #tpu.memory_space<vmem_shared>>
      tpu.enqueue_indirect_dma source(%dma_start3A_311 : memref<128x32xf32, #tpu.memory_space<vmem>>) target(%dma_start3A_317 : memref<50176x32xf32, #tpu.memory_space<vmem_shared>>) offsets(%dma_start3A_314 : memref<128xi32, #tpu.memory_space<vmem>>) semaphore(%arg19 : memref<!tpu.dma_semaphore, #tpu.memory_space<semaphore_mem>>) {add = true}
      %dma_wait3A_318 = arith.constant 1 : i32
      %dma_wait3A_319 = arith.constant 1 : i32
      %dma_wait3A_320 = arith.constant 0 : i32
      %dma_wait3A_321 = arith.constant 0 : i32
      %dma_wait3A_322 = tpu.memref_slice %arg14[%dma_wait3A_319, %dma_wait3A_320, %dma_wait3A_321] : memref<3x128x32xf32, #tpu.memory_space<vmem>> -> memref<1x128x32xf32, #tpu.memory_space<vmem>>
      %dma_wait3A_323 = tpu.memref_squeeze %dma_wait3A_322 : memref<1x128x32xf32, #tpu.memory_space<vmem>> -> memref<128x32xf32, #tpu.memory_space<vmem>>
      %dma_wait3A_324 = arith.constant 0 : i32
      %dma_wait3A_325 = tpu.memref_slice %arg8[%dma_wait3A_318, %dma_wait3A_324] : memref<3x128xi32, #tpu.memory_space<vmem>> -> memref<1x128xi32, #tpu.memory_space<vmem>>
      %dma_wait3A_326 = tpu.memref_squeeze %dma_wait3A_325 : memref<1x128xi32, #tpu.memory_space<vmem>> -> memref<128xi32, #tpu.memory_space<vmem>>
      %dma_wait3A_327 = arith.constant 0 : i32
      %dma_wait3A_328 = arith.constant 0 : i32
      %dma_wait3A_329 = tpu.memref_slice %arg2[%dma_wait3A_327, %dma_wait3A_328] : memref<100352x32xf32, #tpu.memory_space<hbm>> -> memref<100352x32xf32, #tpu.memory_space<hbm>>
      tpu.wait_indirect_dma semaphore(%arg17 : memref<!tpu.dma_semaphore, #tpu.memory_space<semaphore_mem>>) src(%dma_wait3A_329 : memref<100352x32xf32, #tpu.memory_space<hbm>>) dst(%dma_wait3A_323 : memref<128x32xf32, #tpu.memory_space<vmem>>)
      %parallel_loop3A_330 = arith.constant 0 : i32
      %parallel_loop3A_331 = arith.constant 128 : i32
      %parallel_loop3A_332 = arith.constant 1 : i32
      scf.for %parallel_loop3A_554 = %parallel_loop3A_330 to %parallel_loop3A_331 step %parallel_loop3A_332  : i32 {
        %parallel_loop3A_555 = vector.broadcast %parallel_loop3A_554 : i32 to vector<16xi32>
        %parallel_loop3A_556 = arith.constant 1 : i32
        %parallel_loop3A_557 = vector.broadcast %parallel_loop3A_556 : i32 to vector<16xi32>
        %parallel_loop3A_558 = tpu.vector_load_idx %arg10[%parallel_loop3A_557, %parallel_loop3A_555] : memref<3x128xf32, #tpu.memory_space<vmem>>[vector<16xi32>, vector<16xi32>], vector<16xf32>,
        %parallel_loop3A_559 = arith.constant 1 : i32
        %parallel_loop3A_560 = arith.index_cast %parallel_loop3A_559 : i32 to index
        %parallel_loop3A_561 = arith.index_cast %parallel_loop3A_554 : i32 to index
        %parallel_loop3A_562 = arith.constant 0 : index
        %parallel_loop3A_563 = tpu.vector_load %arg14[%parallel_loop3A_560, %parallel_loop3A_561, %parallel_loop3A_562] {strides = array<i32>} : memref<3x128x32xf32, #tpu.memory_space<vmem>>, vector<16xf32>,
        %parallel_loop3A_564 = arith.mulf %parallel_loop3A_563, %parallel_loop3A_558 : vector<16xf32>
        %parallel_loop3A_565 = arith.constant 1 : i32
        %parallel_loop3A_566 = arith.index_cast %parallel_loop3A_565 : i32 to index
        %parallel_loop3A_567 = arith.index_cast %parallel_loop3A_554 : i32 to index
        %parallel_loop3A_568 = arith.constant 0 : index
        %parallel_loop3A_569 = tpu.vector_load %arg14[%parallel_loop3A_566, %parallel_loop3A_567, %parallel_loop3A_568] {strides = array<i32>} : memref<3x128x32xf32, #tpu.memory_space<vmem>>, vector<16xf32>,
        tpu.vector_store %arg14[%parallel_loop3A_566, %parallel_loop3A_567, %parallel_loop3A_568], %parallel_loop3A_564 {strides = array<i32>} : memref<3x128x32xf32, #tpu.memory_space<vmem>>, vector<16xf32>,
        %parallel_loop3A_570 = arith.constant 1 : i32
        %parallel_loop3A_571 = arith.index_cast %parallel_loop3A_570 : i32 to index
        %parallel_loop3A_572 = arith.index_cast %parallel_loop3A_554 : i32 to index
        %parallel_loop3A_573 = arith.constant 16 : index
        %parallel_loop3A_574 = tpu.vector_load %arg14[%parallel_loop3A_571, %parallel_loop3A_572, %parallel_loop3A_573] {strides = array<i32>} : memref<3x128x32xf32, #tpu.memory_space<vmem>>, vector<16xf32>,
        %parallel_loop3A_575 = arith.mulf %parallel_loop3A_574, %parallel_loop3A_558 : vector<16xf32>
        %parallel_loop3A_576 = arith.constant 1 : i32
        %parallel_loop3A_577 = arith.index_cast %parallel_loop3A_576 : i32 to index
        %parallel_loop3A_578 = arith.index_cast %parallel_loop3A_554 : i32 to index
        %parallel_loop3A_579 = arith.constant 16 : index
        %parallel_loop3A_580 = tpu.vector_load %arg14[%parallel_loop3A_577, %parallel_loop3A_578, %parallel_loop3A_579] {strides = array<i32>} : memref<3x128x32xf32, #tpu.memory_space<vmem>>, vector<16xf32>,
        tpu.vector_store %arg14[%parallel_loop3A_577, %parallel_loop3A_578, %parallel_loop3A_579], %parallel_loop3A_575 {strides = array<i32>} : memref<3x128x32xf32, #tpu.memory_space<vmem>>, vector<16xf32>,
      } {sc.loop_unroll_factor = 8 : i64, sc.parallel_access}
      %dma_start3A_333 = arith.constant 1 : i32
      %dma_start3A_334 = arith.constant 1 : i32
      %dma_start3A_335 = arith.constant 0 : i32
      %dma_start3A_336 = arith.constant 0 : i32
      %dma_start3A_337 = tpu.memref_slice %arg14[%dma_start3A_333, %dma_start3A_335, %dma_start3A_336] : memref<3x128x32xf32, #tpu.memory_space<vmem>> -> memref<1x128x32xf32, #tpu.memory_space<vmem>>
      %dma_start3A_338 = tpu.memref_squeeze %dma_start3A_337 : memref<1x128x32xf32, #tpu.memory_space<vmem>> -> memref<128x32xf32, #tpu.memory_space<vmem>>
      %dma_start3A_339 = arith.constant 0 : i32
      %dma_start3A_340 = tpu.memref_slice %arg9[%dma_start3A_334, %dma_start3A_339] : memref<3x128xi32, #tpu.memory_space<vmem>> -> memref<1x128xi32, #tpu.memory_space<vmem>>
      %dma_start3A_341 = tpu.memref_squeeze %dma_start3A_340 : memref<1x128xi32, #tpu.memory_space<vmem>> -> memref<128xi32, #tpu.memory_space<vmem>>
      %dma_start3A_342 = arith.constant 0 : i32
      %dma_start3A_343 = arith.constant 0 : i32
      %dma_start3A_344 = tpu.memref_slice %arg16[%dma_start3A_342, %dma_start3A_343] : memref<50176x32xf32, #tpu.memory_space<vmem_shared>> -> memref<50176x32xf32, #tpu.memory_space<vmem_shared>>
      tpu.enqueue_indirect_dma source(%dma_start3A_338 : memref<128x32xf32, #tpu.memory_space<vmem>>) target(%dma_start3A_344 : memref<50176x32xf32, #tpu.memory_space<vmem_shared>>) offsets(%dma_start3A_341 : memref<128xi32, #tpu.memory_space<vmem>>) semaphore(%arg19 : memref<!tpu.dma_semaphore, #tpu.memory_space<semaphore_mem>>) {add = true}
      %dma_wait3A_345 = arith.constant 2 : i32
      %dma_wait3A_346 = arith.constant 2 : i32
      %dma_wait3A_347 = arith.constant 0 : i32
      %dma_wait3A_348 = arith.constant 0 : i32
      %dma_wait3A_349 = tpu.memref_slice %arg14[%dma_wait3A_346, %dma_wait3A_347, %dma_wait3A_348] : memref<3x128x32xf32, #tpu.memory_space<vmem>> -> memref<1x128x32xf32, #tpu.memory_space<vmem>>
      %dma_wait3A_350 = tpu.memref_squeeze %dma_wait3A_349 : memref<1x128x32xf32, #tpu.memory_space<vmem>> -> memref<128x32xf32, #tpu.memory_space<vmem>>
      %dma_wait3A_351 = arith.constant 0 : i32
      %dma_wait3A_352 = tpu.memref_slice %arg8[%dma_wait3A_345, %dma_wait3A_351] : memref<3x128xi32, #tpu.memory_space<vmem>> -> memref<1x128xi32, #tpu.memory_space<vmem>>
      %dma_wait3A_353 = tpu.memref_squeeze %dma_wait3A_352 : memref<1x128xi32, #tpu.memory_space<vmem>> -> memref<128xi32, #tpu.memory_space<vmem>>
      %dma_wait3A_354 = arith.constant 0 : i32
      %dma_wait3A_355 = arith.constant 0 : i32
      %dma_wait3A_356 = tpu.memref_slice %arg2[%dma_wait3A_354, %dma_wait3A_355] : memref<100352x32xf32, #tpu.memory_space<hbm>> -> memref<100352x32xf32, #tpu.memory_space<hbm>>
      tpu.wait_indirect_dma semaphore(%arg17 : memref<!tpu.dma_semaphore, #tpu.memory_space<semaphore_mem>>) src(%dma_wait3A_356 : memref<100352x32xf32, #tpu.memory_space<hbm>>) dst(%dma_wait3A_350 : memref<128x32xf32, #tpu.memory_space<vmem>>)
      %parallel_loop3A_357 = arith.constant 0 : i32
      %parallel_loop3A_358 = arith.constant 128 : i32
      %parallel_loop3A_359 = arith.constant 1 : i32
      scf.for %parallel_loop3A_554 = %parallel_loop3A_357 to %parallel_loop3A_358 step %parallel_loop3A_359  : i32 {
        %parallel_loop3A_555 = vector.broadcast %parallel_loop3A_554 : i32 to vector<16xi32>
        %parallel_loop3A_556 = arith.constant 2 : i32
        %parallel_loop3A_557 = vector.broadcast %parallel_loop3A_556 : i32 to vector<16xi32>
        %parallel_loop3A_558 = tpu.vector_load_idx %arg10[%parallel_loop3A_557, %parallel_loop3A_555] : memref<3x128xf32, #tpu.memory_space<vmem>>[vector<16xi32>, vector<16xi32>], vector<16xf32>,
        %parallel_loop3A_559 = arith.constant 2 : i32
        %parallel_loop3A_560 = arith.index_cast %parallel_loop3A_559 : i32 to index
        %parallel_loop3A_561 = arith.index_cast %parallel_loop3A_554 : i32 to index
        %parallel_loop3A_562 = arith.constant 0 : index
        %parallel_loop3A_563 = tpu.vector_load %arg14[%parallel_loop3A_560, %parallel_loop3A_561, %parallel_loop3A_562] {strides = array<i32>} : memref<3x128x32xf32, #tpu.memory_space<vmem>>, vector<16xf32>,
        %parallel_loop3A_564 = arith.mulf %parallel_loop3A_563, %parallel_loop3A_558 : vector<16xf32>
        %parallel_loop3A_565 = arith.constant 2 : i32
        %parallel_loop3A_566 = arith.index_cast %parallel_loop3A_565 : i32 to index
        %parallel_loop3A_567 = arith.index_cast %parallel_loop3A_554 : i32 to index
        %parallel_loop3A_568 = arith.constant 0 : index
        %parallel_loop3A_569 = tpu.vector_load %arg14[%parallel_loop3A_566, %parallel_loop3A_567, %parallel_loop3A_568] {strides = array<i32>} : memref<3x128x32xf32, #tpu.memory_space<vmem>>, vector<16xf32>,
        tpu.vector_store %arg14[%parallel_loop3A_566, %parallel_loop3A_567, %parallel_loop3A_568], %parallel_loop3A_564 {strides = array<i32>} : memref<3x128x32xf32, #tpu.memory_space<vmem>>, vector<16xf32>,
        %parallel_loop3A_570 = arith.constant 2 : i32
        %parallel_loop3A_571 = arith.index_cast %parallel_loop3A_570 : i32 to index
        %parallel_loop3A_572 = arith.index_cast %parallel_loop3A_554 : i32 to index
        %parallel_loop3A_573 = arith.constant 16 : index
        %parallel_loop3A_574 = tpu.vector_load %arg14[%parallel_loop3A_571, %parallel_loop3A_572, %parallel_loop3A_573] {strides = array<i32>} : memref<3x128x32xf32, #tpu.memory_space<vmem>>, vector<16xf32>,
        %parallel_loop3A_575 = arith.mulf %parallel_loop3A_574, %parallel_loop3A_558 : vector<16xf32>
        %parallel_loop3A_576 = arith.constant 2 : i32
        %parallel_loop3A_577 = arith.index_cast %parallel_loop3A_576 : i32 to index
        %parallel_loop3A_578 = arith.index_cast %parallel_loop3A_554 : i32 to index
        %parallel_loop3A_579 = arith.constant 16 : index
        %parallel_loop3A_580 = tpu.vector_load %arg14[%parallel_loop3A_577, %parallel_loop3A_578, %parallel_loop3A_579] {strides = array<i32>} : memref<3x128x32xf32, #tpu.memory_space<vmem>>, vector<16xf32>,
        tpu.vector_store %arg14[%parallel_loop3A_577, %parallel_loop3A_578, %parallel_loop3A_579], %parallel_loop3A_575 {strides = array<i32>} : memref<3x128x32xf32, #tpu.memory_space<vmem>>, vector<16xf32>,
      } {sc.loop_unroll_factor = 8 : i64, sc.parallel_access}
      %dma_start3A_360 = arith.constant 2 : i32
      %dma_start3A_361 = arith.constant 2 : i32
      %dma_start3A_362 = arith.constant 0 : i32
      %dma_start3A_363 = arith.constant 0 : i32
      %dma_start3A_364 = tpu.memref_slice %arg14[%dma_start3A_360, %dma_start3A_362, %dma_start3A_363] : memref<3x128x32xf32, #tpu.memory_space<vmem>> -> memref<1x128x32xf32, #tpu.memory_space<vmem>>
      %dma_start3A_365 = tpu.memref_squeeze %dma_start3A_364 : memref<1x128x32xf32, #tpu.memory_space<vmem>> -> memref<128x32xf32, #tpu.memory_space<vmem>>
      %dma_start3A_366 = arith.constant 0 : i32
      %dma_start3A_367 = tpu.memref_slice %arg9[%dma_start3A_361, %dma_start3A_366] : memref<3x128xi32, #tpu.memory_space<vmem>> -> memref<1x128xi32, #tpu.memory_space<vmem>>
      %dma_start3A_368 = tpu.memref_squeeze %dma_start3A_367 : memref<1x128xi32, #tpu.memory_space<vmem>> -> memref<128xi32, #tpu.memory_space<vmem>>
      %dma_start3A_369 = arith.constant 0 : i32
      %dma_start3A_370 = arith.constant 0 : i32
      %dma_start3A_371 = tpu.memref_slice %arg16[%dma_start3A_369, %dma_start3A_370] : memref<50176x32xf32, #tpu.memory_space<vmem_shared>> -> memref<50176x32xf32, #tpu.memory_space<vmem_shared>>
      tpu.enqueue_indirect_dma source(%dma_start3A_365 : memref<128x32xf32, #tpu.memory_space<vmem>>) target(%dma_start3A_371 : memref<50176x32xf32, #tpu.memory_space<vmem_shared>>) offsets(%dma_start3A_368 : memref<128xi32, #tpu.memory_space<vmem>>) semaphore(%arg19 : memref<!tpu.dma_semaphore, #tpu.memory_space<semaphore_mem>>) {add = true}
      %mul3A_372 = arith.constant 3 : i32
      %mul3A_373 = arith.muli %add3A_200, %mul3A_372 : i32
      %dma_wait3A_374 = arith.constant 0 : i32
      %dma_wait3A_375 = tpu.memref_slice %arg3[%arg1, %mul3A_373, %dma_wait3A_374] : memref<16x402x128xi32, #tpu.memory_space<hbm>> -> memref<1x3x128xi32, #tpu.memory_space<hbm>>
      %dma_wait3A_376 = tpu.memref_squeeze %dma_wait3A_375 : memref<1x3x128xi32, #tpu.memory_space<hbm>> -> memref<3x128xi32, #tpu.memory_space<hbm>>
      %dma_wait3A_377 = arith.constant 0 : i32
      %dma_wait3A_378 = tpu.memref_slice %arg3[%arg1, %mul3A_373, %dma_wait3A_377] : memref<16x402x128xi32, #tpu.memory_space<hbm>> -> memref<1x3x128xi32, #tpu.memory_space<hbm>>
      %dma_wait3A_379 = tpu.memref_squeeze %dma_wait3A_378 : memref<1x3x128xi32, #tpu.memory_space<hbm>> -> memref<3x128xi32, #tpu.memory_space<hbm>>
      tpu.wait_dma2 semaphore(%arg22 : memref<!tpu.dma_semaphore, #tpu.memory_space<semaphore_mem>>) src(%dma_wait3A_379 : memref<3x128xi32, #tpu.memory_space<hbm>>) dst(%arg11 : memref<3x128xi32, #tpu.memory_space<vmem>>)
      %mul3A_380 = arith.constant 3 : i32
      %mul3A_381 = arith.muli %add3A_200, %mul3A_380 : i32
      %dma_wait3A_382 = arith.constant 0 : i32
      %dma_wait3A_383 = tpu.memref_slice %arg5[%arg1, %mul3A_381, %dma_wait3A_382] : memref<16x402x128xi32, #tpu.memory_space<hbm>> -> memref<1x3x128xi32, #tpu.memory_space<hbm>>
      %dma_wait3A_384 = tpu.memref_squeeze %dma_wait3A_383 : memref<1x3x128xi32, #tpu.memory_space<hbm>> -> memref<3x128xi32, #tpu.memory_space<hbm>>
      %dma_wait3A_385 = arith.constant 0 : i32
      %dma_wait3A_386 = tpu.memref_slice %arg5[%arg1, %mul3A_381, %dma_wait3A_385] : memref<16x402x128xi32, #tpu.memory_space<hbm>> -> memref<1x3x128xi32, #tpu.memory_space<hbm>>
      %dma_wait3A_387 = tpu.memref_squeeze %dma_wait3A_386 : memref<1x3x128xi32, #tpu.memory_space<hbm>> -> memref<3x128xi32, #tpu.memory_space<hbm>>
      tpu.wait_dma2 semaphore(%arg22 : memref<!tpu.dma_semaphore, #tpu.memory_space<semaphore_mem>>) src(%dma_wait3A_387 : memref<3x128xi32, #tpu.memory_space<hbm>>) dst(%arg12 : memref<3x128xi32, #tpu.memory_space<vmem>>)
      %mul3A_388 = arith.constant 3 : i32
      %mul3A_389 = arith.muli %add3A_200, %mul3A_388 : i32
      %dma_wait3A_390 = arith.constant 0 : i32
      %dma_wait3A_391 = tpu.memref_slice %arg6[%arg1, %mul3A_389, %dma_wait3A_390] : memref<16x402x128xf32, #tpu.memory_space<hbm>> -> memref<1x3x128xf32, #tpu.memory_space<hbm>>
      %dma_wait3A_392 = tpu.memref_squeeze %dma_wait3A_391 : memref<1x3x128xf32, #tpu.memory_space<hbm>> -> memref<3x128xf32, #tpu.memory_space<hbm>>
      %dma_wait3A_393 = arith.constant 0 : i32
      %dma_wait3A_394 = tpu.memref_slice %arg6[%arg1, %mul3A_389, %dma_wait3A_393] : memref<16x402x128xf32, #tpu.memory_space<hbm>> -> memref<1x3x128xf32, #tpu.memory_space<hbm>>
      %dma_wait3A_395 = tpu.memref_squeeze %dma_wait3A_394 : memref<1x3x128xf32, #tpu.memory_space<hbm>> -> memref<3x128xf32, #tpu.memory_space<hbm>>
      tpu.wait_dma2 semaphore(%arg22 : memref<!tpu.dma_semaphore, #tpu.memory_space<semaphore_mem>>) src(%dma_wait3A_395 : memref<3x128xf32, #tpu.memory_space<hbm>>) dst(%arg13 : memref<3x128xf32, #tpu.memory_space<vmem>>)
      %dma_start3A_396 = arith.constant 0 : i32
      %dma_start3A_397 = arith.constant 0 : i32
      %dma_start3A_398 = arith.constant 0 : i32
      %dma_start3A_399 = arith.constant 0 : i32
      %dma_start3A_400 = tpu.memref_slice %arg15[%dma_start3A_397, %dma_start3A_398, %dma_start3A_399] : memref<3x128x32xf32, #tpu.memory_space<vmem>> -> memref<1x128x32xf32, #tpu.memory_space<vmem>>
      %dma_start3A_401 = tpu.memref_squeeze %dma_start3A_400 : memref<1x128x32xf32, #tpu.memory_space<vmem>> -> memref<128x32xf32, #tpu.memory_space<vmem>>
      %dma_start3A_402 = arith.constant 0 : i32
      %dma_start3A_403 = tpu.memref_slice %arg11[%dma_start3A_396, %dma_start3A_402] : memref<3x128xi32, #tpu.memory_space<vmem>> -> memref<1x128xi32, #tpu.memory_space<vmem>>
      %dma_start3A_404 = tpu.memref_squeeze %dma_start3A_403 : memref<1x128xi32, #tpu.memory_space<vmem>> -> memref<128xi32, #tpu.memory_space<vmem>>
      %dma_start3A_405 = arith.constant 0 : i32
      %dma_start3A_406 = arith.constant 0 : i32
      %dma_start3A_407 = tpu.memref_slice %arg2[%dma_start3A_405, %dma_start3A_406] : memref<100352x32xf32, #tpu.memory_space<hbm>> -> memref<100352x32xf32, #tpu.memory_space<hbm>>
      tpu.enqueue_indirect_dma source(%dma_start3A_407 : memref<100352x32xf32, #tpu.memory_space<hbm>>) target(%dma_start3A_401 : memref<128x32xf32, #tpu.memory_space<vmem>>) offsets(%dma_start3A_404 : memref<128xi32, #tpu.memory_space<vmem>>) semaphore(%arg18 : memref<!tpu.dma_semaphore, #tpu.memory_space<semaphore_mem>>)
      %dma_start3A_408 = arith.constant 1 : i32
      %dma_start3A_409 = arith.constant 1 : i32
      %dma_start3A_410 = arith.constant 0 : i32
      %dma_start3A_411 = arith.constant 0 : i32
      %dma_start3A_412 = tpu.memref_slice %arg15[%dma_start3A_409, %dma_start3A_410, %dma_start3A_411] : memref<3x128x32xf32, #tpu.memory_space<vmem>> -> memref<1x128x32xf32, #tpu.memory_space<vmem>>
      %dma_start3A_413 = tpu.memref_squeeze %dma_start3A_412 : memref<1x128x32xf32, #tpu.memory_space<vmem>> -> memref<128x32xf32, #tpu.memory_space<vmem>>
      %dma_start3A_414 = arith.constant 0 : i32
      %dma_start3A_415 = tpu.memref_slice %arg11[%dma_start3A_408, %dma_start3A_414] : memref<3x128xi32, #tpu.memory_space<vmem>> -> memref<1x128xi32, #tpu.memory_space<vmem>>
      %dma_start3A_416 = tpu.memref_squeeze %dma_start3A_415 : memref<1x128xi32, #tpu.memory_space<vmem>> -> memref<128xi32, #tpu.memory_space<vmem>>
      %dma_start3A_417 = arith.constant 0 : i32
      %dma_start3A_418 = arith.constant 0 : i32
      %dma_start3A_419 = tpu.memref_slice %arg2[%dma_start3A_417, %dma_start3A_418] : memref<100352x32xf32, #tpu.memory_space<hbm>> -> memref<100352x32xf32, #tpu.memory_space<hbm>>
      tpu.enqueue_indirect_dma source(%dma_start3A_419 : memref<100352x32xf32, #tpu.memory_space<hbm>>) target(%dma_start3A_413 : memref<128x32xf32, #tpu.memory_space<vmem>>) offsets(%dma_start3A_416 : memref<128xi32, #tpu.memory_space<vmem>>) semaphore(%arg18 : memref<!tpu.dma_semaphore, #tpu.memory_space<semaphore_mem>>)
      %dma_start3A_420 = arith.constant 2 : i32
      %dma_start3A_421 = arith.constant 2 : i32
      %dma_start3A_422 = arith.constant 0 : i32
      %dma_start3A_423 = arith.constant 0 : i32
      %dma_start3A_424 = tpu.memref_slice %arg15[%dma_start3A_421, %dma_start3A_422, %dma_start3A_423] : memref<3x128x32xf32, #tpu.memory_space<vmem>> -> memref<1x128x32xf32, #tpu.memory_space<vmem>>
      %dma_start3A_425 = tpu.memref_squeeze %dma_start3A_424 : memref<1x128x32xf32, #tpu.memory_space<vmem>> -> memref<128x32xf32, #tpu.memory_space<vmem>>
      %dma_start3A_426 = arith.constant 0 : i32
      %dma_start3A_427 = tpu.memref_slice %arg11[%dma_start3A_420, %dma_start3A_426] : memref<3x128xi32, #tpu.memory_space<vmem>> -> memref<1x128xi32, #tpu.memory_space<vmem>>
      %dma_start3A_428 = tpu.memref_squeeze %dma_start3A_427 : memref<1x128xi32, #tpu.memory_space<vmem>> -> memref<128xi32, #tpu.memory_space<vmem>>
      %dma_start3A_429 = arith.constant 0 : i32
      %dma_start3A_430 = arith.constant 0 : i32
      %dma_start3A_431 = tpu.memref_slice %arg2[%dma_start3A_429, %dma_start3A_430] : memref<100352x32xf32, #tpu.memory_space<hbm>> -> memref<100352x32xf32, #tpu.memory_space<hbm>>
      tpu.enqueue_indirect_dma source(%dma_start3A_431 : memref<100352x32xf32, #tpu.memory_space<hbm>>) target(%dma_start3A_425 : memref<128x32xf32, #tpu.memory_space<vmem>>) offsets(%dma_start3A_428 : memref<128xi32, #tpu.memory_space<vmem>>) semaphore(%arg18 : memref<!tpu.dma_semaphore, #tpu.memory_space<semaphore_mem>>)
      %dma_wait3A_432 = arith.constant 0 : i32
      %dma_wait3A_433 = arith.constant 0 : i32
      %dma_wait3A_434 = arith.constant 0 : i32
      %dma_wait3A_435 = arith.constant 0 : i32
      %dma_wait3A_436 = tpu.memref_slice %arg14[%dma_wait3A_432, %dma_wait3A_434, %dma_wait3A_435] : memref<3x128x32xf32, #tpu.memory_space<vmem>> -> memref<1x128x32xf32, #tpu.memory_space<vmem>>
      %dma_wait3A_437 = tpu.memref_squeeze %dma_wait3A_436 : memref<1x128x32xf32, #tpu.memory_space<vmem>> -> memref<128x32xf32, #tpu.memory_space<vmem>>
      %dma_wait3A_438 = arith.constant 0 : i32
      %dma_wait3A_439 = tpu.memref_slice %arg9[%dma_wait3A_433, %dma_wait3A_438] : memref<3x128xi32, #tpu.memory_space<vmem>> -> memref<1x128xi32, #tpu.memory_space<vmem>>
      %dma_wait3A_440 = tpu.memref_squeeze %dma_wait3A_439 : memref<1x128xi32, #tpu.memory_space<vmem>> -> memref<128xi32, #tpu.memory_space<vmem>>
      %dma_wait3A_441 = arith.constant 0 : i32
      %dma_wait3A_442 = arith.constant 0 : i32
      %dma_wait3A_443 = tpu.memref_slice %arg16[%dma_wait3A_441, %dma_wait3A_442] : memref<50176x32xf32, #tpu.memory_space<vmem_shared>> -> memref<50176x32xf32, #tpu.memory_space<vmem_shared>>
      tpu.wait_indirect_dma semaphore(%arg19 : memref<!tpu.dma_semaphore, #tpu.memory_space<semaphore_mem>>) src(%dma_wait3A_437 : memref<128x32xf32, #tpu.memory_space<vmem>>) dst(%dma_wait3A_443 : memref<50176x32xf32, #tpu.memory_space<vmem_shared>>)
      %dma_wait3A_444 = arith.constant 1 : i32
      %dma_wait3A_445 = arith.constant 1 : i32
      %dma_wait3A_446 = arith.constant 0 : i32
      %dma_wait3A_447 = arith.constant 0 : i32
      %dma_wait3A_448 = tpu.memref_slice %arg14[%dma_wait3A_444, %dma_wait3A_446, %dma_wait3A_447] : memref<3x128x32xf32, #tpu.memory_space<vmem>> -> memref<1x128x32xf32, #tpu.memory_space<vmem>>
      %dma_wait3A_449 = tpu.memref_squeeze %dma_wait3A_448 : memref<1x128x32xf32, #tpu.memory_space<vmem>> -> memref<128x32xf32, #tpu.memory_space<vmem>>
      %dma_wait3A_450 = arith.constant 0 : i32
      %dma_wait3A_451 = tpu.memref_slice %arg9[%dma_wait3A_445, %dma_wait3A_450] : memref<3x128xi32, #tpu.memory_space<vmem>> -> memref<1x128xi32, #tpu.memory_space<vmem>>
      %dma_wait3A_452 = tpu.memref_squeeze %dma_wait3A_451 : memref<1x128xi32, #tpu.memory_space<vmem>> -> memref<128xi32, #tpu.memory_space<vmem>>
      %dma_wait3A_453 = arith.constant 0 : i32
      %dma_wait3A_454 = arith.constant 0 : i32
      %dma_wait3A_455 = tpu.memref_slice %arg16[%dma_wait3A_453, %dma_wait3A_454] : memref<50176x32xf32, #tpu.memory_space<vmem_shared>> -> memref<50176x32xf32, #tpu.memory_space<vmem_shared>>
      tpu.wait_indirect_dma semaphore(%arg19 : memref<!tpu.dma_semaphore, #tpu.memory_space<semaphore_mem>>) src(%dma_wait3A_449 : memref<128x32xf32, #tpu.memory_space<vmem>>) dst(%dma_wait3A_455 : memref<50176x32xf32, #tpu.memory_space<vmem_shared>>)
      %dma_wait3A_456 = arith.constant 2 : i32
      %dma_wait3A_457 = arith.constant 2 : i32
      %dma_wait3A_458 = arith.constant 0 : i32
      %dma_wait3A_459 = arith.constant 0 : i32
      %dma_wait3A_460 = tpu.memref_slice %arg14[%dma_wait3A_456, %dma_wait3A_458, %dma_wait3A_459] : memref<3x128x32xf32, #tpu.memory_space<vmem>> -> memref<1x128x32xf32, #tpu.memory_space<vmem>>
      %dma_wait3A_461 = tpu.memref_squeeze %dma_wait3A_460 : memref<1x128x32xf32, #tpu.memory_space<vmem>> -> memref<128x32xf32, #tpu.memory_space<vmem>>
      %dma_wait3A_462 = arith.constant 0 : i32
      %dma_wait3A_463 = tpu.memref_slice %arg9[%dma_wait3A_457, %dma_wait3A_462] : memref<3x128xi32, #tpu.memory_space<vmem>> -> memref<1x128xi32, #tpu.memory_space<vmem>>
      %dma_wait3A_464 = tpu.memref_squeeze %dma_wait3A_463 : memref<1x128xi32, #tpu.memory_space<vmem>> -> memref<128xi32, #tpu.memory_space<vmem>>
      %dma_wait3A_465 = arith.constant 0 : i32
      %dma_wait3A_466 = arith.constant 0 : i32
      %dma_wait3A_467 = tpu.memref_slice %arg16[%dma_wait3A_465, %dma_wait3A_466] : memref<50176x32xf32, #tpu.memory_space<vmem_shared>> -> memref<50176x32xf32, #tpu.memory_space<vmem_shared>>
      tpu.wait_indirect_dma semaphore(%arg19 : memref<!tpu.dma_semaphore, #tpu.memory_space<semaphore_mem>>) src(%dma_wait3A_461 : memref<128x32xf32, #tpu.memory_space<vmem>>) dst(%dma_wait3A_467 : memref<50176x32xf32, #tpu.memory_space<vmem_shared>>)
      %lt3A = arith.constant 66 : i32
      %lt3A_468 = arith.cmpi slt, %scan3A_193, %lt3A : i32
      %convert_element_type3A_469 = arith.extui %lt3A_468 : i1 to i32
      %cond3A_470 = arith.constant 0 : i32
      %cond3A_471 = arith.cmpi ne, %convert_element_type3A_469, %cond3A_470 : i32
      scf.if %cond3A_471 {
        %add3A_554 = arith.constant 2 : i32
        %add3A_555 = arith.addi %mul3A_196, %add3A_554 : i32
        %eq3A_556 = arith.constant 0 : i32
        %eq3A_557 = arith.cmpi eq, %arg0, %eq3A_556 : i32
        %convert_element_type3A_558 = arith.extui %eq3A_557 : i1 to i32
        %cond3A_559 = arith.constant 0 : i32
        %cond3A_560 = arith.cmpi ne, %convert_element_type3A_558, %cond3A_559 : i32
        scf.if %cond3A_560 {
          %mul3A_582 = arith.constant 3 : i32
          %mul3A_583 = arith.muli %add3A_555, %mul3A_582 : i32
          %dma_start3A_584 = arith.constant 0 : i32
          %dma_start3A_585 = tpu.memref_slice %arg3[%arg1, %mul3A_583, %dma_start3A_584] : memref<16x402x128xi32, #tpu.memory_space<hbm>> -> memref<1x3x128xi32, #tpu.memory_space<hbm>>
          %dma_start3A_586 = tpu.memref_squeeze %dma_start3A_585 : memref<1x3x128xi32, #tpu.memory_space<hbm>> -> memref<3x128xi32, #tpu.memory_space<hbm>>
          %dma_start3A_587 = arith.constant 0 : i32
          %dma_start3A_588 = tpu.memref_slice %arg3[%arg1, %mul3A_583, %dma_start3A_587] : memref<16x402x128xi32, #tpu.memory_space<hbm>> -> memref<1x3x128xi32, #tpu.memory_space<hbm>>
          %dma_start3A_589 = tpu.memref_squeeze %dma_start3A_588 : memref<1x3x128xi32, #tpu.memory_space<hbm>> -> memref<3x128xi32, #tpu.memory_space<hbm>>
          tpu.enqueue_dma source(%dma_start3A_589 : memref<3x128xi32, #tpu.memory_space<hbm>>) target(%arg8 : memref<3x128xi32, #tpu.memory_space<vmem>>) target_semaphore(%arg21 : memref<!tpu.dma_semaphore, #tpu.memory_space<semaphore_mem>>)
        } else {
        }
        %eq3A_561 = arith.constant 1 : i32
        %eq3A_562 = arith.cmpi eq, %arg0, %eq3A_561 : i32
        %convert_element_type3A_563 = arith.extui %eq3A_562 : i1 to i32
        %cond3A_564 = arith.constant 0 : i32
        %cond3A_565 = arith.cmpi ne, %convert_element_type3A_563, %cond3A_564 : i32
        scf.if %cond3A_565 {
          %mul3A_582 = arith.constant 3 : i32
          %mul3A_583 = arith.muli %add3A_555, %mul3A_582 : i32
          %dma_start3A_584 = arith.constant 0 : i32
          %dma_start3A_585 = tpu.memref_slice %arg4[%arg1, %mul3A_583, %dma_start3A_584] : memref<16x402x128xi32, #tpu.memory_space<hbm>> -> memref<1x3x128xi32, #tpu.memory_space<hbm>>
          %dma_start3A_586 = tpu.memref_squeeze %dma_start3A_585 : memref<1x3x128xi32, #tpu.memory_space<hbm>> -> memref<3x128xi32, #tpu.memory_space<hbm>>
          %dma_start3A_587 = arith.constant 0 : i32
          %dma_start3A_588 = tpu.memref_slice %arg4[%arg1, %mul3A_583, %dma_start3A_587] : memref<16x402x128xi32, #tpu.memory_space<hbm>> -> memref<1x3x128xi32, #tpu.memory_space<hbm>>
          %dma_start3A_589 = tpu.memref_squeeze %dma_start3A_588 : memref<1x3x128xi32, #tpu.memory_space<hbm>> -> memref<3x128xi32, #tpu.memory_space<hbm>>
          tpu.enqueue_dma source(%dma_start3A_589 : memref<3x128xi32, #tpu.memory_space<hbm>>) target(%arg8 : memref<3x128xi32, #tpu.memory_space<vmem>>) target_semaphore(%arg21 : memref<!tpu.dma_semaphore, #tpu.memory_space<semaphore_mem>>)
        } else {
        }
        %mul3A_566 = arith.constant 3 : i32
        %mul3A_567 = arith.muli %add3A_555, %mul3A_566 : i32
        %dma_start3A_568 = arith.constant 0 : i32
        %dma_start3A_569 = tpu.memref_slice %arg5[%arg1, %mul3A_567, %dma_start3A_568] : memref<16x402x128xi32, #tpu.memory_space<hbm>> -> memref<1x3x128xi32, #tpu.memory_space<hbm>>
        %dma_start3A_570 = tpu.memref_squeeze %dma_start3A_569 : memref<1x3x128xi32, #tpu.memory_space<hbm>> -> memref<3x128xi32, #tpu.memory_space<hbm>>
        %dma_start3A_571 = arith.constant 0 : i32
        %dma_start3A_572 = tpu.memref_slice %arg5[%arg1, %mul3A_567, %dma_start3A_571] : memref<16x402x128xi32, #tpu.memory_space<hbm>> -> memref<1x3x128xi32, #tpu.memory_space<hbm>>
        %dma_start3A_573 = tpu.memref_squeeze %dma_start3A_572 : memref<1x3x128xi32, #tpu.memory_space<hbm>> -> memref<3x128xi32, #tpu.memory_space<hbm>>
        tpu.enqueue_dma source(%dma_start3A_573 : memref<3x128xi32, #tpu.memory_space<hbm>>) target(%arg9 : memref<3x128xi32, #tpu.memory_space<vmem>>) target_semaphore(%arg21 : memref<!tpu.dma_semaphore, #tpu.memory_space<semaphore_mem>>)
        %mul3A_574 = arith.constant 3 : i32
        %mul3A_575 = arith.muli %add3A_555, %mul3A_574 : i32
        %dma_start3A_576 = arith.constant 0 : i32
        %dma_start3A_577 = tpu.memref_slice %arg6[%arg1, %mul3A_575, %dma_start3A_576] : memref<16x402x128xf32, #tpu.memory_space<hbm>> -> memref<1x3x128xf32, #tpu.memory_space<hbm>>
        %dma_start3A_578 = tpu.memref_squeeze %dma_start3A_577 : memref<1x3x128xf32, #tpu.memory_space<hbm>> -> memref<3x128xf32, #tpu.memory_space<hbm>>
        %dma_start3A_579 = arith.constant 0 : i32
        %dma_start3A_580 = tpu.memref_slice %arg6[%arg1, %mul3A_575, %dma_start3A_579] : memref<16x402x128xf32, #tpu.memory_space<hbm>> -> memref<1x3x128xf32, #tpu.memory_space<hbm>>
        %dma_start3A_581 = tpu.memref_squeeze %dma_start3A_580 : memref<1x3x128xf32, #tpu.memory_space<hbm>> -> memref<3x128xf32, #tpu.memory_space<hbm>>
        tpu.enqueue_dma source(%dma_start3A_581 : memref<3x128xf32, #tpu.memory_space<hbm>>) target(%arg10 : memref<3x128xf32, #tpu.memory_space<vmem>>) target_semaphore(%arg21 : memref<!tpu.dma_semaphore, #tpu.memory_space<semaphore_mem>>)
      } else {
      }
      %dma_wait3A_472 = arith.constant 0 : i32
      %dma_wait3A_473 = arith.constant 0 : i32
      %dma_wait3A_474 = arith.constant 0 : i32
      %dma_wait3A_475 = arith.constant 0 : i32
      %dma_wait3A_476 = tpu.memref_slice %arg15[%dma_wait3A_473, %dma_wait3A_474, %dma_wait3A_475] : memref<3x128x32xf32, #tpu.memory_space<vmem>> -> memref<1x128x32xf32, #tpu.memory_space<vmem>>
      %dma_wait3A_477 = tpu.memref_squeeze %dma_wait3A_476 : memref<1x128x32xf32, #tpu.memory_space<vmem>> -> memref<128x32xf32, #tpu.memory_space<vmem>>
      %dma_wait3A_478 = arith.constant 0 : i32
      %dma_wait3A_479 = tpu.memref_slice %arg11[%dma_wait3A_472, %dma_wait3A_478] : memref<3x128xi32, #tpu.memory_space<vmem>> -> memref<1x128xi32, #tpu.memory_space<vmem>>
      %dma_wait3A_480 = tpu.memref_squeeze %dma_wait3A_479 : memref<1x128xi32, #tpu.memory_space<vmem>> -> memref<128xi32, #tpu.memory_space<vmem>>
      %dma_wait3A_481 = arith.constant 0 : i32
      %dma_wait3A_482 = arith.constant 0 : i32
      %dma_wait3A_483 = tpu.memref_slice %arg2[%dma_wait3A_481, %dma_wait3A_482] : memref<100352x32xf32, #tpu.memory_space<hbm>> -> memref<100352x32xf32, #tpu.memory_space<hbm>>
      tpu.wait_indirect_dma semaphore(%arg18 : memref<!tpu.dma_semaphore, #tpu.memory_space<semaphore_mem>>) src(%dma_wait3A_483 : memref<100352x32xf32, #tpu.memory_space<hbm>>) dst(%dma_wait3A_477 : memref<128x32xf32, #tpu.memory_space<vmem>>)
      %parallel_loop3A_484 = arith.constant 0 : i32
      %parallel_loop3A_485 = arith.constant 128 : i32
      %parallel_loop3A_486 = arith.constant 1 : i32
      scf.for %parallel_loop3A_554 = %parallel_loop3A_484 to %parallel_loop3A_485 step %parallel_loop3A_486  : i32 {
        %parallel_loop3A_555 = vector.broadcast %parallel_loop3A_554 : i32 to vector<16xi32>
        %parallel_loop3A_556 = arith.constant 0 : i32
        %parallel_loop3A_557 = vector.broadcast %parallel_loop3A_556 : i32 to vector<16xi32>
        %parallel_loop3A_558 = tpu.vector_load_idx %arg13[%parallel_loop3A_557, %parallel_loop3A_555] : memref<3x128xf32, #tpu.memory_space<vmem>>[vector<16xi32>, vector<16xi32>], vector<16xf32>,
        %parallel_loop3A_559 = arith.constant 0 : i32
        %parallel_loop3A_560 = arith.index_cast %parallel_loop3A_559 : i32 to index
        %parallel_loop3A_561 = arith.index_cast %parallel_loop3A_554 : i32 to index
        %parallel_loop3A_562 = arith.constant 0 : index
        %parallel_loop3A_563 = tpu.vector_load %arg15[%parallel_loop3A_560, %parallel_loop3A_561, %parallel_loop3A_562] {strides = array<i32>} : memref<3x128x32xf32, #tpu.memory_space<vmem>>, vector<16xf32>,
        %parallel_loop3A_564 = arith.mulf %parallel_loop3A_563, %parallel_loop3A_558 : vector<16xf32>
        %parallel_loop3A_565 = arith.constant 0 : i32
        %parallel_loop3A_566 = arith.index_cast %parallel_loop3A_565 : i32 to index
        %parallel_loop3A_567 = arith.index_cast %parallel_loop3A_554 : i32 to index
        %parallel_loop3A_568 = arith.constant 0 : index
        %parallel_loop3A_569 = tpu.vector_load %arg15[%parallel_loop3A_566, %parallel_loop3A_567, %parallel_loop3A_568] {strides = array<i32>} : memref<3x128x32xf32, #tpu.memory_space<vmem>>, vector<16xf32>,
        tpu.vector_store %arg15[%parallel_loop3A_566, %parallel_loop3A_567, %parallel_loop3A_568], %parallel_loop3A_564 {strides = array<i32>} : memref<3x128x32xf32, #tpu.memory_space<vmem>>, vector<16xf32>,
        %parallel_loop3A_570 = arith.constant 0 : i32
        %parallel_loop3A_571 = arith.index_cast %parallel_loop3A_570 : i32 to index
        %parallel_loop3A_572 = arith.index_cast %parallel_loop3A_554 : i32 to index
        %parallel_loop3A_573 = arith.constant 16 : index
        %parallel_loop3A_574 = tpu.vector_load %arg15[%parallel_loop3A_571, %parallel_loop3A_572, %parallel_loop3A_573] {strides = array<i32>} : memref<3x128x32xf32, #tpu.memory_space<vmem>>, vector<16xf32>,
        %parallel_loop3A_575 = arith.mulf %parallel_loop3A_574, %parallel_loop3A_558 : vector<16xf32>
        %parallel_loop3A_576 = arith.constant 0 : i32
        %parallel_loop3A_577 = arith.index_cast %parallel_loop3A_576 : i32 to index
        %parallel_loop3A_578 = arith.index_cast %parallel_loop3A_554 : i32 to index
        %parallel_loop3A_579 = arith.constant 16 : index
        %parallel_loop3A_580 = tpu.vector_load %arg15[%parallel_loop3A_577, %parallel_loop3A_578, %parallel_loop3A_579] {strides = array<i32>} : memref<3x128x32xf32, #tpu.memory_space<vmem>>, vector<16xf32>,
        tpu.vector_store %arg15[%parallel_loop3A_577, %parallel_loop3A_578, %parallel_loop3A_579], %parallel_loop3A_575 {strides = array<i32>} : memref<3x128x32xf32, #tpu.memory_space<vmem>>, vector<16xf32>,
      } {sc.loop_unroll_factor = 8 : i64, sc.parallel_access}
      %dma_start3A_487 = arith.constant 0 : i32
      %dma_start3A_488 = arith.constant 0 : i32
      %dma_start3A_489 = arith.constant 0 : i32
      %dma_start3A_490 = arith.constant 0 : i32
      %dma_start3A_491 = tpu.memref_slice %arg15[%dma_start3A_487, %dma_start3A_489, %dma_start3A_490] : memref<3x128x32xf32, #tpu.memory_space<vmem>> -> memref<1x128x32xf32, #tpu.memory_space<vmem>>
      %dma_start3A_492 = tpu.memref_squeeze %dma_start3A_491 : memref<1x128x32xf32, #tpu.memory_space<vmem>> -> memref<128x32xf32, #tpu.memory_space<vmem>>
      %dma_start3A_493 = arith.constant 0 : i32
      %dma_start3A_494 = tpu.memref_slice %arg12[%dma_start3A_488, %dma_start3A_493] : memref<3x128xi32, #tpu.memory_space<vmem>> -> memref<1x128xi32, #tpu.memory_space<vmem>>
      %dma_start3A_495 = tpu.memref_squeeze %dma_start3A_494 : memref<1x128xi32, #tpu.memory_space<vmem>> -> memref<128xi32, #tpu.memory_space<vmem>>
      %dma_start3A_496 = arith.constant 0 : i32
      %dma_start3A_497 = arith.constant 0 : i32
      %dma_start3A_498 = tpu.memref_slice %arg16[%dma_start3A_496, %dma_start3A_497] : memref<50176x32xf32, #tpu.memory_space<vmem_shared>> -> memref<50176x32xf32, #tpu.memory_space<vmem_shared>>
      tpu.enqueue_indirect_dma source(%dma_start3A_492 : memref<128x32xf32, #tpu.memory_space<vmem>>) target(%dma_start3A_498 : memref<50176x32xf32, #tpu.memory_space<vmem_shared>>) offsets(%dma_start3A_495 : memref<128xi32, #tpu.memory_space<vmem>>) semaphore(%arg20 : memref<!tpu.dma_semaphore, #tpu.memory_space<semaphore_mem>>) {add = true}
      %dma_wait3A_499 = arith.constant 1 : i32
      %dma_wait3A_500 = arith.constant 1 : i32
      %dma_wait3A_501 = arith.constant 0 : i32
      %dma_wait3A_502 = arith.constant 0 : i32
      %dma_wait3A_503 = tpu.memref_slice %arg15[%dma_wait3A_500, %dma_wait3A_501, %dma_wait3A_502] : memref<3x128x32xf32, #tpu.memory_space<vmem>> -> memref<1x128x32xf32, #tpu.memory_space<vmem>>
      %dma_wait3A_504 = tpu.memref_squeeze %dma_wait3A_503 : memref<1x128x32xf32, #tpu.memory_space<vmem>> -> memref<128x32xf32, #tpu.memory_space<vmem>>
      %dma_wait3A_505 = arith.constant 0 : i32
      %dma_wait3A_506 = tpu.memref_slice %arg11[%dma_wait3A_499, %dma_wait3A_505] : memref<3x128xi32, #tpu.memory_space<vmem>> -> memref<1x128xi32, #tpu.memory_space<vmem>>
      %dma_wait3A_507 = tpu.memref_squeeze %dma_wait3A_506 : memref<1x128xi32, #tpu.memory_space<vmem>> -> memref<128xi32, #tpu.memory_space<vmem>>
      %dma_wait3A_508 = arith.constant 0 : i32
      %dma_wait3A_509 = arith.constant 0 : i32
      %dma_wait3A_510 = tpu.memref_slice %arg2[%dma_wait3A_508, %dma_wait3A_509] : memref<100352x32xf32, #tpu.memory_space<hbm>> -> memref<100352x32xf32, #tpu.memory_space<hbm>>
      tpu.wait_indirect_dma semaphore(%arg18 : memref<!tpu.dma_semaphore, #tpu.memory_space<semaphore_mem>>) src(%dma_wait3A_510 : memref<100352x32xf32, #tpu.memory_space<hbm>>) dst(%dma_wait3A_504 : memref<128x32xf32, #tpu.memory_space<vmem>>)
      %parallel_loop3A_511 = arith.constant 0 : i32
      %parallel_loop3A_512 = arith.constant 128 : i32
      %parallel_loop3A_513 = arith.constant 1 : i32
      scf.for %parallel_loop3A_554 = %parallel_loop3A_511 to %parallel_loop3A_512 step %parallel_loop3A_513  : i32 {
        %parallel_loop3A_555 = vector.broadcast %parallel_loop3A_554 : i32 to vector<16xi32>
        %parallel_loop3A_556 = arith.constant 1 : i32
        %parallel_loop3A_557 = vector.broadcast %parallel_loop3A_556 : i32 to vector<16xi32>
        %parallel_loop3A_558 = tpu.vector_load_idx %arg13[%parallel_loop3A_557, %parallel_loop3A_555] : memref<3x128xf32, #tpu.memory_space<vmem>>[vector<16xi32>, vector<16xi32>], vector<16xf32>,
        %parallel_loop3A_559 = arith.constant 1 : i32
        %parallel_loop3A_560 = arith.index_cast %parallel_loop3A_559 : i32 to index
        %parallel_loop3A_561 = arith.index_cast %parallel_loop3A_554 : i32 to index
        %parallel_loop3A_562 = arith.constant 0 : index
        %parallel_loop3A_563 = tpu.vector_load %arg15[%parallel_loop3A_560, %parallel_loop3A_561, %parallel_loop3A_562] {strides = array<i32>} : memref<3x128x32xf32, #tpu.memory_space<vmem>>, vector<16xf32>,
        %parallel_loop3A_564 = arith.mulf %parallel_loop3A_563, %parallel_loop3A_558 : vector<16xf32>
        %parallel_loop3A_565 = arith.constant 1 : i32
        %parallel_loop3A_566 = arith.index_cast %parallel_loop3A_565 : i32 to index
        %parallel_loop3A_567 = arith.index_cast %parallel_loop3A_554 : i32 to index
        %parallel_loop3A_568 = arith.constant 0 : index
        %parallel_loop3A_569 = tpu.vector_load %arg15[%parallel_loop3A_566, %parallel_loop3A_567, %parallel_loop3A_568] {strides = array<i32>} : memref<3x128x32xf32, #tpu.memory_space<vmem>>, vector<16xf32>,
        tpu.vector_store %arg15[%parallel_loop3A_566, %parallel_loop3A_567, %parallel_loop3A_568], %parallel_loop3A_564 {strides = array<i32>} : memref<3x128x32xf32, #tpu.memory_space<vmem>>, vector<16xf32>,
        %parallel_loop3A_570 = arith.constant 1 : i32
        %parallel_loop3A_571 = arith.index_cast %parallel_loop3A_570 : i32 to index
        %parallel_loop3A_572 = arith.index_cast %parallel_loop3A_554 : i32 to index
        %parallel_loop3A_573 = arith.constant 16 : index
        %parallel_loop3A_574 = tpu.vector_load %arg15[%parallel_loop3A_571, %parallel_loop3A_572, %parallel_loop3A_573] {strides = array<i32>} : memref<3x128x32xf32, #tpu.memory_space<vmem>>, vector<16xf32>,
        %parallel_loop3A_575 = arith.mulf %parallel_loop3A_574, %parallel_loop3A_558 : vector<16xf32>
        %parallel_loop3A_576 = arith.constant 1 : i32
        %parallel_loop3A_577 = arith.index_cast %parallel_loop3A_576 : i32 to index
        %parallel_loop3A_578 = arith.index_cast %parallel_loop3A_554 : i32 to index
        %parallel_loop3A_579 = arith.constant 16 : index
        %parallel_loop3A_580 = tpu.vector_load %arg15[%parallel_loop3A_577, %parallel_loop3A_578, %parallel_loop3A_579] {strides = array<i32>} : memref<3x128x32xf32, #tpu.memory_space<vmem>>, vector<16xf32>,
        tpu.vector_store %arg15[%parallel_loop3A_577, %parallel_loop3A_578, %parallel_loop3A_579], %parallel_loop3A_575 {strides = array<i32>} : memref<3x128x32xf32, #tpu.memory_space<vmem>>, vector<16xf32>,
      } {sc.loop_unroll_factor = 8 : i64, sc.parallel_access}
      %dma_start3A_514 = arith.constant 1 : i32
      %dma_start3A_515 = arith.constant 1 : i32
      %dma_start3A_516 = arith.constant 0 : i32
      %dma_start3A_517 = arith.constant 0 : i32
      %dma_start3A_518 = tpu.memref_slice %arg15[%dma_start3A_514, %dma_start3A_516, %dma_start3A_517] : memref<3x128x32xf32, #tpu.memory_space<vmem>> -> memref<1x128x32xf32, #tpu.memory_space<vmem>>
      %dma_start3A_519 = tpu.memref_squeeze %dma_start3A_518 : memref<1x128x32xf32, #tpu.memory_space<vmem>> -> memref<128x32xf32, #tpu.memory_space<vmem>>
      %dma_start3A_520 = arith.constant 0 : i32
      %dma_start3A_521 = tpu.memref_slice %arg12[%dma_start3A_515, %dma_start3A_520] : memref<3x128xi32, #tpu.memory_space<vmem>> -> memref<1x128xi32, #tpu.memory_space<vmem>>
      %dma_start3A_522 = tpu.memref_squeeze %dma_start3A_521 : memref<1x128xi32, #tpu.memory_space<vmem>> -> memref<128xi32, #tpu.memory_space<vmem>>
      %dma_start3A_523 = arith.constant 0 : i32
      %dma_start3A_524 = arith.constant 0 : i32
      %dma_start3A_525 = tpu.memref_slice %arg16[%dma_start3A_523, %dma_start3A_524] : memref<50176x32xf32, #tpu.memory_space<vmem_shared>> -> memref<50176x32xf32, #tpu.memory_space<vmem_shared>>
      tpu.enqueue_indirect_dma source(%dma_start3A_519 : memref<128x32xf32, #tpu.memory_space<vmem>>) target(%dma_start3A_525 : memref<50176x32xf32, #tpu.memory_space<vmem_shared>>) offsets(%dma_start3A_522 : memref<128xi32, #tpu.memory_space<vmem>>) semaphore(%arg20 : memref<!tpu.dma_semaphore, #tpu.memory_space<semaphore_mem>>) {add = true}
      %dma_wait3A_526 = arith.constant 2 : i32
      %dma_wait3A_527 = arith.constant 2 : i32
      %dma_wait3A_528 = arith.constant 0 : i32
      %dma_wait3A_529 = arith.constant 0 : i32
      %dma_wait3A_530 = tpu.memref_slice %arg15[%dma_wait3A_527, %dma_wait3A_528, %dma_wait3A_529] : memref<3x128x32xf32, #tpu.memory_space<vmem>> -> memref<1x128x32xf32, #tpu.memory_space<vmem>>
      %dma_wait3A_531 = tpu.memref_squeeze %dma_wait3A_530 : memref<1x128x32xf32, #tpu.memory_space<vmem>> -> memref<128x32xf32, #tpu.memory_space<vmem>>
      %dma_wait3A_532 = arith.constant 0 : i32
      %dma_wait3A_533 = tpu.memref_slice %arg11[%dma_wait3A_526, %dma_wait3A_532] : memref<3x128xi32, #tpu.memory_space<vmem>> -> memref<1x128xi32, #tpu.memory_space<vmem>>
      %dma_wait3A_534 = tpu.memref_squeeze %dma_wait3A_533 : memref<1x128xi32, #tpu.memory_space<vmem>> -> memref<128xi32, #tpu.memory_space<vmem>>
      %dma_wait3A_535 = arith.constant 0 : i32
      %dma_wait3A_536 = arith.constant 0 : i32
      %dma_wait3A_537 = tpu.memref_slice %arg2[%dma_wait3A_535, %dma_wait3A_536] : memref<100352x32xf32, #tpu.memory_space<hbm>> -> memref<100352x32xf32, #tpu.memory_space<hbm>>
      tpu.wait_indirect_dma semaphore(%arg18 : memref<!tpu.dma_semaphore, #tpu.memory_space<semaphore_mem>>) src(%dma_wait3A_537 : memref<100352x32xf32, #tpu.memory_space<hbm>>) dst(%dma_wait3A_531 : memref<128x32xf32, #tpu.memory_space<vmem>>)
      %parallel_loop3A_538 = arith.constant 0 : i32
      %parallel_loop3A_539 = arith.constant 128 : i32
      %parallel_loop3A_540 = arith.constant 1 : i32
      scf.for %parallel_loop3A_554 = %parallel_loop3A_538 to %parallel_loop3A_539 step %parallel_loop3A_540  : i32 {
        %parallel_loop3A_555 = vector.broadcast %parallel_loop3A_554 : i32 to vector<16xi32>
        %parallel_loop3A_556 = arith.constant 2 : i32
        %parallel_loop3A_557 = vector.broadcast %parallel_loop3A_556 : i32 to vector<16xi32>
        %parallel_loop3A_558 = tpu.vector_load_idx %arg13[%parallel_loop3A_557, %parallel_loop3A_555] : memref<3x128xf32, #tpu.memory_space<vmem>>[vector<16xi32>, vector<16xi32>], vector<16xf32>,
        %parallel_loop3A_559 = arith.constant 2 : i32
        %parallel_loop3A_560 = arith.index_cast %parallel_loop3A_559 : i32 to index
        %parallel_loop3A_561 = arith.index_cast %parallel_loop3A_554 : i32 to index
        %parallel_loop3A_562 = arith.constant 0 : index
        %parallel_loop3A_563 = tpu.vector_load %arg15[%parallel_loop3A_560, %parallel_loop3A_561, %parallel_loop3A_562] {strides = array<i32>} : memref<3x128x32xf32, #tpu.memory_space<vmem>>, vector<16xf32>,
        %parallel_loop3A_564 = arith.mulf %parallel_loop3A_563, %parallel_loop3A_558 : vector<16xf32>
        %parallel_loop3A_565 = arith.constant 2 : i32
        %parallel_loop3A_566 = arith.index_cast %parallel_loop3A_565 : i32 to index
        %parallel_loop3A_567 = arith.index_cast %parallel_loop3A_554 : i32 to index
        %parallel_loop3A_568 = arith.constant 0 : index
        %parallel_loop3A_569 = tpu.vector_load %arg15[%parallel_loop3A_566, %parallel_loop3A_567, %parallel_loop3A_568] {strides = array<i32>} : memref<3x128x32xf32, #tpu.memory_space<vmem>>, vector<16xf32>,
        tpu.vector_store %arg15[%parallel_loop3A_566, %parallel_loop3A_567, %parallel_loop3A_568], %parallel_loop3A_564 {strides = array<i32>} : memref<3x128x32xf32, #tpu.memory_space<vmem>>, vector<16xf32>,
        %parallel_loop3A_570 = arith.constant 2 : i32
        %parallel_loop3A_571 = arith.index_cast %parallel_loop3A_570 : i32 to index
        %parallel_loop3A_572 = arith.index_cast %parallel_loop3A_554 : i32 to index
        %parallel_loop3A_573 = arith.constant 16 : index
        %parallel_loop3A_574 = tpu.vector_load %arg15[%parallel_loop3A_571, %parallel_loop3A_572, %parallel_loop3A_573] {strides = array<i32>} : memref<3x128x32xf32, #tpu.memory_space<vmem>>, vector<16xf32>,
        %parallel_loop3A_575 = arith.mulf %parallel_loop3A_574, %parallel_loop3A_558 : vector<16xf32>
        %parallel_loop3A_576 = arith.constant 2 : i32
        %parallel_loop3A_577 = arith.index_cast %parallel_loop3A_576 : i32 to index
        %parallel_loop3A_578 = arith.index_cast %parallel_loop3A_554 : i32 to index
        %parallel_loop3A_579 = arith.constant 16 : index
        %parallel_loop3A_580 = tpu.vector_load %arg15[%parallel_loop3A_577, %parallel_loop3A_578, %parallel_loop3A_579] {strides = array<i32>} : memref<3x128x32xf32, #tpu.memory_space<vmem>>, vector<16xf32>,
        tpu.vector_store %arg15[%parallel_loop3A_577, %parallel_loop3A_578, %parallel_loop3A_579], %parallel_loop3A_575 {strides = array<i32>} : memref<3x128x32xf32, #tpu.memory_space<vmem>>, vector<16xf32>,
      } {sc.loop_unroll_factor = 8 : i64, sc.parallel_access}
      %dma_start3A_541 = arith.constant 2 : i32
      %dma_start3A_542 = arith.constant 2 : i32
      %dma_start3A_543 = arith.constant 0 : i32
      %dma_start3A_544 = arith.constant 0 : i32
      %dma_start3A_545 = tpu.memref_slice %arg15[%dma_start3A_541, %dma_start3A_543, %dma_start3A_544] : memref<3x128x32xf32, #tpu.memory_space<vmem>> -> memref<1x128x32xf32, #tpu.memory_space<vmem>>
      %dma_start3A_546 = tpu.memref_squeeze %dma_start3A_545 : memref<1x128x32xf32, #tpu.memory_space<vmem>> -> memref<128x32xf32, #tpu.memory_space<vmem>>
      %dma_start3A_547 = arith.constant 0 : i32
      %dma_start3A_548 = tpu.memref_slice %arg12[%dma_start3A_542, %dma_start3A_547] : memref<3x128xi32, #tpu.memory_space<vmem>> -> memref<1x128xi32, #tpu.memory_space<vmem>>
      %dma_start3A_549 = tpu.memref_squeeze %dma_start3A_548 : memref<1x128xi32, #tpu.memory_space<vmem>> -> memref<128xi32, #tpu.memory_space<vmem>>
      %dma_start3A_550 = arith.constant 0 : i32
      %dma_start3A_551 = arith.constant 0 : i32
      %dma_start3A_552 = tpu.memref_slice %arg16[%dma_start3A_550, %dma_start3A_551] : memref<50176x32xf32, #tpu.memory_space<vmem_shared>> -> memref<50176x32xf32, #tpu.memory_space<vmem_shared>>
      tpu.enqueue_indirect_dma source(%dma_start3A_546 : memref<128x32xf32, #tpu.memory_space<vmem>>) target(%dma_start3A_552 : memref<50176x32xf32, #tpu.memory_space<vmem_shared>>) offsets(%dma_start3A_549 : memref<128xi32, #tpu.memory_space<vmem>>) semaphore(%arg20 : memref<!tpu.dma_semaphore, #tpu.memory_space<semaphore_mem>>) {add = true}
      %scan3A_553 = arith.constant 0 : i32
      scf.yield %scan3A_553 : i32
    }
    %scan3A_152 = arith.constant 67 : i32
    %dma_wait3A = arith.constant 0 : i32
    %dma_wait3A_153 = arith.constant 0 : i32
    %dma_wait3A_154 = arith.constant 0 : i32
    %dma_wait3A_155 = arith.constant 0 : i32
    %dma_wait3A_156 = tpu.memref_slice %arg15[%dma_wait3A, %dma_wait3A_154, %dma_wait3A_155] : memref<3x128x32xf32, #tpu.memory_space<vmem>> -> memref<1x128x32xf32, #tpu.memory_space<vmem>>
    %dma_wait3A_157 = tpu.memref_squeeze %dma_wait3A_156 : memref<1x128x32xf32, #tpu.memory_space<vmem>> -> memref<128x32xf32, #tpu.memory_space<vmem>>
    %dma_wait3A_158 = arith.constant 0 : i32
    %dma_wait3A_159 = tpu.memref_slice %arg12[%dma_wait3A_153, %dma_wait3A_158] : memref<3x128xi32, #tpu.memory_space<vmem>> -> memref<1x128xi32, #tpu.memory_space<vmem>>
    %dma_wait3A_160 = tpu.memref_squeeze %dma_wait3A_159 : memref<1x128xi32, #tpu.memory_space<vmem>> -> memref<128xi32, #tpu.memory_space<vmem>>
    %dma_wait3A_161 = arith.constant 0 : i32
    %dma_wait3A_162 = arith.constant 0 : i32
    %dma_wait3A_163 = tpu.memref_slice %arg16[%dma_wait3A_161, %dma_wait3A_162] : memref<50176x32xf32, #tpu.memory_space<vmem_shared>> -> memref<50176x32xf32, #tpu.memory_space<vmem_shared>>
    tpu.wait_indirect_dma semaphore(%arg20 : memref<!tpu.dma_semaphore, #tpu.memory_space<semaphore_mem>>) src(%dma_wait3A_157 : memref<128x32xf32, #tpu.memory_space<vmem>>) dst(%dma_wait3A_163 : memref<50176x32xf32, #tpu.memory_space<vmem_shared>>)
    %dma_wait3A_164 = arith.constant 1 : i32
    %dma_wait3A_165 = arith.constant 1 : i32
    %dma_wait3A_166 = arith.constant 0 : i32
    %dma_wait3A_167 = arith.constant 0 : i32
    %dma_wait3A_168 = tpu.memref_slice %arg15[%dma_wait3A_164, %dma_wait3A_166, %dma_wait3A_167] : memref<3x128x32xf32, #tpu.memory_space<vmem>> -> memref<1x128x32xf32, #tpu.memory_space<vmem>>
    %dma_wait3A_169 = tpu.memref_squeeze %dma_wait3A_168 : memref<1x128x32xf32, #tpu.memory_space<vmem>> -> memref<128x32xf32, #tpu.memory_space<vmem>>
    %dma_wait3A_170 = arith.constant 0 : i32
    %dma_wait3A_171 = tpu.memref_slice %arg12[%dma_wait3A_165, %dma_wait3A_170] : memref<3x128xi32, #tpu.memory_space<vmem>> -> memref<1x128xi32, #tpu.memory_space<vmem>>
    %dma_wait3A_172 = tpu.memref_squeeze %dma_wait3A_171 : memref<1x128xi32, #tpu.memory_space<vmem>> -> memref<128xi32, #tpu.memory_space<vmem>>
    %dma_wait3A_173 = arith.constant 0 : i32
    %dma_wait3A_174 = arith.constant 0 : i32
    %dma_wait3A_175 = tpu.memref_slice %arg16[%dma_wait3A_173, %dma_wait3A_174] : memref<50176x32xf32, #tpu.memory_space<vmem_shared>> -> memref<50176x32xf32, #tpu.memory_space<vmem_shared>>
    tpu.wait_indirect_dma semaphore(%arg20 : memref<!tpu.dma_semaphore, #tpu.memory_space<semaphore_mem>>) src(%dma_wait3A_169 : memref<128x32xf32, #tpu.memory_space<vmem>>) dst(%dma_wait3A_175 : memref<50176x32xf32, #tpu.memory_space<vmem_shared>>)
    %dma_wait3A_176 = arith.constant 2 : i32
    %dma_wait3A_177 = arith.constant 2 : i32
    %dma_wait3A_178 = arith.constant 0 : i32
    %dma_wait3A_179 = arith.constant 0 : i32
    %dma_wait3A_180 = tpu.memref_slice %arg15[%dma_wait3A_176, %dma_wait3A_178, %dma_wait3A_179] : memref<3x128x32xf32, #tpu.memory_space<vmem>> -> memref<1x128x32xf32, #tpu.memory_space<vmem>>
    %dma_wait3A_181 = tpu.memref_squeeze %dma_wait3A_180 : memref<1x128x32xf32, #tpu.memory_space<vmem>> -> memref<128x32xf32, #tpu.memory_space<vmem>>
    %dma_wait3A_182 = arith.constant 0 : i32
    %dma_wait3A_183 = tpu.memref_slice %arg12[%dma_wait3A_177, %dma_wait3A_182] : memref<3x128xi32, #tpu.memory_space<vmem>> -> memref<1x128xi32, #tpu.memory_space<vmem>>
    %dma_wait3A_184 = tpu.memref_squeeze %dma_wait3A_183 : memref<1x128xi32, #tpu.memory_space<vmem>> -> memref<128xi32, #tpu.memory_space<vmem>>
    %dma_wait3A_185 = arith.constant 0 : i32
    %dma_wait3A_186 = arith.constant 0 : i32
    %dma_wait3A_187 = tpu.memref_slice %arg16[%dma_wait3A_185, %dma_wait3A_186] : memref<50176x32xf32, #tpu.memory_space<vmem_shared>> -> memref<50176x32xf32, #tpu.memory_space<vmem_shared>>
    tpu.wait_indirect_dma semaphore(%arg20 : memref<!tpu.dma_semaphore, #tpu.memory_space<semaphore_mem>>) src(%dma_wait3A_181 : memref<128x32xf32, #tpu.memory_space<vmem>>) dst(%dma_wait3A_187 : memref<50176x32xf32, #tpu.memory_space<vmem_shared>>)
    %barrier3A_188 = arith.constant 0 : index
    tpu.barrier barrier_id(%barrier3A_188)
    %mul3A_189 = arith.constant 3136 : i32
    %mul3A_190 = arith.muli %arg1, %mul3A_189 : i32
    %mul3A_191 = arith.constant 3136 : i32
    %mul3A_192 = arith.muli %arg1, %mul3A_191 : i32
    "tpu.region"() ({
      %run_scoped3A_193 = tpu.sem_alloc : memref<!tpu.dma_semaphore, #tpu.memory_space<semaphore_mem>>
      %dma_start3A_194 = arith.constant 0 : i32
      %dma_start3A_195 = tpu.memref_slice %arg7[%arg0, %mul3A_192, %dma_start3A_194] : memref<2x50176x32xf32, #tpu.memory_space<hbm>> -> memref<1x3136x32xf32, #tpu.memory_space<hbm>>
      %dma_start3A_196 = tpu.memref_squeeze %dma_start3A_195 : memref<1x3136x32xf32, #tpu.memory_space<hbm>> -> memref<3136x32xf32, #tpu.memory_space<hbm>>
      %dma_start3A_197 = arith.constant 0 : i32
      %dma_start3A_198 = tpu.memref_slice %arg16[%mul3A_190, %dma_start3A_197] : memref<50176x32xf32, #tpu.memory_space<vmem_shared>> -> memref<3136x32xf32, #tpu.memory_space<vmem_shared>>
      tpu.enqueue_dma source(%dma_start3A_198 : memref<3136x32xf32, #tpu.memory_space<vmem_shared>>) target(%dma_start3A_196 : memref<3136x32xf32, #tpu.memory_space<hbm>>) target_semaphore(%run_scoped3A_193 : memref<!tpu.dma_semaphore, #tpu.memory_space<semaphore_mem>>)
      %dma_wait3A_199 = arith.constant 0 : i32
      %dma_wait3A_200 = tpu.memref_slice %arg7[%arg0, %mul3A_192, %dma_wait3A_199] : memref<2x50176x32xf32, #tpu.memory_space<hbm>> -> memref<1x3136x32xf32, #tpu.memory_space<hbm>>
      %dma_wait3A_201 = tpu.memref_squeeze %dma_wait3A_200 : memref<1x3136x32xf32, #tpu.memory_space<hbm>> -> memref<3136x32xf32, #tpu.memory_space<hbm>>
      %dma_wait3A_202 = arith.constant 0 : i32
      %dma_wait3A_203 = tpu.memref_slice %arg16[%mul3A_190, %dma_wait3A_202] : memref<50176x32xf32, #tpu.memory_space<vmem_shared>> -> memref<3136x32xf32, #tpu.memory_space<vmem_shared>>
      tpu.wait_dma2 semaphore(%run_scoped3A_193 : memref<!tpu.dma_semaphore, #tpu.memory_space<semaphore_mem>>) src(%dma_wait3A_203 : memref<3136x32xf32, #tpu.memory_space<vmem_shared>>) dst(%dma_wait3A_201 : memref<3136x32xf32, #tpu.memory_space<hbm>>)
      tpu.yield
    }) : () -> ()
    return
  }
}

module attributes {stable_mosaic.version = 14 : i64} {
  func.func @_t1_body(%arg0: i32, %arg1: memref<1024x1xf32, #tpu.memory_space<vmem>>, %arg2: memref<1024x1xf32, #tpu.memory_space<vmem>>, %arg3: memref<1024x60xf32, #tpu.memory_space<vmem>>, %arg4: memref<2x1024x32xf32, #tpu.memory_space<vmem>>, %arg5: memref<1024x1xf32, #tpu.memory_space<vmem>>) attributes {dimension_semantics = [#tpu.dimension_semantics<arbitrary>], iteration_bounds = array<i64: 49>, scalar_prefetch = 0 : i64, scratch_operands = 0 : i64, tpu.core_type = #tpu.core_type<tc>, window_params = [{transform_indices = @transform_0, window_bounds = array<i64: 1024, 1>}, {transform_indices = @transform_1, window_bounds = array<i64: 1024, 1>}, {transform_indices = @transform_2, window_bounds = array<i64: 1024, 60>}, {transform_indices = @transform_3, window_bounds = array<i64: 2, 1024, 32>}, {transform_indices = @transform_4, window_bounds = array<i64: 1024, 1>}]} {
    %get3A = arith.constant 0 : index
    %get3A_0 = arith.constant 0 : index
    %get3A_1 = vector.load %arg1[%get3A, %get3A_0] : memref<1024x1xf32, #tpu.memory_space<vmem>>, vector<1024x1xf32>
    %get3A_2 = arith.constant 0 : index
    %get3A_3 = arith.constant 0 : index
    %get3A_4 = vector.load %arg2[%get3A_2, %get3A_3] : memref<1024x1xf32, #tpu.memory_space<vmem>>, vector<1024x1xf32>
    %add3A = arith.addf %get3A_1, %get3A_4 : vector<1024x1xf32>
    %add3A_5 = arith.constant 1.000000e+00 : f32
    %add3A_6 = vector.broadcast %add3A_5 : f32 to vector<1024x1xf32>
    %add3A_7 = arith.addf %add3A, %add3A_6 : vector<1024x1xf32>
    %rsqrt3A = math.rsqrt %add3A_7 : vector<1024x1xf32>
    %swap3A = arith.constant 0 : index
    %swap3A_8 = arith.constant 0 : index
    %swap3A_9 = vector.load %arg5[%swap3A, %swap3A_8] : memref<1024x1xf32, #tpu.memory_space<vmem>>, vector<1024x1xf32>
    tpu.vector_store %arg5[%swap3A, %swap3A_8], %rsqrt3A {strides = array<i32>} : memref<1024x1xf32, #tpu.memory_space<vmem>>, vector<1024x1xf32>,
    %get3A_10 = arith.constant 0 : index
    %get3A_11 = arith.constant 0 : index
    %get3A_12 = vector.load %arg3[%get3A_10, %get3A_11] : memref<1024x60xf32, #tpu.memory_space<vmem>>, vector<1024x60xf32>
    %broadcast_in_dim3A = arith.constant 0.000000e+00 : f32
    %broadcast_in_dim3A_13 = vector.broadcast %broadcast_in_dim3A : f32 to vector<1024x2xf32>
    %slice3A = vector.extract_strided_slice %get3A_12 {offsets = [0, 0], sizes = [1024, 30], strides = [1, 1]} : vector<1024x60xf32> to vector<1024x30xf32>
    %mul3A = vector.broadcast %rsqrt3A : vector<1024x1xf32> to vector<1024x30xf32>
    %mul3A_14 = arith.mulf %slice3A, %mul3A : vector<1024x30xf32>
    %concatenate3A = tpu.concatenate %mul3A_14, %broadcast_in_dim3A_13 in 1 : vector<1024x30xf32>, vector<1024x2xf32> -> vector<1024x32xf32>
    %swap3A_15 = arith.constant 0 : index
    %swap3A_16 = arith.constant 0 : index
    %swap3A_17 = arith.constant 0 : index
    %swap3A_18 = vector.load %arg4[%swap3A_15, %swap3A_16, %swap3A_17] : memref<2x1024x32xf32, #tpu.memory_space<vmem>>, vector<1x1024x32xf32>
    %swap3A_19 = vector.shape_cast %swap3A_18 : vector<1x1024x32xf32> to vector<1024x32xf32>
    %swap3A_20 = vector.shape_cast %concatenate3A : vector<1024x32xf32> to vector<1x1024x32xf32>
    tpu.vector_store %arg4[%swap3A_15, %swap3A_16, %swap3A_17], %swap3A_20 {strides = array<i32>} : memref<2x1024x32xf32, #tpu.memory_space<vmem>>, vector<1x1024x32xf32>,
    %slice3A_21 = vector.extract_strided_slice %get3A_12 {offsets = [0, 30], sizes = [1024, 30], strides = [1, 1]} : vector<1024x60xf32> to vector<1024x30xf32>
    %mul3A_22 = vector.broadcast %rsqrt3A : vector<1024x1xf32> to vector<1024x30xf32>
    %mul3A_23 = arith.mulf %slice3A_21, %mul3A_22 : vector<1024x30xf32>
    %concatenate3A_24 = tpu.concatenate %mul3A_23, %broadcast_in_dim3A_13 in 1 : vector<1024x30xf32>, vector<1024x2xf32> -> vector<1024x32xf32>
    %swap3A_25 = arith.constant 1 : index
    %swap3A_26 = arith.constant 0 : index
    %swap3A_27 = arith.constant 0 : index
    %swap3A_28 = vector.load %arg4[%swap3A_25, %swap3A_26, %swap3A_27] : memref<2x1024x32xf32, #tpu.memory_space<vmem>>, vector<1x1024x32xf32>
    %swap3A_29 = vector.shape_cast %swap3A_28 : vector<1x1024x32xf32> to vector<1024x32xf32>
    %swap3A_30 = vector.shape_cast %concatenate3A_24 : vector<1024x32xf32> to vector<1x1024x32xf32>
    tpu.vector_store %arg4[%swap3A_25, %swap3A_26, %swap3A_27], %swap3A_30 {strides = array<i32>} : memref<2x1024x32xf32, #tpu.memory_space<vmem>>, vector<1x1024x32xf32>,
    return
  }
  func.func @transform_0(%arg0: i32) -> (i32, i32) {
    %c0_i32 = arith.constant 0 : i32
    %c0_i32_0 = arith.constant 0 : i32
    return %arg0, %c0_i32 : i32, i32
  }
  func.func @transform_1(%arg0: i32) -> (i32, i32) {
    %c0_i32 = arith.constant 0 : i32
    %c0_i32_0 = arith.constant 0 : i32
    return %arg0, %c0_i32 : i32, i32
  }
  func.func @transform_2(%arg0: i32) -> (i32, i32) {
    %c0_i32 = arith.constant 0 : i32
    %c0_i32_0 = arith.constant 0 : i32
    return %arg0, %c0_i32 : i32, i32
  }
  func.func @transform_3(%arg0: i32) -> (i32, i32, i32) {
    %c0_i32 = arith.constant 0 : i32
    %c0_i32_0 = arith.constant 0 : i32
    %c0_i32_1 = arith.constant 0 : i32
    return %c0_i32, %arg0, %c0_i32_0 : i32, i32, i32
  }
  func.func @transform_4(%arg0: i32) -> (i32, i32) {
    %c0_i32 = arith.constant 0 : i32
    %c0_i32_0 = arith.constant 0 : i32
    return %arg0, %c0_i32 : i32, i32
  }
}

module attributes {stable_mosaic.version = 14 : i64} {
  func.func @_head_body(%arg0: i32, %arg1: memref<2x1024x32xf32, #tpu.memory_space<vmem>>, %arg2: memref<2x1024x32xf32, #tpu.memory_space<vmem>>, %arg3: memref<1024x1xf32, #tpu.memory_space<vmem>>, %arg4: memref<1x128xf32, #tpu.memory_space<vmem>>, %arg5: memref<8x64xf32, #tpu.memory_space<vmem>>, %arg6: memref<8x64xf32, #tpu.memory_space<vmem>>, %arg7: memref<64x64xf32, #tpu.memory_space<vmem>>, %arg8: memref<64x64xf32, #tpu.memory_space<vmem>>, %arg9: memref<1x64xf32, #tpu.memory_space<vmem>>, %arg10: memref<1x64xf32, #tpu.memory_space<vmem>>, %arg11: memref<1x64xf32, #tpu.memory_space<vmem>>, %arg12: memref<1x64xf32, #tpu.memory_space<vmem>>, %arg13: memref<64x32xf32, #tpu.memory_space<vmem>>, %arg14: memref<1x32xf32, #tpu.memory_space<vmem>>, %arg15: memref<1x32xf32, #tpu.memory_space<vmem>>, %arg16: memref<1x128xf32, #tpu.memory_space<vmem>>, %arg17: memref<1024x64xf32, #tpu.memory_space<vmem>>, %arg18: memref<1024x1xf32, #tpu.memory_space<vmem>>) attributes {dimension_semantics = [#tpu.dimension_semantics<arbitrary>], iteration_bounds = array<i64: 49>, scalar_prefetch = 0 : i64, scratch_operands = 0 : i64, tpu.core_type = #tpu.core_type<tc>, window_params = [{transform_indices = @transform_0, window_bounds = array<i64: 2, 1024, 32>}, {transform_indices = @transform_1, window_bounds = array<i64: 2, 1024, 32>}, {transform_indices = @transform_2, window_bounds = array<i64: 1024, 1>}, {pipeline_mode = #tpu.pipeline_mode<synchronous>, transform_indices = @transform_3, window_bounds = array<i64: 1, 128>}, {pipeline_mode = #tpu.pipeline_mode<synchronous>, transform_indices = @transform_4, window_bounds = array<i64: 8, 64>}, {pipeline_mode = #tpu.pipeline_mode<synchronous>, transform_indices = @transform_5, window_bounds = array<i64: 8, 64>}, {pipeline_mode = #tpu.pipeline_mode<synchronous>, transform_indices = @transform_6, window_bounds = array<i64: 64, 64>}, {pipeline_mode = #tpu.pipeline_mode<synchronous>, transform_indices = @transform_7, window_bounds = array<i64: 64, 64>}, {pipeline_mode = #tpu.pipeline_mode<synchronous>, transform_indices = @transform_8, window_bounds = array<i64: 1, 64>}, {pipeline_mode = #tpu.pipeline_mode<synchronous>, transform_indices = @transform_9, window_bounds = array<i64: 1, 64>}, {pipeline_mode = #tpu.pipeline_mode<synchronous>, transform_indices = @transform_10, window_bounds = array<i64: 1, 64>}, {pipeline_mode = #tpu.pipeline_mode<synchronous>, transform_indices = @transform_11, window_bounds = array<i64: 1, 64>}, {pipeline_mode = #tpu.pipeline_mode<synchronous>, transform_indices = @transform_12, window_bounds = array<i64: 64, 32>}, {pipeline_mode = #tpu.pipeline_mode<synchronous>, transform_indices = @transform_13, window_bounds = array<i64: 1, 32>}, {pipeline_mode = #tpu.pipeline_mode<synchronous>, transform_indices = @transform_14, window_bounds = array<i64: 1, 32>}, {pipeline_mode = #tpu.pipeline_mode<synchronous>, transform_indices = @transform_15, window_bounds = array<i64: 1, 128>}, {transform_indices = @transform_16, window_bounds = array<i64: 1024, 64>}, {transform_indices = @transform_17, window_bounds = array<i64: 1024, 1>}]} {
    %get3A = arith.constant 0 : index
    %get3A_0 = arith.constant 0 : index
    %get3A_1 = vector.load %arg3[%get3A, %get3A_0] : memref<1024x1xf32, #tpu.memory_space<vmem>>, vector<1024x1xf32>
    %get3A_2 = arith.constant 0 : index
    %get3A_3 = arith.constant 0 : index
    %get3A_4 = vector.load %arg4[%get3A_2, %get3A_3] : memref<1x128xf32, #tpu.memory_space<vmem>>, vector<1x128xf32>
    %reduce_max3A = arith.constant dense<0xFF800000> : vector<1xf32>
    %reduce_max3A_5 = vector.multi_reduction <maximumf>, %get3A_4, %reduce_max3A [1] : vector<1x128xf32> to vector<1xf32>
    %broadcast_in_dim3A = vector.shape_cast %reduce_max3A_5 : vector<1xf32> to vector<1x1xf32>
    %sub3A = vector.broadcast %broadcast_in_dim3A : vector<1x1xf32> to vector<1x128xf32>
    %sub3A_6 = arith.subf %get3A_4, %sub3A : vector<1x128xf32>
    %exp3A = math.exp %sub3A_6 : vector<1x128xf32>
    %reduce_sum3A = arith.constant dense<0.000000e+00> : vector<1xf32>
    %reduce_sum3A_7 = vector.multi_reduction <add>, %exp3A, %reduce_sum3A [1] : vector<1x128xf32> to vector<1xf32>
    %broadcast_in_dim3A_8 = vector.shape_cast %reduce_sum3A_7 : vector<1xf32> to vector<1x1xf32>
    %div3A = vector.broadcast %broadcast_in_dim3A_8 : vector<1x1xf32> to vector<1x128xf32>
    %div3A_9 = arith.divf %exp3A, %div3A : vector<1x128xf32>
    %get3A_10 = arith.constant 0 : index
    %get3A_11 = arith.constant 0 : index
    %get3A_12 = vector.load %arg7[%get3A_10, %get3A_11] : memref<64x64xf32, #tpu.memory_space<vmem>>, vector<64x64xf32>
    %get3A_13 = arith.constant 0 : index
    %get3A_14 = arith.constant 0 : index
    %get3A_15 = vector.load %arg8[%get3A_13, %get3A_14] : memref<64x64xf32, #tpu.memory_space<vmem>>, vector<64x64xf32>
    %get3A_16 = arith.constant 0 : index
    %get3A_17 = arith.constant 0 : index
    %get3A_18 = vector.load %arg5[%get3A_16, %get3A_17] : memref<8x64xf32, #tpu.memory_space<vmem>>, vector<8x64xf32>
    %dot_general3A = arith.constant dense<0.000000e+00> : vector<8x64xf32>
    %dot_general3A_19 = tpu.matmul %get3A_18, %get3A_12, %dot_general3A {dimension_numbers = #tpu.dot_dimension_numbers<[1], [0], [0], [1], [0, 0, 1, 1], [], []>, transpose_lhs_hint = false} : vector<8x64xf32>, vector<64x64xf32>, vector<8x64xf32> -> vector<8x64xf32>
    %get3A_20 = arith.constant 0 : index
    %get3A_21 = arith.constant 0 : index
    %get3A_22 = vector.load %arg6[%get3A_20, %get3A_21] : memref<8x64xf32, #tpu.memory_space<vmem>>, vector<8x64xf32>
    %dot_general3A_23 = arith.constant dense<0.000000e+00> : vector<8x64xf32>
    %dot_general3A_24 = tpu.matmul %get3A_22, %get3A_15, %dot_general3A_23 {dimension_numbers = #tpu.dot_dimension_numbers<[1], [0], [0], [1], [0, 0, 1, 1], [], []>, transpose_lhs_hint = false} : vector<8x64xf32>, vector<64x64xf32>, vector<8x64xf32> -> vector<8x64xf32>
    %get3A_25 = arith.constant 0 : index
    %get3A_26 = arith.constant 0 : index
    %get3A_27 = vector.load %arg9[%get3A_25, %get3A_26] : memref<1x64xf32, #tpu.memory_space<vmem>>, vector<1x64xf32>
    %dot_general3A_28 = arith.constant dense<0.000000e+00> : vector<1x64xf32>
    %dot_general3A_29 = tpu.matmul %get3A_27, %get3A_12, %dot_general3A_28 {dimension_numbers = #tpu.dot_dimension_numbers<[1], [0], [0], [1], [0, 0, 1, 1], [], []>, transpose_lhs_hint = false} : vector<1x64xf32>, vector<64x64xf32>, vector<1x64xf32> -> vector<1x64xf32>
    %get3A_30 = arith.constant 0 : index
    %get3A_31 = arith.constant 0 : index
    %get3A_32 = vector.load %arg11[%get3A_30, %get3A_31] : memref<1x64xf32, #tpu.memory_space<vmem>>, vector<1x64xf32>
    %add3A = arith.addf %dot_general3A_29, %get3A_32 : vector<1x64xf32>
    %get3A_33 = arith.constant 0 : index
    %get3A_34 = arith.constant 0 : index
    %get3A_35 = vector.load %arg10[%get3A_33, %get3A_34] : memref<1x64xf32, #tpu.memory_space<vmem>>, vector<1x64xf32>
    %dot_general3A_36 = arith.constant dense<0.000000e+00> : vector<1x64xf32>
    %dot_general3A_37 = tpu.matmul %get3A_35, %get3A_15, %dot_general3A_36 {dimension_numbers = #tpu.dot_dimension_numbers<[1], [0], [0], [1], [0, 0, 1, 1], [], []>, transpose_lhs_hint = false} : vector<1x64xf32>, vector<64x64xf32>, vector<1x64xf32> -> vector<1x64xf32>
    %get3A_38 = arith.constant 0 : index
    %get3A_39 = arith.constant 0 : index
    %get3A_40 = vector.load %arg12[%get3A_38, %get3A_39] : memref<1x64xf32, #tpu.memory_space<vmem>>, vector<1x64xf32>
    %add3A_41 = arith.addf %dot_general3A_37, %get3A_40 : vector<1x64xf32>
    %broadcast_in_dim3A_42 = arith.constant 0.000000e+00 : f32
    %broadcast_in_dim3A_43 = vector.broadcast %broadcast_in_dim3A_42 : f32 to vector<1024x8xf32>
    %get3A_44 = arith.constant 0 : index
    %get3A_45 = arith.constant 0 : index
    %get3A_46 = arith.constant 0 : index
    %get3A_47 = vector.load %arg1[%get3A_44, %get3A_45, %get3A_46] : memref<2x1024x32xf32, #tpu.memory_space<vmem>>, vector<1x1024x32xf32>
    %get3A_48 = vector.shape_cast %get3A_47 : vector<1x1024x32xf32> to vector<1024x32xf32>
    %get3A_49 = arith.constant 0 : index
    %get3A_50 = arith.constant 0 : index
    %get3A_51 = arith.constant 0 : index
    %get3A_52 = vector.load %arg2[%get3A_49, %get3A_50, %get3A_51] : memref<2x1024x32xf32, #tpu.memory_space<vmem>>, vector<1x1024x32xf32>
    %get3A_53 = vector.shape_cast %get3A_52 : vector<1x1024x32xf32> to vector<1024x32xf32>
    %add3A_54 = arith.addf %get3A_48, %get3A_53 : vector<1024x32xf32>
    %mul3A = vector.broadcast %get3A_1 : vector<1024x1xf32> to vector<1024x32xf32>
    %mul3A_55 = arith.mulf %mul3A, %add3A_54 : vector<1024x32xf32>
    %concatenate3A = tpu.concatenate %mul3A_55, %broadcast_in_dim3A_43 in 1 : vector<1024x32xf32>, vector<1024x8xf32> -> vector<1024x40xf32>
    %get3A_56 = arith.constant 1 : index
    %get3A_57 = arith.constant 0 : index
    %get3A_58 = arith.constant 0 : index
    %get3A_59 = vector.load %arg1[%get3A_56, %get3A_57, %get3A_58] : memref<2x1024x32xf32, #tpu.memory_space<vmem>>, vector<1x1024x32xf32>
    %get3A_60 = vector.shape_cast %get3A_59 : vector<1x1024x32xf32> to vector<1024x32xf32>
    %get3A_61 = arith.constant 1 : index
    %get3A_62 = arith.constant 0 : index
    %get3A_63 = arith.constant 0 : index
    %get3A_64 = vector.load %arg2[%get3A_61, %get3A_62, %get3A_63] : memref<2x1024x32xf32, #tpu.memory_space<vmem>>, vector<1x1024x32xf32>
    %get3A_65 = vector.shape_cast %get3A_64 : vector<1x1024x32xf32> to vector<1024x32xf32>
    %add3A_66 = arith.addf %get3A_60, %get3A_65 : vector<1024x32xf32>
    %mul3A_67 = vector.broadcast %get3A_1 : vector<1024x1xf32> to vector<1024x32xf32>
    %mul3A_68 = arith.mulf %mul3A_67, %add3A_66 : vector<1024x32xf32>
    %concatenate3A_69 = tpu.concatenate %mul3A_68, %broadcast_in_dim3A_43 in 1 : vector<1024x32xf32>, vector<1024x8xf32> -> vector<1024x40xf32>
    %broadcast_in_dim3A_70 = arith.constant 0.000000e+00 : f32
    %broadcast_in_dim3A_71 = vector.broadcast %broadcast_in_dim3A_70 : f32 to vector<1024x64xf32>
    %slice3A = vector.extract_strided_slice %concatenate3A {offsets = [0, 0], sizes = [1024, 8], strides = [1, 1]} : vector<1024x40xf32> to vector<1024x8xf32>
    %dot_general3A_72 = arith.constant dense<0.000000e+00> : vector<1024x64xf32>
    %dot_general3A_73 = tpu.matmul %slice3A, %dot_general3A_19, %dot_general3A_72 {dimension_numbers = #tpu.dot_dimension_numbers<[1], [0], [0], [1], [0, 0, 1, 1], [], []>, transpose_lhs_hint = false} : vector<1024x8xf32>, vector<8x64xf32>, vector<1024x64xf32> -> vector<1024x64xf32>
    %add3A_74 = vector.broadcast %add3A : vector<1x64xf32> to vector<1024x64xf32>
    %add3A_75 = arith.addf %dot_general3A_73, %add3A_74 : vector<1024x64xf32>
    %dot_general3A_76 = arith.constant dense<0.000000e+00> : vector<1024x64xf32>
    %dot_general3A_77 = tpu.matmul %slice3A, %dot_general3A_24, %dot_general3A_76 {dimension_numbers = #tpu.dot_dimension_numbers<[1], [0], [0], [1], [0, 0, 1, 1], [], []>, transpose_lhs_hint = false} : vector<1024x8xf32>, vector<8x64xf32>, vector<1024x64xf32> -> vector<1024x64xf32>
    %add3A_78 = vector.broadcast %add3A_41 : vector<1x64xf32> to vector<1024x64xf32>
    %add3A_79 = arith.addf %dot_general3A_77, %add3A_78 : vector<1024x64xf32>
    %slice3A_80 = vector.extract_strided_slice %div3A_9 {offsets = [0, 0], sizes = [1, 1], strides = [1, 1]} : vector<1x128xf32> to vector<1x1xf32>
    %mul3A_81 = arith.constant -5.000000e-01 : f32
    %mul3A_82 = vector.broadcast %mul3A_81 : f32 to vector<1024x64xf32>
    %mul3A_83 = arith.mulf %mul3A_82, %add3A_75 : vector<1024x64xf32>
    %tanh3A = math.tanh %mul3A_83 : vector<1024x64xf32>
    %add3A_84 = arith.constant 1.000000e+00 : f32
    %add3A_85 = vector.broadcast %add3A_84 : f32 to vector<1024x64xf32>
    %add3A_86 = arith.addf %add3A_85, %tanh3A : vector<1024x64xf32>
    %mul3A_87 = arith.constant 5.000000e-01 : f32
    %mul3A_88 = vector.broadcast %mul3A_87 : f32 to vector<1x1xf32>
    %mul3A_89 = arith.mulf %mul3A_88, %slice3A_80 : vector<1x1xf32>
    %mul3A_90 = vector.broadcast %mul3A_89 : vector<1x1xf32> to vector<1024x64xf32>
    %mul3A_91 = arith.mulf %mul3A_90, %add3A_86 : vector<1024x64xf32>
    %tanh3A_92 = math.tanh %add3A_79 : vector<1024x64xf32>
    %mul3A_93 = arith.mulf %mul3A_91, %tanh3A_92 : vector<1024x64xf32>
    %add3A_94 = arith.addf %broadcast_in_dim3A_71, %mul3A_93 : vector<1024x64xf32>
    %slice3A_95 = vector.extract_strided_slice %concatenate3A {offsets = [0, 5], sizes = [1024, 8], strides = [1, 1]} : vector<1024x40xf32> to vector<1024x8xf32>
    %dot_general3A_96 = arith.constant dense<0.000000e+00> : vector<1024x64xf32>
    %dot_general3A_97 = tpu.matmul %slice3A_95, %dot_general3A_19, %dot_general3A_96 {dimension_numbers = #tpu.dot_dimension_numbers<[1], [0], [0], [1], [0, 0, 1, 1], [], []>, transpose_lhs_hint = false} : vector<1024x8xf32>, vector<8x64xf32>, vector<1024x64xf32> -> vector<1024x64xf32>
    %add3A_98 = vector.broadcast %add3A : vector<1x64xf32> to vector<1024x64xf32>
    %add3A_99 = arith.addf %dot_general3A_97, %add3A_98 : vector<1024x64xf32>
    %dot_general3A_100 = arith.constant dense<0.000000e+00> : vector<1024x64xf32>
    %dot_general3A_101 = tpu.matmul %slice3A_95, %dot_general3A_24, %dot_general3A_100 {dimension_numbers = #tpu.dot_dimension_numbers<[1], [0], [0], [1], [0, 0, 1, 1], [], []>, transpose_lhs_hint = false} : vector<1024x8xf32>, vector<8x64xf32>, vector<1024x64xf32> -> vector<1024x64xf32>
    %add3A_102 = vector.broadcast %add3A_41 : vector<1x64xf32> to vector<1024x64xf32>
    %add3A_103 = arith.addf %dot_general3A_101, %add3A_102 : vector<1024x64xf32>
    %slice3A_104 = vector.extract_strided_slice %div3A_9 {offsets = [0, 1], sizes = [1, 1], strides = [1, 1]} : vector<1x128xf32> to vector<1x1xf32>
    %mul3A_105 = arith.constant -5.000000e-01 : f32
    %mul3A_106 = vector.broadcast %mul3A_105 : f32 to vector<1024x64xf32>
    %mul3A_107 = arith.mulf %mul3A_106, %add3A_99 : vector<1024x64xf32>
    %tanh3A_108 = math.tanh %mul3A_107 : vector<1024x64xf32>
    %add3A_109 = arith.constant 1.000000e+00 : f32
    %add3A_110 = vector.broadcast %add3A_109 : f32 to vector<1024x64xf32>
    %add3A_111 = arith.addf %add3A_110, %tanh3A_108 : vector<1024x64xf32>
    %mul3A_112 = arith.constant 5.000000e-01 : f32
    %mul3A_113 = vector.broadcast %mul3A_112 : f32 to vector<1x1xf32>
    %mul3A_114 = arith.mulf %mul3A_113, %slice3A_104 : vector<1x1xf32>
    %mul3A_115 = vector.broadcast %mul3A_114 : vector<1x1xf32> to vector<1024x64xf32>
    %mul3A_116 = arith.mulf %mul3A_115, %add3A_111 : vector<1024x64xf32>
    %tanh3A_117 = math.tanh %add3A_103 : vector<1024x64xf32>
    %mul3A_118 = arith.mulf %mul3A_116, %tanh3A_117 : vector<1024x64xf32>
    %add3A_119 = arith.addf %add3A_94, %mul3A_118 : vector<1024x64xf32>
    %slice3A_120 = vector.extract_strided_slice %concatenate3A {offsets = [0, 10], sizes = [1024, 8], strides = [1, 1]} : vector<1024x40xf32> to vector<1024x8xf32>
    %dot_general3A_121 = arith.constant dense<0.000000e+00> : vector<1024x64xf32>
    %dot_general3A_122 = tpu.matmul %slice3A_120, %dot_general3A_19, %dot_general3A_121 {dimension_numbers = #tpu.dot_dimension_numbers<[1], [0], [0], [1], [0, 0, 1, 1], [], []>, transpose_lhs_hint = false} : vector<1024x8xf32>, vector<8x64xf32>, vector<1024x64xf32> -> vector<1024x64xf32>
    %add3A_123 = vector.broadcast %add3A : vector<1x64xf32> to vector<1024x64xf32>
    %add3A_124 = arith.addf %dot_general3A_122, %add3A_123 : vector<1024x64xf32>
    %dot_general3A_125 = arith.constant dense<0.000000e+00> : vector<1024x64xf32>
    %dot_general3A_126 = tpu.matmul %slice3A_120, %dot_general3A_24, %dot_general3A_125 {dimension_numbers = #tpu.dot_dimension_numbers<[1], [0], [0], [1], [0, 0, 1, 1], [], []>, transpose_lhs_hint = false} : vector<1024x8xf32>, vector<8x64xf32>, vector<1024x64xf32> -> vector<1024x64xf32>
    %add3A_127 = vector.broadcast %add3A_41 : vector<1x64xf32> to vector<1024x64xf32>
    %add3A_128 = arith.addf %dot_general3A_126, %add3A_127 : vector<1024x64xf32>
    %slice3A_129 = vector.extract_strided_slice %div3A_9 {offsets = [0, 2], sizes = [1, 1], strides = [1, 1]} : vector<1x128xf32> to vector<1x1xf32>
    %mul3A_130 = arith.constant -5.000000e-01 : f32
    %mul3A_131 = vector.broadcast %mul3A_130 : f32 to vector<1024x64xf32>
    %mul3A_132 = arith.mulf %mul3A_131, %add3A_124 : vector<1024x64xf32>
    %tanh3A_133 = math.tanh %mul3A_132 : vector<1024x64xf32>
    %add3A_134 = arith.constant 1.000000e+00 : f32
    %add3A_135 = vector.broadcast %add3A_134 : f32 to vector<1024x64xf32>
    %add3A_136 = arith.addf %add3A_135, %tanh3A_133 : vector<1024x64xf32>
    %mul3A_137 = arith.constant 5.000000e-01 : f32
    %mul3A_138 = vector.broadcast %mul3A_137 : f32 to vector<1x1xf32>
    %mul3A_139 = arith.mulf %mul3A_138, %slice3A_129 : vector<1x1xf32>
    %mul3A_140 = vector.broadcast %mul3A_139 : vector<1x1xf32> to vector<1024x64xf32>
    %mul3A_141 = arith.mulf %mul3A_140, %add3A_136 : vector<1024x64xf32>
    %tanh3A_142 = math.tanh %add3A_128 : vector<1024x64xf32>
    %mul3A_143 = arith.mulf %mul3A_141, %tanh3A_142 : vector<1024x64xf32>
    %add3A_144 = arith.addf %add3A_119, %mul3A_143 : vector<1024x64xf32>
    %slice3A_145 = vector.extract_strided_slice %concatenate3A {offsets = [0, 15], sizes = [1024, 8], strides = [1, 1]} : vector<1024x40xf32> to vector<1024x8xf32>
    %dot_general3A_146 = arith.constant dense<0.000000e+00> : vector<1024x64xf32>
    %dot_general3A_147 = tpu.matmul %slice3A_145, %dot_general3A_19, %dot_general3A_146 {dimension_numbers = #tpu.dot_dimension_numbers<[1], [0], [0], [1], [0, 0, 1, 1], [], []>, transpose_lhs_hint = false} : vector<1024x8xf32>, vector<8x64xf32>, vector<1024x64xf32> -> vector<1024x64xf32>
    %add3A_148 = vector.broadcast %add3A : vector<1x64xf32> to vector<1024x64xf32>
    %add3A_149 = arith.addf %dot_general3A_147, %add3A_148 : vector<1024x64xf32>
    %dot_general3A_150 = arith.constant dense<0.000000e+00> : vector<1024x64xf32>
    %dot_general3A_151 = tpu.matmul %slice3A_145, %dot_general3A_24, %dot_general3A_150 {dimension_numbers = #tpu.dot_dimension_numbers<[1], [0], [0], [1], [0, 0, 1, 1], [], []>, transpose_lhs_hint = false} : vector<1024x8xf32>, vector<8x64xf32>, vector<1024x64xf32> -> vector<1024x64xf32>
    %add3A_152 = vector.broadcast %add3A_41 : vector<1x64xf32> to vector<1024x64xf32>
    %add3A_153 = arith.addf %dot_general3A_151, %add3A_152 : vector<1024x64xf32>
    %slice3A_154 = vector.extract_strided_slice %div3A_9 {offsets = [0, 3], sizes = [1, 1], strides = [1, 1]} : vector<1x128xf32> to vector<1x1xf32>
    %mul3A_155 = arith.constant -5.000000e-01 : f32
    %mul3A_156 = vector.broadcast %mul3A_155 : f32 to vector<1024x64xf32>
    %mul3A_157 = arith.mulf %mul3A_156, %add3A_149 : vector<1024x64xf32>
    %tanh3A_158 = math.tanh %mul3A_157 : vector<1024x64xf32>
    %add3A_159 = arith.constant 1.000000e+00 : f32
    %add3A_160 = vector.broadcast %add3A_159 : f32 to vector<1024x64xf32>
    %add3A_161 = arith.addf %add3A_160, %tanh3A_158 : vector<1024x64xf32>
    %mul3A_162 = arith.constant 5.000000e-01 : f32
    %mul3A_163 = vector.broadcast %mul3A_162 : f32 to vector<1x1xf32>
    %mul3A_164 = arith.mulf %mul3A_163, %slice3A_154 : vector<1x1xf32>
    %mul3A_165 = vector.broadcast %mul3A_164 : vector<1x1xf32> to vector<1024x64xf32>
    %mul3A_166 = arith.mulf %mul3A_165, %add3A_161 : vector<1024x64xf32>
    %tanh3A_167 = math.tanh %add3A_153 : vector<1024x64xf32>
    %mul3A_168 = arith.mulf %mul3A_166, %tanh3A_167 : vector<1024x64xf32>
    %add3A_169 = arith.addf %add3A_144, %mul3A_168 : vector<1024x64xf32>
    %slice3A_170 = vector.extract_strided_slice %concatenate3A {offsets = [0, 20], sizes = [1024, 8], strides = [1, 1]} : vector<1024x40xf32> to vector<1024x8xf32>
    %dot_general3A_171 = arith.constant dense<0.000000e+00> : vector<1024x64xf32>
    %dot_general3A_172 = tpu.matmul %slice3A_170, %dot_general3A_19, %dot_general3A_171 {dimension_numbers = #tpu.dot_dimension_numbers<[1], [0], [0], [1], [0, 0, 1, 1], [], []>, transpose_lhs_hint = false} : vector<1024x8xf32>, vector<8x64xf32>, vector<1024x64xf32> -> vector<1024x64xf32>
    %add3A_173 = vector.broadcast %add3A : vector<1x64xf32> to vector<1024x64xf32>
    %add3A_174 = arith.addf %dot_general3A_172, %add3A_173 : vector<1024x64xf32>
    %dot_general3A_175 = arith.constant dense<0.000000e+00> : vector<1024x64xf32>
    %dot_general3A_176 = tpu.matmul %slice3A_170, %dot_general3A_24, %dot_general3A_175 {dimension_numbers = #tpu.dot_dimension_numbers<[1], [0], [0], [1], [0, 0, 1, 1], [], []>, transpose_lhs_hint = false} : vector<1024x8xf32>, vector<8x64xf32>, vector<1024x64xf32> -> vector<1024x64xf32>
    %add3A_177 = vector.broadcast %add3A_41 : vector<1x64xf32> to vector<1024x64xf32>
    %add3A_178 = arith.addf %dot_general3A_176, %add3A_177 : vector<1024x64xf32>
    %slice3A_179 = vector.extract_strided_slice %div3A_9 {offsets = [0, 4], sizes = [1, 1], strides = [1, 1]} : vector<1x128xf32> to vector<1x1xf32>
    %mul3A_180 = arith.constant -5.000000e-01 : f32
    %mul3A_181 = vector.broadcast %mul3A_180 : f32 to vector<1024x64xf32>
    %mul3A_182 = arith.mulf %mul3A_181, %add3A_174 : vector<1024x64xf32>
    %tanh3A_183 = math.tanh %mul3A_182 : vector<1024x64xf32>
    %add3A_184 = arith.constant 1.000000e+00 : f32
    %add3A_185 = vector.broadcast %add3A_184 : f32 to vector<1024x64xf32>
    %add3A_186 = arith.addf %add3A_185, %tanh3A_183 : vector<1024x64xf32>
    %mul3A_187 = arith.constant 5.000000e-01 : f32
    %mul3A_188 = vector.broadcast %mul3A_187 : f32 to vector<1x1xf32>
    %mul3A_189 = arith.mulf %mul3A_188, %slice3A_179 : vector<1x1xf32>
    %mul3A_190 = vector.broadcast %mul3A_189 : vector<1x1xf32> to vector<1024x64xf32>
    %mul3A_191 = arith.mulf %mul3A_190, %add3A_186 : vector<1024x64xf32>
    %tanh3A_192 = math.tanh %add3A_178 : vector<1024x64xf32>
    %mul3A_193 = arith.mulf %mul3A_191, %tanh3A_192 : vector<1024x64xf32>
    %add3A_194 = arith.addf %add3A_169, %mul3A_193 : vector<1024x64xf32>
    %slice3A_195 = vector.extract_strided_slice %concatenate3A {offsets = [0, 25], sizes = [1024, 8], strides = [1, 1]} : vector<1024x40xf32> to vector<1024x8xf32>
    %dot_general3A_196 = arith.constant dense<0.000000e+00> : vector<1024x64xf32>
    %dot_general3A_197 = tpu.matmul %slice3A_195, %dot_general3A_19, %dot_general3A_196 {dimension_numbers = #tpu.dot_dimension_numbers<[1], [0], [0], [1], [0, 0, 1, 1], [], []>, transpose_lhs_hint = false} : vector<1024x8xf32>, vector<8x64xf32>, vector<1024x64xf32> -> vector<1024x64xf32>
    %add3A_198 = vector.broadcast %add3A : vector<1x64xf32> to vector<1024x64xf32>
    %add3A_199 = arith.addf %dot_general3A_197, %add3A_198 : vector<1024x64xf32>
    %dot_general3A_200 = arith.constant dense<0.000000e+00> : vector<1024x64xf32>
    %dot_general3A_201 = tpu.matmul %slice3A_195, %dot_general3A_24, %dot_general3A_200 {dimension_numbers = #tpu.dot_dimension_numbers<[1], [0], [0], [1], [0, 0, 1, 1], [], []>, transpose_lhs_hint = false} : vector<1024x8xf32>, vector<8x64xf32>, vector<1024x64xf32> -> vector<1024x64xf32>
    %add3A_202 = vector.broadcast %add3A_41 : vector<1x64xf32> to vector<1024x64xf32>
    %add3A_203 = arith.addf %dot_general3A_201, %add3A_202 : vector<1024x64xf32>
    %slice3A_204 = vector.extract_strided_slice %div3A_9 {offsets = [0, 5], sizes = [1, 1], strides = [1, 1]} : vector<1x128xf32> to vector<1x1xf32>
    %mul3A_205 = arith.constant -5.000000e-01 : f32
    %mul3A_206 = vector.broadcast %mul3A_205 : f32 to vector<1024x64xf32>
    %mul3A_207 = arith.mulf %mul3A_206, %add3A_199 : vector<1024x64xf32>
    %tanh3A_208 = math.tanh %mul3A_207 : vector<1024x64xf32>
    %add3A_209 = arith.constant 1.000000e+00 : f32
    %add3A_210 = vector.broadcast %add3A_209 : f32 to vector<1024x64xf32>
    %add3A_211 = arith.addf %add3A_210, %tanh3A_208 : vector<1024x64xf32>
    %mul3A_212 = arith.constant 5.000000e-01 : f32
    %mul3A_213 = vector.broadcast %mul3A_212 : f32 to vector<1x1xf32>
    %mul3A_214 = arith.mulf %mul3A_213, %slice3A_204 : vector<1x1xf32>
    %mul3A_215 = vector.broadcast %mul3A_214 : vector<1x1xf32> to vector<1024x64xf32>
    %mul3A_216 = arith.mulf %mul3A_215, %add3A_211 : vector<1024x64xf32>
    %tanh3A_217 = math.tanh %add3A_203 : vector<1024x64xf32>
    %mul3A_218 = arith.mulf %mul3A_216, %tanh3A_217 : vector<1024x64xf32>
    %add3A_219 = arith.addf %add3A_194, %mul3A_218 : vector<1024x64xf32>
    %slice3A_220 = vector.extract_strided_slice %concatenate3A_69 {offsets = [0, 0], sizes = [1024, 8], strides = [1, 1]} : vector<1024x40xf32> to vector<1024x8xf32>
    %dot_general3A_221 = arith.constant dense<0.000000e+00> : vector<1024x64xf32>
    %dot_general3A_222 = tpu.matmul %slice3A_220, %dot_general3A_19, %dot_general3A_221 {dimension_numbers = #tpu.dot_dimension_numbers<[1], [0], [0], [1], [0, 0, 1, 1], [], []>, transpose_lhs_hint = false} : vector<1024x8xf32>, vector<8x64xf32>, vector<1024x64xf32> -> vector<1024x64xf32>
    %add3A_223 = vector.broadcast %add3A : vector<1x64xf32> to vector<1024x64xf32>
    %add3A_224 = arith.addf %dot_general3A_222, %add3A_223 : vector<1024x64xf32>
    %dot_general3A_225 = arith.constant dense<0.000000e+00> : vector<1024x64xf32>
    %dot_general3A_226 = tpu.matmul %slice3A_220, %dot_general3A_24, %dot_general3A_225 {dimension_numbers = #tpu.dot_dimension_numbers<[1], [0], [0], [1], [0, 0, 1, 1], [], []>, transpose_lhs_hint = false} : vector<1024x8xf32>, vector<8x64xf32>, vector<1024x64xf32> -> vector<1024x64xf32>
    %add3A_227 = vector.broadcast %add3A_41 : vector<1x64xf32> to vector<1024x64xf32>
    %add3A_228 = arith.addf %dot_general3A_226, %add3A_227 : vector<1024x64xf32>
    %slice3A_229 = vector.extract_strided_slice %div3A_9 {offsets = [0, 6], sizes = [1, 1], strides = [1, 1]} : vector<1x128xf32> to vector<1x1xf32>
    %mul3A_230 = arith.constant -5.000000e-01 : f32
    %mul3A_231 = vector.broadcast %mul3A_230 : f32 to vector<1024x64xf32>
    %mul3A_232 = arith.mulf %mul3A_231, %add3A_224 : vector<1024x64xf32>
    %tanh3A_233 = math.tanh %mul3A_232 : vector<1024x64xf32>
    %add3A_234 = arith.constant 1.000000e+00 : f32
    %add3A_235 = vector.broadcast %add3A_234 : f32 to vector<1024x64xf32>
    %add3A_236 = arith.addf %add3A_235, %tanh3A_233 : vector<1024x64xf32>
    %mul3A_237 = arith.constant 5.000000e-01 : f32
    %mul3A_238 = vector.broadcast %mul3A_237 : f32 to vector<1x1xf32>
    %mul3A_239 = arith.mulf %mul3A_238, %slice3A_229 : vector<1x1xf32>
    %mul3A_240 = vector.broadcast %mul3A_239 : vector<1x1xf32> to vector<1024x64xf32>
    %mul3A_241 = arith.mulf %mul3A_240, %add3A_236 : vector<1024x64xf32>
    %tanh3A_242 = math.tanh %add3A_228 : vector<1024x64xf32>
    %mul3A_243 = arith.mulf %mul3A_241, %tanh3A_242 : vector<1024x64xf32>
    %add3A_244 = arith.addf %add3A_219, %mul3A_243 : vector<1024x64xf32>
    %slice3A_245 = vector.extract_strided_slice %concatenate3A_69 {offsets = [0, 5], sizes = [1024, 8], strides = [1, 1]} : vector<1024x40xf32> to vector<1024x8xf32>
    %dot_general3A_246 = arith.constant dense<0.000000e+00> : vector<1024x64xf32>
    %dot_general3A_247 = tpu.matmul %slice3A_245, %dot_general3A_19, %dot_general3A_246 {dimension_numbers = #tpu.dot_dimension_numbers<[1], [0], [0], [1], [0, 0, 1, 1], [], []>, transpose_lhs_hint = false} : vector<1024x8xf32>, vector<8x64xf32>, vector<1024x64xf32> -> vector<1024x64xf32>
    %add3A_248 = vector.broadcast %add3A : vector<1x64xf32> to vector<1024x64xf32>
    %add3A_249 = arith.addf %dot_general3A_247, %add3A_248 : vector<1024x64xf32>
    %dot_general3A_250 = arith.constant dense<0.000000e+00> : vector<1024x64xf32>
    %dot_general3A_251 = tpu.matmul %slice3A_245, %dot_general3A_24, %dot_general3A_250 {dimension_numbers = #tpu.dot_dimension_numbers<[1], [0], [0], [1], [0, 0, 1, 1], [], []>, transpose_lhs_hint = false} : vector<1024x8xf32>, vector<8x64xf32>, vector<1024x64xf32> -> vector<1024x64xf32>
    %add3A_252 = vector.broadcast %add3A_41 : vector<1x64xf32> to vector<1024x64xf32>
    %add3A_253 = arith.addf %dot_general3A_251, %add3A_252 : vector<1024x64xf32>
    %slice3A_254 = vector.extract_strided_slice %div3A_9 {offsets = [0, 7], sizes = [1, 1], strides = [1, 1]} : vector<1x128xf32> to vector<1x1xf32>
    %mul3A_255 = arith.constant -5.000000e-01 : f32
    %mul3A_256 = vector.broadcast %mul3A_255 : f32 to vector<1024x64xf32>
    %mul3A_257 = arith.mulf %mul3A_256, %add3A_249 : vector<1024x64xf32>
    %tanh3A_258 = math.tanh %mul3A_257 : vector<1024x64xf32>
    %add3A_259 = arith.constant 1.000000e+00 : f32
    %add3A_260 = vector.broadcast %add3A_259 : f32 to vector<1024x64xf32>
    %add3A_261 = arith.addf %add3A_260, %tanh3A_258 : vector<1024x64xf32>
    %mul3A_262 = arith.constant 5.000000e-01 : f32
    %mul3A_263 = vector.broadcast %mul3A_262 : f32 to vector<1x1xf32>
    %mul3A_264 = arith.mulf %mul3A_263, %slice3A_254 : vector<1x1xf32>
    %mul3A_265 = vector.broadcast %mul3A_264 : vector<1x1xf32> to vector<1024x64xf32>
    %mul3A_266 = arith.mulf %mul3A_265, %add3A_261 : vector<1024x64xf32>
    %tanh3A_267 = math.tanh %add3A_253 : vector<1024x64xf32>
    %mul3A_268 = arith.mulf %mul3A_266, %tanh3A_267 : vector<1024x64xf32>
    %add3A_269 = arith.addf %add3A_244, %mul3A_268 : vector<1024x64xf32>
    %slice3A_270 = vector.extract_strided_slice %concatenate3A_69 {offsets = [0, 10], sizes = [1024, 8], strides = [1, 1]} : vector<1024x40xf32> to vector<1024x8xf32>
    %dot_general3A_271 = arith.constant dense<0.000000e+00> : vector<1024x64xf32>
    %dot_general3A_272 = tpu.matmul %slice3A_270, %dot_general3A_19, %dot_general3A_271 {dimension_numbers = #tpu.dot_dimension_numbers<[1], [0], [0], [1], [0, 0, 1, 1], [], []>, transpose_lhs_hint = false} : vector<1024x8xf32>, vector<8x64xf32>, vector<1024x64xf32> -> vector<1024x64xf32>
    %add3A_273 = vector.broadcast %add3A : vector<1x64xf32> to vector<1024x64xf32>
    %add3A_274 = arith.addf %dot_general3A_272, %add3A_273 : vector<1024x64xf32>
    %dot_general3A_275 = arith.constant dense<0.000000e+00> : vector<1024x64xf32>
    %dot_general3A_276 = tpu.matmul %slice3A_270, %dot_general3A_24, %dot_general3A_275 {dimension_numbers = #tpu.dot_dimension_numbers<[1], [0], [0], [1], [0, 0, 1, 1], [], []>, transpose_lhs_hint = false} : vector<1024x8xf32>, vector<8x64xf32>, vector<1024x64xf32> -> vector<1024x64xf32>
    %add3A_277 = vector.broadcast %add3A_41 : vector<1x64xf32> to vector<1024x64xf32>
    %add3A_278 = arith.addf %dot_general3A_276, %add3A_277 : vector<1024x64xf32>
    %slice3A_279 = vector.extract_strided_slice %div3A_9 {offsets = [0, 8], sizes = [1, 1], strides = [1, 1]} : vector<1x128xf32> to vector<1x1xf32>
    %mul3A_280 = arith.constant -5.000000e-01 : f32
    %mul3A_281 = vector.broadcast %mul3A_280 : f32 to vector<1024x64xf32>
    %mul3A_282 = arith.mulf %mul3A_281, %add3A_274 : vector<1024x64xf32>
    %tanh3A_283 = math.tanh %mul3A_282 : vector<1024x64xf32>
    %add3A_284 = arith.constant 1.000000e+00 : f32
    %add3A_285 = vector.broadcast %add3A_284 : f32 to vector<1024x64xf32>
    %add3A_286 = arith.addf %add3A_285, %tanh3A_283 : vector<1024x64xf32>
    %mul3A_287 = arith.constant 5.000000e-01 : f32
    %mul3A_288 = vector.broadcast %mul3A_287 : f32 to vector<1x1xf32>
    %mul3A_289 = arith.mulf %mul3A_288, %slice3A_279 : vector<1x1xf32>
    %mul3A_290 = vector.broadcast %mul3A_289 : vector<1x1xf32> to vector<1024x64xf32>
    %mul3A_291 = arith.mulf %mul3A_290, %add3A_286 : vector<1024x64xf32>
    %tanh3A_292 = math.tanh %add3A_278 : vector<1024x64xf32>
    %mul3A_293 = arith.mulf %mul3A_291, %tanh3A_292 : vector<1024x64xf32>
    %add3A_294 = arith.addf %add3A_269, %mul3A_293 : vector<1024x64xf32>
    %slice3A_295 = vector.extract_strided_slice %concatenate3A_69 {offsets = [0, 15], sizes = [1024, 8], strides = [1, 1]} : vector<1024x40xf32> to vector<1024x8xf32>
    %dot_general3A_296 = arith.constant dense<0.000000e+00> : vector<1024x64xf32>
    %dot_general3A_297 = tpu.matmul %slice3A_295, %dot_general3A_19, %dot_general3A_296 {dimension_numbers = #tpu.dot_dimension_numbers<[1], [0], [0], [1], [0, 0, 1, 1], [], []>, transpose_lhs_hint = false} : vector<1024x8xf32>, vector<8x64xf32>, vector<1024x64xf32> -> vector<1024x64xf32>
    %add3A_298 = vector.broadcast %add3A : vector<1x64xf32> to vector<1024x64xf32>
    %add3A_299 = arith.addf %dot_general3A_297, %add3A_298 : vector<1024x64xf32>
    %dot_general3A_300 = arith.constant dense<0.000000e+00> : vector<1024x64xf32>
    %dot_general3A_301 = tpu.matmul %slice3A_295, %dot_general3A_24, %dot_general3A_300 {dimension_numbers = #tpu.dot_dimension_numbers<[1], [0], [0], [1], [0, 0, 1, 1], [], []>, transpose_lhs_hint = false} : vector<1024x8xf32>, vector<8x64xf32>, vector<1024x64xf32> -> vector<1024x64xf32>
    %add3A_302 = vector.broadcast %add3A_41 : vector<1x64xf32> to vector<1024x64xf32>
    %add3A_303 = arith.addf %dot_general3A_301, %add3A_302 : vector<1024x64xf32>
    %slice3A_304 = vector.extract_strided_slice %div3A_9 {offsets = [0, 9], sizes = [1, 1], strides = [1, 1]} : vector<1x128xf32> to vector<1x1xf32>
    %mul3A_305 = arith.constant -5.000000e-01 : f32
    %mul3A_306 = vector.broadcast %mul3A_305 : f32 to vector<1024x64xf32>
    %mul3A_307 = arith.mulf %mul3A_306, %add3A_299 : vector<1024x64xf32>
    %tanh3A_308 = math.tanh %mul3A_307 : vector<1024x64xf32>
    %add3A_309 = arith.constant 1.000000e+00 : f32
    %add3A_310 = vector.broadcast %add3A_309 : f32 to vector<1024x64xf32>
    %add3A_311 = arith.addf %add3A_310, %tanh3A_308 : vector<1024x64xf32>
    %mul3A_312 = arith.constant 5.000000e-01 : f32
    %mul3A_313 = vector.broadcast %mul3A_312 : f32 to vector<1x1xf32>
    %mul3A_314 = arith.mulf %mul3A_313, %slice3A_304 : vector<1x1xf32>
    %mul3A_315 = vector.broadcast %mul3A_314 : vector<1x1xf32> to vector<1024x64xf32>
    %mul3A_316 = arith.mulf %mul3A_315, %add3A_311 : vector<1024x64xf32>
    %tanh3A_317 = math.tanh %add3A_303 : vector<1024x64xf32>
    %mul3A_318 = arith.mulf %mul3A_316, %tanh3A_317 : vector<1024x64xf32>
    %add3A_319 = arith.addf %add3A_294, %mul3A_318 : vector<1024x64xf32>
    %slice3A_320 = vector.extract_strided_slice %concatenate3A_69 {offsets = [0, 20], sizes = [1024, 8], strides = [1, 1]} : vector<1024x40xf32> to vector<1024x8xf32>
    %dot_general3A_321 = arith.constant dense<0.000000e+00> : vector<1024x64xf32>
    %dot_general3A_322 = tpu.matmul %slice3A_320, %dot_general3A_19, %dot_general3A_321 {dimension_numbers = #tpu.dot_dimension_numbers<[1], [0], [0], [1], [0, 0, 1, 1], [], []>, transpose_lhs_hint = false} : vector<1024x8xf32>, vector<8x64xf32>, vector<1024x64xf32> -> vector<1024x64xf32>
    %add3A_323 = vector.broadcast %add3A : vector<1x64xf32> to vector<1024x64xf32>
    %add3A_324 = arith.addf %dot_general3A_322, %add3A_323 : vector<1024x64xf32>
    %dot_general3A_325 = arith.constant dense<0.000000e+00> : vector<1024x64xf32>
    %dot_general3A_326 = tpu.matmul %slice3A_320, %dot_general3A_24, %dot_general3A_325 {dimension_numbers = #tpu.dot_dimension_numbers<[1], [0], [0], [1], [0, 0, 1, 1], [], []>, transpose_lhs_hint = false} : vector<1024x8xf32>, vector<8x64xf32>, vector<1024x64xf32> -> vector<1024x64xf32>
    %add3A_327 = vector.broadcast %add3A_41 : vector<1x64xf32> to vector<1024x64xf32>
    %add3A_328 = arith.addf %dot_general3A_326, %add3A_327 : vector<1024x64xf32>
    %slice3A_329 = vector.extract_strided_slice %div3A_9 {offsets = [0, 10], sizes = [1, 1], strides = [1, 1]} : vector<1x128xf32> to vector<1x1xf32>
    %mul3A_330 = arith.constant -5.000000e-01 : f32
    %mul3A_331 = vector.broadcast %mul3A_330 : f32 to vector<1024x64xf32>
    %mul3A_332 = arith.mulf %mul3A_331, %add3A_324 : vector<1024x64xf32>
    %tanh3A_333 = math.tanh %mul3A_332 : vector<1024x64xf32>
    %add3A_334 = arith.constant 1.000000e+00 : f32
    %add3A_335 = vector.broadcast %add3A_334 : f32 to vector<1024x64xf32>
    %add3A_336 = arith.addf %add3A_335, %tanh3A_333 : vector<1024x64xf32>
    %mul3A_337 = arith.constant 5.000000e-01 : f32
    %mul3A_338 = vector.broadcast %mul3A_337 : f32 to vector<1x1xf32>
    %mul3A_339 = arith.mulf %mul3A_338, %slice3A_329 : vector<1x1xf32>
    %mul3A_340 = vector.broadcast %mul3A_339 : vector<1x1xf32> to vector<1024x64xf32>
    %mul3A_341 = arith.mulf %mul3A_340, %add3A_336 : vector<1024x64xf32>
    %tanh3A_342 = math.tanh %add3A_328 : vector<1024x64xf32>
    %mul3A_343 = arith.mulf %mul3A_341, %tanh3A_342 : vector<1024x64xf32>
    %add3A_344 = arith.addf %add3A_319, %mul3A_343 : vector<1024x64xf32>
    %slice3A_345 = vector.extract_strided_slice %concatenate3A_69 {offsets = [0, 25], sizes = [1024, 8], strides = [1, 1]} : vector<1024x40xf32> to vector<1024x8xf32>
    %dot_general3A_346 = arith.constant dense<0.000000e+00> : vector<1024x64xf32>
    %dot_general3A_347 = tpu.matmul %slice3A_345, %dot_general3A_19, %dot_general3A_346 {dimension_numbers = #tpu.dot_dimension_numbers<[1], [0], [0], [1], [0, 0, 1, 1], [], []>, transpose_lhs_hint = false} : vector<1024x8xf32>, vector<8x64xf32>, vector<1024x64xf32> -> vector<1024x64xf32>
    %add3A_348 = vector.broadcast %add3A : vector<1x64xf32> to vector<1024x64xf32>
    %add3A_349 = arith.addf %dot_general3A_347, %add3A_348 : vector<1024x64xf32>
    %dot_general3A_350 = arith.constant dense<0.000000e+00> : vector<1024x64xf32>
    %dot_general3A_351 = tpu.matmul %slice3A_345, %dot_general3A_24, %dot_general3A_350 {dimension_numbers = #tpu.dot_dimension_numbers<[1], [0], [0], [1], [0, 0, 1, 1], [], []>, transpose_lhs_hint = false} : vector<1024x8xf32>, vector<8x64xf32>, vector<1024x64xf32> -> vector<1024x64xf32>
    %add3A_352 = vector.broadcast %add3A_41 : vector<1x64xf32> to vector<1024x64xf32>
    %add3A_353 = arith.addf %dot_general3A_351, %add3A_352 : vector<1024x64xf32>
    %slice3A_354 = vector.extract_strided_slice %div3A_9 {offsets = [0, 11], sizes = [1, 1], strides = [1, 1]} : vector<1x128xf32> to vector<1x1xf32>
    %mul3A_355 = arith.constant -5.000000e-01 : f32
    %mul3A_356 = vector.broadcast %mul3A_355 : f32 to vector<1024x64xf32>
    %mul3A_357 = arith.mulf %mul3A_356, %add3A_349 : vector<1024x64xf32>
    %tanh3A_358 = math.tanh %mul3A_357 : vector<1024x64xf32>
    %add3A_359 = arith.constant 1.000000e+00 : f32
    %add3A_360 = vector.broadcast %add3A_359 : f32 to vector<1024x64xf32>
    %add3A_361 = arith.addf %add3A_360, %tanh3A_358 : vector<1024x64xf32>
    %mul3A_362 = arith.constant 5.000000e-01 : f32
    %mul3A_363 = vector.broadcast %mul3A_362 : f32 to vector<1x1xf32>
    %mul3A_364 = arith.mulf %mul3A_363, %slice3A_354 : vector<1x1xf32>
    %mul3A_365 = vector.broadcast %mul3A_364 : vector<1x1xf32> to vector<1024x64xf32>
    %mul3A_366 = arith.mulf %mul3A_365, %add3A_361 : vector<1024x64xf32>
    %tanh3A_367 = math.tanh %add3A_353 : vector<1024x64xf32>
    %mul3A_368 = arith.mulf %mul3A_366, %tanh3A_367 : vector<1024x64xf32>
    %add3A_369 = arith.addf %add3A_344, %mul3A_368 : vector<1024x64xf32>
    %swap3A = arith.constant 0 : index
    %swap3A_370 = arith.constant 0 : index
    %swap3A_371 = vector.load %arg17[%swap3A, %swap3A_370] : memref<1024x64xf32, #tpu.memory_space<vmem>>, vector<1024x64xf32>
    tpu.vector_store %arg17[%swap3A, %swap3A_370], %add3A_369 {strides = array<i32>} : memref<1024x64xf32, #tpu.memory_space<vmem>>, vector<1024x64xf32>,
    %get3A_372 = arith.constant 0 : index
    %get3A_373 = arith.constant 0 : index
    %get3A_374 = vector.load %arg13[%get3A_372, %get3A_373] : memref<64x32xf32, #tpu.memory_space<vmem>>, vector<64x32xf32>
    %dot_general3A_375 = arith.constant dense<0.000000e+00> : vector<1024x32xf32>
    %dot_general3A_376 = tpu.matmul %add3A_369, %get3A_374, %dot_general3A_375 {dimension_numbers = #tpu.dot_dimension_numbers<[1], [0], [0], [1], [0, 0, 1, 1], [], []>, transpose_lhs_hint = false} : vector<1024x64xf32>, vector<64x32xf32>, vector<1024x32xf32> -> vector<1024x32xf32>
    %get3A_377 = arith.constant 0 : index
    %get3A_378 = arith.constant 0 : index
    %get3A_379 = vector.load %arg14[%get3A_377, %get3A_378] : memref<1x32xf32, #tpu.memory_space<vmem>>, vector<1x32xf32>
    %add3A_380 = vector.broadcast %get3A_379 : vector<1x32xf32> to vector<1024x32xf32>
    %add3A_381 = arith.addf %dot_general3A_376, %add3A_380 : vector<1024x32xf32>
    %max3A = arith.constant 0.000000e+00 : f32
    %max3A_382 = vector.broadcast %max3A : f32 to vector<1024x32xf32>
    %max3A_383 = arith.maximumf %add3A_381, %max3A_382 : vector<1024x32xf32>
    %get3A_384 = arith.constant 0 : index
    %get3A_385 = arith.constant 0 : index
    %get3A_386 = vector.load %arg15[%get3A_384, %get3A_385] : memref<1x32xf32, #tpu.memory_space<vmem>>, vector<1x32xf32>
    %mul3A_387 = vector.broadcast %get3A_386 : vector<1x32xf32> to vector<1024x32xf32>
    %mul3A_388 = arith.mulf %max3A_383, %mul3A_387 : vector<1024x32xf32>
    %reduce_sum3A_389 = arith.constant dense<0.000000e+00> : vector<1024xf32>
    %reduce_sum3A_390 = vector.multi_reduction <add>, %mul3A_388, %reduce_sum3A_389 [1] : vector<1024x32xf32> to vector<1024xf32>
    %broadcast_in_dim3A_391 = vector.shape_cast %reduce_sum3A_390 : vector<1024xf32> to vector<1024x1xf32>
    %get3A_392 = arith.constant 0 : index
    %get3A_393 = arith.constant 0 : index
    %get3A_394 = vector.load %arg16[%get3A_392, %get3A_393] : memref<1x128xf32, #tpu.memory_space<vmem>>, vector<1x1xf32>
    %add3A_395 = vector.broadcast %get3A_394 : vector<1x1xf32> to vector<1024x1xf32>
    %add3A_396 = arith.addf %broadcast_in_dim3A_391, %add3A_395 : vector<1024x1xf32>
    %swap3A_397 = arith.constant 0 : index
    %swap3A_398 = arith.constant 0 : index
    %swap3A_399 = vector.load %arg18[%swap3A_397, %swap3A_398] : memref<1024x1xf32, #tpu.memory_space<vmem>>, vector<1024x1xf32>
    tpu.vector_store %arg18[%swap3A_397, %swap3A_398], %add3A_396 {strides = array<i32>} : memref<1024x1xf32, #tpu.memory_space<vmem>>, vector<1024x1xf32>,
    return
  }
  func.func @transform_0(%arg0: i32) -> (i32, i32, i32) {
    %c0_i32 = arith.constant 0 : i32
    %c0_i32_0 = arith.constant 0 : i32
    %c0_i32_1 = arith.constant 0 : i32
    return %c0_i32, %arg0, %c0_i32_0 : i32, i32, i32
  }
  func.func @transform_1(%arg0: i32) -> (i32, i32, i32) {
    %c0_i32 = arith.constant 0 : i32
    %c0_i32_0 = arith.constant 0 : i32
    %c0_i32_1 = arith.constant 0 : i32
    return %c0_i32, %arg0, %c0_i32_0 : i32, i32, i32
  }
  func.func @transform_2(%arg0: i32) -> (i32, i32) {
    %c0_i32 = arith.constant 0 : i32
    %c0_i32_0 = arith.constant 0 : i32
    return %arg0, %c0_i32 : i32, i32
  }
  func.func @transform_3(%arg0: i32) -> (i32, i32) {
    %c0_i32 = arith.constant 0 : i32
    %c0_i32_0 = arith.constant 0 : i32
    %c0_i32_1 = arith.constant 0 : i32
    return %c0_i32, %c0_i32_0 : i32, i32
  }
  func.func @transform_4(%arg0: i32) -> (i32, i32) {
    %c0_i32 = arith.constant 0 : i32
    %c0_i32_0 = arith.constant 0 : i32
    %c0_i32_1 = arith.constant 0 : i32
    return %c0_i32, %c0_i32_0 : i32, i32
  }
  func.func @transform_5(%arg0: i32) -> (i32, i32) {
    %c0_i32 = arith.constant 0 : i32
    %c0_i32_0 = arith.constant 0 : i32
    %c0_i32_1 = arith.constant 0 : i32
    return %c0_i32, %c0_i32_0 : i32, i32
  }
  func.func @transform_6(%arg0: i32) -> (i32, i32) {
    %c0_i32 = arith.constant 0 : i32
    %c0_i32_0 = arith.constant 0 : i32
    %c0_i32_1 = arith.constant 0 : i32
    return %c0_i32, %c0_i32_0 : i32, i32
  }
  func.func @transform_7(%arg0: i32) -> (i32, i32) {
    %c0_i32 = arith.constant 0 : i32
    %c0_i32_0 = arith.constant 0 : i32
    %c0_i32_1 = arith.constant 0 : i32
    return %c0_i32, %c0_i32_0 : i32, i32
  }
  func.func @transform_8(%arg0: i32) -> (i32, i32) {
    %c0_i32 = arith.constant 0 : i32
    %c0_i32_0 = arith.constant 0 : i32
    %c0_i32_1 = arith.constant 0 : i32
    return %c0_i32, %c0_i32_0 : i32, i32
  }
  func.func @transform_9(%arg0: i32) -> (i32, i32) {
    %c0_i32 = arith.constant 0 : i32
    %c0_i32_0 = arith.constant 0 : i32
    %c0_i32_1 = arith.constant 0 : i32
    return %c0_i32, %c0_i32_0 : i32, i32
  }
  func.func @transform_10(%arg0: i32) -> (i32, i32) {
    %c0_i32 = arith.constant 0 : i32
    %c0_i32_0 = arith.constant 0 : i32
    %c0_i32_1 = arith.constant 0 : i32
    return %c0_i32, %c0_i32_0 : i32, i32
  }
  func.func @transform_11(%arg0: i32) -> (i32, i32) {
    %c0_i32 = arith.constant 0 : i32
    %c0_i32_0 = arith.constant 0 : i32
    %c0_i32_1 = arith.constant 0 : i32
    return %c0_i32, %c0_i32_0 : i32, i32
  }
  func.func @transform_12(%arg0: i32) -> (i32, i32) {
    %c0_i32 = arith.constant 0 : i32
    %c0_i32_0 = arith.constant 0 : i32
    %c0_i32_1 = arith.constant 0 : i32
    return %c0_i32, %c0_i32_0 : i32, i32
  }
  func.func @transform_13(%arg0: i32) -> (i32, i32) {
    %c0_i32 = arith.constant 0 : i32
    %c0_i32_0 = arith.constant 0 : i32
    %c0_i32_1 = arith.constant 0 : i32
    return %c0_i32, %c0_i32_0 : i32, i32
  }
  func.func @transform_14(%arg0: i32) -> (i32, i32) {
    %c0_i32 = arith.constant 0 : i32
    %c0_i32_0 = arith.constant 0 : i32
    %c0_i32_1 = arith.constant 0 : i32
    return %c0_i32, %c0_i32_0 : i32, i32
  }
  func.func @transform_15(%arg0: i32) -> (i32, i32) {
    %c0_i32 = arith.constant 0 : i32
    %c0_i32_0 = arith.constant 0 : i32
    %c0_i32_1 = arith.constant 0 : i32
    return %c0_i32, %c0_i32_0 : i32, i32
  }
  func.func @transform_16(%arg0: i32) -> (i32, i32) {
    %c0_i32 = arith.constant 0 : i32
    %c0_i32_0 = arith.constant 0 : i32
    return %arg0, %c0_i32 : i32, i32
  }
  func.func @transform_17(%arg0: i32) -> (i32, i32) {
    %c0_i32 = arith.constant 0 : i32
    %c0_i32_0 = arith.constant 0 : i32
    return %arg0, %c0_i32 : i32, i32
  }
}

</mosaic_0001>

<sc_bundles>
// kernel: kernel.6.cloned.1.call-start
scs
__scs_entry_jumppad:
0x0: {  	(pc) =	sbr.rel $0x88, $3  }
0x1: {  	(tag) =	ssettag $0x0;
	lr =	simm.s32 $0x1  }
0x2: {  	[smem:$0x3F91] =	sst lr;
	_ =	strace $0xD0000000  }
0x3: {  	_ = 	snop  }
0x4: {  	_ = 	snop  }
0x5: {  	_ = 	snop  }
0x6: {  	_ = 	snop  }
0x7: {  	_ = 	snop  }
__scs_overlays_trampoline_lowered:
0x8: {  	[smem:$0x3FA0] =	sst s0  }
0x9: {  	[smem:$0x3FA1] =	sst s1  }
0xa: {  	[smem:$0x3FA2] =	sst s2  }
0xb: {  	[smem:$0x3FA3] =	sst s3  }
0xc: {  	[smem:$0x3FA4] =	sst s4  }
0xd: {  	[smem:$0x3FA5] =	sst s5  }
0xe: {  	[smem:$0x3FA6] =	sst s6  }
0xf: {  	[smem:$0x3FA7] =	sst s7  }
0x10: {  	[smem:$0x3FA8] =	sst s8  }
0x11: {  	[smem:$0x3FA9] =	sst s9;
	s0 =	simm.s32 @!p0 $0x0  }
0x12: {  	s1 =	sld [smem:$0x3F8F];
	s0 =	simm.s32 @p0 $0x1  }
0x13: {  	[smem:$0x3FAA] =	sst s0;
	s0 =	simm.s32 @!p1 $0x0  }
0x14: {  	s2 =	sld [smem:$0x3F8E];
	s0 =	simm.s32 @p1 $0x1  }
0x15: {  	[smem:$0x3FAB] =	sst s0;
	s0 =	simm.s32 @!p2 $0x0  }
0x16: {  	s3 =	sld [smem:$0x3FDB];
	s0 =	simm.s32 @p2 $0x1  }
0x17: {  	s4 =	simm.s32 $0x1BF5;
	[smem:$0x3FAD] =	sst s0  }
0x18: {  	s0 =	sld [smem:$0x3F90];
	_ =	swait.ge [sflag:s4], $0x0  }
0x19: {  	s7 =	sld [smem:$0x3F91]  }
0x1a: {  	s8 =	sadd.s32 $0xFFFFE003, lr  }
0x1b: {  	s9 =	sadd.s32 $0xFFFFFEF7, lr;
	s5 =	simm.s32 $0xFFFFFFFF;
	p2 =	slt.u32 s8, $0xFFFFF086  }
0x1c: {  	p1 =	slt.u32 s9, $0xF7A;
	s5 =	simm.s32 @!p2 $0x0  }
0x1d: {  	s5 =	simm.s32 @p1 $0x1;
	p0 =	seq.s32 s7, s2  }
0x1e: {  	s7 =	smul.u32 @!p0 $0xF7A, s2;
	p2 =	seq.s32 @!p0 s5, $0x0  }
0x1f: {  	s9 =	smul.u32 $0xF7A, s1;
	s8 =	simm.s32 @!p0 $0x1BF5;
	p2 =	por !p2, p0  }
0x20: {  	[sflag:s8] =	ssyncset.s32 @!p0 $0xFFFFF086;
	s6 =	sadd.s32 @!p0 s3, s7;
	s7 =	simm.s32 @!p0 $0x108  }
0x21: {  	s3 =	sadd.s32 s3, s9;
	s6 =	sadd.s32 @!p0 $0x88, s6;
	s7 =	simm.s32 @p2 $0x1082  }
0x22: {  	[simem:s7], [sflag:s8] =	dma.local @!p0 [hbm:s6], $0xF7A  }
0x23: {  	s9 =	sor.u32 $0xD0000000, s2;
	s6 =	simm.s32 $0x108;
	_ =	swait.ge @!p0 [sflag:s8], $0x0  }
0x24: {  	s3 =	sadd.s32 $0x88, s3;
	s6 =	simm.s32 @!p1 $0x1082;
	[sflag:s4] =	ssyncset.s32 $0xFFFFF086  }
0x25: {  	[simem:s6], [sflag:s4] =	dma.local [hbm:s3], $0xF7A  }
0x26: {  	[smem:$0x3F91] =	sst s1;
	(tag) =	ssettag s2;
	_ =	strace s9  }
0x27: {  	s1 =	sld [smem:$0x3FA1]  }
0x28: {  	s2 =	sld [smem:$0x3FA2]  }
0x29: {  	s4 =	sld [smem:$0x3FA4]  }
0x2a: {  	p0 =	seq.s32 s5, $0x0;
	s5 =	sld [smem:$0x3FA5]  }
0x2b: {  	s6 =	sld [smem:$0x3FA6]  }
0x2c: {  	s7 =	sld [smem:$0x3FA7]  }
0x2d: {  	s3 =	simm.s32 $0x108;
	s8 =	sld [smem:$0x3FA8]  }
0x2e: {  	s3 =	simm.s32 @!p0 $0x1082;
	s9 =	sld [smem:$0x3FA9]  }
0x2f: {  	lr =	sadd.s32 s0, s3;
	s0 =	sld [smem:$0x3FA0]  }
0x30: {  	s3 =	sld [smem:$0x3FA3]  }
0x31: {  	[smem:$0x3FAC] =	sst s10  }
0x32: {  	s10 =	sld [smem:$0x3FAA];
	_ =	sdelay $0x3  }
0x33: {  	p0 =	seq.s32 s10, $0x1;
	s10 =	sld [smem:$0x3FAC];
	_ =	sdelay $0x3  }
0x34: {  	[smem:$0x3FAC] =	sst s10  }
0x35: {  	s10 =	sld [smem:$0x3FAB];
	_ =	sdelay $0x3  }
0x36: {  	p1 =	seq.s32 s10, $0x1;
	s10 =	sld [smem:$0x3FAC];
	_ =	sdelay $0x3  }
0x37: {  	[smem:$0x3FAC] =	sst s10  }
0x38: {  	s10 =	sld [smem:$0x3FAD]  }
0x39: {  	_ = 	snop;
	(pc) =	sbr.ind lr, $3  }
0x3a: {  	_ = 	snop  }
0x3b: {  	_ = 	snop  }
0x3c: {  	p2 =	seq.s32 s10, $0x1;
	s10 =	sld [smem:$0x3FAC]  }
0x3d: {  	_ =	shalt  }
0x3e: {  	_ =	shalt  }
0x3f: {  	_ =	shalt  }
0x40: {  	_ =	shalt  }
0x41: {  	_ =	shalt  }
0x42: {  	_ =	shalt  }
0x43: {  	_ =	shalt  }
0x44: {  	_ =	shalt  }
0x45: {  	_ =	shalt  }
0x46: {  	_ =	shalt  }
0x47: {  	_ =	shalt  }
0x48: {  	_ =	shalt  }
0x49: {  	_ =	shalt  }
0x4a: {  	_ =	shalt  }
0x4b: {  	_ =	shalt  }
0x4c: {  	_ =	shalt  }
0x4d: {  	_ =	shalt  }
0x4e: {  	_ =	shalt  }
0x4f: {  	_ =	shalt  }
0x50: {  	_ =	shalt  }
0x51: {  	_ =	shalt  }
0x52: {  	_ =	shalt  }
0x53: {  	_ =	shalt  }
0x54: {  	_ =	shalt  }
0x55: {  	_ =	shalt  }
0x56: {  	_ =	shalt  }
0x57: {  	_ =	shalt  }
0x58: {  	_ =	shalt  }
0x59: {  	_ =	shalt  }
0x5a: {  	_ =	shalt  }
0x5b: {  	_ =	shalt  }
0x5c: {  	_ =	shalt  }
0x5d: {  	_ =	shalt  }
0x5e: {  	_ =	shalt  }
0x5f: {  	_ =	shalt  }
0x60: {  	_ =	shalt  }
0x61: {  	_ =	shalt  }
0x62: {  	_ =	shalt  }
0x63: {  	_ =	shalt  }
0x64: {  	_ =	shalt  }
0x65: {  	_ =	shalt  }
0x66: {  	_ =	shalt  }
0x67: {  	_ =	shalt  }
0x68: {  	_ =	shalt  }
0x69: {  	_ =	shalt  }
0x6a: {  	_ =	shalt  }
0x6b: {  	_ =	shalt  }
0x6c: {  	_ =	shalt  }
0x6d: {  	_ =	shalt  }
0x6e: {  	_ =	shalt  }
0x6f: {  	_ =	shalt  }
0x70: {  	_ =	shalt  }
0x71: {  	_ =	shalt  }
0x72: {  	_ =	shalt  }
0x73: {  	_ =	shalt  }
0x74: {  	_ =	shalt  }
0x75: {  	_ =	shalt  }
0x76: {  	_ =	shalt  }
0x77: {  	_ =	shalt  }
0x78: {  	_ =	shalt  }
0x79: {  	_ =	shalt  }
0x7a: {  	_ =	shalt  }
0x7b: {  	_ =	shalt  }
0x7c: {  	_ =	shalt  }
0x7d: {  	_ =	shalt  }
0x7e: {  	_ =	shalt  }
0x7f: {  	_ =	shalt  }
0x80: {  	_ =	shalt  }
0x81: {  	_ =	shalt  }
0x82: {  	_ =	shalt  }
0x83: {  	_ =	shalt  }
0x84: {  	_ =	shalt  }
0x85: {  	_ =	shalt  }
0x86: {  	_ =	shalt  }
0x87: {  	_ =	shalt  }
.Lfunc_end0:
.L_simem_size_0:
called_computation_lowered:
.L_overlay_start_0:
0x88: {  	s2 =	sld [smem:$0x3FD9]  }
0x89: {  	s3 =	sld [smem:$0x3FFE];
	_ =	sdelay $0x1  }
0x8a: {  	s1 =	srdreg.scid  }
0x8b: {  	s0 =	sand.u32 $0x1, s1  }
0x8c: {  	s16 =	sshll.u32 s0, $0xA;
	s2 =	sadd.s32 s3, s2  }
0x8d: {  	s2 =	sadd.s32 s2, s16  }
0x8e: {  	[smem:$0x3FB8] =	sst s2  }
0x8f: {  	_ = 	snop  }
0x90: {  	(tm) =	ssettm $0x1  }
0x91: {  	s17 =	sld [smem:$0x3FFB];
	_ =	sdelay $0x3  }
0x92: {  	_ =	strace s17  }
0x93: {  	s2 =	sld [smem:$0x3FFC];
	_ =	sdelay $0x3  }
0x94: {  	_ =	strace s2  }
0x95: {  	s2 =	sld [smem:$0x3FFD];
	_ =	sdelay $0x3  }
0x96: {  	_ =	strace s2  }
0x97: {  	_ =	strace $0x8FFFFFFF  }
0x98: {  	s18 =	sld [smem:$0x3FDB];
	_ =	sdelay $0x1  }
0x99: {  	s19 =	simm.s32 $_scs_section_size  }
0x9a: {  	s4 =	simm.s32 $_size__tile_overlayer_lowered;
	s5 =	simm.s32 $_tile_overlayer_lowered  }
0x9b: {  	s22 =	simm.s32 $0x1BFF;
	s21 =	sshll.u32 s5, $0x1;
	s2 =	sadd.s32 s19, s18  }
0x9c: {  	s6 =	simm.s32 $0x0;
	s20 =	sshll.u32 s4, $0x1;
	s4 =	sadd.s32 s21, s2  }
0x9d: {  	[timem:s6], [sflag:s22] =	dma.local [hbm:s4], s20  }
0x9e: {  	_ =	swait.ge [sflag:s22], s20  }
0x9f: {  	s3 =	ssub.s32 $0x0, s20;
	[sflag:s22] =	ssyncset.done $0x0  }
0xa0: {  	[sflag:s22] =	ssyncadd.s32 s3;
	_ =	sdelay $0x1  }
0xa1: {  	s23 =	simm.s32 $0x1B8B  }
0xa2: {  	_ =	swait.ge [sflag:s23], $0x1  }
0xa3: {  	[sflag:s23] =	ssyncset.done $0x0  }
0xa4: {  	s25 =	simm.s32 $0x1B8E;
	s24 =	sld [smem:$0x3FFE];
	[sflag:s23] =	ssyncadd.s32 $0xFFFFFFFF  }
0xa5: {  	s26 =	simm.s32 $execute0_lowered;
	[smem:$0x3FD2] =	sst s25  }
0xa6: {  	s4 =	sshll.u32 s26, $0x1;
	_ =	strace $0x80000046;
	[dreg:$0x1] =	wrdreg $0xFFFFFFFF  }
0xa7: {  	s28 =	simm.s32 $_size_execute0_lowered;
	s2 =	sadd.s32 s2, s4;
	[dreg:$0x0] =	wrdreg $0x0  }
0xa8: {  	s4 =	sshll.u32 s28, $0x1;
	[dreg:$0x2] =	wrdreg s2  }
0xa9: {  	[dreg:$0x3] =	wrdreg s4  }
0xaa: {  	[dreg:$0x4] =	wrdreg $0xC0  }
0xab: {  	_ =	task [dreg:s6], $0x5FFFF  }
0xac: {  	[dreg:$0x1] =	wrdreg $0xFFFFFFFF  }
0xad: {  	[dreg:$0x0] =	wrdreg $0x60  }
0xae: {  	[dreg:$0x2] =	wrdreg s24  }
0xaf: {  	[dreg:$0x3] =	wrdreg $0x142400  }
0xb0: {  	[dreg:$0x4] =	wrdreg $0x9  }
0xb1: {  	_ =	task.clear_ibuf [dreg:s6], $0x5FFFF;
	_ =	strace $0x90000046  }
0xb2: {  	s29 =	simm.s32 $0x9;
	_ =	strace $0x80000048  }
0xb3: {  	_ =	swait.ge [sflag:s29], $0x1  }
0xb4: {  	[sflag:s29] =	ssyncadd.s32 $0xFFFFFFFF  }
0xb5: {  	_ =	strace $0x90000048  }
0xb6: {  	_ =	sfence  }
0xb7: {  	s30 =	sld [smem:$0x0];
	_ =	sdelay $0x2  }
0xb8: {  	s31 =	sshll.u32 s1, $0xD;
	s1 =	sshrl.u32 s1, $0x2  }
0xb9: {  	s3 =	sand.u32 $0x4000, s31;
	s1 =	sadd.s32 s1, s30  }
0xba: {  	s0 =	sor.u32 s3, s0;
	s1 =	sshll.u32 s1, $0x11  }
0xbb: {  	s0 =	sor.u32 s1, s0  }
0xbc: {  	s0 =	sadd.s32 $0x8F2B, s0  }
0xbd: {  	[sflag:s0] =	ssyncadd.remote.s32 $0x1  }
0xbe: {  	_ =	sfence.sel $0xFFFF  }
0xbf: {  	[dreg:$0x0] =	wrdreg $0xFFFFFFFF;
	(pc) =	sbr.abs _section_cstart, $3  }
0xc0: {  	[dreg:$0x1] =	wrdreg $0xFFFFFFFF  }
0xc1: {  	_ =	task.clear_ibuf [dreg:s6], $0x2FFFF;
	_ =	strace $0x9FFFFFFF  }
0xc2: {  	(tm) =	ssettm $0x7FFFFFFF  }
0xc3: {  	_ =	shalt  }
tec
execute0_lowered:
.L_overlay_start_1:
0x0: {  	(tag) =	ssettag $0x1  }
0x1: {  	s1 =	srdreg.scid;
	s4 =	rddreg [dreg:$0x0]  }
0x2: {  	s0 =	stileid.u32;
	s2 =	rddreg [dreg:$0x1];
	s3 =	simm.s32 $0x0  }
0x3: {  	s10 =	simm.s32 $0x6200;
	s11 =	simm.s32 $0x13600;
	s12 =	simm.s32 $0x80  }
0x4: {  	s13 =	simm.s32 $0x12600;
	s14 =	simm.s32 $0x12E00;
	s15 =	simm.s32 $0x1  }
0x5: {  	s16 =	simm.s32 $0x2;
	s17 =	simm.s32 $0x0;
	s5 =	sand.u32 $0x1, s1  }
0x6: {  	s6 =	smul.u32 $0xC40, s0;
	s1 =	rddreg [dreg:$0x2];
	s7 =	sshll.u32 s5, $0x4  }
0x7: {  	s8 =	smul.u32 $0xC400, s5;
	s5 =	ssub.s32 $0x2, s5;
	s7 =	sor.u32 s0, s7  }
0x8: {  	[smem:$0x7FF] =	sst s3;
	s31 =	sshrl.u32 s5, $0x1;
	s7 =	smul.u32 $0xC40, s7  }
0x9: {  	_ =	strace $0x80000047;
	s8 =	sadd.s32 s6, s8;
	s9 =	ssub.s32 s5, s31  }
0xa: {  	s6 =	sadd.s32 s6, s2;
	s8 =	sshrl.u32 s8, $0x3;
	s7 =	sadd.s32 s7, s4  }
0xb: {  	s8 =	sadd.s32 s8, s4;
	s4 =	sadd.s32 $0x1B200, s7;
	s5 =	sadd.s32 $0x2A00, s7  }
0xc: {  	v0 =	vimm.f32 $0.0e+00;
	v1 =	vlaneseq.u32;
	s7 =	sadd.s32 $0x33A00, s8;
	s8 =	smax.u32 s9, $0x1;
	s9 =	simm.s32 $0x3  }
.LBB2_1:
0xd: {  	[tilespmem:s3], [sflag:$0x3] =	stream.linear.gather [hbm4b:s4+s3], $0x6200, $0x38;
	[tilespmem:$0x14E80] =	vst v63  }
0xe: {  	_ =	swait.ge [sflag:s9], $0x6200  }
0xf: {  	[sflag:s9] =	ssyncset.done $0x0  }
0x10: {  	[sflag:s9] =	ssyncadd.s32 $0xFFFF9E00  }
0x11: {  	[tilespmem:s10], [sflag:$0x3] =	stream.linear.gather [hbm4b:s5+s3], $0x6200, $0x38;
	[tilespmem:$0x14E80] =	vst v63  }
0x12: {  	_ =	swait.ge [sflag:s9], $0x6200  }
0x13: {  	[sflag:s9] =	ssyncset.done $0x0  }
0x14: {  	s18 =	simm.s32 $0x40;
	s19 =	simm.s32 $0x0;
	[sflag:s9] =	ssyncadd.s32 $0xFFFF9E00  }
.LBB2_2:
0x15: {  	p0 =	sne.s32 s18, $0x30C0;
	[tilespmem:s19+$0x13600] =	vst v0;
	s19 =	smov.u32 s18;
	s18 =	sadd.s32 $0x40, s18  }
.Ltmp0:
0x16: {  	(pc) =	sbr.rel @p0 .LBB2_2-.Ltmp0, $2  }
0x17: {  	_ =	sdelay $0x2  }
0x18: {  	s19 =	sshra.s32 s19, $0x2  }
0x19: {  	[tilespmem:s19+$0x13600] =	vst v0  }
0x1a: {  	[spmem:s6] =	stream.linear.scatter [tilespmem:s11], [sflag:$0x3], $0xC40, $0x38;
	[tilespmem:$0x14E80] =	vst v63  }
0x1b: {  	_ =	swait.ge [sflag:s9], $0xC40  }
0x1c: {  	[sflag:s9] =	ssyncset.done $0x0  }
0x1d: {  	[sflag:s9] =	ssyncadd.s32 $0xFFFFF3C0  }
0x1e: {  	s19 =	simm.s32 $0x0;
	[bflag:$0x0] =	sbarrier.arrive $0xFFFF  }
0x1f: {  	v3 =	vld [tilespmem:s19+$0x70]  }
0x20: {  	v6 =	vld [tilespmem:s19+$0x0]  }
0x21: {  	v7 =	vld [tilespmem:s19+$0x10]  }
0x22: {  	v5 =	vld [tilespmem:s19+$0x20]  }
0x23: {  	v4 =	vld [tilespmem:s19+$0x30]  }
0x24: {  	v2 =	vld [tilespmem:s19+$0x40];
	v8 =	vshra.s32 v3, $0x4  }
0x25: {  	v3 =	vld [tilespmem:s19+$0x50];
	v6 =	vshra.s32 v6, $0x4;
	[tilespmem:s19+$0xC470] =	vst v8  }
0x26: {  	s18 =	simm.s32 $0x0;
	s20 =	simm.s32 $0x80;
	s21 =	simm.s32 $0x400;
	v7 =	vshra.s32 v7, $0x4;
	[tilespmem:s19+$0xC400] =	vst v6;
	v6 =	vld [tilespmem:s19+$0x60]  }
.LBB2_4:
0x27: {  	p0 =	sne.s32 s21, $0x18600;
	v8 =	vld [tilespmem:s20+$0x70];
	[tilespmem:s19+$0xC410] =	vst v7;
	v5 =	vshra.s32 v5, $0x4  }
0x28: {  	v7 =	vld [tilespmem:s20+$0x0];
	[tilespmem:s19+$0xC420] =	vst v5;
	v4 =	vshra.s32 v4, $0x4  }
0x29: {  	v9 =	vld [tilespmem:s20+$0x10];
	[tilespmem:s19+$0xC430] =	vst v4;
	v2 =	vshra.s32 v2, $0x4  }
.Ltmp1:
0x2a: {  	v5 =	vld [tilespmem:s20+$0x20];
	[tilespmem:s19+$0xC440] =	vst v2;
	v2 =	vshra.s32 v3, $0x4;
	(pc) =	sbr.rel @p0 .LBB2_4-.Ltmp1, $4  }
0x2b: {  	v4 =	vld [tilespmem:s20+$0x30];
	[tilespmem:s19+$0xC450] =	vst v2;
	v3 =	vshra.s32 v6, $0x4  }
0x2c: {  	v2 =	vld [tilespmem:s20+$0x40];
	v6 =	vshra.s32 v8, $0x4;
	[tilespmem:s19+$0xC460] =	vst v3;
	s19 =	smov.u32 s20  }
0x2d: {  	v7 =	vshra.s32 v7, $0x4;
	v3 =	vld [tilespmem:s19+$0x50];
	[tilespmem:s19+$0xC470] =	vst v6  }
0x2e: {  	s20 =	sshra.s32 s21, $0x2;
	s21 =	sadd.s32 $0x200, s21;
	[tilespmem:s19+$0xC400] =	vst v7;
	v7 =	vshra.s32 v9, $0x4;
	v6 =	vld [tilespmem:s19+$0x60]  }
0x2f: {  	v8 =	vld [tilespmem:s20+$0x70];
	[tilespmem:s19+$0xC410] =	vst v7;
	v5 =	vshra.s32 v5, $0x4  }
0x30: {  	v7 =	vld [tilespmem:s20+$0x0];
	[tilespmem:s19+$0xC420] =	vst v5;
	v4 =	vshra.s32 v4, $0x4  }
0x31: {  	v5 =	vld [tilespmem:s20+$0x10];
	[tilespmem:s19+$0xC430] =	vst v4;
	v2 =	vshra.s32 v2, $0x4  }
0x32: {  	v4 =	vld [tilespmem:s20+$0x20];
	[tilespmem:s19+$0xC440] =	vst v2;
	v2 =	vshra.s32 v3, $0x4  }
0x33: {  	v3 =	vld [tilespmem:s20+$0x30];
	[tilespmem:s19+$0xC450] =	vst v2;
	v2 =	vshra.s32 v6, $0x4  }
0x34: {  	v61 =	vld [tilespmem:s20+$0x40];
	[tilespmem:s19+$0xC460] =	vst v2;
	v2 =	vshra.s32 v8, $0x4  }
0x35: {  	v62 =	vld [tilespmem:s20+$0x50];
	v7 =	vshra.s32 v7, $0x4;
	[tilespmem:s20+$0xC470] =	vst v2  }
0x36: {  	v63 =	vld [tilespmem:s20+$0x60];
	[tilespmem:s20+$0xC400] =	vst v7;
	v2 =	vshra.s32 v5, $0x4  }
0x37: {  	[tilespmem:s20+$0xC410] =	vst v2;
	v2 =	vshra.s32 v4, $0x4  }
0x38: {  	[tilespmem:s20+$0xC420] =	vst v2;
	v2 =	vshra.s32 v3, $0x4  }
0x39: {  	[tilespmem:s20+$0xC430] =	vst v2;
	v2 =	vshra.s32 v61, $0x4  }
0x3a: {  	[tilespmem:s20+$0xC440] =	vst v2;
	v2 =	vshra.s32 v62, $0x4  }
0x3b: {  	[tilespmem:s20+$0xC450] =	vst v2;
	v2 =	vshra.s32 v63, $0x4  }
0x3c: {  	s19 =	simm.s32 $0x0;
	[tilespmem:s20+$0xC460] =	vst v2  }
.LBB2_6:
0x3d: {  	s20 =	sadd.s32 $0xFFFFFFFE, s18  }
0x3e: {  	s21 =	sadd.s32 $0x2, s20  }
0x3f: {  	v2 =	vmov s21  }
0x40: {  	v2 =	vand.u32 $0xFFFFFFFE, v2  }
0x41: {  	v2 =	vbroadcast v2, $0x0  }
0x42: {  	p0 =	seq.s32 s19, $0x0  }
0x43: {  	s25 =	sadd.s32 $0x0, s18;
	s22 =	simm.s32 @!p0 $0x1  }
0x44: {  	s20 =	sadd.s32 $0x3, s20;
	s26 =	sadd.s32 $0x2, s25;
	_ =	swait.ge @!p0 [sflag:s22], $0x800  }
0x45: {  	v3 =	vmov s20;
	v4 =	vmov s26;
	[sflag:s22] =	ssyncset.done @!p0 $0x0  }
0x46: {  	v4 =	vand.u32 $0xFFFFFFFE, v4;
	[sflag:s22] =	ssyncadd.s32 @!p0 $0xFFFFF800  }
0x47: {  	v5 =	vbroadcast v4, $0x0;
	v10 =	vld.idx.msk [tilespmem:v2+s3+$0x0], $0xffff  }
0x48: {  	s28 =	sadd.s32 $0x3, s25  }
0x49: {  	s29 =	sadd.s32 $0x2, s18;
	v6 =	vmov s28  }
0x4a: {  	s30 =	sadd.s32 $0x2, s29;
	v11 =	vld.idx.msk [tilespmem:v3+s3+$0x0], $0xffff  }
0x4b: {  	v7 =	vmov s30;
	v3 =	vld.idx.msk [tilespmem:v3+s10+$0x0], $0xffff  }
0x4c: {  	v4 =	vld.idx.msk [tilespmem:v2+s10+$0x0], $0xffff;
	v2 =	vand.u32 $0xFFFFFFFE, v7;
	v10 =	vand.u32 $0xF, v10  }
0x4d: {  	s31 =	sadd.s32 $0x3, s29;
	v7 =	vld.idx.msk [tilespmem:v5+s3+$0x0], $0xffff;
	v9 =	vbroadcast v2, $0x0  }
0x4e: {  	s23 =	simm.s32 $0x6;
	s24 =	sadd.s32 $0x4, s18;
	v8 =	vmov s31;
	v2 =	vld.idx.msk [tilespmem:v6+s10+$0x0], $0xffff  }
0x4f: {  	s20 =	sshll.u32 s19, $0x1;
	s21 =	simm.s32 $0x12610;
	s22 =	simm.s32 $0x12610;
	v6 =	vld.idx.msk [tilespmem:v6+s3+$0x0], $0xffff;
	v12 =	vand.u32 $0xF, v11;
	v11 =	vmovc v9;
	vm0 =	veq.s32 v10, v1;
	v10 =	vmov v8  }
.LBB2_7:
0x50: {  	s26 =	smov.u32 s23;
	s23 =	sadd.s32 $0x2, s23  }
0x51: {  	s25 =	sadd.s32 $0x2, s24;
	v13 =	vnsel vm0, $0x0, v4;
	v4 =	vld.idx.msk [tilespmem:v5+s10+$0x0], $0xffff;
	vm0 =	veq.s32 v12, v1;
	s21 =	sadd.s32 $0x20, s21;
	v5 =	vmov v9;
	p1 =	slt.u32 s23, $0x7E  }
.Ltmp2:
0x52: {  	v9 =	vmov s25;
	[tilespmem:s22+$0xFFFFFFF0] =	vst v13;
	v12 =	vnsel vm0, $0x0, v3;
	(pc) =	sbr.rel @p1 .LBB2_7-.Ltmp2, $4  }
0x53: {  	v9 =	vand.u32 $0xFFFFFFFE, v9;
	[tilespmem:s22+$0x0] =	vst v12;
	s22 =	smov.u32 s21  }
0x54: {  	s24 =	sadd.s32 $0x3, s24;
	v3 =	vmov v2;
	v9 =	vbroadcast v9, $0x0;
	v2 =	vld.idx.msk [tilespmem:v8+s10+$0x0], $0xffff  }
0x55: {  	v8 =	vmov s24;
	v12 =	vand.u32 $0xF, v7;
	v7 =	vld.idx.msk [tilespmem:v11+s3+$0x0], $0xffff  }
0x56: {  	s24 =	sadd.s32 s26, s18;
	vm0 =	veq.s32 v12, v1;
	v12 =	vand.u32 $0xF, v6;
	v6 =	vld.idx.msk [tilespmem:v10+s3+$0x0], $0xffff;
	v11 =	vmovc v9;
	v10 =	vmov v8  }
0x57: {  	s23 =	sadd.s32 $0x2, s24  }
0x58: {  	v13 =	vmov s23  }
0x59: {  	v13 =	vand.u32 $0xFFFFFFFE, v13  }
0x5a: {  	v13 =	vbroadcast v13, $0x0  }
0x5b: {  	v5 =	vld.idx.msk [tilespmem:v5+s10+$0x0], $0xffff;
	s25 =	sadd.s32 $0x3, s24  }
0x5c: {  	v8 =	vld.idx.msk [tilespmem:v8+s10+$0x0], $0xffff;
	v14 =	vmov s25  }
0x5d: {  	v11 =	vld.idx.msk [tilespmem:v11+s3+$0x0], $0xffff  }
0x5e: {  	v10 =	vld.idx.msk [tilespmem:v10+s3+$0x0], $0xffff  }
0x5f: {  	v9 =	vld.idx.msk [tilespmem:v9+s10+$0x0], $0xffff  }
0x60: {  	v15 =	vld.idx.msk [tilespmem:v13+s3+$0x0], $0xffff  }
0x61: {  	v4 =	vnsel vm0, $0x0, v4;
	vm0 =	veq.s32 v12, v1;
	v7 =	vand.u32 $0xF, v7;
	v12 =	vld.idx.msk [tilespmem:v14+s3+$0x0], $0xffff  }
0x62: {  	[tilespmem:s22+$0xFFFFFFF0] =	vst v4;
	v3 =	vnsel vm0, $0x0, v3;
	vm0 =	veq.s32 v7, v1;
	v4 =	vand.u32 $0xF, v6;
	v6 =	vld.idx.msk [tilespmem:v13+s10+$0x0], $0xffff  }
0x63: {  	s21 =	sadd.s32 $0x20, s21;
	[tilespmem:s22+$0x0] =	vst v3;
	v3 =	vnsel vm0, $0x0, v5;
	vm0 =	veq.s32 v4, v1;
	v5 =	vand.u32 $0xF, v11;
	v4 =	vld.idx.msk [tilespmem:v14+s10+$0x0], $0xffff  }
0x64: {  	[tilespmem:s21+$0xFFFFFFF0] =	vst v3;
	v2 =	vnsel vm0, $0x0, v2;
	vm0 =	veq.s32 v5, v1;
	v3 =	vand.u32 $0xF, v10  }
0x65: {  	s26 =	sadd.s32 $0x20, s21;
	[tilespmem:s21+$0x0] =	vst v2;
	v2 =	vnsel vm0, $0x0, v9;
	vm0 =	veq.s32 v3, v1;
	v3 =	vand.u32 $0xF, v15  }
0x66: {  	s28 =	sadd.s32 $0xFFFFFFFE, s18;
	[tilespmem:s26+$0xFFFFFFF0] =	vst v2;
	v2 =	vnsel vm0, $0x0, v8;
	vm0 =	veq.s32 v3, v1;
	v3 =	vand.u32 $0xF, v12  }
0x67: {  	s31 =	sadd.s32 $0x82, s28;
	s29 =	sadd.s32 $0x20, s26;
	[tilespmem:s26+$0x0] =	vst v2;
	v2 =	vnsel vm0, $0x0, v6;
	vm0 =	veq.s32 v3, v1  }
0x68: {  	v3 =	vmov s31;
	[tilespmem:s29+$0xFFFFFFF0] =	vst v2;
	v2 =	vnsel vm0, $0x0, v4  }
0x69: {  	s30 =	sshll.u32 s19, $0x8;
	[tilespmem:s29+$0x0] =	vst v2;
	v2 =	vand.u32 $0xFFFFFFFE, v3  }
0x6a: {  	s22 =	sand.u32 $0x3FFFFF00, s30;
	v2 =	vbroadcast v2, $0x0  }
0x6b: {  	s25 =	sadd.s32 $0x0, s18;
	s23 =	simm.s32 @!p0 $0x2;
	s22 =	sadd.s32 $0xC400, s22  }
0x6c: {  	[spmem:s2] =	stream.indirect.scatter.add.f32 [tilespmem:s13], [sflag:$0x1], $0x10, s22, s12, $0xb8;
	[tilespmem:$0x14E80] =	vst v63  }
0x6d: {  	s21 =	sadd.s32 $0x83, s28;
	s26 =	sadd.s32 $0x82, s25;
	_ =	swait.ge @!p0 [sflag:s23], $0x800  }
0x6e: {  	v4 =	vmov s26;
	v3 =	vmov s21;
	[sflag:s23] =	ssyncset.done @!p0 $0x0  }
0x6f: {  	v4 =	vand.u32 $0xFFFFFFFE, v4;
	[sflag:s23] =	ssyncadd.s32 @!p0 $0xFFFFF800  }
0x70: {  	v5 =	vbroadcast v4, $0x0;
	v10 =	vld.idx.msk [tilespmem:v2+s3+$0x0], $0xffff  }
0x71: {  	s28 =	sadd.s32 $0x83, s25  }
0x72: {  	v6 =	vmov s28;
	s29 =	sadd.s32 $0x2, s18  }
0x73: {  	s30 =	sadd.s32 $0x82, s29;
	v11 =	vld.idx.msk [tilespmem:v3+s3+$0x0], $0xffff  }
0x74: {  	v7 =	vmov s30;
	v3 =	vld.idx.msk [tilespmem:v3+s10+$0x0], $0xffff  }
0x75: {  	v4 =	vld.idx.msk [tilespmem:v2+s10+$0x0], $0xffff;
	v2 =	vand.u32 $0xFFFFFFFE, v7;
	v10 =	vand.u32 $0xF, v10  }
0x76: {  	s31 =	sadd.s32 $0x83, s29;
	v7 =	vld.idx.msk [tilespmem:v5+s3+$0x0], $0xffff;
	v9 =	vbroadcast v2, $0x0  }
0x77: {  	s20 =	sor.u32 $0x1, s20;
	s24 =	sadd.s32 $0x4, s18;
	v8 =	vmov s31;
	v2 =	vld.idx.msk [tilespmem:v6+s10+$0x0], $0xffff  }
0x78: {  	s21 =	simm.s32 $0x12E10;
	s22 =	simm.s32 $0x12E10;
	s23 =	simm.s32 $0x6;
	v6 =	vld.idx.msk [tilespmem:v6+s3+$0x0], $0xffff;
	v12 =	vand.u32 $0xF, v11;
	v11 =	vmovc v9;
	vm0 =	veq.s32 v10, v1;
	v10 =	vmov v8  }
.LBB2_9:
0x79: {  	s26 =	smov.u32 s23;
	s23 =	sadd.s32 $0x2, s23  }
0x7a: {  	s25 =	sadd.s32 $0x82, s24;
	v13 =	vnsel vm0, $0x0, v4;
	v4 =	vld.idx.msk [tilespmem:v5+s10+$0x0], $0xffff;
	vm0 =	veq.s32 v12, v1;
	s21 =	sadd.s32 $0x20, s21;
	v5 =	vmov v9;
	p0 =	slt.u32 s23, $0x7E  }
.Ltmp3:
0x7b: {  	v9 =	vmov s25;
	[tilespmem:s22+$0xFFFFFFF0] =	vst v13;
	v12 =	vnsel vm0, $0x0, v3;
	(pc) =	sbr.rel @p0 .LBB2_9-.Ltmp3, $4  }
0x7c: {  	v9 =	vand.u32 $0xFFFFFFFE, v9;
	[tilespmem:s22+$0x0] =	vst v12;
	s22 =	smov.u32 s21  }
0x7d: {  	s24 =	sadd.s32 $0x83, s24;
	v3 =	vmov v2;
	v9 =	vbroadcast v9, $0x0;
	v2 =	vld.idx.msk [tilespmem:v8+s10+$0x0], $0xffff  }
0x7e: {  	v8 =	vmov s24;
	v12 =	vand.u32 $0xF, v7;
	v7 =	vld.idx.msk [tilespmem:v11+s3+$0x0], $0xffff  }
0x7f: {  	s24 =	sadd.s32 s26, s18;
	vm0 =	veq.s32 v12, v1;
	v12 =	vand.u32 $0xF, v6;
	v6 =	vld.idx.msk [tilespmem:v10+s3+$0x0], $0xffff;
	v11 =	vmovc v9;
	v10 =	vmov v8  }
0x80: {  	s23 =	sadd.s32 $0x82, s24  }
0x81: {  	v13 =	vmov s23  }
0x82: {  	v13 =	vand.u32 $0xFFFFFFFE, v13  }
0x83: {  	v13 =	vbroadcast v13, $0x0  }
0x84: {  	v5 =	vld.idx.msk [tilespmem:v5+s10+$0x0], $0xffff;
	s29 =	sadd.s32 $0x83, s24  }
0x85: {  	v8 =	vld.idx.msk [tilespmem:v8+s10+$0x0], $0xffff;
	v14 =	vmov s29  }
0x86: {  	v11 =	vld.idx.msk [tilespmem:v11+s3+$0x0], $0xffff  }
0x87: {  	v10 =	vld.idx.msk [tilespmem:v10+s3+$0x0], $0xffff  }
0x88: {  	v9 =	vld.idx.msk [tilespmem:v9+s10+$0x0], $0xffff  }
0x89: {  	v15 =	vld.idx.msk [tilespmem:v13+s3+$0x0], $0xffff  }
0x8a: {  	v4 =	vnsel vm0, $0x0, v4;
	vm9 =	veq.s32 v12, v1;
	v7 =	vand.u32 $0xF, v7;
	v59 =	vld.idx.msk [tilespmem:v14+s3+$0x0], $0xffff  }
0x8b: {  	[tilespmem:s22+$0xFFFFFFF0] =	vst v4;
	v3 =	vnsel vm9, $0x0, v3;
	vm10 =	veq.s32 v7, v1;
	v60 =	vand.u32 $0xF, v6;
	v61 =	vld.idx.msk [tilespmem:v13+s10+$0x0], $0xffff  }
0x8c: {  	s21 =	sadd.s32 $0x20, s21;
	[tilespmem:s22+$0x0] =	vst v3;
	v3 =	vnsel vm10, $0x0, v5;
	vm11 =	veq.s32 v60, v1;
	v63 =	vand.u32 $0xF, v11;
	v62 =	vld.idx.msk [tilespmem:v14+s10+$0x0], $0xffff  }
0x8d: {  	s19 =	sadd.s32 $0x1, s19;
	[tilespmem:s21+$0xFFFFFFF0] =	vst v3;
	v2 =	vnsel vm11, $0x0, v2;
	vm12 =	veq.s32 v63, v1;
	v3 =	vand.u32 $0xF, v10  }
0x8e: {  	s30 =	sadd.s32 $0x20, s21;
	p0 =	sne.s32 s19, $0x62;
	[tilespmem:s21+$0x0] =	vst v2;
	v2 =	vnsel vm12, $0x0, v9;
	vm13 =	veq.s32 v3, v1;
	v3 =	vand.u32 $0xF, v15  }
.Ltmp4:
0x8f: {  	[tilespmem:s30+$0xFFFFFFF0] =	vst v2;
	v2 =	vnsel vm13, $0x0, v8;
	vm14 =	veq.s32 v3, v1;
	v3 =	vand.u32 $0xF, v59;
	(pc) =	sbr.rel @p0 .LBB2_6-.Ltmp4, $4  }
0x90: {  	s20 =	sshll.u32 s20, $0x7;
	s31 =	sadd.s32 $0x20, s30;
	[tilespmem:s30+$0x0] =	vst v2;
	v2 =	vnsel vm14, $0x0, v61;
	vm15 =	veq.s32 v3, v1  }
0x91: {  	s20 =	sand.u32 $0x3FFFFF80, s20;
	[tilespmem:s31+$0xFFFFFFF0] =	vst v2;
	v2 =	vnsel vm15, $0x0, v62  }
0x92: {  	s18 =	sadd.s32 $0x100, s18;
	s20 =	sadd.s32 $0xC400, s20;
	[tilespmem:s31+$0x0] =	vst v2  }
0x93: {  	[spmem:s2] =	stream.indirect.scatter.add.f32 [tilespmem:s14], [sflag:$0x2], $0x10, s20, s12, $0xb8;
	[tilespmem:$0x14E80] =	vst v63  }
0x94: {  	_ =	swait.ge [sflag:s15], $0x800  }
0x95: {  	[sflag:s15] =	ssyncset.done $0x0  }
0x96: {  	[sflag:s15] =	ssyncadd.s32 $0xFFFFF800  }
0x97: {  	_ =	swait.ge [sflag:s16], $0x800  }
0x98: {  	s18 =	sshll.u32 s0, $0x6;
	s17 =	sadd.s32 $0x1, s17;
	[sflag:s16] =	ssyncset.done $0x0  }
0x99: {  	s19 =	sshrl.u32 s6, $0x3;
	p0 =	sne.s32 s17, s8;
	[sflag:s16] =	ssyncadd.s32 $0xFFFFF800  }
.Ltmp5:
0x9a: {  	s18 =	sor.u32 $0x1C03, s18;
	[bflag:$0x0] =	sbarrier.arrive $0xFFFF;
	(pc) =	sbr.rel @p0 .LBB2_1-.Ltmp5, $4  }
0x9b: {  	[hbm:s7], [sflag:s18] =	dma.local [spmem:s19], $0x188  }
0x9c: {  	_ =	swait.ge [sflag:s9], $0x188  }
0x9d: {  	[sflag:s9] =	ssyncset.done $0x0  }
0x9e: {  	[sflag:s9] =	ssyncadd.s32 $0xFFFFFE78  }
0x9f: {  	_ =	sfence.sel $0x180000  }
0xa0: {  	[bflag:$0x0] =	sbarrier.arrive $0xFFFF  }
0xa1: {  	p0 =	sne.s32 s0, $0x0;
	_ =	strace $0x90000047  }
0xa2: {  	s0 =	sadd.s32 @!p0 $0x100000, s1;
	[bflag:$0x2] =	sbarrier.arrive $0xFFFF  }
0xa3: {  	[sflag:s0] =	ssyncadd.tile.s32 @!p0 $0x1;
	_ =	shalt  }
.Lfunc_end2:
_tile_overlayer_lowered:
.L_overlay_start_2:
0xa4: {  	(tag) =	ssettag $0x2  }
0xa5: {  	s0 =	rddreg [dreg:$0x0];
	s2 =	stileid.u32  }
0xa6: {  	s1 =	rddreg [dreg:$0x1];
	p0 =	sne.s32 s2, $0x0  }
0xa7: {  	s3 =	rddreg [dreg:$0x2];
	[bflag:$0x3] =	sbarrier.arrive $0xFFFF;
	s2 =	simm.s32 @!p0 $0x1C03  }
0xa8: {  	[timem:s3], [sflag:s2] =	dma.local @!p0 [hbm:s0], s1  }
0xa9: {  	s0 =	simm.s32 @!p0 $0x3  }
0xaa: {  	_ =	swait.ge @!p0 [sflag:s0], s1  }
0xab: {  	s1 =	ssub.s32 @!p0 $0x0, s1;
	[sflag:s0] =	ssyncset.done @!p0 $0x0  }
0xac: {  	[sflag:s0] =	ssyncadd.s32 @!p0 s1  }
0xad: {  	[bflag:$0x3] =	sbarrier.arrive $0xFFFF  }
0xae: {  	_ =	shalt  }

// kernel: kernel.9.cloned.1.call-start
scs
__scs_entry_jumppad:
0x0: {  	(pc) =	sbr.rel $0x88, $3  }
0x1: {  	(tag) =	ssettag $0x0;
	lr =	simm.s32 $0x1  }
0x2: {  	[smem:$0x3F91] =	sst lr;
	_ =	strace $0xD0000000  }
0x3: {  	_ = 	snop  }
0x4: {  	_ = 	snop  }
0x5: {  	_ = 	snop  }
0x6: {  	_ = 	snop  }
0x7: {  	_ = 	snop  }
__scs_overlays_trampoline_lowered:
0x8: {  	[smem:$0x3FA0] =	sst s0  }
0x9: {  	[smem:$0x3FA1] =	sst s1  }
0xa: {  	[smem:$0x3FA2] =	sst s2  }
0xb: {  	[smem:$0x3FA3] =	sst s3  }
0xc: {  	[smem:$0x3FA4] =	sst s4  }
0xd: {  	[smem:$0x3FA5] =	sst s5  }
0xe: {  	[smem:$0x3FA6] =	sst s6  }
0xf: {  	[smem:$0x3FA7] =	sst s7  }
0x10: {  	[smem:$0x3FA8] =	sst s8  }
0x11: {  	[smem:$0x3FA9] =	sst s9;
	s0 =	simm.s32 @!p0 $0x0  }
0x12: {  	s1 =	sld [smem:$0x3F8F];
	s0 =	simm.s32 @p0 $0x1  }
0x13: {  	[smem:$0x3FAA] =	sst s0;
	s0 =	simm.s32 @!p1 $0x0  }
0x14: {  	s2 =	sld [smem:$0x3F8E];
	s0 =	simm.s32 @p1 $0x1  }
0x15: {  	[smem:$0x3FAB] =	sst s0;
	s0 =	simm.s32 @!p2 $0x0  }
0x16: {  	s3 =	sld [smem:$0x3FDB];
	s0 =	simm.s32 @p2 $0x1  }
0x17: {  	s4 =	simm.s32 $0x1BF5;
	[smem:$0x3FAD] =	sst s0  }
0x18: {  	s0 =	sld [smem:$0x3F90];
	_ =	swait.ge [sflag:s4], $0x0  }
0x19: {  	s7 =	sld [smem:$0x3F91]  }
0x1a: {  	s8 =	sadd.s32 $0xFFFFE003, lr  }
0x1b: {  	s9 =	sadd.s32 $0xFFFFFEF7, lr;
	s5 =	simm.s32 $0xFFFFFFFF;
	p2 =	slt.u32 s8, $0xFFFFF086  }
0x1c: {  	p1 =	slt.u32 s9, $0xF7A;
	s5 =	simm.s32 @!p2 $0x0  }
0x1d: {  	s5 =	simm.s32 @p1 $0x1;
	p0 =	seq.s32 s7, s2  }
0x1e: {  	s7 =	smul.u32 @!p0 $0xF7A, s2;
	p2 =	seq.s32 @!p0 s5, $0x0  }
0x1f: {  	s9 =	smul.u32 $0xF7A, s1;
	s8 =	simm.s32 @!p0 $0x1BF5;
	p2 =	por !p2, p0  }
0x20: {  	[sflag:s8] =	ssyncset.s32 @!p0 $0xFFFFF086;
	s6 =	sadd.s32 @!p0 s3, s7;
	s7 =	simm.s32 @!p0 $0x108  }
0x21: {  	s3 =	sadd.s32 s3, s9;
	s6 =	sadd.s32 @!p0 $0x88, s6;
	s7 =	simm.s32 @p2 $0x1082  }
0x22: {  	[simem:s7], [sflag:s8] =	dma.local @!p0 [hbm:s6], $0xF7A  }
0x23: {  	s9 =	sor.u32 $0xD0000000, s2;
	s6 =	simm.s32 $0x108;
	_ =	swait.ge @!p0 [sflag:s8], $0x0  }
0x24: {  	s3 =	sadd.s32 $0x88, s3;
	s6 =	simm.s32 @!p1 $0x1082;
	[sflag:s4] =	ssyncset.s32 $0xFFFFF086  }
0x25: {  	[simem:s6], [sflag:s4] =	dma.local [hbm:s3], $0xF7A  }
0x26: {  	[smem:$0x3F91] =	sst s1;
	(tag) =	ssettag s2;
	_ =	strace s9  }
0x27: {  	s1 =	sld [smem:$0x3FA1]  }
0x28: {  	s2 =	sld [smem:$0x3FA2]  }
0x29: {  	s4 =	sld [smem:$0x3FA4]  }
0x2a: {  	p0 =	seq.s32 s5, $0x0;
	s5 =	sld [smem:$0x3FA5]  }
0x2b: {  	s6 =	sld [smem:$0x3FA6]  }
0x2c: {  	s7 =	sld [smem:$0x3FA7]  }
0x2d: {  	s3 =	simm.s32 $0x108;
	s8 =	sld [smem:$0x3FA8]  }
0x2e: {  	s3 =	simm.s32 @!p0 $0x1082;
	s9 =	sld [smem:$0x3FA9]  }
0x2f: {  	lr =	sadd.s32 s0, s3;
	s0 =	sld [smem:$0x3FA0]  }
0x30: {  	s3 =	sld [smem:$0x3FA3]  }
0x31: {  	[smem:$0x3FAC] =	sst s10  }
0x32: {  	s10 =	sld [smem:$0x3FAA];
	_ =	sdelay $0x3  }
0x33: {  	p0 =	seq.s32 s10, $0x1;
	s10 =	sld [smem:$0x3FAC];
	_ =	sdelay $0x3  }
0x34: {  	[smem:$0x3FAC] =	sst s10  }
0x35: {  	s10 =	sld [smem:$0x3FAB];
	_ =	sdelay $0x3  }
0x36: {  	p1 =	seq.s32 s10, $0x1;
	s10 =	sld [smem:$0x3FAC];
	_ =	sdelay $0x3  }
0x37: {  	[smem:$0x3FAC] =	sst s10  }
0x38: {  	s10 =	sld [smem:$0x3FAD]  }
0x39: {  	_ = 	snop;
	(pc) =	sbr.ind lr, $3  }
0x3a: {  	_ = 	snop  }
0x3b: {  	_ = 	snop  }
0x3c: {  	p2 =	seq.s32 s10, $0x1;
	s10 =	sld [smem:$0x3FAC]  }
0x3d: {  	_ =	shalt  }
0x3e: {  	_ =	shalt  }
0x3f: {  	_ =	shalt  }
0x40: {  	_ =	shalt  }
0x41: {  	_ =	shalt  }
0x42: {  	_ =	shalt  }
0x43: {  	_ =	shalt  }
0x44: {  	_ =	shalt  }
0x45: {  	_ =	shalt  }
0x46: {  	_ =	shalt  }
0x47: {  	_ =	shalt  }
0x48: {  	_ =	shalt  }
0x49: {  	_ =	shalt  }
0x4a: {  	_ =	shalt  }
0x4b: {  	_ =	shalt  }
0x4c: {  	_ =	shalt  }
0x4d: {  	_ =	shalt  }
0x4e: {  	_ =	shalt  }
0x4f: {  	_ =	shalt  }
0x50: {  	_ =	shalt  }
0x51: {  	_ =	shalt  }
0x52: {  	_ =	shalt  }
0x53: {  	_ =	shalt  }
0x54: {  	_ =	shalt  }
0x55: {  	_ =	shalt  }
0x56: {  	_ =	shalt  }
0x57: {  	_ =	shalt  }
0x58: {  	_ =	shalt  }
0x59: {  	_ =	shalt  }
0x5a: {  	_ =	shalt  }
0x5b: {  	_ =	shalt  }
0x5c: {  	_ =	shalt  }
0x5d: {  	_ =	shalt  }
0x5e: {  	_ =	shalt  }
0x5f: {  	_ =	shalt  }
0x60: {  	_ =	shalt  }
0x61: {  	_ =	shalt  }
0x62: {  	_ =	shalt  }
0x63: {  	_ =	shalt  }
0x64: {  	_ =	shalt  }
0x65: {  	_ =	shalt  }
0x66: {  	_ =	shalt  }
0x67: {  	_ =	shalt  }
0x68: {  	_ =	shalt  }
0x69: {  	_ =	shalt  }
0x6a: {  	_ =	shalt  }
0x6b: {  	_ =	shalt  }
0x6c: {  	_ =	shalt  }
0x6d: {  	_ =	shalt  }
0x6e: {  	_ =	shalt  }
0x6f: {  	_ =	shalt  }
0x70: {  	_ =	shalt  }
0x71: {  	_ =	shalt  }
0x72: {  	_ =	shalt  }
0x73: {  	_ =	shalt  }
0x74: {  	_ =	shalt  }
0x75: {  	_ =	shalt  }
0x76: {  	_ =	shalt  }
0x77: {  	_ =	shalt  }
0x78: {  	_ =	shalt  }
0x79: {  	_ =	shalt  }
0x7a: {  	_ =	shalt  }
0x7b: {  	_ =	shalt  }
0x7c: {  	_ =	shalt  }
0x7d: {  	_ =	shalt  }
0x7e: {  	_ =	shalt  }
0x7f: {  	_ =	shalt  }
0x80: {  	_ =	shalt  }
0x81: {  	_ =	shalt  }
0x82: {  	_ =	shalt  }
0x83: {  	_ =	shalt  }
0x84: {  	_ =	shalt  }
0x85: {  	_ =	shalt  }
0x86: {  	_ =	shalt  }
0x87: {  	_ =	shalt  }
.Lfunc_end0:
.L_simem_size_0:
called_computation.1_lowered:
.L_overlay_start_0:
0x88: {  	s2 =	sld [smem:$0x3FD9]  }
0x89: {  	s3 =	sld [smem:$0x3FFE];
	_ =	sdelay $0x1  }
0x8a: {  	s1 =	srdreg.scid  }
0x8b: {  	s0 =	sand.u32 $0x1, s1  }
0x8c: {  	s14 =	sshll.u32 s0, $0xA;
	s2 =	sadd.s32 s3, s2  }
0x8d: {  	s2 =	sadd.s32 s2, s14  }
0x8e: {  	[smem:$0x3FB8] =	sst s2  }
0x8f: {  	_ = 	snop  }
0x90: {  	s2 =	sld [smem:$0x3FD0];
	_ =	sdelay $0x2  }
0x91: {  	s15 =	simm.s32 $0xA;
	s4 =	simm.s32 $0x10  }
0x92: {  	[smem:s4], [sflag:s15] =	dma.local [hbm:s2], $0x1  }
0x93: {  	_ =	swait.eq [sflag:s15], $0x1  }
0x94: {  	[sflag:s15] =	ssyncset.done $0x0  }
0x95: {  	[sflag:s15] =	ssyncadd.s32 $0xFFFFFFFF  }
0x96: {  	s16 =	sld [smem:$0x11];
	(tm) =	ssettm $0x1  }
0x97: {  	s17 =	sld [smem:$0x3FFB];
	_ =	sdelay $0x3  }
0x98: {  	_ =	strace s17  }
0x99: {  	s3 =	sld [smem:$0x3FFC];
	_ =	sdelay $0x3  }
0x9a: {  	_ =	strace s3  }
0x9b: {  	s3 =	sld [smem:$0x3FFD];
	_ =	sdelay $0x3  }
0x9c: {  	_ =	strace s3  }
0x9d: {  	_ =	strace $0x8FFFFFFF  }
0x9e: {  	s18 =	sld [smem:$0x3FDB];
	_ =	sdelay $0x1  }
0x9f: {  	s19 =	simm.s32 $_scs_section_size  }
0xa0: {  	s5 =	simm.s32 $_size__tile_overlayer_lowered;
	s6 =	simm.s32 $_tile_overlayer_lowered  }
0xa1: {  	s22 =	simm.s32 $0x1BFF;
	s21 =	sshll.u32 s6, $0x1;
	s3 =	sadd.s32 s19, s18  }
0xa2: {  	s7 =	simm.s32 $0x0;
	s20 =	sshll.u32 s5, $0x1;
	s5 =	sadd.s32 s21, s3  }
0xa3: {  	[timem:s7], [sflag:s22] =	dma.local [hbm:s5], s20  }
0xa4: {  	_ =	swait.ge [sflag:s22], s20  }
0xa5: {  	s4 =	ssub.s32 $0x0, s20;
	[sflag:s22] =	ssyncset.done $0x0  }
0xa6: {  	[sflag:s22] =	ssyncadd.s32 s4;
	_ =	sdelay $0x1  }
0xa7: {  	s23 =	simm.s32 $0x1B8B  }
0xa8: {  	_ =	swait.ge [sflag:s23], $0x1  }
0xa9: {  	[sflag:s23] =	ssyncset.done $0x0  }
0xaa: {  	s25 =	simm.s32 $0x1B8E;
	s24 =	sld [smem:$0x3FFE];
	[sflag:s23] =	ssyncadd.s32 $0xFFFFFFFF  }
0xab: {  	s26 =	simm.s32 $execute0_lowered;
	[smem:$0x3FD2] =	sst s25  }
0xac: {  	s5 =	sshll.u32 s26, $0x1;
	_ =	strace $0x80000049;
	[dreg:$0x1] =	wrdreg $0xFFFFFFFF  }
0xad: {  	s28 =	simm.s32 $_size_execute0_lowered;
	s3 =	sadd.s32 s3, s5;
	[dreg:$0x0] =	wrdreg $0x0  }
0xae: {  	s5 =	sshll.u32 s28, $0x1;
	[dreg:$0x2] =	wrdreg s3  }
0xaf: {  	[dreg:$0x3] =	wrdreg s5  }
0xb0: {  	[dreg:$0x4] =	wrdreg $0xC0  }
0xb1: {  	_ =	task [dreg:s7], $0x5FFFF  }
0xb2: {  	[dreg:$0x1] =	wrdreg $0xFFFFFFFF  }
0xb3: {  	[dreg:$0x0] =	wrdreg $0x60  }
0xb4: {  	[dreg:$0x2] =	wrdreg s24  }
0xb5: {  	[dreg:$0x3] =	wrdreg s16  }
0xb6: {  	[dreg:$0x4] =	wrdreg $0x69000  }
0xb7: {  	[dreg:$0x5] =	wrdreg $0x9  }
0xb8: {  	_ =	task.clear_ibuf [dreg:s7], $0x6FFFF;
	_ =	strace $0x90000049  }
0xb9: {  	s29 =	simm.s32 $0x9;
	_ =	strace $0x8000004B  }
0xba: {  	_ =	swait.ge [sflag:s29], $0x1  }
0xbb: {  	[sflag:s29] =	ssyncadd.s32 $0xFFFFFFFF  }
0xbc: {  	_ =	strace $0x9000004B  }
0xbd: {  	_ =	sfence  }
0xbe: {  	s30 =	sld [smem:$0x0];
	_ =	sdelay $0x2  }
0xbf: {  	s31 =	sshll.u32 s1, $0xD;
	s1 =	sshrl.u32 s1, $0x2  }
0xc0: {  	s3 =	sand.u32 $0x4000, s31;
	s1 =	sadd.s32 s1, s30  }
0xc1: {  	s0 =	sor.u32 s3, s0;
	s1 =	sshll.u32 s1, $0x11  }
0xc2: {  	s0 =	sor.u32 s1, s0  }
0xc3: {  	s0 =	sadd.s32 $0x8F2B, s0  }
0xc4: {  	[sflag:s0] =	ssyncadd.remote.s32 $0x1  }
0xc5: {  	_ =	sfence.sel $0xFFFF  }
0xc6: {  	[dreg:$0x0] =	wrdreg $0xFFFFFFFF;
	(pc) =	sbr.abs _section_cstart, $3  }
0xc7: {  	[dreg:$0x1] =	wrdreg $0xFFFFFFFF  }
0xc8: {  	_ =	task.clear_ibuf [dreg:s7], $0x2FFFF;
	_ =	strace $0x9FFFFFFF  }
0xc9: {  	(tm) =	ssettm $0x7FFFFFFF  }
tec
execute0_lowered:
.L_overlay_start_1:
0x0: {  	(tag) =	ssettag $0x1  }
0x1: {  	s0 =	rddreg [dreg:$0x0];
	s12 =	stileid.u32  }
0x2: {  	s2 =	srdreg.scid;
	s14 =	smul.u32 $0x18800, s12  }
0x3: {  	s1 =	rddreg [dreg:$0x1];
	s2 =	sand.u32 $0x1, s2;
	s10 =	smul.u32 $0x62000, s12  }
0x4: {  	s3 =	rddreg [dreg:$0x2];
	s4 =	simm.s32 $0x0;
	s7 =	smul.u32 $0x188000, s2  }
0x5: {  	[smem:$0x7FF] =	sst s4;
	s10 =	sshrl.u32 s10, $0x2  }
0x6: {  	s9 =	sadd.s32 s14, s7;
	s14 =	sadd.s32 s14, s3;
	s4 =	sadd.s32 s10, s3  }
0x7: {  	_ =	strace $0x8000004A;
	s10 =	sadd.s32 $0x1000, s4;
	[dreg:$0x4] =	wrdreg s14  }
0x8: {  	s16 =	sadd.s32 $0x2000, s4;
	[dreg:$0x5] =	wrdreg s10  }
0x9: {  	s17 =	sadd.s32 $0x3000, s4;
	[dreg:$0x6] =	wrdreg s16  }
0xa: {  	s18 =	sadd.s32 $0x4000, s4;
	[dreg:$0x7] =	wrdreg s17  }
0xb: {  	s19 =	sadd.s32 $0x5000, s4;
	[dreg:$0x8] =	wrdreg s18  }
0xc: {  	s20 =	sadd.s32 $0x6000, s4;
	[dreg:$0x9] =	wrdreg s19  }
0xd: {  	s5 =	sadd.s32 $0x69000, s0;
	s21 =	sadd.s32 $0x7000, s4;
	[dreg:$0xa] =	wrdreg s20  }
0xe: {  	s8 =	sadd.s32 $0x12C600, s0;
	s22 =	sadd.s32 $0x8000, s4;
	[dreg:$0xb] =	wrdreg s21  }
0xf: {  	s6 =	sadd.s32 $0x4FE00, s0;
	s23 =	sadd.s32 $0x9000, s4;
	[dreg:$0xc] =	wrdreg s22  }
0x10: {  	s11 =	ssub.s32 $0x2, s2;
	s24 =	sadd.s32 $0xA000, s4;
	[dreg:$0xd] =	wrdreg s23  }
0x11: {  	p0 =	seq.s32 s2, $0x0;
	s25 =	sadd.s32 $0xB000, s4;
	[dreg:$0xe] =	wrdreg s24  }
0x12: {  	s15 =	sshrl.u32 s11, $0x1;
	s26 =	sadd.s32 $0xC000, s4;
	[dreg:$0xf] =	wrdreg s25  }
0x13: {  	s1 =	smov.u32 @p0 s8;
	s31 =	sadd.s32 $0xD000, s4;
	[dreg:$0x10] =	wrdreg s26  }
0x14: {  	s7 =	sadd.s32 $0x36C00, s0;
	s8 =	sadd.s32 $0xE000, s4;
	[dreg:$0x11] =	wrdreg s31  }
0x15: {  	s9 =	sshrl.u32 s9, $0x3;
	s13 =	sadd.s32 $0x11000, s4;
	[dreg:$0x12] =	wrdreg s8  }
0x16: {  	s0 =	sadd.s32 s9, s0;
	s10 =	sadd.s32 $0xF000, s4;
	[dreg:$0x15] =	wrdreg s13  }
0x17: {  	s9 =	ssub.s32 s11, s15;
	s11 =	sadd.s32 $0x10000, s4;
	[dreg:$0x13] =	wrdreg s10  }
0x18: {  	s15 =	sadd.s32 $0x12000, s4;
	[dreg:$0x14] =	wrdreg s11  }
0x19: {  	s28 =	simm.s32 $0x780;
	s17 =	sadd.s32 $0x13000, s4;
	[dreg:$0x16] =	wrdreg s15  }
0x1a: {  	s29 =	simm.s32 $0x1;
	s18 =	sadd.s32 $0x14000, s4;
	[dreg:$0x17] =	wrdreg s17  }
0x1b: {  	s30 =	simm.s32 $0x0;
	s19 =	sadd.s32 $0x15000, s4;
	[dreg:$0x18] =	wrdreg s18  }
0x1c: {  	s2 =	simm.s32 $0x3900;
	s20 =	sadd.s32 $0x16000, s4;
	[dreg:$0x19] =	wrdreg s19  }
0x1d: {  	s16 =	smul.u32 $0xC900, s12;
	s21 =	sadd.s32 $0x17000, s4;
	[dreg:$0x1a] =	wrdreg s20  }
0x1e: {  	s4 =	sadd.s32 $0x18000, s4;
	s23 =	smul.u32 $0x1920, s12;
	[dreg:$0x1b] =	wrdreg s21  }
0x1f: {  	s12 =	simm.s32 $0x5900;
	s13 =	simm.s32 $0x3;
	[dreg:$0x1c] =	wrdreg s4  }
0x20: {  	s0 =	sadd.s32 $0x145800, s0;
	s25 =	smax.u32 s9, $0x1;
	s17 =	simm.s32 $0x7  }
0x21: {  	s19 =	simm.s32 $0x300;
	s20 =	simm.s32 $0x5;
	s21 =	simm.s32 $0x80  }
0x22: {  	s10 =	simm.s32 $0x4900;
	s9 =	simm.s32 $0x0;
	[dreg:$0x1f] =	wrdreg s0  }
0x23: {  	s22 =	sshrl.u32 s16, $0x3;
	[smem:$0x7FB] =	sst s25;
	s26 =	sadd.s32 s1, s23  }
0x24: {  	s31 =	sadd.s32 $0x180, s16;
	s15 =	sadd.s32 $0x300, s16;
	s16 =	simm.s32 $0x900  }
0x25: {  	s25 =	simm.s32 $0x480;
	s0 =	simm.s32 $0x6;
	[smem:$0x7FC] =	sst s26  }
0x26: {  	s24 =	sadd.s32 s6, s22;
	s8 =	sadd.s32 s7, s22;
	[smem:$0x7FD] =	sst s31  }
0x27: {  	v1 =	vimm.s32 $0x0;
	vm0 =	vcmask $0x300;
	s22 =	simm.s32 $0x1900;
	s26 =	simm.s32 $0x600;
	[dreg:$0x1d] =	wrdreg s24  }
0x28: {  	v0 =	vimm.f32 $0.0e+00;
	v1 =	vsel vm0, $0x3, v1;
	[dreg:$0x1e] =	wrdreg s8;
	s24 =	simm.s32 $0x2900;
	s8 =	simm.s32 $0x2  }
.LBB2_1:
0x29: {  	[smem:$0x7FA] =	sst s9;
	s4 =	simm.s32 $0x80;
	s9 =	simm.s32 $0x0  }
.LBB2_2:
0x2a: {  	p0 =	sne.s32 s4, $0x3F80;
	[tilespmem:s9+$0x900] =	vst v0;
	s11 =	smov.u32 s4;
	s4 =	sadd.s32 $0x80, s4  }
.Ltmp0:
0x2b: {  	[tilespmem:s9+$0x910] =	vst v0;
	(pc) =	sbr.rel @p0 .LBB2_2-.Ltmp0, $2  }
0x2c: {  	_ =	sdelay $0x2  }
0x2d: {  	s9 =	sshra.s32 s11, $0x2  }
0x2e: {  	[tilespmem:s9+$0x900] =	vst v0  }
0x2f: {  	[tilespmem:s9+$0x910] =	vst v0  }
0x30: {  	[spmem:s14] =	stream.linear.scatter [tilespmem:s16], [sflag:$0x7], $0x1000, $0x38;
	[tilespmem:$0x1F100] =	vst v63  }
0x31: {  	_ =	swait.ge [sflag:s17], $0x1000  }
0x32: {  	[sflag:s17] =	ssyncset.done $0x0  }
0x33: {  	s4 =	rddreg [dreg:$0x5];
	[sflag:s17] =	ssyncadd.s32 $0xFFFFF000  }
0x34: {  	[spmem:s4] =	stream.linear.scatter [tilespmem:s16], [sflag:$0x7], $0x1000, $0x38;
	[tilespmem:$0x1F100] =	vst v63  }
0x35: {  	_ =	swait.ge [sflag:s17], $0x1000  }
0x36: {  	[sflag:s17] =	ssyncset.done $0x0  }
0x37: {  	s18 =	rddreg [dreg:$0x6];
	[sflag:s17] =	ssyncadd.s32 $0xFFFFF000  }
0x38: {  	[spmem:s18] =	stream.linear.scatter [tilespmem:s16], [sflag:$0x7], $0x1000, $0x38;
	[tilespmem:$0x1F100] =	vst v63  }
0x39: {  	_ =	swait.ge [sflag:s17], $0x1000  }
0x3a: {  	[sflag:s17] =	ssyncset.done $0x0  }
0x3b: {  	s23 =	rddreg [dreg:$0x7];
	[sflag:s17] =	ssyncadd.s32 $0xFFFFF000  }
0x3c: {  	[spmem:s23] =	stream.linear.scatter [tilespmem:s16], [sflag:$0x7], $0x1000, $0x38;
	[tilespmem:$0x1F100] =	vst v63  }
0x3d: {  	_ =	swait.ge [sflag:s17], $0x1000  }
0x3e: {  	[sflag:s17] =	ssyncset.done $0x0  }
0x3f: {  	s9 =	rddreg [dreg:$0x8];
	[sflag:s17] =	ssyncadd.s32 $0xFFFFF000  }
0x40: {  	[spmem:s9] =	stream.linear.scatter [tilespmem:s16], [sflag:$0x7], $0x1000, $0x38;
	[tilespmem:$0x1F100] =	vst v63  }
0x41: {  	_ =	swait.ge [sflag:s17], $0x1000  }
0x42: {  	[sflag:s17] =	ssyncset.done $0x0  }
0x43: {  	s11 =	rddreg [dreg:$0x9];
	[sflag:s17] =	ssyncadd.s32 $0xFFFFF000  }
0x44: {  	[spmem:s11] =	stream.linear.scatter [tilespmem:s16], [sflag:$0x7], $0x1000, $0x38;
	[tilespmem:$0x1F100] =	vst v63  }
0x45: {  	_ =	swait.ge [sflag:s17], $0x1000  }
0x46: {  	[sflag:s17] =	ssyncset.done $0x0  }
0x47: {  	s14 =	rddreg [dreg:$0xa];
	[sflag:s17] =	ssyncadd.s32 $0xFFFFF000  }
0x48: {  	[spmem:s14] =	stream.linear.scatter [tilespmem:s16], [sflag:$0x7], $0x1000, $0x38;
	[tilespmem:$0x1F100] =	vst v63  }
0x49: {  	_ =	swait.ge [sflag:s17], $0x1000  }
0x4a: {  	[sflag:s17] =	ssyncset.done $0x0  }
0x4b: {  	s18 =	rddreg [dreg:$0xb];
	[sflag:s17] =	ssyncadd.s32 $0xFFFFF000  }
0x4c: {  	[spmem:s18] =	stream.linear.scatter [tilespmem:s16], [sflag:$0x7], $0x1000, $0x38;
	[tilespmem:$0x1F100] =	vst v63  }
0x4d: {  	_ =	swait.ge [sflag:s17], $0x1000  }
0x4e: {  	[sflag:s17] =	ssyncset.done $0x0  }
0x4f: {  	s23 =	rddreg [dreg:$0xc];
	[sflag:s17] =	ssyncadd.s32 $0xFFFFF000  }
0x50: {  	[spmem:s23] =	stream.linear.scatter [tilespmem:s16], [sflag:$0x7], $0x1000, $0x38;
	[tilespmem:$0x1F100] =	vst v63  }
0x51: {  	_ =	swait.ge [sflag:s17], $0x1000  }
0x52: {  	[sflag:s17] =	ssyncset.done $0x0  }
0x53: {  	s9 =	rddreg [dreg:$0xd];
	[sflag:s17] =	ssyncadd.s32 $0xFFFFF000  }
0x54: {  	[spmem:s9] =	stream.linear.scatter [tilespmem:s16], [sflag:$0x7], $0x1000, $0x38;
	[tilespmem:$0x1F100] =	vst v63  }
0x55: {  	_ =	swait.ge [sflag:s17], $0x1000  }
0x56: {  	[sflag:s17] =	ssyncset.done $0x0  }
0x57: {  	s11 =	rddreg [dreg:$0xe];
	[sflag:s17] =	ssyncadd.s32 $0xFFFFF000  }
0x58: {  	[spmem:s11] =	stream.linear.scatter [tilespmem:s16], [sflag:$0x7], $0x1000, $0x38;
	[tilespmem:$0x1F100] =	vst v63  }
0x59: {  	_ =	swait.ge [sflag:s17], $0x1000  }
0x5a: {  	[sflag:s17] =	ssyncset.done $0x0  }
0x5b: {  	s14 =	rddreg [dreg:$0xf];
	[sflag:s17] =	ssyncadd.s32 $0xFFFFF000  }
0x5c: {  	[spmem:s14] =	stream.linear.scatter [tilespmem:s16], [sflag:$0x7], $0x1000, $0x38;
	[tilespmem:$0x1F100] =	vst v63  }
0x5d: {  	_ =	swait.ge [sflag:s17], $0x1000  }
0x5e: {  	[sflag:s17] =	ssyncset.done $0x0  }
0x5f: {  	s18 =	rddreg [dreg:$0x10];
	[sflag:s17] =	ssyncadd.s32 $0xFFFFF000  }
0x60: {  	[spmem:s18] =	stream.linear.scatter [tilespmem:s16], [sflag:$0x7], $0x1000, $0x38;
	[tilespmem:$0x1F100] =	vst v63  }
0x61: {  	_ =	swait.ge [sflag:s17], $0x1000  }
0x62: {  	[sflag:s17] =	ssyncset.done $0x0  }
0x63: {  	s23 =	rddreg [dreg:$0x11];
	[sflag:s17] =	ssyncadd.s32 $0xFFFFF000  }
0x64: {  	[spmem:s23] =	stream.linear.scatter [tilespmem:s16], [sflag:$0x7], $0x1000, $0x38;
	[tilespmem:$0x1F100] =	vst v63  }
0x65: {  	_ =	swait.ge [sflag:s17], $0x1000  }
0x66: {  	[sflag:s17] =	ssyncset.done $0x0  }
0x67: {  	s9 =	rddreg [dreg:$0x12];
	[sflag:s17] =	ssyncadd.s32 $0xFFFFF000  }
0x68: {  	[spmem:s9] =	stream.linear.scatter [tilespmem:s16], [sflag:$0x7], $0x1000, $0x38;
	[tilespmem:$0x1F100] =	vst v63  }
0x69: {  	_ =	swait.ge [sflag:s17], $0x1000  }
0x6a: {  	[sflag:s17] =	ssyncset.done $0x0  }
0x6b: {  	s11 =	rddreg [dreg:$0x13];
	[sflag:s17] =	ssyncadd.s32 $0xFFFFF000  }
0x6c: {  	[spmem:s11] =	stream.linear.scatter [tilespmem:s16], [sflag:$0x7], $0x1000, $0x38;
	[tilespmem:$0x1F100] =	vst v63  }
0x6d: {  	_ =	swait.ge [sflag:s17], $0x1000  }
0x6e: {  	[sflag:s17] =	ssyncset.done $0x0  }
0x6f: {  	s14 =	rddreg [dreg:$0x14];
	[sflag:s17] =	ssyncadd.s32 $0xFFFFF000  }
0x70: {  	[spmem:s14] =	stream.linear.scatter [tilespmem:s16], [sflag:$0x7], $0x1000, $0x38;
	[tilespmem:$0x1F100] =	vst v63  }
0x71: {  	_ =	swait.ge [sflag:s17], $0x1000  }
0x72: {  	[sflag:s17] =	ssyncset.done $0x0  }
0x73: {  	s18 =	rddreg [dreg:$0x15];
	[sflag:s17] =	ssyncadd.s32 $0xFFFFF000  }
0x74: {  	[spmem:s18] =	stream.linear.scatter [tilespmem:s16], [sflag:$0x7], $0x1000, $0x38;
	[tilespmem:$0x1F100] =	vst v63  }
0x75: {  	_ =	swait.ge [sflag:s17], $0x1000  }
0x76: {  	[sflag:s17] =	ssyncset.done $0x0  }
0x77: {  	s23 =	rddreg [dreg:$0x16];
	[sflag:s17] =	ssyncadd.s32 $0xFFFFF000  }
0x78: {  	[spmem:s23] =	stream.linear.scatter [tilespmem:s16], [sflag:$0x7], $0x1000, $0x38;
	[tilespmem:$0x1F100] =	vst v63  }
0x79: {  	_ =	swait.ge [sflag:s17], $0x1000  }
0x7a: {  	[sflag:s17] =	ssyncset.done $0x0  }
0x7b: {  	s9 =	rddreg [dreg:$0x17];
	[sflag:s17] =	ssyncadd.s32 $0xFFFFF000  }
0x7c: {  	[spmem:s9] =	stream.linear.scatter [tilespmem:s16], [sflag:$0x7], $0x1000, $0x38;
	[tilespmem:$0x1F100] =	vst v63  }
0x7d: {  	_ =	swait.ge [sflag:s17], $0x1000  }
0x7e: {  	[sflag:s17] =	ssyncset.done $0x0  }
0x7f: {  	s11 =	rddreg [dreg:$0x18];
	[sflag:s17] =	ssyncadd.s32 $0xFFFFF000  }
0x80: {  	[spmem:s11] =	stream.linear.scatter [tilespmem:s16], [sflag:$0x7], $0x1000, $0x38;
	[tilespmem:$0x1F100] =	vst v63  }
0x81: {  	_ =	swait.ge [sflag:s17], $0x1000  }
0x82: {  	[sflag:s17] =	ssyncset.done $0x0  }
0x83: {  	s14 =	rddreg [dreg:$0x19];
	[sflag:s17] =	ssyncadd.s32 $0xFFFFF000  }
0x84: {  	[spmem:s14] =	stream.linear.scatter [tilespmem:s16], [sflag:$0x7], $0x1000, $0x38;
	[tilespmem:$0x1F100] =	vst v63  }
0x85: {  	_ =	swait.ge [sflag:s17], $0x1000  }
0x86: {  	[sflag:s17] =	ssyncset.done $0x0  }
0x87: {  	s18 =	rddreg [dreg:$0x1a];
	[sflag:s17] =	ssyncadd.s32 $0xFFFFF000  }
0x88: {  	[spmem:s18] =	stream.linear.scatter [tilespmem:s16], [sflag:$0x7], $0x1000, $0x38;
	[tilespmem:$0x1F100] =	vst v63  }
0x89: {  	_ =	swait.ge [sflag:s17], $0x1000  }
0x8a: {  	[sflag:s17] =	ssyncset.done $0x0  }
0x8b: {  	s23 =	rddreg [dreg:$0x1b];
	[sflag:s17] =	ssyncadd.s32 $0xFFFFF000  }
0x8c: {  	[spmem:s23] =	stream.linear.scatter [tilespmem:s16], [sflag:$0x7], $0x1000, $0x38;
	[tilespmem:$0x1F100] =	vst v63  }
0x8d: {  	_ =	swait.ge [sflag:s17], $0x1000  }
0x8e: {  	[sflag:s17] =	ssyncset.done $0x0  }
0x8f: {  	s9 =	rddreg [dreg:$0x1c];
	[sflag:s17] =	ssyncadd.s32 $0xFFFFF000  }
0x90: {  	[spmem:s9] =	stream.linear.scatter [tilespmem:s16], [sflag:$0x7], $0x800, $0x38;
	[tilespmem:$0x1F100] =	vst v63  }
0x91: {  	_ =	swait.ge [sflag:s17], $0x800  }
0x92: {  	[sflag:s17] =	ssyncset.done $0x0  }
0x93: {  	[sflag:s17] =	ssyncadd.s32 $0xFFFFF800  }
0x94: {  	[bflag:$0x0] =	sbarrier.arrive $0xFFFF  }
0x95: {  	s11 =	sld [smem:$0x7FC];
	_ =	sdelay $0x2  }
0x96: {  	[tilespmem:s30], [sflag:$0x5] =	stream.linear.gather [hbm4b:s11+s30], $0x180, $0x38;
	[tilespmem:$0x1F100] =	vst v63  }
0x97: {  	s18 =	simm.s32 $0x180;
	s14 =	rddreg [dreg:$0x1d]  }
0x98: {  	[tilespmem:s18], [sflag:$0x5] =	stream.linear.gather [hbm4b:s14+s30], $0x180, $0x38;
	[tilespmem:$0x1F100] =	vst v63  }
0x99: {  	s31 =	simm.s32 $0x0;
	s23 =	rddreg [dreg:$0x1e]  }
0x9a: {  	[tilespmem:s19], [sflag:$0x5] =	stream.linear.gather [hbm4b:s23+s30], $0x180, $0x38;
	[tilespmem:$0x1F100] =	vst v63  }
.LBB2_4:
0x9b: {  	_ =	swait.ge [sflag:s20], $0x180  }
0x9c: {  	[sflag:s20] =	ssyncset.done $0x0  }
0x9d: {  	[sflag:s20] =	ssyncadd.s32 $0xFFFFFE80  }
0x9e: {  	_ =	swait.ge [sflag:s20], $0x180  }
0x9f: {  	[sflag:s20] =	ssyncset.done $0x0  }
0xa0: {  	[sflag:s20] =	ssyncadd.s32 $0xFFFFFE80  }
0xa1: {  	_ =	swait.ge [sflag:s20], $0x180  }
0xa2: {  	[sflag:s20] =	ssyncset.done $0x0  }
0xa3: {  	s4 =	simm.s32 $0x0;
	[sflag:s20] =	ssyncadd.s32 $0xFFFFFE80  }
0xa4: {  	[tilespmem:s16], [sflag:$0x1] =	stream.indirect.gather [hbm4b:s5+s21], $0x20, s4, s21, $0xb8;
	[tilespmem:$0x1F100] =	vst v63  }
0xa5: {  	p0 =	seq.s32 s31, $0x0  }
0xa6: {  	[tilespmem:s22], [sflag:$0x1] =	stream.indirect.gather [hbm4b:s5+s21], $0x20, s21, s21, $0xb8;
	[tilespmem:$0x1F100] =	vst v63  }
0xa7: {  	s11 =	simm.s32 $0x100;
	s4 =	simm.s32 @!p0 $0x4  }
0xa8: {  	[tilespmem:s24], [sflag:$0x1] =	stream.indirect.gather [hbm4b:s5+s21], $0x20, s11, s21, $0xb8;
	[tilespmem:$0x1F100] =	vst v63  }
0xa9: {  	_ =	swait.ge @!p0 [sflag:s4], $0x1000  }
0xaa: {  	[sflag:s4] =	ssyncset.done @!p0 $0x0  }
0xab: {  	[sflag:s4] =	ssyncadd.s32 @!p0 $0xFFFFF000  }
0xac: {  	_ =	swait.ge @!p0 [sflag:s4], $0x1000  }
0xad: {  	[sflag:s4] =	ssyncset.done @!p0 $0x0  }
0xae: {  	[sflag:s4] =	ssyncadd.s32 @!p0 $0xFFFFF000  }
0xaf: {  	_ =	swait.ge @!p0 [sflag:s4], $0x1000  }
0xb0: {  	s14 =	sld [smem:$0x7FD]  }
0xb1: {  	s9 =	smul.u32 $0x300, s31  }
0xb2: {  	s23 =	simm.s32 $0x2;
	v2 =	vmov s30  }
0xb3: {  	v4 =	vmov s23;
	v2 =	vshrl.u32 v2, $0x3;
	s23 =	simm.s32 $0x6;
	s11 =	simm.s32 $0x1;
	s18 =	sadd.s32 s14, s9  }
0xb4: {  	v8 =	vmov s23;
	v2 =	vshll.u32 v2, v1;
	v4 =	vshrl.u32 v4, $0x3;
	[sflag:s4] =	ssyncset.done @!p0 $0x0;
	s14 =	simm.s32 $0x4;
	s18 =	sshrl.u32 s18, $0x3  }
0xb5: {  	v4 =	vshll.u32 v4, v1;
	v3 =	vmov s11;
	s11 =	simm.s32 $0x3;
	[sflag:s4] =	ssyncadd.s32 @!p0 $0xFFFFF000;
	v6 =	vmov s14;
	s14 =	sadd.s32 s1, s18  }
0xb6: {  	v2 =	vbroadcast v2, $0x0;
	v4 =	vadd.s32 $0x2, v4;
	v3 =	vshrl.u32 v3, $0x3;
	[tilespmem:s25], [sflag:$0x6] =	stream.linear.gather [hbm4b:s14+s30], $0x180, $0x38;
	[tilespmem:$0x1F100] =	vst v63  }
0xb7: {  	v4 =	vbroadcast v4, $0x0;
	v5 =	vmov s11;
	s11 =	simm.s32 $0x5;
	v3 =	vshll.u32 v3, v1;
	s14 =	sadd.s32 s6, s18  }
0xb8: {  	v7 =	vmov s11;
	v5 =	vshrl.u32 v5, $0x3;
	v3 =	vadd.s32 $0x1, v3;
	[tilespmem:s26], [sflag:$0x6] =	stream.linear.gather [hbm4b:s14+s30], $0x180, $0x38;
	[tilespmem:$0x1F100] =	vst v63  }
0xb9: {  	v5 =	vshll.u32 v5, v1;
	v3 =	vbroadcast v3, $0x0;
	v6 =	vshrl.u32 v6, $0x3;
	s23 =	sadd.s32 s7, s18  }
0xba: {  	v7 =	vshrl.u32 v7, $0x3;
	v5 =	vadd.s32 $0x3, v5;
	v6 =	vshll.u32 v6, v1;
	[tilespmem:s28], [sflag:$0x6] =	stream.linear.gather [hbm4b:s23+s30], $0x180, $0x38;
	[tilespmem:$0x1F100] =	vst v63  }
0xbb: {  	v7 =	vshll.u32 v7, v1;
	v5 =	vbroadcast v5, $0x0;
	v6 =	vadd.s32 $0x4, v6;
	_ =	swait.ge [sflag:s29], $0x1000  }
0xbc: {  	s11 =	simm.s32 $0x7;
	v7 =	vadd.s32 $0x5, v7;
	v10 =	vbroadcast v6, $0x0;
	[sflag:s29] =	ssyncset.done $0x0  }
0xbd: {  	v9 =	vmov s11;
	v7 =	vbroadcast v7, $0x0;
	[sflag:s29] =	ssyncadd.s32 $0xFFFFF000  }
0xbe: {  	v6 =	vshrl.u32 v9, $0x3;
	v9 =	vld.idx.msk [tilespmem:v2+s19+$0x0], $0xffff  }
0xbf: {  	v6 =	vshll.u32 v6, v1;
	v11 =	vld.idx.msk [tilespmem:v3+s19+$0x0], $0xffff  }
0xc0: {  	v6 =	vadd.s32 $0x7, v6;
	v12 =	vld.idx.msk [tilespmem:v4+s19+$0x0], $0xffff  }
0xc1: {  	v8 =	vshrl.u32 v8, $0x3;
	v3 =	vbroadcast v6, $0x0;
	v6 =	vld.idx.msk [tilespmem:v5+s19+$0x0], $0xffff  }
0xc2: {  	v8 =	vshll.u32 v8, v1;
	v5 =	vld.idx.msk [tilespmem:v10+s19+$0x0], $0xffff  }
0xc3: {  	v8 =	vadd.s32 $0x6, v8;
	s11 =	simm.s32 $0x980;
	v4 =	vld.idx.msk [tilespmem:v7+s19+$0x0], $0xffff  }
0xc4: {  	s23 =	simm.s32 $0xA;
	v2 =	vbroadcast v8, $0x0;
	v8 =	vld [tilespmem:s11+$0x70]  }
0xc5: {  	v13 =	vmov s23;
	s23 =	simm.s32 $0xD;
	v15 =	vld [tilespmem:s11+$0xFFFFFF80]  }
0xc6: {  	v17 =	vmov s23;
	v13 =	vshrl.u32 v13, $0x3;
	v19 =	vld [tilespmem:s11+$0xFFFFFF90]  }
0xc7: {  	s18 =	simm.s32 $0x9;
	s14 =	simm.s32 $0x8;
	v17 =	vshrl.u32 v17, $0x3;
	v13 =	vshll.u32 v13, v1;
	v3 =	vld.idx.msk [tilespmem:v3+s19+$0x0], $0xffff  }
0xc8: {  	v7 =	vmov s14;
	s14 =	simm.s32 $0xB;
	v10 =	vmov s18;
	v20 =	vld [tilespmem:s11+$0xFFFFFFA0];
	v17 =	vshll.u32 v17, v1  }
0xc9: {  	s18 =	simm.s32 $0xC;
	v21 =	vld [tilespmem:s11+$0xFFFFFFB0];
	v25 =	vadd.s32 $0x2, v13;
	v7 =	vshrl.u32 v7, $0x3;
	v14 =	vmov s14  }
0xca: {  	v22 =	vld [tilespmem:s11+$0xFFFFFFC0];
	s14 =	simm.s32 $0xE;
	v16 =	vmov s18;
	v10 =	vshrl.u32 v10, $0x3;
	v17 =	vadd.s32 $0x5, v17  }
0xcb: {  	v23 =	vld [tilespmem:s11+$0xFFFFFFD0];
	v18 =	vmov s14;
	v10 =	vshll.u32 v10, v1;
	v15 =	vmul.f32 v15, v9  }
0xcc: {  	v7 =	vshll.u32 v7, v1;
	v24 =	vadd.s32 $0x1, v10;
	v10 =	vld [tilespmem:s11+$0x10];
	v8 =	vmul.f32 v8, v3  }
0xcd: {  	v14 =	vshrl.u32 v14, $0x3;
	v16 =	vshrl.u32 v16, $0x3;
	v9 =	vmul.f32 v19, v9;
	v19 =	vld [tilespmem:s11+$0xFFFFFFE0];
	[tilespmem:s11+$0xFFFFFF80] =	vst v15  }
0xce: {  	v7 =	vbroadcast v7, $0x0;
	v18 =	vshrl.u32 v18, $0x3;
	v15 =	vmul.f32 v20, v11;
	[tilespmem:s11+$0x70] =	vst v8;
	v8 =	vld [tilespmem:s11+$0xFFFFFFF0]  }
0xcf: {  	v14 =	vshll.u32 v14, v1;
	v16 =	vshll.u32 v16, v1;
	[tilespmem:s11+$0xFFFFFF90] =	vst v9;
	v11 =	vmul.f32 v21, v11;
	v9 =	vld [tilespmem:s11+$0x0]  }
0xd0: {  	v18 =	vshll.u32 v18, v1;
	v16 =	vadd.s32 $0x4, v16;
	v2 =	vld.idx.msk [tilespmem:v2+s19+$0x0], $0xffff;
	v21 =	vmul.f32 v22, v12;
	[tilespmem:s11+$0xFFFFFFA0] =	vst v15  }
0xd1: {  	v13 =	vbroadcast v24, $0x0;
	v18 =	vadd.s32 $0x6, v18;
	[tilespmem:s11+$0xFFFFFFB0] =	vst v11;
	v15 =	vmul.f32 v23, v12;
	v11 =	vld [tilespmem:s11+$0x20]  }
0xd2: {  	s4 =	simm.s32 $0x10;
	s23 =	simm.s32 $0xF;
	v20 =	vadd.s32 $0x3, v14;
	v14 =	vbroadcast v25, $0x0;
	[tilespmem:s11+$0xFFFFFFC0] =	vst v21;
	v12 =	vld [tilespmem:s11+$0x30];
	v19 =	vmul.f32 v19, v6  }
.LBB2_5:
0xd3: {  	p0 =	slt.u32 s4, $0x78;
	v20 =	vbroadcast v20, $0x0;
	v21 =	vmov s23;
	[tilespmem:s11+$0xFFFFFFD0] =	vst v15;
	v6 =	vmul.f32 v8, v6;
	v8 =	vld [tilespmem:s11+$0x40]  }
0xd4: {  	v15 =	vbroadcast v16, $0x0;
	v16 =	vshrl.u32 v21, $0x3;
	[tilespmem:s11+$0xFFFFFFE0] =	vst v19;
	v9 =	vmul.f32 v9, v5;
	v19 =	vld [tilespmem:s11+$0x50]  }
0xd5: {  	v17 =	vbroadcast v17, $0x0;
	v16 =	vshll.u32 v16, v1;
	[tilespmem:s11+$0xFFFFFFF0] =	vst v6;
	v5 =	vmul.f32 v10, v5;
	v10 =	vld [tilespmem:s11+$0x60]  }
0xd6: {  	v21 =	vld.idx.msk [tilespmem:v7+s19+$0x0], $0xffff;
	v7 =	vbroadcast v18, $0x0;
	v6 =	vadd.s32 $0x7, v16;
	[tilespmem:s11+$0x0] =	vst v9;
	v9 =	vmul.f32 v11, v4  }
0xd7: {  	v11 =	vld.idx.msk [tilespmem:v13+s19+$0x0], $0xffff;
	v13 =	vbroadcast v6, $0x0;
	[tilespmem:s11+$0x10] =	vst v5;
	v4 =	vmul.f32 v12, v4  }
0xd8: {  	v12 =	vld.idx.msk [tilespmem:v14+s19+$0x0], $0xffff;
	[tilespmem:s11+$0x20] =	vst v9;
	v8 =	vmul.f32 v8, v2  }
0xd9: {  	v6 =	vld.idx.msk [tilespmem:v20+s19+$0x0], $0xffff;
	[tilespmem:s11+$0x30] =	vst v4;
	v2 =	vmul.f32 v19, v2  }
0xda: {  	v5 =	vld.idx.msk [tilespmem:v15+s19+$0x0], $0xffff;
	[tilespmem:s11+$0x40] =	vst v8;
	v3 =	vmul.f32 v10, v3  }
0xdb: {  	v4 =	vld.idx.msk [tilespmem:v17+s19+$0x0], $0xffff;
	[tilespmem:s11+$0x50] =	vst v2  }
0xdc: {  	v2 =	vld.idx.msk [tilespmem:v7+s19+$0x0], $0xffff;
	[tilespmem:s11+$0x60] =	vst v3  }
0xdd: {  	v7 =	vmov s4;
	s11 =	sadd.s32 $0x100, s11;
	v3 =	vld.idx.msk [tilespmem:v13+s19+$0x0], $0xffff  }
0xde: {  	s18 =	sadd.s32 $0x1, s4;
	s23 =	sadd.s32 $0x2, s4;
	s14 =	sadd.s32 $0x3, s4;
	v7 =	vshrl.u32 v7, $0x3;
	v8 =	vld [tilespmem:s11+$0x70]  }
0xdf: {  	v9 =	vmov s18;
	s18 =	sadd.s32 $0x5, s4;
	v10 =	vmov s23;
	s23 =	sadd.s32 $0x6, s4;
	v13 =	vmov s14;
	s14 =	sadd.s32 $0x4, s4;
	v14 =	vld [tilespmem:s11+$0xFFFFFF80]  }
0xe0: {  	v16 =	vmov s18;
	v17 =	vmov s23;
	v15 =	vmov s14;
	v18 =	vld [tilespmem:s11+$0xFFFFFF90]  }
0xe1: {  	v9 =	vshrl.u32 v9, $0x3;
	v10 =	vshrl.u32 v10, $0x3;
	v7 =	vshll.u32 v7, v1;
	v19 =	vld [tilespmem:s11+$0xFFFFFFA0]  }
0xe2: {  	v16 =	vshrl.u32 v16, $0x3;
	v13 =	vshrl.u32 v13, $0x3;
	v15 =	vshrl.u32 v15, $0x3;
	v20 =	vld [tilespmem:s11+$0xFFFFFFB0]  }
0xe3: {  	v17 =	vshrl.u32 v17, $0x3;
	v7 =	vbroadcast v7, $0x0;
	v22 =	vld [tilespmem:s11+$0xFFFFFFC0];
	v8 =	vmul.f32 v8, v3  }
0xe4: {  	v9 =	vshll.u32 v9, v1;
	v10 =	vshll.u32 v10, v1;
	v14 =	vmul.f32 v14, v21;
	v23 =	vld [tilespmem:s11+$0xFFFFFFD0]  }
0xe5: {  	v13 =	vshll.u32 v13, v1;
	v15 =	vshll.u32 v15, v1;
	v18 =	vmul.f32 v18, v21;
	v21 =	vld [tilespmem:s11+$0xFFFFFFE0];
	[tilespmem:s11+$0x70] =	vst v8  }
.Ltmp1:
0xe6: {  	v24 =	vshll.u32 v16, v1;
	v25 =	vshll.u32 v17, v1;
	[tilespmem:s11+$0xFFFFFF80] =	vst v14;
	v14 =	vmul.f32 v19, v11;
	v8 =	vld [tilespmem:s11+$0xFFFFFFF0];
	(pc) =	sbr.rel @p0 .LBB2_5-.Ltmp1, $4  }
0xe7: {  	v17 =	vadd.s32 $0x1, v9;
	v19 =	vadd.s32 $0x2, v10;
	[tilespmem:s11+$0xFFFFFF90] =	vst v18;
	v11 =	vmul.f32 v20, v11;
	v9 =	vld [tilespmem:s11+$0x0]  }
0xe8: {  	v16 =	vadd.s32 $0x4, v15;
	v20 =	vadd.s32 $0x3, v13;
	[tilespmem:s11+$0xFFFFFFA0] =	vst v14;
	v22 =	vmul.f32 v22, v12;
	v10 =	vld [tilespmem:s11+$0x10]  }
0xe9: {  	v13 =	vbroadcast v17, $0x0;
	v17 =	vadd.s32 $0x5, v24;
	[tilespmem:s11+$0xFFFFFFB0] =	vst v11;
	v15 =	vmul.f32 v23, v12;
	v11 =	vld [tilespmem:s11+$0x20]  }
0xea: {  	s23 =	sadd.s32 $0x7, s4;
	s4 =	sadd.s32 $0x8, s4;
	v18 =	vadd.s32 $0x6, v25;
	v14 =	vbroadcast v19, $0x0;
	[tilespmem:s11+$0xFFFFFFC0] =	vst v22;
	v19 =	vmul.f32 v21, v6;
	v12 =	vld [tilespmem:s11+$0x30]  }
0xeb: {  	_ = 	snop  }
0xec: {  	v22 =	vld [tilespmem:s11+$0x40]  }
0xed: {  	v23 =	vld [tilespmem:s11+$0x50]  }
0xee: {  	v24 =	vld [tilespmem:s11+$0x60]  }
0xef: {  	v7 =	vld.idx.msk [tilespmem:v7+s19+$0x0], $0xffff  }
0xf0: {  	v13 =	vld.idx.msk [tilespmem:v13+s19+$0x0], $0xffff  }
0xf1: {  	s4 =	sadd.s32 $0x100, s11;
	v14 =	vld.idx.msk [tilespmem:v14+s19+$0x0], $0xffff  }
0xf2: {  	v25 =	vld [tilespmem:s4+$0x70]  }
0xf3: {  	v26 =	vld [tilespmem:s4+$0xFFFFFF80]  }
0xf4: {  	v6 =	vmul.f32 v8, v6;
	v8 =	vld [tilespmem:s4+$0xFFFFFF90]  }
0xf5: {  	[tilespmem:s11+$0xFFFFFFD0] =	vst v15;
	v15 =	vld [tilespmem:s4+$0xFFFFFFA0]  }
0xf6: {  	v20 =	vbroadcast v20, $0x0;
	[tilespmem:s11+$0xFFFFFFE0] =	vst v19;
	v9 =	vmul.f32 v9, v5;
	v19 =	vld [tilespmem:s4+$0x20]  }
0xf7: {  	v21 =	vmov s23;
	v16 =	vbroadcast v16, $0x0;
	[tilespmem:s11+$0xFFFFFFF0] =	vst v6;
	v5 =	vmul.f32 v10, v5;
	v6 =	vld [tilespmem:s4+$0xFFFFFFB0]  }
0xf8: {  	v17 =	vbroadcast v17, $0x0;
	v21 =	vshrl.u32 v21, $0x3;
	v10 =	vld [tilespmem:s4+$0xFFFFFFC0];
	[tilespmem:s11+$0x0] =	vst v9;
	v9 =	vmul.f32 v11, v4  }
0xf9: {  	v18 =	vbroadcast v18, $0x0;
	v21 =	vshll.u32 v21, v1;
	v11 =	vld [tilespmem:s4+$0xFFFFFFE0];
	[tilespmem:s11+$0x10] =	vst v5;
	v4 =	vmul.f32 v12, v4  }
0xfa: {  	v21 =	vadd.s32 $0x7, v21;
	v5 =	vld [tilespmem:s4+$0xFFFFFFD0];
	[tilespmem:s11+$0x20] =	vst v9;
	v9 =	vmul.f32 v22, v2  }
0xfb: {  	v21 =	vbroadcast v21, $0x0;
	v12 =	vld [tilespmem:s4+$0x10];
	v3 =	vmul.f32 v24, v3;
	[tilespmem:s11+$0x30] =	vst v4  }
0xfc: {  	v2 =	vmul.f32 v23, v2;
	v20 =	vld.idx.msk [tilespmem:v20+s19+$0x0], $0xffff;
	[tilespmem:s11+$0x40] =	vst v9  }
0xfd: {  	v16 =	vld.idx.msk [tilespmem:v16+s19+$0x0], $0xffff;
	[tilespmem:s11+$0x60] =	vst v3;
	v3 =	vmul.f32 v26, v7  }
0xfe: {  	v17 =	vld.idx.msk [tilespmem:v17+s19+$0x0], $0xffff;
	[tilespmem:s11+$0x50] =	vst v2;
	v7 =	vmul.f32 v8, v7  }
0xff: {  	v18 =	vld.idx.msk [tilespmem:v18+s19+$0x0], $0xffff;
	v6 =	vmul.f32 v6, v13;
	[tilespmem:s4+$0xFFFFFF80] =	vst v3  }
0x100: {  	v4 =	vld [tilespmem:s4+$0xFFFFFFF0];
	v3 =	vmul.f32 v15, v13;
	[tilespmem:s4+$0xFFFFFF90] =	vst v7  }
0x101: {  	[tilespmem:s4+$0xFFFFFFB0] =	vst v6;
	v5 =	vmul.f32 v5, v14;
	v21 =	vld.idx.msk [tilespmem:v21+s19+$0x0], $0xffff  }
0x102: {  	v9 =	vld [tilespmem:s4+$0x0];
	[tilespmem:s4+$0xFFFFFFA0] =	vst v3;
	v3 =	vmul.f32 v10, v14  }
0x103: {  	v8 =	vld [tilespmem:s4+$0x40];
	v6 =	vmul.f32 v11, v20;
	[tilespmem:s4+$0xFFFFFFD0] =	vst v5  }
0x104: {  	v7 =	vld [tilespmem:s4+$0x50];
	v5 =	vmul.f32 v12, v16;
	[tilespmem:s4+$0xFFFFFFC0] =	vst v3  }
0x105: {  	v10 =	vld [tilespmem:s4+$0x60];
	v3 =	vmul.f32 v4, v20;
	[tilespmem:s4+$0xFFFFFFE0] =	vst v6  }
0x106: {  	s23 =	simm.s32 $0x3;
	[tilespmem:s4+$0x10] =	vst v5;
	v2 =	vmul.f32 v25, v21  }
0x107: {  	s14 =	simm.s32 $0x0;
	v4 =	vmul.f32 v9, v16;
	v9 =	vmul.f32 v19, v17;
	v5 =	vmov s23;
	s23 =	simm.s32 $0x6;
	[tilespmem:s4+$0xFFFFFFF0] =	vst v3  }
0x108: {  	v6 =	vmul.f32 v8, v18;
	v8 =	vmov s14;
	v12 =	vmov s23;
	[tilespmem:s4+$0x70] =	vst v2;
	v2 =	vld [tilespmem:s4+$0x30]  }
0x109: {  	s18 =	simm.s32 $0x1;
	v5 =	vshrl.u32 v5, $0x3;
	v3 =	vmul.f32 v7, v18;
	[tilespmem:s4+$0x0] =	vst v4;
	v4 =	vshrl.u32 v8, $0x3  }
0x10a: {  	s14 =	simm.s32 $0x2;
	v8 =	vmov s18;
	s18 =	simm.s32 $0x4;
	v5 =	vshll.u32 v5, v1;
	v7 =	vmul.f32 v10, v21  }
0x10b: {  	[tilespmem:s4+$0x20] =	vst v9;
	v10 =	vmov s14;
	v11 =	vmov s18;
	s18 =	simm.s32 $0x5;
	v4 =	vshll.u32 v4, v1  }
0x10c: {  	[tilespmem:s4+$0x40] =	vst v6;
	v8 =	vshrl.u32 v8, $0x3;
	v5 =	vadd.s32 $0x83, v5;
	v9 =	vmov s18  }
0x10d: {  	v4 =	vadd.s32 $0x80, v4;
	[tilespmem:s4+$0x50] =	vst v3;
	v3 =	vshll.u32 v8, v1;
	v2 =	vmul.f32 v2, v17  }
0x10e: {  	v5 =	vbroadcast v5, $0x0;
	[tilespmem:s4+$0x60] =	vst v7;
	v4 =	vbroadcast v4, $0x0;
	v3 =	vadd.s32 $0x81, v3  }
0x10f: {  	s11 =	simm.s32 $0x180;
	s14 =	simm.s32 $0x7;
	v6 =	vshrl.u32 v9, $0x3;
	v9 =	vshrl.u32 v12, $0x3;
	v3 =	vbroadcast v3, $0x0;
	[tilespmem:s4+$0x30] =	vst v2  }
0x110: {  	v6 =	vshll.u32 v6, v1;
	v8 =	vshll.u32 v9, v1;
	v9 =	vmov s14;
	[spmem:s3] =	stream.indirect.scatter.add.f32 [tilespmem:s16], [sflag:$0x3], $0x20, s11, s21, $0xb8;
	[tilespmem:$0x1F100] =	vst v63  }
0x111: {  	v6 =	vadd.s32 $0x85, v6;
	v2 =	vshrl.u32 v10, $0x3;
	v10 =	vshrl.u32 v11, $0x3;
	_ =	swait.ge [sflag:s29], $0x1000  }
0x112: {  	v2 =	vshll.u32 v2, v1;
	v7 =	vshll.u32 v10, v1;
	v10 =	vbroadcast v6, $0x0;
	[sflag:s29] =	ssyncset.done $0x0  }
0x113: {  	v9 =	vshrl.u32 v9, $0x3;
	v2 =	vadd.s32 $0x82, v2;
	[sflag:s29] =	ssyncadd.s32 $0xFFFFF000  }
0x114: {  	v6 =	vshll.u32 v9, v1;
	v7 =	vadd.s32 $0x84, v7;
	v2 =	vbroadcast v2, $0x0;
	v9 =	vld.idx.msk [tilespmem:v4+s19+$0x0], $0xffff  }
0x115: {  	v7 =	vbroadcast v7, $0x0;
	v4 =	vadd.s32 $0x87, v6;
	v11 =	vld.idx.msk [tilespmem:v3+s19+$0x0], $0xffff  }
0x116: {  	v8 =	vadd.s32 $0x86, v8;
	s11 =	simm.s32 $0x19F0;
	v6 =	vld.idx.msk [tilespmem:v5+s19+$0x0], $0xffff;
	v3 =	vbroadcast v4, $0x0  }
0x117: {  	v8 =	vbroadcast v8, $0x0;
	v16 =	vld [tilespmem:s11+$0xFFFFFF10]  }
0x118: {  	v4 =	vld.idx.msk [tilespmem:v10+s19+$0x0], $0xffff  }
0x119: {  	v10 =	vld [tilespmem:s11+$0x0]  }
0x11a: {  	s14 =	simm.s32 $0xA;
	v12 =	vld.idx.msk [tilespmem:v2+s19+$0x0], $0xffff  }
0x11b: {  	s18 =	simm.s32 $0x8;
	v13 =	vmov s14;
	v5 =	vld.idx.msk [tilespmem:v7+s19+$0x0], $0xffff  }
0x11c: {  	s23 =	simm.s32 $0x9;
	v13 =	vshrl.u32 v13, $0x3;
	v7 =	vmov s18;
	s18 =	simm.s32 $0xB;
	v3 =	vld.idx.msk [tilespmem:v3+s19+$0x0], $0xffff  }
0x11d: {  	v2 =	vld.idx.msk [tilespmem:v8+s19+$0x0], $0xffff;
	v8 =	vmov s23;
	s23 =	simm.s32 $0xC;
	v7 =	vshrl.u32 v7, $0x3;
	v14 =	vmov s18  }
0x11e: {  	v19 =	vld [tilespmem:s11+$0xFFFFFF20];
	v15 =	vmov s23;
	s18 =	simm.s32 $0xD;
	s23 =	simm.s32 $0xE;
	v8 =	vshrl.u32 v8, $0x3;
	v7 =	vshll.u32 v7, v1  }
0x11f: {  	v20 =	vld [tilespmem:s11+$0xFFFFFF30];
	v17 =	vmov s18;
	v18 =	vmov s23;
	v14 =	vshrl.u32 v14, $0x3  }
0x120: {  	v21 =	vld [tilespmem:s11+$0xFFFFFF40];
	v15 =	vshrl.u32 v15, $0x3;
	v22 =	vshll.u32 v8, v1;
	v17 =	vshrl.u32 v17, $0x3  }
0x121: {  	v23 =	vld [tilespmem:s11+$0xFFFFFF50];
	v18 =	vshrl.u32 v18, $0x3;
	v7 =	vadd.s32 $0x80, v7;
	v8 =	vmul.f32 v10, v3  }
0x122: {  	v62 =	vld [tilespmem:s11+$0xFFFFFF60];
	v10 =	vshll.u32 v13, v1;
	v13 =	vshll.u32 v14, v1;
	v14 =	vmul.f32 v16, v9  }
0x123: {  	v15 =	vshll.u32 v15, v1;
	v22 =	vadd.s32 $0x81, v22;
	v9 =	vmul.f32 v19, v9;
	v19 =	vld [tilespmem:s11+$0xFFFFFF70];
	[tilespmem:s11+$0x0] =	vst v8  }
0x124: {  	v17 =	vshll.u32 v17, v1;
	v7 =	vbroadcast v7, $0x0;
	[tilespmem:s11+$0xFFFFFF10] =	vst v14;
	v14 =	vmul.f32 v20, v11;
	v8 =	vld [tilespmem:s11+$0xFFFFFF80]  }
0x125: {  	v18 =	vshll.u32 v18, v1;
	v17 =	vadd.s32 $0x85, v17;
	[tilespmem:s11+$0xFFFFFF20] =	vst v9;
	v11 =	vmul.f32 v21, v11;
	v9 =	vld [tilespmem:s11+$0xFFFFFF90]  }
0x126: {  	v16 =	vadd.s32 $0x84, v15;
	v63 =	vadd.s32 $0x82, v10;
	v10 =	vld [tilespmem:s11+$0xFFFFFFA0];
	v21 =	vmul.f32 v23, v12;
	[tilespmem:s11+$0xFFFFFF30] =	vst v14  }
0x127: {  	v15 =	vmul.f32 v62, v12;
	v20 =	vadd.s32 $0x83, v13;
	v13 =	vbroadcast v22, $0x0;
	[tilespmem:s11+$0xFFFFFF40] =	vst v11;
	v11 =	vld [tilespmem:s11+$0xFFFFFFB0]  }
0x128: {  	s4 =	simm.s32 $0x10;
	s23 =	simm.s32 $0xF;
	v18 =	vadd.s32 $0x86, v18;
	v12 =	vld [tilespmem:s11+$0xFFFFFFC0];
	v14 =	vbroadcast v63, $0x0;
	[tilespmem:s11+$0xFFFFFF50] =	vst v21;
	v19 =	vmul.f32 v19, v6  }
.LBB2_7:
0x129: {  	p0 =	slt.u32 s4, $0x78;
	v20 =	vbroadcast v20, $0x0;
	v21 =	vmov s23;
	[tilespmem:s11+$0xFFFFFF60] =	vst v15;
	v6 =	vmul.f32 v8, v6;
	v8 =	vld [tilespmem:s11+$0xFFFFFFD0]  }
0x12a: {  	v15 =	vbroadcast v16, $0x0;
	v16 =	vshrl.u32 v21, $0x3;
	[tilespmem:s11+$0xFFFFFF70] =	vst v19;
	v9 =	vmul.f32 v9, v5;
	v19 =	vld [tilespmem:s11+$0xFFFFFFE0]  }
0x12b: {  	v17 =	vbroadcast v17, $0x0;
	v16 =	vshll.u32 v16, v1;
	[tilespmem:s11+$0xFFFFFF80] =	vst v6;
	v5 =	vmul.f32 v10, v5;
	v10 =	vld [tilespmem:s11+$0xFFFFFFF0]  }
0x12c: {  	v18 =	vbroadcast v18, $0x0;
	v7 =	vld.idx.msk [tilespmem:v7+s19+$0x0], $0xffff;
	v6 =	vadd.s32 $0x87, v16;
	[tilespmem:s11+$0xFFFFFF90] =	vst v9;
	v9 =	vmul.f32 v11, v4  }
0x12d: {  	v11 =	vld.idx.msk [tilespmem:v13+s19+$0x0], $0xffff;
	v13 =	vbroadcast v6, $0x0;
	[tilespmem:s11+$0xFFFFFFA0] =	vst v5;
	v4 =	vmul.f32 v12, v4  }
0x12e: {  	v12 =	vld.idx.msk [tilespmem:v14+s19+$0x0], $0xffff;
	[tilespmem:s11+$0xFFFFFFB0] =	vst v9;
	v8 =	vmul.f32 v8, v2  }
0x12f: {  	v6 =	vld.idx.msk [tilespmem:v20+s19+$0x0], $0xffff;
	[tilespmem:s11+$0xFFFFFFC0] =	vst v4;
	v2 =	vmul.f32 v19, v2  }
0x130: {  	v5 =	vld.idx.msk [tilespmem:v15+s19+$0x0], $0xffff;
	[tilespmem:s11+$0xFFFFFFD0] =	vst v8;
	v3 =	vmul.f32 v10, v3  }
0x131: {  	v4 =	vld.idx.msk [tilespmem:v17+s19+$0x0], $0xffff;
	[tilespmem:s11+$0xFFFFFFE0] =	vst v2  }
0x132: {  	v2 =	vld.idx.msk [tilespmem:v18+s19+$0x0], $0xffff;
	[tilespmem:s11+$0xFFFFFFF0] =	vst v3  }
0x133: {  	s14 =	sadd.s32 $0x1, s4;
	v8 =	vmov s4;
	s11 =	sadd.s32 $0x100, s11;
	v3 =	vld.idx.msk [tilespmem:v13+s19+$0x0], $0xffff  }
0x134: {  	s18 =	sadd.s32 $0x3, s4;
	s23 =	sadd.s32 $0x4, s4;
	v9 =	vmov s14;
	s14 =	sadd.s32 $0x2, s4;
	v8 =	vshrl.u32 v8, $0x3;
	v10 =	vld [tilespmem:s11+$0x0]  }
0x135: {  	v14 =	vmov s18;
	s18 =	sadd.s32 $0x6, s4;
	v15 =	vmov s23;
	v13 =	vmov s14;
	s14 =	sadd.s32 $0x5, s4;
	v16 =	vld [tilespmem:s11+$0xFFFFFF10]  }
0x136: {  	v8 =	vshll.u32 v8, v1;
	v18 =	vmov s18;
	v17 =	vmov s14;
	v19 =	vld [tilespmem:s11+$0xFFFFFF20]  }
0x137: {  	v9 =	vshrl.u32 v9, $0x3;
	v14 =	vshrl.u32 v14, $0x3;
	v13 =	vshrl.u32 v13, $0x3;
	v20 =	vld [tilespmem:s11+$0xFFFFFF30]  }
0x138: {  	v15 =	vshrl.u32 v15, $0x3;
	v18 =	vshrl.u32 v18, $0x3;
	v17 =	vshrl.u32 v17, $0x3;
	v21 =	vld [tilespmem:s11+$0xFFFFFF40]  }
0x139: {  	v9 =	vshll.u32 v9, v1;
	v8 =	vadd.s32 $0x80, v8;
	v22 =	vld [tilespmem:s11+$0xFFFFFF50];
	v10 =	vmul.f32 v10, v3  }
0x13a: {  	v14 =	vshll.u32 v14, v1;
	v13 =	vshll.u32 v13, v1;
	v16 =	vmul.f32 v16, v7;
	v23 =	vld [tilespmem:s11+$0xFFFFFF60]  }
0x13b: {  	v15 =	vshll.u32 v15, v1;
	v17 =	vshll.u32 v17, v1;
	v19 =	vmul.f32 v19, v7;
	v24 =	vld [tilespmem:s11+$0xFFFFFF70];
	[tilespmem:s11+$0x0] =	vst v10  }
.Ltmp2:
0x13c: {  	v18 =	vshll.u32 v18, v1;
	v7 =	vbroadcast v8, $0x0;
	[tilespmem:s11+$0xFFFFFF10] =	vst v16;
	v10 =	vmul.f32 v20, v11;
	v8 =	vld [tilespmem:s11+$0xFFFFFF80];
	(pc) =	sbr.rel @p0 .LBB2_7-.Ltmp2, $4  }
0x13d: {  	v25 =	vadd.s32 $0x81, v9;
	v26 =	vadd.s32 $0x82, v13;
	[tilespmem:s11+$0xFFFFFF20] =	vst v19;
	v11 =	vmul.f32 v21, v11;
	v9 =	vld [tilespmem:s11+$0xFFFFFF90]  }
0x13e: {  	v20 =	vadd.s32 $0x83, v14;
	v16 =	vadd.s32 $0x84, v15;
	[tilespmem:s11+$0xFFFFFF30] =	vst v10;
	v19 =	vmul.f32 v22, v12;
	v10 =	vld [tilespmem:s11+$0xFFFFFFA0]  }
0x13f: {  	v13 =	vbroadcast v25, $0x0;
	v17 =	vadd.s32 $0x85, v17;
	[tilespmem:s11+$0xFFFFFF40] =	vst v11;
	v15 =	vmul.f32 v23, v12;
	v11 =	vld [tilespmem:s11+$0xFFFFFFB0]  }
0x140: {  	s23 =	sadd.s32 $0x7, s4;
	s4 =	sadd.s32 $0x8, s4;
	v18 =	vadd.s32 $0x86, v18;
	v14 =	vbroadcast v26, $0x0;
	[tilespmem:s11+$0xFFFFFF50] =	vst v19;
	v19 =	vmul.f32 v24, v6;
	v12 =	vld [tilespmem:s11+$0xFFFFFFC0]  }
0x141: {  	_ = 	snop  }
0x142: {  	v22 =	vld [tilespmem:s11+$0xFFFFFFD0]  }
0x143: {  	v23 =	vld [tilespmem:s11+$0xFFFFFFE0]  }
0x144: {  	v24 =	vld [tilespmem:s11+$0xFFFFFFF0]  }
0x145: {  	v7 =	vld.idx.msk [tilespmem:v7+s19+$0x0], $0xffff  }
0x146: {  	v13 =	vld.idx.msk [tilespmem:v13+s19+$0x0], $0xffff  }
0x147: {  	s4 =	sadd.s32 $0x100, s11;
	v14 =	vld.idx.msk [tilespmem:v14+s19+$0x0], $0xffff  }
0x148: {  	v25 =	vld [tilespmem:s4+$0x0]  }
0x149: {  	v26 =	vld [tilespmem:s4+$0xFFFFFF10]  }
0x14a: {  	v6 =	vmul.f32 v8, v6;
	v8 =	vld [tilespmem:s4+$0xFFFFFF20]  }
0x14b: {  	[tilespmem:s11+$0xFFFFFF60] =	vst v15;
	v15 =	vld [tilespmem:s4+$0xFFFFFF30]  }
0x14c: {  	v20 =	vbroadcast v20, $0x0;
	[tilespmem:s11+$0xFFFFFF70] =	vst v19;
	v9 =	vmul.f32 v9, v5;
	v19 =	vld [tilespmem:s4+$0xFFFFFFB0]  }
0x14d: {  	v21 =	vmov s23;
	v16 =	vbroadcast v16, $0x0;
	[tilespmem:s11+$0xFFFFFF80] =	vst v6;
	v5 =	vmul.f32 v10, v5;
	v6 =	vld [tilespmem:s4+$0xFFFFFF40]  }
0x14e: {  	v17 =	vbroadcast v17, $0x0;
	v21 =	vshrl.u32 v21, $0x3;
	v10 =	vld [tilespmem:s4+$0xFFFFFF50];
	[tilespmem:s11+$0xFFFFFF90] =	vst v9;
	v9 =	vmul.f32 v11, v4  }
0x14f: {  	v18 =	vbroadcast v18, $0x0;
	v21 =	vshll.u32 v21, v1;
	v11 =	vld [tilespmem:s4+$0xFFFFFF70];
	[tilespmem:s11+$0xFFFFFFA0] =	vst v5;
	v4 =	vmul.f32 v12, v4  }
0x150: {  	v21 =	vadd.s32 $0x87, v21;
	v5 =	vld [tilespmem:s4+$0xFFFFFF60];
	[tilespmem:s11+$0xFFFFFFB0] =	vst v9;
	v9 =	vmul.f32 v22, v2  }
0x151: {  	v21 =	vbroadcast v21, $0x0;
	v12 =	vld [tilespmem:s4+$0xFFFFFFA0];
	v3 =	vmul.f32 v24, v3;
	[tilespmem:s11+$0xFFFFFFC0] =	vst v4  }
0x152: {  	v2 =	vmul.f32 v23, v2;
	v20 =	vld.idx.msk [tilespmem:v20+s19+$0x0], $0xffff;
	[tilespmem:s11+$0xFFFFFFD0] =	vst v9  }
0x153: {  	v16 =	vld.idx.msk [tilespmem:v16+s19+$0x0], $0xffff;
	[tilespmem:s11+$0xFFFFFFF0] =	vst v3;
	v3 =	vmul.f32 v26, v7  }
0x154: {  	v17 =	vld.idx.msk [tilespmem:v17+s19+$0x0], $0xffff;
	[tilespmem:s11+$0xFFFFFFE0] =	vst v2;
	v7 =	vmul.f32 v8, v7  }
0x155: {  	v18 =	vld.idx.msk [tilespmem:v18+s19+$0x0], $0xffff;
	v6 =	vmul.f32 v6, v13;
	[tilespmem:s4+$0xFFFFFF10] =	vst v3  }
0x156: {  	v4 =	vld [tilespmem:s4+$0xFFFFFF80];
	v3 =	vmul.f32 v15, v13;
	[tilespmem:s4+$0xFFFFFF20] =	vst v7  }
0x157: {  	[tilespmem:s4+$0xFFFFFF40] =	vst v6;
	v5 =	vmul.f32 v5, v14;
	v21 =	vld.idx.msk [tilespmem:v21+s19+$0x0], $0xffff  }
0x158: {  	v9 =	vld [tilespmem:s4+$0xFFFFFF90];
	[tilespmem:s4+$0xFFFFFF30] =	vst v3;
	v3 =	vmul.f32 v10, v14  }
0x159: {  	v8 =	vld [tilespmem:s4+$0xFFFFFFD0];
	v6 =	vmul.f32 v11, v20;
	[tilespmem:s4+$0xFFFFFF60] =	vst v5  }
0x15a: {  	v7 =	vld [tilespmem:s4+$0xFFFFFFE0];
	v5 =	vmul.f32 v12, v16;
	[tilespmem:s4+$0xFFFFFF50] =	vst v3  }
0x15b: {  	v10 =	vld [tilespmem:s4+$0xFFFFFFF0];
	v3 =	vmul.f32 v4, v20;
	[tilespmem:s4+$0xFFFFFF70] =	vst v6  }
0x15c: {  	s23 =	simm.s32 $0x3;
	[tilespmem:s4+$0xFFFFFFA0] =	vst v5;
	v2 =	vmul.f32 v25, v21  }
0x15d: {  	s14 =	simm.s32 $0x0;
	v4 =	vmul.f32 v9, v16;
	v9 =	vmul.f32 v19, v17;
	v5 =	vmov s23;
	s23 =	simm.s32 $0x6;
	[tilespmem:s4+$0xFFFFFF80] =	vst v3  }
0x15e: {  	v6 =	vmul.f32 v8, v18;
	v8 =	vmov s14;
	v12 =	vmov s23;
	[tilespmem:s4+$0x0] =	vst v2;
	v2 =	vld [tilespmem:s4+$0xFFFFFFC0]  }
0x15f: {  	s18 =	simm.s32 $0x1;
	v5 =	vshrl.u32 v5, $0x3;
	v3 =	vmul.f32 v7, v18;
	[tilespmem:s4+$0xFFFFFF90] =	vst v4;
	v4 =	vshrl.u32 v8, $0x3  }
0x160: {  	s14 =	simm.s32 $0x2;
	v8 =	vmov s18;
	s18 =	simm.s32 $0x4;
	v5 =	vshll.u32 v5, v1;
	v7 =	vmul.f32 v10, v21  }
0x161: {  	[tilespmem:s4+$0xFFFFFFB0] =	vst v9;
	v10 =	vmov s14;
	v11 =	vmov s18;
	s18 =	simm.s32 $0x5;
	v4 =	vshll.u32 v4, v1  }
0x162: {  	[tilespmem:s4+$0xFFFFFFD0] =	vst v6;
	v8 =	vshrl.u32 v8, $0x3;
	v5 =	vadd.s32 $0x103, v5;
	v9 =	vmov s18  }
0x163: {  	v4 =	vadd.s32 $0x100, v4;
	[tilespmem:s4+$0xFFFFFFE0] =	vst v3;
	v3 =	vshll.u32 v8, v1;
	v2 =	vmul.f32 v2, v17  }
0x164: {  	v5 =	vbroadcast v5, $0x0;
	[tilespmem:s4+$0xFFFFFFF0] =	vst v7;
	v4 =	vbroadcast v4, $0x0;
	v3 =	vadd.s32 $0x101, v3  }
0x165: {  	s11 =	simm.s32 $0x200;
	s14 =	simm.s32 $0x7;
	v6 =	vshrl.u32 v9, $0x3;
	v9 =	vshrl.u32 v12, $0x3;
	v3 =	vbroadcast v3, $0x0;
	[tilespmem:s4+$0xFFFFFFC0] =	vst v2  }
0x166: {  	v6 =	vshll.u32 v6, v1;
	v8 =	vshll.u32 v9, v1;
	v9 =	vmov s14;
	[spmem:s3] =	stream.indirect.scatter.add.f32 [tilespmem:s22], [sflag:$0x3], $0x20, s11, s21, $0xb8;
	[tilespmem:$0x1F100] =	vst v63  }
0x167: {  	v6 =	vadd.s32 $0x105, v6;
	v2 =	vshrl.u32 v10, $0x3;
	v10 =	vshrl.u32 v11, $0x3;
	_ =	swait.ge [sflag:s29], $0x1000  }
0x168: {  	v2 =	vshll.u32 v2, v1;
	v7 =	vshll.u32 v10, v1;
	v10 =	vbroadcast v6, $0x0;
	[sflag:s29] =	ssyncset.done $0x0  }
0x169: {  	v9 =	vshrl.u32 v9, $0x3;
	v2 =	vadd.s32 $0x102, v2;
	[sflag:s29] =	ssyncadd.s32 $0xFFFFF000  }
0x16a: {  	v6 =	vshll.u32 v9, v1;
	v7 =	vadd.s32 $0x104, v7;
	v2 =	vbroadcast v2, $0x0;
	v9 =	vld.idx.msk [tilespmem:v4+s19+$0x0], $0xffff  }
0x16b: {  	v7 =	vbroadcast v7, $0x0;
	v4 =	vadd.s32 $0x107, v6;
	v11 =	vld.idx.msk [tilespmem:v3+s19+$0x0], $0xffff  }
0x16c: {  	v8 =	vadd.s32 $0x106, v8;
	s11 =	simm.s32 $0x29F0;
	v6 =	vld.idx.msk [tilespmem:v5+s19+$0x0], $0xffff;
	v3 =	vbroadcast v4, $0x0  }
0x16d: {  	v8 =	vbroadcast v8, $0x0;
	v16 =	vld [tilespmem:s11+$0xFFFFFF10]  }
0x16e: {  	v4 =	vld.idx.msk [tilespmem:v10+s19+$0x0], $0xffff  }
0x16f: {  	v10 =	vld [tilespmem:s11+$0x0]  }
0x170: {  	s14 =	simm.s32 $0xA;
	v13 =	vld.idx.msk [tilespmem:v2+s19+$0x0], $0xffff  }
0x171: {  	s18 =	simm.s32 $0x8;
	v12 =	vmov s14;
	v5 =	vld.idx.msk [tilespmem:v7+s19+$0x0], $0xffff  }
0x172: {  	s23 =	simm.s32 $0x9;
	v12 =	vshrl.u32 v12, $0x3;
	v7 =	vmov s18;
	s18 =	simm.s32 $0xB;
	v3 =	vld.idx.msk [tilespmem:v3+s19+$0x0], $0xffff  }
0x173: {  	v2 =	vld.idx.msk [tilespmem:v8+s19+$0x0], $0xffff;
	v8 =	vmov s23;
	s23 =	simm.s32 $0xC;
	v7 =	vshrl.u32 v7, $0x3;
	v14 =	vmov s18  }
0x174: {  	v19 =	vld [tilespmem:s11+$0xFFFFFF20];
	v15 =	vmov s23;
	s18 =	simm.s32 $0xD;
	s23 =	simm.s32 $0xE;
	v8 =	vshrl.u32 v8, $0x3;
	v7 =	vshll.u32 v7, v1  }
0x175: {  	v20 =	vld [tilespmem:s11+$0xFFFFFF30];
	v17 =	vmov s18;
	v18 =	vmov s23;
	v14 =	vshrl.u32 v14, $0x3  }
0x176: {  	v21 =	vld [tilespmem:s11+$0xFFFFFF40];
	v15 =	vshrl.u32 v15, $0x3;
	v22 =	vshll.u32 v8, v1;
	v17 =	vshrl.u32 v17, $0x3  }
0x177: {  	v23 =	vld [tilespmem:s11+$0xFFFFFF50];
	v18 =	vshrl.u32 v18, $0x3;
	v7 =	vadd.s32 $0x100, v7;
	v8 =	vmul.f32 v10, v3  }
0x178: {  	v62 =	vld [tilespmem:s11+$0xFFFFFF60];
	v10 =	vshll.u32 v12, v1;
	v12 =	vshll.u32 v14, v1;
	v14 =	vmul.f32 v16, v9  }
0x179: {  	v63 =	vld [tilespmem:s11+$0xFFFFFF70];
	v15 =	vshll.u32 v15, v1;
	v7 =	vbroadcast v7, $0x0;
	v9 =	vmul.f32 v19, v9;
	[tilespmem:s11+$0x0] =	vst v8  }
0x17a: {  	v15 =	vadd.s32 $0x104, v15;
	v16 =	vshll.u32 v17, v1;
	[tilespmem:s11+$0xFFFFFF10] =	vst v14;
	v14 =	vmul.f32 v20, v11;
	v8 =	vld [tilespmem:s11+$0xFFFFFF80]  }
0x17b: {  	v17 =	vshll.u32 v18, v1;
	v18 =	vadd.s32 $0x101, v22;
	[tilespmem:s11+$0xFFFFFF20] =	vst v9;
	v11 =	vmul.f32 v21, v11;
	v9 =	vld [tilespmem:s11+$0xFFFFFF90]  }
0x17c: {  	v19 =	vadd.s32 $0x103, v12;
	v20 =	vadd.s32 $0x102, v10;
	v21 =	vmul.f32 v23, v13;
	v10 =	vld [tilespmem:s11+$0xFFFFFFA0];
	[tilespmem:s11+$0xFFFFFF30] =	vst v14  }
0x17d: {  	v12 =	vbroadcast v18, $0x0;
	v16 =	vadd.s32 $0x105, v16;
	v18 =	vmul.f32 v62, v13;
	[tilespmem:s11+$0xFFFFFF40] =	vst v11;
	v11 =	vld [tilespmem:s11+$0xFFFFFFB0]  }
0x17e: {  	s4 =	simm.s32 $0x10;
	s23 =	simm.s32 $0xF;
	v17 =	vadd.s32 $0x106, v17;
	v13 =	vld [tilespmem:s11+$0xFFFFFFC0];
	v14 =	vbroadcast v20, $0x0;
	[tilespmem:s11+$0xFFFFFF50] =	vst v21;
	v20 =	vmul.f32 v63, v6  }
.LBB2_9:
0x17f: {  	p0 =	slt.u32 s4, $0x78;
	v19 =	vbroadcast v19, $0x0;
	v21 =	vmov s23;
	[tilespmem:s11+$0xFFFFFF60] =	vst v18;
	v6 =	vmul.f32 v8, v6;
	v8 =	vld [tilespmem:s11+$0xFFFFFFD0]  }
0x180: {  	v15 =	vbroadcast v15, $0x0;
	v18 =	vshrl.u32 v21, $0x3;
	[tilespmem:s11+$0xFFFFFF70] =	vst v20;
	v9 =	vmul.f32 v9, v5;
	v20 =	vld [tilespmem:s11+$0xFFFFFFE0]  }
0x181: {  	v16 =	vbroadcast v16, $0x0;
	v18 =	vshll.u32 v18, v1;
	[tilespmem:s11+$0xFFFFFF80] =	vst v6;
	v5 =	vmul.f32 v10, v5;
	v10 =	vld [tilespmem:s11+$0xFFFFFFF0]  }
0x182: {  	v17 =	vbroadcast v17, $0x0;
	v7 =	vld.idx.msk [tilespmem:v7+s19+$0x0], $0xffff;
	v6 =	vadd.s32 $0x107, v18;
	[tilespmem:s11+$0xFFFFFF90] =	vst v9;
	v9 =	vmul.f32 v11, v4  }
0x183: {  	v11 =	vld.idx.msk [tilespmem:v12+s19+$0x0], $0xffff;
	v12 =	vbroadcast v6, $0x0;
	[tilespmem:s11+$0xFFFFFFA0] =	vst v5;
	v4 =	vmul.f32 v13, v4  }
0x184: {  	v13 =	vld.idx.msk [tilespmem:v14+s19+$0x0], $0xffff;
	[tilespmem:s11+$0xFFFFFFB0] =	vst v9;
	v8 =	vmul.f32 v8, v2  }
0x185: {  	v6 =	vld.idx.msk [tilespmem:v19+s19+$0x0], $0xffff;
	[tilespmem:s11+$0xFFFFFFC0] =	vst v4;
	v2 =	vmul.f32 v20, v2  }
0x186: {  	v5 =	vld.idx.msk [tilespmem:v15+s19+$0x0], $0xffff;
	[tilespmem:s11+$0xFFFFFFD0] =	vst v8;
	v3 =	vmul.f32 v10, v3  }
0x187: {  	v4 =	vld.idx.msk [tilespmem:v16+s19+$0x0], $0xffff;
	[tilespmem:s11+$0xFFFFFFE0] =	vst v2  }
0x188: {  	v2 =	vld.idx.msk [tilespmem:v17+s19+$0x0], $0xffff;
	[tilespmem:s11+$0xFFFFFFF0] =	vst v3  }
0x189: {  	s14 =	sadd.s32 $0x1, s4;
	v8 =	vmov s4;
	s11 =	sadd.s32 $0x100, s11;
	v3 =	vld.idx.msk [tilespmem:v12+s19+$0x0], $0xffff  }
0x18a: {  	s18 =	sadd.s32 $0x3, s4;
	s23 =	sadd.s32 $0x4, s4;
	v9 =	vmov s14;
	s14 =	sadd.s32 $0x2, s4;
	v8 =	vshrl.u32 v8, $0x3;
	v10 =	vld [tilespmem:s11+$0x0]  }
0x18b: {  	v14 =	vmov s18;
	s18 =	sadd.s32 $0x6, s4;
	v15 =	vmov s23;
	v12 =	vmov s14;
	s14 =	sadd.s32 $0x5, s4;
	v16 =	vld [tilespmem:s11+$0xFFFFFF10]  }
0x18c: {  	v18 =	vmov s18;
	v8 =	vshll.u32 v8, v1;
	v17 =	vmov s14;
	v19 =	vld [tilespmem:s11+$0xFFFFFF20]  }
0x18d: {  	v9 =	vshrl.u32 v9, $0x3;
	v14 =	vshrl.u32 v14, $0x3;
	v12 =	vshrl.u32 v12, $0x3;
	v20 =	vld [tilespmem:s11+$0xFFFFFF30]  }
0x18e: {  	v18 =	vshrl.u32 v18, $0x3;
	v15 =	vshrl.u32 v15, $0x3;
	v17 =	vshrl.u32 v17, $0x3;
	v21 =	vld [tilespmem:s11+$0xFFFFFF40]  }
0x18f: {  	v9 =	vshll.u32 v9, v1;
	v8 =	vadd.s32 $0x100, v8;
	v22 =	vld [tilespmem:s11+$0xFFFFFF50];
	v10 =	vmul.f32 v10, v3  }
0x190: {  	v14 =	vshll.u32 v14, v1;
	v12 =	vshll.u32 v12, v1;
	v16 =	vmul.f32 v16, v7;
	v23 =	vld [tilespmem:s11+$0xFFFFFF60]  }
0x191: {  	v15 =	vshll.u32 v15, v1;
	v17 =	vshll.u32 v17, v1;
	v19 =	vmul.f32 v19, v7;
	v24 =	vld [tilespmem:s11+$0xFFFFFF70];
	[tilespmem:s11+$0x0] =	vst v10  }
.Ltmp3:
0x192: {  	v25 =	vshll.u32 v18, v1;
	v7 =	vbroadcast v8, $0x0;
	[tilespmem:s11+$0xFFFFFF10] =	vst v16;
	v10 =	vmul.f32 v20, v11;
	v8 =	vld [tilespmem:s11+$0xFFFFFF80];
	(pc) =	sbr.rel @p0 .LBB2_9-.Ltmp3, $4  }
0x193: {  	v16 =	vadd.s32 $0x101, v9;
	v20 =	vadd.s32 $0x102, v12;
	[tilespmem:s11+$0xFFFFFF20] =	vst v19;
	v11 =	vmul.f32 v21, v11;
	v9 =	vld [tilespmem:s11+$0xFFFFFF90]  }
0x194: {  	v15 =	vadd.s32 $0x104, v15;
	v19 =	vadd.s32 $0x103, v14;
	[tilespmem:s11+$0xFFFFFF30] =	vst v10;
	v21 =	vmul.f32 v22, v13;
	v10 =	vld [tilespmem:s11+$0xFFFFFFA0]  }
0x195: {  	v12 =	vbroadcast v16, $0x0;
	v16 =	vadd.s32 $0x105, v17;
	[tilespmem:s11+$0xFFFFFF40] =	vst v11;
	v18 =	vmul.f32 v23, v13;
	v11 =	vld [tilespmem:s11+$0xFFFFFFB0]  }
0x196: {  	s23 =	sadd.s32 $0x7, s4;
	s4 =	sadd.s32 $0x8, s4;
	v14 =	vbroadcast v20, $0x0;
	v17 =	vadd.s32 $0x106, v25;
	[tilespmem:s11+$0xFFFFFF50] =	vst v21;
	v20 =	vmul.f32 v24, v6;
	v13 =	vld [tilespmem:s11+$0xFFFFFFC0]  }
0x197: {  	_ = 	snop  }
0x198: {  	v22 =	vld [tilespmem:s11+$0xFFFFFFD0]  }
0x199: {  	v23 =	vld [tilespmem:s11+$0xFFFFFFE0]  }
0x19a: {  	v24 =	vld [tilespmem:s11+$0xFFFFFFF0]  }
0x19b: {  	v19 =	vbroadcast v19, $0x0;
	v7 =	vld.idx.msk [tilespmem:v7+s19+$0x0], $0xffff  }
0x19c: {  	v15 =	vbroadcast v15, $0x0;
	v12 =	vld.idx.msk [tilespmem:v12+s19+$0x0], $0xffff  }
0x19d: {  	v16 =	vbroadcast v16, $0x0;
	s4 =	sadd.s32 $0x100, s11;
	v14 =	vld.idx.msk [tilespmem:v14+s19+$0x0], $0xffff;
	v9 =	vmul.f32 v9, v5  }
0x19e: {  	v5 =	vmul.f32 v10, v5;
	v10 =	vld [tilespmem:s4+$0x0]  }
0x19f: {  	v21 =	vmov s23;
	[tilespmem:s11+$0xFFFFFF90] =	vst v9;
	v9 =	vmul.f32 v11, v4;
	v11 =	vld [tilespmem:s4+$0xFFFFFF20]  }
0x1a0: {  	v21 =	vshrl.u32 v21, $0x3;
	[tilespmem:s11+$0xFFFFFFA0] =	vst v5;
	v5 =	vld [tilespmem:s4+$0xFFFFFF10]  }
0x1a1: {  	v21 =	vshll.u32 v21, v1;
	v19 =	vld.idx.msk [tilespmem:v19+s19+$0x0], $0xffff  }
0x1a2: {  	[tilespmem:s11+$0xFFFFFF60] =	vst v18;
	v6 =	vmul.f32 v8, v6;
	v21 =	vadd.s32 $0x107, v21;
	v4 =	vmul.f32 v13, v4;
	v15 =	vld.idx.msk [tilespmem:v15+s19+$0x0], $0xffff  }
0x1a3: {  	v21 =	vbroadcast v21, $0x0;
	[tilespmem:s11+$0xFFFFFFB0] =	vst v9;
	v9 =	vmul.f32 v22, v2;
	v8 =	vld.idx.msk [tilespmem:v16+s19+$0x0], $0xffff  }
0x1a4: {  	v2 =	vmul.f32 v23, v2;
	[tilespmem:s11+$0xFFFFFFC0] =	vst v4;
	v4 =	vld [tilespmem:s4+$0xFFFFFF30]  }
0x1a5: {  	v3 =	vmul.f32 v24, v3;
	[tilespmem:s11+$0xFFFFFFD0] =	vst v9;
	v9 =	vld [tilespmem:s4+$0xFFFFFF40]  }
0x1a6: {  	v17 =	vbroadcast v17, $0x0;
	[tilespmem:s11+$0xFFFFFFE0] =	vst v2;
	v2 =	vld [tilespmem:s4+$0xFFFFFF50]  }
0x1a7: {  	[tilespmem:s11+$0xFFFFFFF0] =	vst v3;
	v3 =	vmul.f32 v5, v7;
	v5 =	vld [tilespmem:s4+$0xFFFFFF60]  }
0x1a8: {  	[tilespmem:s11+$0xFFFFFF80] =	vst v6;
	v7 =	vmul.f32 v11, v7;
	v11 =	vld [tilespmem:s4+$0xFFFFFF70]  }
0x1a9: {  	v6 =	vld.idx.msk [tilespmem:v21+s19+$0x0], $0xffff;
	[tilespmem:s4+$0xFFFFFF10] =	vst v3;
	v3 =	vmul.f32 v4, v12  }
0x1aa: {  	v4 =	vld [tilespmem:s4+$0xFFFFFF80];
	[tilespmem:s4+$0xFFFFFF20] =	vst v7;
	v7 =	vmul.f32 v9, v12  }
0x1ab: {  	v9 =	vld [tilespmem:s4+$0xFFFFFF90];
	v2 =	vmul.f32 v2, v14;
	[tilespmem:s4+$0xFFFFFF30] =	vst v3  }
0x1ac: {  	v16 =	vld.idx.msk [tilespmem:v17+s19+$0x0], $0xffff;
	[tilespmem:s4+$0xFFFFFF40] =	vst v7;
	v5 =	vmul.f32 v5, v14  }
0x1ad: {  	v7 =	vld [tilespmem:s4+$0xFFFFFFB0];
	[tilespmem:s4+$0xFFFFFF50] =	vst v2;
	v2 =	vmul.f32 v11, v19  }
0x1ae: {  	v3 =	vld [tilespmem:s4+$0xFFFFFFA0];
	v10 =	vmul.f32 v10, v6;
	[tilespmem:s4+$0xFFFFFF60] =	vst v5  }
0x1af: {  	v4 =	vmul.f32 v4, v19;
	v5 =	vld [tilespmem:s4+$0xFFFFFFD0];
	[tilespmem:s4+$0xFFFFFF70] =	vst v2  }
0x1b0: {  	[tilespmem:s4+$0x0] =	vst v10;
	v10 =	vld [tilespmem:s4+$0xFFFFFFC0];
	v2 =	vmul.f32 v9, v15  }
0x1b1: {  	[tilespmem:s4+$0xFFFFFF80] =	vst v4;
	v4 =	vld [tilespmem:s4+$0xFFFFFFF0]  }
0x1b2: {  	v9 =	vld [tilespmem:s4+$0xFFFFFFE0];
	[tilespmem:s4+$0xFFFFFF90] =	vst v2;
	v2 =	vmul.f32 v7, v8  }
0x1b3: {  	[tilespmem:s11+$0xFFFFFF70] =	vst v20;
	v3 =	vmul.f32 v3, v15  }
0x1b4: {  	[tilespmem:s4+$0xFFFFFFB0] =	vst v2;
	v2 =	vmul.f32 v5, v16  }
0x1b5: {  	[tilespmem:s4+$0xFFFFFFA0] =	vst v3;
	v3 =	vmul.f32 v10, v8  }
0x1b6: {  	[tilespmem:s4+$0xFFFFFFD0] =	vst v2;
	v2 =	vmul.f32 v4, v6  }
0x1b7: {  	[tilespmem:s4+$0xFFFFFFC0] =	vst v3;
	v3 =	vmul.f32 v9, v16  }
0x1b8: {  	[tilespmem:s4+$0xFFFFFFF0] =	vst v2  }
0x1b9: {  	s18 =	simm.s32 $0x280;
	[tilespmem:s4+$0xFFFFFFE0] =	vst v3  }
0x1ba: {  	[spmem:s3] =	stream.indirect.scatter.add.f32 [tilespmem:s24], [sflag:$0x3], $0x20, s18, s21, $0xb8;
	[tilespmem:$0x1F100] =	vst v63  }
0x1bb: {  	_ =	swait.ge [sflag:s0], $0x180  }
0x1bc: {  	[sflag:s0] =	ssyncset.done $0x0  }
0x1bd: {  	[sflag:s0] =	ssyncadd.s32 $0xFFFFFE80  }
0x1be: {  	_ =	swait.ge [sflag:s0], $0x180  }
0x1bf: {  	[sflag:s0] =	ssyncset.done $0x0  }
0x1c0: {  	[sflag:s0] =	ssyncadd.s32 $0xFFFFFE80  }
0x1c1: {  	_ =	swait.ge [sflag:s0], $0x180  }
0x1c2: {  	[sflag:s0] =	ssyncset.done $0x0  }
0x1c3: {  	[sflag:s0] =	ssyncadd.s32 $0xFFFFFE80  }
0x1c4: {  	[tilespmem:s2], [sflag:$0x2] =	stream.indirect.gather [hbm4b:s5+s21], $0x20, s25, s21, $0xb8;
	[tilespmem:$0x1F100] =	vst v63  }
0x1c5: {  	s23 =	simm.s32 $0x500  }
0x1c6: {  	[tilespmem:s10], [sflag:$0x2] =	stream.indirect.gather [hbm4b:s5+s21], $0x20, s23, s21, $0xb8;
	[tilespmem:$0x1F100] =	vst v63  }
0x1c7: {  	s11 =	simm.s32 $0x580  }
0x1c8: {  	[tilespmem:s12], [sflag:$0x2] =	stream.indirect.gather [hbm4b:s5+s21], $0x20, s11, s21, $0xb8;
	[tilespmem:$0x1F100] =	vst v63  }
0x1c9: {  	_ =	swait.ge [sflag:s13], $0x1000  }
0x1ca: {  	[sflag:s13] =	ssyncset.done $0x0  }
0x1cb: {  	[sflag:s13] =	ssyncadd.s32 $0xFFFFF000  }
0x1cc: {  	p0 =	seq.s32 s31, $0x42;
	_ =	swait.ge [sflag:s13], $0x1000  }
0x1cd: {  	s14 =	simm.s32 $0x0;
	s9 =	sadd.s32 @!p0 s15, s9;
	[sflag:s13] =	ssyncset.done $0x0  }
0x1ce: {  	s9 =	sshrl.u32 @!p0 s9, $0x3;
	v2 =	vmov s14;
	s14 =	simm.s32 $0x3;
	[sflag:s13] =	ssyncadd.s32 $0xFFFFF000  }
0x1cf: {  	s4 =	simm.s32 $0x4;
	s18 =	simm.s32 $0x1;
	_ =	swait.ge [sflag:s13], $0x1000  }
0x1d0: {  	v2 =	vshrl.u32 v2, $0x3;
	v6 =	vmov s4;
	s4 =	sadd.s32 @!p0 s1, s9;
	v3 =	vmov s18;
	s18 =	simm.s32 $0x5;
	[sflag:s13] =	ssyncset.done $0x0  }
0x1d1: {  	v5 =	vmov s14;
	v2 =	vshll.u32 v2, v1;
	s23 =	simm.s32 $0x2;
	s11 =	simm.s32 @!p0 $0x0;
	[sflag:s13] =	ssyncadd.s32 $0xFFFFF000  }
0x1d2: {  	v2 =	vbroadcast v2, $0x0;
	v3 =	vshrl.u32 v3, $0x3;
	v4 =	vmov s23;
	[tilespmem:s11], [sflag:$0x5] =	stream.linear.gather @!p0 [hbm4b:s4+s11], $0x180, $0x38;
	[tilespmem:$0x1F100] =	vst v63  }
0x1d3: {  	s14 =	simm.s32 @!p0 $0x180;
	v7 =	vmov s18;
	v3 =	vshll.u32 v3, v1;
	v4 =	vshrl.u32 v4, $0x3;
	s4 =	sadd.s32 @!p0 s6, s9  }
0x1d4: {  	v7 =	vshrl.u32 v7, $0x3;
	v3 =	vadd.s32 $0x1, v3;
	v4 =	vshll.u32 v4, v1;
	[tilespmem:s14], [sflag:$0x5] =	stream.linear.gather @!p0 [hbm4b:s4+s11], $0x180, $0x38;
	[tilespmem:$0x1F100] =	vst v63  }
0x1d5: {  	v7 =	vshll.u32 v7, v1;
	v3 =	vbroadcast v3, $0x0;
	v4 =	vadd.s32 $0x2, v4;
	s4 =	sadd.s32 @!p0 s7, s9;
	s9 =	simm.s32 @!p0 $0x300  }
0x1d6: {  	v7 =	vadd.s32 $0x5, v7;
	v4 =	vbroadcast v4, $0x0;
	[tilespmem:s9], [sflag:$0x5] =	stream.linear.gather @!p0 [hbm4b:s4+s11], $0x180, $0x38;
	[tilespmem:$0x1F100] =	vst v63  }
0x1d7: {  	v6 =	vshrl.u32 v6, $0x3;
	v7 =	vbroadcast v7, $0x0;
	_ =	swait.ge [sflag:s8], $0x1000  }
0x1d8: {  	v6 =	vshll.u32 v6, v1;
	s9 =	simm.s32 $0x7;
	[sflag:s8] =	ssyncset.done $0x0  }
0x1d9: {  	v6 =	vadd.s32 $0x4, v6;
	s23 =	simm.s32 $0x6;
	v9 =	vmov s9;
	[sflag:s8] =	ssyncadd.s32 $0xFFFFF000  }
0x1da: {  	v10 =	vbroadcast v6, $0x0;
	v8 =	vmov s23;
	v6 =	vshrl.u32 v9, $0x3;
	v9 =	vld.idx.msk [tilespmem:v2+s28+$0x0], $0xffff  }
0x1db: {  	v5 =	vshrl.u32 v5, $0x3;
	v8 =	vshrl.u32 v8, $0x3;
	v6 =	vshll.u32 v6, v1;
	v11 =	vld.idx.msk [tilespmem:v3+s28+$0x0], $0xffff  }
0x1dc: {  	v5 =	vshll.u32 v5, v1;
	v8 =	vshll.u32 v8, v1;
	v6 =	vadd.s32 $0x7, v6;
	v12 =	vld.idx.msk [tilespmem:v4+s28+$0x0], $0xffff  }
0x1dd: {  	v5 =	vadd.s32 $0x3, v5;
	v8 =	vadd.s32 $0x6, v8;
	s9 =	simm.s32 $0x3980;
	v4 =	vld.idx.msk [tilespmem:v7+s28+$0x0], $0xffff;
	v3 =	vbroadcast v6, $0x0  }
0x1de: {  	v5 =	vbroadcast v5, $0x0;
	v2 =	vbroadcast v8, $0x0;
	v8 =	vld [tilespmem:s9+$0x70]  }
0x1df: {  	v15 =	vld [tilespmem:s9+$0xFFFFFF80]  }
0x1e0: {  	s18 =	simm.s32 $0xA;
	v19 =	vld [tilespmem:s9+$0xFFFFFF90]  }
0x1e1: {  	v13 =	vmov s18;
	s18 =	simm.s32 $0xD;
	v20 =	vld [tilespmem:s9+$0xFFFFFFA0]  }
0x1e2: {  	v17 =	vmov s18;
	v13 =	vshrl.u32 v13, $0x3;
	v21 =	vld [tilespmem:s9+$0xFFFFFFB0]  }
0x1e3: {  	v17 =	vshrl.u32 v17, $0x3;
	v13 =	vshll.u32 v13, v1;
	s23 =	simm.s32 $0xB;
	v3 =	vld.idx.msk [tilespmem:v3+s28+$0x0], $0xffff  }
0x1e4: {  	v17 =	vshll.u32 v17, v1;
	v25 =	vadd.s32 $0x2, v13;
	v14 =	vmov s23;
	s23 =	simm.s32 $0xE;
	s14 =	simm.s32 $0x9;
	v6 =	vld.idx.msk [tilespmem:v5+s28+$0x0], $0xffff  }
0x1e5: {  	v17 =	vadd.s32 $0x5, v17;
	v18 =	vmov s23;
	v5 =	vld.idx.msk [tilespmem:v10+s28+$0x0], $0xffff;
	v10 =	vmov s14  }
0x1e6: {  	v14 =	vshrl.u32 v14, $0x3;
	v18 =	vshrl.u32 v18, $0x3;
	v22 =	vld [tilespmem:s9+$0xFFFFFFC0];
	v10 =	vshrl.u32 v10, $0x3  }
0x1e7: {  	v14 =	vshll.u32 v14, v1;
	v23 =	vld [tilespmem:s9+$0xFFFFFFD0];
	v10 =	vshll.u32 v10, v1;
	v15 =	vmul.f32 v15, v9  }
0x1e8: {  	v18 =	vshll.u32 v18, v1;
	s11 =	simm.s32 $0x8;
	v63 =	vadd.s32 $0x1, v10;
	v10 =	vld [tilespmem:s9+$0x10];
	v8 =	vmul.f32 v8, v3  }
0x1e9: {  	v18 =	vadd.s32 $0x6, v18;
	v7 =	vmov s11;
	s14 =	simm.s32 $0xC;
	v9 =	vmul.f32 v19, v9;
	v19 =	vld [tilespmem:s9+$0xFFFFFFE0];
	[tilespmem:s9+$0xFFFFFF80] =	vst v15  }
0x1ea: {  	v7 =	vshrl.u32 v7, $0x3;
	v16 =	vmov s14;
	v15 =	vmul.f32 v20, v11;
	[tilespmem:s9+$0x70] =	vst v8;
	v8 =	vld [tilespmem:s9+$0xFFFFFFF0]  }
0x1eb: {  	v7 =	vshll.u32 v7, v1;
	v16 =	vshrl.u32 v16, $0x3;
	[tilespmem:s9+$0xFFFFFF90] =	vst v9;
	v11 =	vmul.f32 v21, v11;
	v9 =	vld [tilespmem:s9+$0x0]  }
0x1ec: {  	v7 =	vbroadcast v7, $0x0;
	v16 =	vshll.u32 v16, v1;
	v2 =	vld.idx.msk [tilespmem:v2+s28+$0x0], $0xffff;
	v21 =	vmul.f32 v22, v12;
	[tilespmem:s9+$0xFFFFFFA0] =	vst v15  }
0x1ed: {  	v16 =	vadd.s32 $0x4, v16;
	v13 =	vbroadcast v63, $0x0;
	[tilespmem:s9+$0xFFFFFFB0] =	vst v11;
	v15 =	vmul.f32 v23, v12;
	v11 =	vld [tilespmem:s9+$0x20]  }
0x1ee: {  	s4 =	simm.s32 $0x10;
	s11 =	simm.s32 $0xF;
	v20 =	vadd.s32 $0x3, v14;
	v14 =	vbroadcast v25, $0x0;
	[tilespmem:s9+$0xFFFFFFC0] =	vst v21;
	v12 =	vld [tilespmem:s9+$0x30];
	v19 =	vmul.f32 v19, v6  }
.LBB2_11:
0x1ef: {  	p0 =	slt.u32 s4, $0x78;
	v20 =	vbroadcast v20, $0x0;
	v21 =	vmov s11;
	[tilespmem:s9+$0xFFFFFFD0] =	vst v15;
	v6 =	vmul.f32 v8, v6;
	v8 =	vld [tilespmem:s9+$0x40]  }
0x1f0: {  	v15 =	vbroadcast v16, $0x0;
	v16 =	vshrl.u32 v21, $0x3;
	[tilespmem:s9+$0xFFFFFFE0] =	vst v19;
	v9 =	vmul.f32 v9, v5;
	v19 =	vld [tilespmem:s9+$0x50]  }
0x1f1: {  	v17 =	vbroadcast v17, $0x0;
	v16 =	vshll.u32 v16, v1;
	[tilespmem:s9+$0xFFFFFFF0] =	vst v6;
	v5 =	vmul.f32 v10, v5;
	v10 =	vld [tilespmem:s9+$0x60]  }
0x1f2: {  	v21 =	vld.idx.msk [tilespmem:v7+s28+$0x0], $0xffff;
	v7 =	vbroadcast v18, $0x0;
	v6 =	vadd.s32 $0x7, v16;
	[tilespmem:s9+$0x0] =	vst v9;
	v9 =	vmul.f32 v11, v4  }
0x1f3: {  	v11 =	vld.idx.msk [tilespmem:v13+s28+$0x0], $0xffff;
	v13 =	vbroadcast v6, $0x0;
	[tilespmem:s9+$0x10] =	vst v5;
	v4 =	vmul.f32 v12, v4  }
0x1f4: {  	v12 =	vld.idx.msk [tilespmem:v14+s28+$0x0], $0xffff;
	[tilespmem:s9+$0x20] =	vst v9;
	v8 =	vmul.f32 v8, v2  }
0x1f5: {  	v6 =	vld.idx.msk [tilespmem:v20+s28+$0x0], $0xffff;
	[tilespmem:s9+$0x30] =	vst v4;
	v2 =	vmul.f32 v19, v2  }
0x1f6: {  	v5 =	vld.idx.msk [tilespmem:v15+s28+$0x0], $0xffff;
	[tilespmem:s9+$0x40] =	vst v8;
	v3 =	vmul.f32 v10, v3  }
0x1f7: {  	v4 =	vld.idx.msk [tilespmem:v17+s28+$0x0], $0xffff;
	[tilespmem:s9+$0x50] =	vst v2  }
0x1f8: {  	v2 =	vld.idx.msk [tilespmem:v7+s28+$0x0], $0xffff;
	[tilespmem:s9+$0x60] =	vst v3  }
0x1f9: {  	v7 =	vmov s4;
	s9 =	sadd.s32 $0x100, s9;
	v3 =	vld.idx.msk [tilespmem:v13+s28+$0x0], $0xffff  }
0x1fa: {  	s11 =	sadd.s32 $0x1, s4;
	s14 =	sadd.s32 $0x2, s4;
	s18 =	sadd.s32 $0x3, s4;
	v7 =	vshrl.u32 v7, $0x3;
	v8 =	vld [tilespmem:s9+$0x70]  }
0x1fb: {  	v9 =	vmov s11;
	s11 =	sadd.s32 $0x4, s4;
	v10 =	vmov s14;
	s14 =	sadd.s32 $0x5, s4;
	v13 =	vmov s18;
	s18 =	sadd.s32 $0x6, s4;
	v14 =	vld [tilespmem:s9+$0xFFFFFF80]  }
0x1fc: {  	v15 =	vmov s11;
	v16 =	vmov s14;
	v17 =	vmov s18;
	v18 =	vld [tilespmem:s9+$0xFFFFFF90]  }
0x1fd: {  	v9 =	vshrl.u32 v9, $0x3;
	v10 =	vshrl.u32 v10, $0x3;
	v7 =	vshll.u32 v7, v1;
	v19 =	vld [tilespmem:s9+$0xFFFFFFA0]  }
0x1fe: {  	v15 =	vshrl.u32 v15, $0x3;
	v16 =	vshrl.u32 v16, $0x3;
	v13 =	vshrl.u32 v13, $0x3;
	v20 =	vld [tilespmem:s9+$0xFFFFFFB0]  }
0x1ff: {  	v7 =	vbroadcast v7, $0x0;
	v17 =	vshrl.u32 v17, $0x3;
	v22 =	vld [tilespmem:s9+$0xFFFFFFC0];
	v8 =	vmul.f32 v8, v3  }
0x200: {  	v9 =	vshll.u32 v9, v1;
	v10 =	vshll.u32 v10, v1;
	v14 =	vmul.f32 v14, v21;
	v23 =	vld [tilespmem:s9+$0xFFFFFFD0]  }
0x201: {  	v15 =	vshll.u32 v15, v1;
	v13 =	vshll.u32 v13, v1;
	v18 =	vmul.f32 v18, v21;
	v21 =	vld [tilespmem:s9+$0xFFFFFFE0];
	[tilespmem:s9+$0x70] =	vst v8  }
.Ltmp4:
0x202: {  	v24 =	vshll.u32 v16, v1;
	v25 =	vshll.u32 v17, v1;
	[tilespmem:s9+$0xFFFFFF80] =	vst v14;
	v14 =	vmul.f32 v19, v11;
	v8 =	vld [tilespmem:s9+$0xFFFFFFF0];
	(pc) =	sbr.rel @p0 .LBB2_11-.Ltmp4, $4  }
0x203: {  	v17 =	vadd.s32 $0x1, v9;
	v19 =	vadd.s32 $0x2, v10;
	[tilespmem:s9+$0xFFFFFF90] =	vst v18;
	v11 =	vmul.f32 v20, v11;
	v9 =	vld [tilespmem:s9+$0x0]  }
0x204: {  	v16 =	vadd.s32 $0x4, v15;
	v20 =	vadd.s32 $0x3, v13;
	[tilespmem:s9+$0xFFFFFFA0] =	vst v14;
	v22 =	vmul.f32 v22, v12;
	v10 =	vld [tilespmem:s9+$0x10]  }
0x205: {  	v13 =	vbroadcast v17, $0x0;
	v17 =	vadd.s32 $0x5, v24;
	[tilespmem:s9+$0xFFFFFFB0] =	vst v11;
	v15 =	vmul.f32 v23, v12;
	v11 =	vld [tilespmem:s9+$0x20]  }
0x206: {  	s11 =	sadd.s32 $0x7, s4;
	s4 =	sadd.s32 $0x8, s4;
	v18 =	vadd.s32 $0x6, v25;
	v14 =	vbroadcast v19, $0x0;
	[tilespmem:s9+$0xFFFFFFC0] =	vst v22;
	v19 =	vmul.f32 v21, v6;
	v12 =	vld [tilespmem:s9+$0x30]  }
0x207: {  	_ = 	snop  }
0x208: {  	v22 =	vld [tilespmem:s9+$0x40]  }
0x209: {  	v23 =	vld [tilespmem:s9+$0x50]  }
0x20a: {  	v24 =	vld [tilespmem:s9+$0x60]  }
0x20b: {  	v7 =	vld.idx.msk [tilespmem:v7+s28+$0x0], $0xffff  }
0x20c: {  	v13 =	vld.idx.msk [tilespmem:v13+s28+$0x0], $0xffff  }
0x20d: {  	s4 =	sadd.s32 $0x100, s9;
	v14 =	vld.idx.msk [tilespmem:v14+s28+$0x0], $0xffff  }
0x20e: {  	v25 =	vld [tilespmem:s4+$0x70]  }
0x20f: {  	v26 =	vld [tilespmem:s4+$0xFFFFFF80]  }
0x210: {  	v6 =	vmul.f32 v8, v6;
	v8 =	vld [tilespmem:s4+$0xFFFFFF90]  }
0x211: {  	[tilespmem:s9+$0xFFFFFFD0] =	vst v15;
	v15 =	vld [tilespmem:s4+$0xFFFFFFA0]  }
0x212: {  	v20 =	vbroadcast v20, $0x0;
	v21 =	vmov s11;
	[tilespmem:s9+$0xFFFFFFE0] =	vst v19;
	v9 =	vmul.f32 v9, v5;
	v19 =	vld [tilespmem:s4+$0x20]  }
0x213: {  	v16 =	vbroadcast v16, $0x0;
	v21 =	vshrl.u32 v21, $0x3;
	[tilespmem:s9+$0xFFFFFFF0] =	vst v6;
	v5 =	vmul.f32 v10, v5;
	v6 =	vld [tilespmem:s4+$0xFFFFFFB0]  }
0x214: {  	v17 =	vbroadcast v17, $0x0;
	v21 =	vshll.u32 v21, v1;
	v10 =	vld [tilespmem:s4+$0xFFFFFFC0];
	[tilespmem:s9+$0x0] =	vst v9;
	v9 =	vmul.f32 v11, v4  }
0x215: {  	v18 =	vbroadcast v18, $0x0;
	v21 =	vadd.s32 $0x7, v21;
	v11 =	vld [tilespmem:s4+$0xFFFFFFE0];
	[tilespmem:s9+$0x10] =	vst v5;
	v4 =	vmul.f32 v12, v4  }
0x216: {  	v21 =	vbroadcast v21, $0x0;
	v5 =	vld [tilespmem:s4+$0xFFFFFFD0];
	[tilespmem:s9+$0x20] =	vst v9;
	v9 =	vmul.f32 v22, v2  }
0x217: {  	v12 =	vld [tilespmem:s4+$0x10];
	v3 =	vmul.f32 v24, v3;
	[tilespmem:s9+$0x30] =	vst v4  }
0x218: {  	v2 =	vmul.f32 v23, v2;
	v20 =	vld.idx.msk [tilespmem:v20+s28+$0x0], $0xffff;
	[tilespmem:s9+$0x40] =	vst v9  }
0x219: {  	v16 =	vld.idx.msk [tilespmem:v16+s28+$0x0], $0xffff;
	[tilespmem:s9+$0x60] =	vst v3;
	v3 =	vmul.f32 v26, v7  }
0x21a: {  	v17 =	vld.idx.msk [tilespmem:v17+s28+$0x0], $0xffff;
	[tilespmem:s9+$0x50] =	vst v2;
	v7 =	vmul.f32 v8, v7  }
0x21b: {  	v18 =	vld.idx.msk [tilespmem:v18+s28+$0x0], $0xffff;
	v6 =	vmul.f32 v6, v13;
	[tilespmem:s4+$0xFFFFFF80] =	vst v3  }
0x21c: {  	v3 =	vmul.f32 v15, v13;
	[tilespmem:s4+$0xFFFFFF90] =	vst v7;
	v21 =	vld.idx.msk [tilespmem:v21+s28+$0x0], $0xffff  }
0x21d: {  	v4 =	vld [tilespmem:s4+$0xFFFFFFF0];
	[tilespmem:s4+$0xFFFFFFB0] =	vst v6;
	v5 =	vmul.f32 v5, v14  }
0x21e: {  	v9 =	vld [tilespmem:s4+$0x0];
	[tilespmem:s4+$0xFFFFFFA0] =	vst v3;
	v3 =	vmul.f32 v10, v14  }
0x21f: {  	v8 =	vld [tilespmem:s4+$0x40];
	v6 =	vmul.f32 v11, v20;
	[tilespmem:s4+$0xFFFFFFD0] =	vst v5  }
0x220: {  	v7 =	vld [tilespmem:s4+$0x50];
	v5 =	vmul.f32 v12, v16;
	[tilespmem:s4+$0xFFFFFFC0] =	vst v3  }
0x221: {  	[tilespmem:s4+$0xFFFFFFE0] =	vst v6;
	v2 =	vmul.f32 v25, v21  }
0x222: {  	v10 =	vld [tilespmem:s4+$0x60];
	v3 =	vmul.f32 v4, v20;
	[tilespmem:s4+$0x10] =	vst v5  }
0x223: {  	s23 =	simm.s32 $0x3;
	v4 =	vmul.f32 v9, v16;
	[tilespmem:s4+$0x70] =	vst v2;
	v2 =	vld [tilespmem:s4+$0x30]  }
0x224: {  	s11 =	simm.s32 $0x0;
	v9 =	vmul.f32 v19, v17;
	v6 =	vmul.f32 v8, v18;
	v5 =	vmov s23;
	[tilespmem:s4+$0xFFFFFFF0] =	vst v3  }
0x225: {  	s14 =	simm.s32 $0x1;
	v8 =	vmov s11;
	s11 =	simm.s32 $0x5;
	v5 =	vshrl.u32 v5, $0x3;
	v3 =	vmul.f32 v7, v18;
	[tilespmem:s4+$0x0] =	vst v4  }
0x226: {  	v4 =	vshrl.u32 v8, $0x3;
	v8 =	vmov s14;
	[tilespmem:s4+$0x20] =	vst v9;
	v9 =	vmov s11  }
0x227: {  	[tilespmem:s4+$0x40] =	vst v6;
	v7 =	vmul.f32 v10, v21;
	v4 =	vshll.u32 v4, v1;
	v8 =	vshrl.u32 v8, $0x3  }
0x228: {  	v4 =	vadd.s32 $0x80, v4;
	[tilespmem:s4+$0x50] =	vst v3;
	v3 =	vshll.u32 v8, v1;
	v2 =	vmul.f32 v2, v17  }
0x229: {  	s14 =	simm.s32 $0x4;
	v5 =	vshll.u32 v5, v1;
	[tilespmem:s4+$0x60] =	vst v7;
	v4 =	vbroadcast v4, $0x0;
	v3 =	vadd.s32 $0x81, v3  }
0x22a: {  	s18 =	simm.s32 $0x2;
	v11 =	vmov s14;
	s14 =	simm.s32 $0x6;
	v5 =	vadd.s32 $0x83, v5;
	v3 =	vbroadcast v3, $0x0;
	[tilespmem:s4+$0x30] =	vst v2  }
0x22b: {  	v6 =	vshrl.u32 v9, $0x3;
	v12 =	vmov s14;
	v5 =	vbroadcast v5, $0x0;
	[spmem:s3] =	stream.indirect.scatter.add.f32 [tilespmem:s2], [sflag:$0x4], $0x20, s26, s21, $0xb8;
	[tilespmem:$0x1F100] =	vst v63  }
0x22c: {  	v10 =	vmov s18;
	s18 =	simm.s32 $0x7;
	v6 =	vshll.u32 v6, v1;
	v9 =	vshrl.u32 v12, $0x3;
	_ =	swait.ge [sflag:s8], $0x1000  }
0x22d: {  	v6 =	vadd.s32 $0x85, v6;
	v8 =	vshll.u32 v9, v1;
	v9 =	vmov s18;
	[sflag:s8] =	ssyncset.done $0x0  }
0x22e: {  	v9 =	vshrl.u32 v9, $0x3;
	v2 =	vshrl.u32 v10, $0x3;
	v10 =	vshrl.u32 v11, $0x3;
	[sflag:s8] =	ssyncadd.s32 $0xFFFFF000  }
0x22f: {  	v7 =	vshll.u32 v10, v1;
	v10 =	vbroadcast v6, $0x0;
	v6 =	vshll.u32 v9, v1;
	v9 =	vld.idx.msk [tilespmem:v4+s28+$0x0], $0xffff  }
0x230: {  	v2 =	vshll.u32 v2, v1;
	v4 =	vadd.s32 $0x87, v6;
	v11 =	vld.idx.msk [tilespmem:v3+s28+$0x0], $0xffff  }
0x231: {  	s9 =	simm.s32 $0x49F0;
	v2 =	vadd.s32 $0x82, v2;
	v6 =	vld.idx.msk [tilespmem:v5+s28+$0x0], $0xffff;
	v3 =	vbroadcast v4, $0x0  }
0x232: {  	v7 =	vadd.s32 $0x84, v7;
	v2 =	vbroadcast v2, $0x0;
	v16 =	vld [tilespmem:s9+$0xFFFFFF10]  }
0x233: {  	v8 =	vadd.s32 $0x86, v8;
	v7 =	vbroadcast v7, $0x0;
	v19 =	vld [tilespmem:s9+$0xFFFFFF20]  }
0x234: {  	s18 =	simm.s32 $0xB;
	v8 =	vbroadcast v8, $0x0;
	v20 =	vld [tilespmem:s9+$0xFFFFFF30]  }
0x235: {  	v14 =	vmov s18;
	s18 =	simm.s32 $0xD;
	v4 =	vld.idx.msk [tilespmem:v10+s28+$0x0], $0xffff  }
0x236: {  	s14 =	simm.s32 $0xA;
	v17 =	vmov s18;
	v10 =	vld [tilespmem:s9+$0x0]  }
0x237: {  	v13 =	vmov s14;
	v17 =	vshrl.u32 v17, $0x3;
	v3 =	vld.idx.msk [tilespmem:v3+s28+$0x0], $0xffff  }
0x238: {  	s23 =	simm.s32 $0x8;
	v13 =	vshrl.u32 v13, $0x3;
	v17 =	vshll.u32 v17, v1;
	v12 =	vld.idx.msk [tilespmem:v2+s28+$0x0], $0xffff  }
0x239: {  	s11 =	simm.s32 $0x9;
	v14 =	vshrl.u32 v14, $0x3;
	v17 =	vadd.s32 $0x85, v17;
	v5 =	vld.idx.msk [tilespmem:v7+s28+$0x0], $0xffff;
	v7 =	vmov s23;
	s23 =	simm.s32 $0xC  }
0x23a: {  	v2 =	vld.idx.msk [tilespmem:v8+s28+$0x0], $0xffff;
	v8 =	vmov s11;
	v7 =	vshrl.u32 v7, $0x3;
	v15 =	vmov s23;
	s23 =	simm.s32 $0xE  }
0x23b: {  	v21 =	vld [tilespmem:s9+$0xFFFFFF40];
	v8 =	vshrl.u32 v8, $0x3;
	v7 =	vshll.u32 v7, v1;
	v18 =	vmov s23  }
0x23c: {  	v23 =	vld [tilespmem:s9+$0xFFFFFF50];
	v15 =	vshrl.u32 v15, $0x3;
	v22 =	vshll.u32 v8, v1;
	v8 =	vmul.f32 v10, v3  }
0x23d: {  	v62 =	vld [tilespmem:s9+$0xFFFFFF60];
	v10 =	vshll.u32 v13, v1;
	v13 =	vshll.u32 v14, v1;
	v14 =	vmul.f32 v16, v9  }
0x23e: {  	v18 =	vshrl.u32 v18, $0x3;
	v7 =	vadd.s32 $0x80, v7;
	v9 =	vmul.f32 v19, v9;
	v19 =	vld [tilespmem:s9+$0xFFFFFF70];
	[tilespmem:s9+$0x0] =	vst v8  }
0x23f: {  	v15 =	vshll.u32 v15, v1;
	v22 =	vadd.s32 $0x81, v22;
	[tilespmem:s9+$0xFFFFFF10] =	vst v14;
	v14 =	vmul.f32 v20, v11;
	v8 =	vld [tilespmem:s9+$0xFFFFFF80]  }
0x240: {  	v7 =	vbroadcast v7, $0x0;
	v18 =	vshll.u32 v18, v1;
	[tilespmem:s9+$0xFFFFFF20] =	vst v9;
	v11 =	vmul.f32 v21, v11;
	v9 =	vld [tilespmem:s9+$0xFFFFFF90]  }
0x241: {  	v16 =	vadd.s32 $0x84, v15;
	v63 =	vadd.s32 $0x82, v10;
	v10 =	vld [tilespmem:s9+$0xFFFFFFA0];
	v21 =	vmul.f32 v23, v12;
	[tilespmem:s9+$0xFFFFFF30] =	vst v14  }
0x242: {  	v15 =	vmul.f32 v62, v12;
	v20 =	vadd.s32 $0x83, v13;
	v13 =	vbroadcast v22, $0x0;
	[tilespmem:s9+$0xFFFFFF40] =	vst v11;
	v11 =	vld [tilespmem:s9+$0xFFFFFFB0]  }
0x243: {  	s4 =	simm.s32 $0x10;
	s11 =	simm.s32 $0xF;
	v18 =	vadd.s32 $0x86, v18;
	v12 =	vld [tilespmem:s9+$0xFFFFFFC0];
	v14 =	vbroadcast v63, $0x0;
	[tilespmem:s9+$0xFFFFFF50] =	vst v21;
	v19 =	vmul.f32 v19, v6  }
.LBB2_13:
0x244: {  	p0 =	slt.u32 s4, $0x78;
	v20 =	vbroadcast v20, $0x0;
	v21 =	vmov s11;
	[tilespmem:s9+$0xFFFFFF60] =	vst v15;
	v6 =	vmul.f32 v8, v6;
	v8 =	vld [tilespmem:s9+$0xFFFFFFD0]  }
0x245: {  	v15 =	vbroadcast v16, $0x0;
	v16 =	vshrl.u32 v21, $0x3;
	[tilespmem:s9+$0xFFFFFF70] =	vst v19;
	v9 =	vmul.f32 v9, v5;
	v19 =	vld [tilespmem:s9+$0xFFFFFFE0]  }
0x246: {  	v17 =	vbroadcast v17, $0x0;
	v16 =	vshll.u32 v16, v1;
	[tilespmem:s9+$0xFFFFFF80] =	vst v6;
	v5 =	vmul.f32 v10, v5;
	v10 =	vld [tilespmem:s9+$0xFFFFFFF0]  }
0x247: {  	v18 =	vbroadcast v18, $0x0;
	v7 =	vld.idx.msk [tilespmem:v7+s28+$0x0], $0xffff;
	v6 =	vadd.s32 $0x87, v16;
	[tilespmem:s9+$0xFFFFFF90] =	vst v9;
	v9 =	vmul.f32 v11, v4  }
0x248: {  	v11 =	vld.idx.msk [tilespmem:v13+s28+$0x0], $0xffff;
	v13 =	vbroadcast v6, $0x0;
	[tilespmem:s9+$0xFFFFFFA0] =	vst v5;
	v4 =	vmul.f32 v12, v4  }
0x249: {  	v12 =	vld.idx.msk [tilespmem:v14+s28+$0x0], $0xffff;
	[tilespmem:s9+$0xFFFFFFB0] =	vst v9;
	v8 =	vmul.f32 v8, v2  }
0x24a: {  	v6 =	vld.idx.msk [tilespmem:v20+s28+$0x0], $0xffff;
	[tilespmem:s9+$0xFFFFFFC0] =	vst v4;
	v2 =	vmul.f32 v19, v2  }
0x24b: {  	v5 =	vld.idx.msk [tilespmem:v15+s28+$0x0], $0xffff;
	[tilespmem:s9+$0xFFFFFFD0] =	vst v8;
	v3 =	vmul.f32 v10, v3  }
0x24c: {  	v4 =	vld.idx.msk [tilespmem:v17+s28+$0x0], $0xffff;
	[tilespmem:s9+$0xFFFFFFE0] =	vst v2  }
0x24d: {  	v2 =	vld.idx.msk [tilespmem:v18+s28+$0x0], $0xffff;
	[tilespmem:s9+$0xFFFFFFF0] =	vst v3  }
0x24e: {  	s11 =	sadd.s32 $0x1, s4;
	v8 =	vmov s4;
	s9 =	sadd.s32 $0x100, s9;
	v3 =	vld.idx.msk [tilespmem:v13+s28+$0x0], $0xffff  }
0x24f: {  	s14 =	sadd.s32 $0x3, s4;
	s18 =	sadd.s32 $0x4, s4;
	v9 =	vmov s11;
	s11 =	sadd.s32 $0x2, s4;
	v8 =	vshrl.u32 v8, $0x3;
	v10 =	vld [tilespmem:s9+$0x0]  }
0x250: {  	v14 =	vmov s14;
	s14 =	sadd.s32 $0x6, s4;
	v15 =	vmov s18;
	v13 =	vmov s11;
	s11 =	sadd.s32 $0x5, s4;
	v16 =	vld [tilespmem:s9+$0xFFFFFF10]  }
0x251: {  	v8 =	vshll.u32 v8, v1;
	v18 =	vmov s14;
	v17 =	vmov s11;
	v19 =	vld [tilespmem:s9+$0xFFFFFF20]  }
0x252: {  	v9 =	vshrl.u32 v9, $0x3;
	v14 =	vshrl.u32 v14, $0x3;
	v13 =	vshrl.u32 v13, $0x3;
	v20 =	vld [tilespmem:s9+$0xFFFFFF30]  }
0x253: {  	v15 =	vshrl.u32 v15, $0x3;
	v18 =	vshrl.u32 v18, $0x3;
	v17 =	vshrl.u32 v17, $0x3;
	v21 =	vld [tilespmem:s9+$0xFFFFFF40]  }
0x254: {  	v9 =	vshll.u32 v9, v1;
	v8 =	vadd.s32 $0x80, v8;
	v22 =	vld [tilespmem:s9+$0xFFFFFF50];
	v10 =	vmul.f32 v10, v3  }
0x255: {  	v14 =	vshll.u32 v14, v1;
	v13 =	vshll.u32 v13, v1;
	v16 =	vmul.f32 v16, v7;
	v23 =	vld [tilespmem:s9+$0xFFFFFF60]  }
0x256: {  	v15 =	vshll.u32 v15, v1;
	v17 =	vshll.u32 v17, v1;
	v19 =	vmul.f32 v19, v7;
	v24 =	vld [tilespmem:s9+$0xFFFFFF70];
	[tilespmem:s9+$0x0] =	vst v10  }
.Ltmp5:
0x257: {  	v18 =	vshll.u32 v18, v1;
	v7 =	vbroadcast v8, $0x0;
	[tilespmem:s9+$0xFFFFFF10] =	vst v16;
	v10 =	vmul.f32 v20, v11;
	v8 =	vld [tilespmem:s9+$0xFFFFFF80];
	(pc) =	sbr.rel @p0 .LBB2_13-.Ltmp5, $4  }
0x258: {  	v25 =	vadd.s32 $0x81, v9;
	v26 =	vadd.s32 $0x82, v13;
	[tilespmem:s9+$0xFFFFFF20] =	vst v19;
	v11 =	vmul.f32 v21, v11;
	v9 =	vld [tilespmem:s9+$0xFFFFFF90]  }
0x259: {  	v20 =	vadd.s32 $0x83, v14;
	v16 =	vadd.s32 $0x84, v15;
	[tilespmem:s9+$0xFFFFFF30] =	vst v10;
	v19 =	vmul.f32 v22, v12;
	v10 =	vld [tilespmem:s9+$0xFFFFFFA0]  }
0x25a: {  	v13 =	vbroadcast v25, $0x0;
	v17 =	vadd.s32 $0x85, v17;
	[tilespmem:s9+$0xFFFFFF40] =	vst v11;
	v15 =	vmul.f32 v23, v12;
	v11 =	vld [tilespmem:s9+$0xFFFFFFB0]  }
0x25b: {  	s11 =	sadd.s32 $0x7, s4;
	s4 =	sadd.s32 $0x8, s4;
	v18 =	vadd.s32 $0x86, v18;
	v14 =	vbroadcast v26, $0x0;
	[tilespmem:s9+$0xFFFFFF50] =	vst v19;
	v19 =	vmul.f32 v24, v6;
	v12 =	vld [tilespmem:s9+$0xFFFFFFC0]  }
0x25c: {  	_ = 	snop  }
0x25d: {  	v22 =	vld [tilespmem:s9+$0xFFFFFFD0]  }
0x25e: {  	v23 =	vld [tilespmem:s9+$0xFFFFFFE0]  }
0x25f: {  	v24 =	vld [tilespmem:s9+$0xFFFFFFF0]  }
0x260: {  	v7 =	vld.idx.msk [tilespmem:v7+s28+$0x0], $0xffff  }
0x261: {  	v13 =	vld.idx.msk [tilespmem:v13+s28+$0x0], $0xffff  }
0x262: {  	s4 =	sadd.s32 $0x100, s9;
	v14 =	vld.idx.msk [tilespmem:v14+s28+$0x0], $0xffff  }
0x263: {  	v25 =	vld [tilespmem:s4+$0x0]  }
0x264: {  	v26 =	vld [tilespmem:s4+$0xFFFFFF10]  }
0x265: {  	v6 =	vmul.f32 v8, v6;
	v8 =	vld [tilespmem:s4+$0xFFFFFF20]  }
0x266: {  	[tilespmem:s9+$0xFFFFFF60] =	vst v15;
	v15 =	vld [tilespmem:s4+$0xFFFFFF30]  }
0x267: {  	v20 =	vbroadcast v20, $0x0;
	[tilespmem:s9+$0xFFFFFF70] =	vst v19;
	v19 =	vld [tilespmem:s4+$0xFFFFFFB0]  }
0x268: {  	v21 =	vmov s11;
	v16 =	vbroadcast v16, $0x0;
	v9 =	vmul.f32 v9, v5;
	[tilespmem:s9+$0xFFFFFF80] =	vst v6;
	v6 =	vld [tilespmem:s4+$0xFFFFFF40]  }
0x269: {  	v17 =	vbroadcast v17, $0x0;
	v21 =	vshrl.u32 v21, $0x3;
	v5 =	vmul.f32 v10, v5;
	v10 =	vld [tilespmem:s4+$0xFFFFFF50]  }
0x26a: {  	v18 =	vbroadcast v18, $0x0;
	v21 =	vshll.u32 v21, v1;
	[tilespmem:s9+$0xFFFFFF90] =	vst v9;
	v9 =	vmul.f32 v11, v4;
	v11 =	vld [tilespmem:s4+$0xFFFFFF70]  }
0x26b: {  	v21 =	vadd.s32 $0x87, v21;
	[tilespmem:s9+$0xFFFFFFA0] =	vst v5;
	v4 =	vmul.f32 v12, v4;
	v5 =	vld [tilespmem:s4+$0xFFFFFF60]  }
0x26c: {  	v21 =	vbroadcast v21, $0x0;
	v12 =	vld [tilespmem:s4+$0xFFFFFFA0];
	[tilespmem:s9+$0xFFFFFFB0] =	vst v9;
	v9 =	vmul.f32 v22, v2  }
0x26d: {  	v3 =	vmul.f32 v24, v3;
	v20 =	vld.idx.msk [tilespmem:v20+s28+$0x0], $0xffff;
	[tilespmem:s9+$0xFFFFFFC0] =	vst v4  }
0x26e: {  	v2 =	vmul.f32 v23, v2;
	v16 =	vld.idx.msk [tilespmem:v16+s28+$0x0], $0xffff;
	[tilespmem:s9+$0xFFFFFFD0] =	vst v9  }
0x26f: {  	v17 =	vld.idx.msk [tilespmem:v17+s28+$0x0], $0xffff;
	[tilespmem:s9+$0xFFFFFFF0] =	vst v3;
	v3 =	vmul.f32 v26, v7  }
0x270: {  	v18 =	vld.idx.msk [tilespmem:v18+s28+$0x0], $0xffff;
	[tilespmem:s9+$0xFFFFFFE0] =	vst v2;
	v7 =	vmul.f32 v8, v7  }
0x271: {  	v4 =	vld [tilespmem:s4+$0xFFFFFF80];
	v6 =	vmul.f32 v6, v13;
	[tilespmem:s4+$0xFFFFFF10] =	vst v3  }
0x272: {  	v3 =	vmul.f32 v15, v13;
	[tilespmem:s4+$0xFFFFFF20] =	vst v7;
	v21 =	vld.idx.msk [tilespmem:v21+s28+$0x0], $0xffff  }
0x273: {  	v9 =	vld [tilespmem:s4+$0xFFFFFF90];
	[tilespmem:s4+$0xFFFFFF40] =	vst v6;
	v5 =	vmul.f32 v5, v14  }
0x274: {  	v8 =	vld [tilespmem:s4+$0xFFFFFFD0];
	[tilespmem:s4+$0xFFFFFF30] =	vst v3;
	v3 =	vmul.f32 v10, v14  }
0x275: {  	v6 =	vmul.f32 v11, v20;
	[tilespmem:s4+$0xFFFFFF60] =	vst v5  }
0x276: {  	v7 =	vld [tilespmem:s4+$0xFFFFFFE0];
	v5 =	vmul.f32 v12, v16;
	[tilespmem:s4+$0xFFFFFF50] =	vst v3  }
0x277: {  	v10 =	vld [tilespmem:s4+$0xFFFFFFF0];
	[tilespmem:s4+$0xFFFFFF70] =	vst v6;
	v2 =	vmul.f32 v25, v21  }
0x278: {  	s23 =	simm.s32 $0x3;
	v3 =	vmul.f32 v4, v20;
	v4 =	vmul.f32 v9, v16;
	[tilespmem:s4+$0xFFFFFFA0] =	vst v5  }
0x279: {  	s11 =	simm.s32 $0x0;
	v9 =	vmul.f32 v19, v17;
	v6 =	vmul.f32 v8, v18;
	v5 =	vmov s23;
	s23 =	simm.s32 $0x6;
	[tilespmem:s4+$0x0] =	vst v2;
	v2 =	vld [tilespmem:s4+$0xFFFFFFC0]  }
0x27a: {  	s14 =	simm.s32 $0x1;
	v8 =	vmov s11;
	v12 =	vmov s23;
	v5 =	vshrl.u32 v5, $0x3;
	[tilespmem:s4+$0xFFFFFF80] =	vst v3  }
0x27b: {  	s18 =	simm.s32 $0x2;
	v3 =	vmul.f32 v7, v18;
	[tilespmem:s4+$0xFFFFFF90] =	vst v4;
	v4 =	vshrl.u32 v8, $0x3;
	v8 =	vmov s14  }
0x27c: {  	s14 =	simm.s32 $0x4;
	[tilespmem:s4+$0xFFFFFFB0] =	vst v9;
	v5 =	vshll.u32 v5, v1;
	v7 =	vmul.f32 v10, v21;
	v10 =	vmov s18  }
0x27d: {  	[tilespmem:s4+$0xFFFFFFD0] =	vst v6;
	v11 =	vmov s14;
	v4 =	vshll.u32 v4, v1;
	v8 =	vshrl.u32 v8, $0x3  }
0x27e: {  	s18 =	simm.s32 $0x5;
	v4 =	vadd.s32 $0x100, v4;
	[tilespmem:s4+$0xFFFFFFE0] =	vst v3;
	v3 =	vshll.u32 v8, v1;
	v2 =	vmul.f32 v2, v17  }
0x27f: {  	v9 =	vmov s18;
	[tilespmem:s4+$0xFFFFFFF0] =	vst v7;
	v4 =	vbroadcast v4, $0x0;
	v3 =	vadd.s32 $0x101, v3  }
0x280: {  	s14 =	simm.s32 $0x680;
	v5 =	vadd.s32 $0x103, v5;
	s18 =	simm.s32 $0x7;
	v6 =	vshrl.u32 v9, $0x3;
	v3 =	vbroadcast v3, $0x0;
	[tilespmem:s4+$0xFFFFFFC0] =	vst v2  }
0x281: {  	v5 =	vbroadcast v5, $0x0;
	v9 =	vshrl.u32 v12, $0x3;
	v6 =	vshll.u32 v6, v1;
	[spmem:s3] =	stream.indirect.scatter.add.f32 [tilespmem:s10], [sflag:$0x4], $0x20, s14, s21, $0xb8;
	[tilespmem:$0x1F100] =	vst v63  }
0x282: {  	v8 =	vshll.u32 v9, v1;
	v9 =	vmov s18;
	v6 =	vadd.s32 $0x105, v6;
	_ =	swait.ge [sflag:s8], $0x1000  }
0x283: {  	v9 =	vshrl.u32 v9, $0x3;
	v2 =	vshrl.u32 v10, $0x3;
	v10 =	vshrl.u32 v11, $0x3;
	[sflag:s8] =	ssyncset.done $0x0  }
0x284: {  	v2 =	vshll.u32 v2, v1;
	v7 =	vshll.u32 v10, v1;
	v10 =	vbroadcast v6, $0x0;
	[sflag:s8] =	ssyncadd.s32 $0xFFFFF000  }
0x285: {  	v6 =	vshll.u32 v9, v1;
	v2 =	vadd.s32 $0x102, v2;
	v9 =	vld.idx.msk [tilespmem:v4+s28+$0x0], $0xffff  }
0x286: {  	v2 =	vbroadcast v2, $0x0;
	v4 =	vadd.s32 $0x107, v6;
	v11 =	vld.idx.msk [tilespmem:v3+s28+$0x0], $0xffff  }
0x287: {  	s9 =	simm.s32 $0x59F0;
	v7 =	vadd.s32 $0x104, v7;
	v6 =	vld.idx.msk [tilespmem:v5+s28+$0x0], $0xffff;
	v3 =	vbroadcast v4, $0x0  }
0x288: {  	v8 =	vadd.s32 $0x106, v8;
	v7 =	vbroadcast v7, $0x0;
	v16 =	vld [tilespmem:s9+$0xFFFFFF10]  }
0x289: {  	v8 =	vbroadcast v8, $0x0;
	v19 =	vld [tilespmem:s9+$0xFFFFFF20]  }
0x28a: {  	v4 =	vld.idx.msk [tilespmem:v10+s28+$0x0], $0xffff  }
0x28b: {  	s18 =	simm.s32 $0xB;
	v10 =	vld [tilespmem:s9+$0x0]  }
0x28c: {  	v14 =	vmov s18;
	s18 =	simm.s32 $0xD;
	v13 =	vld.idx.msk [tilespmem:v2+s28+$0x0], $0xffff  }
0x28d: {  	s23 =	simm.s32 $0x8;
	v14 =	vshrl.u32 v14, $0x3;
	v17 =	vmov s18;
	s14 =	simm.s32 $0xA;
	v3 =	vld.idx.msk [tilespmem:v3+s28+$0x0], $0xffff  }
0x28e: {  	s11 =	simm.s32 $0x9;
	v17 =	vshrl.u32 v17, $0x3;
	v12 =	vmov s14;
	v5 =	vld.idx.msk [tilespmem:v7+s28+$0x0], $0xffff;
	v7 =	vmov s23  }
0x28f: {  	v12 =	vshrl.u32 v12, $0x3;
	v2 =	vld.idx.msk [tilespmem:v8+s28+$0x0], $0xffff;
	v8 =	vmov s11;
	s23 =	simm.s32 $0xC;
	v7 =	vshrl.u32 v7, $0x3  }
0x290: {  	v20 =	vld [tilespmem:s9+$0xFFFFFF30];
	v15 =	vmov s23;
	s23 =	simm.s32 $0xE;
	v8 =	vshrl.u32 v8, $0x3;
	v7 =	vshll.u32 v7, v1  }
0x291: {  	v21 =	vld [tilespmem:s9+$0xFFFFFF40];
	v18 =	vmov s23;
	v15 =	vshrl.u32 v15, $0x3;
	v22 =	vshll.u32 v8, v1  }
0x292: {  	v23 =	vld [tilespmem:s9+$0xFFFFFF50];
	v18 =	vshrl.u32 v18, $0x3;
	v7 =	vadd.s32 $0x100, v7;
	v8 =	vmul.f32 v10, v3  }
0x293: {  	v62 =	vld [tilespmem:s9+$0xFFFFFF60];
	v10 =	vshll.u32 v12, v1;
	v12 =	vshll.u32 v14, v1;
	v14 =	vmul.f32 v16, v9  }
0x294: {  	v63 =	vld [tilespmem:s9+$0xFFFFFF70];
	v15 =	vshll.u32 v15, v1;
	v7 =	vbroadcast v7, $0x0;
	v9 =	vmul.f32 v19, v9;
	[tilespmem:s9+$0x0] =	vst v8  }
0x295: {  	v15 =	vadd.s32 $0x104, v15;
	v16 =	vshll.u32 v17, v1;
	[tilespmem:s9+$0xFFFFFF10] =	vst v14;
	v14 =	vmul.f32 v20, v11;
	v8 =	vld [tilespmem:s9+$0xFFFFFF80]  }
0x296: {  	v17 =	vshll.u32 v18, v1;
	v18 =	vadd.s32 $0x101, v22;
	[tilespmem:s9+$0xFFFFFF20] =	vst v9;
	v11 =	vmul.f32 v21, v11;
	v9 =	vld [tilespmem:s9+$0xFFFFFF90]  }
0x297: {  	v19 =	vadd.s32 $0x103, v12;
	v20 =	vadd.s32 $0x102, v10;
	v21 =	vmul.f32 v23, v13;
	v10 =	vld [tilespmem:s9+$0xFFFFFFA0];
	[tilespmem:s9+$0xFFFFFF30] =	vst v14  }
0x298: {  	v12 =	vbroadcast v18, $0x0;
	v16 =	vadd.s32 $0x105, v16;
	v18 =	vmul.f32 v62, v13;
	[tilespmem:s9+$0xFFFFFF40] =	vst v11;
	v11 =	vld [tilespmem:s9+$0xFFFFFFB0]  }
0x299: {  	s4 =	simm.s32 $0x10;
	s11 =	simm.s32 $0xF;
	v17 =	vadd.s32 $0x106, v17;
	v13 =	vld [tilespmem:s9+$0xFFFFFFC0];
	v14 =	vbroadcast v20, $0x0;
	[tilespmem:s9+$0xFFFFFF50] =	vst v21;
	v20 =	vmul.f32 v63, v6  }
.LBB2_15:
0x29a: {  	p0 =	slt.u32 s4, $0x78;
	v19 =	vbroadcast v19, $0x0;
	v21 =	vmov s11;
	[tilespmem:s9+$0xFFFFFF60] =	vst v18;
	v6 =	vmul.f32 v8, v6;
	v8 =	vld [tilespmem:s9+$0xFFFFFFD0]  }
0x29b: {  	v15 =	vbroadcast v15, $0x0;
	v18 =	vshrl.u32 v21, $0x3;
	[tilespmem:s9+$0xFFFFFF70] =	vst v20;
	v9 =	vmul.f32 v9, v5;
	v20 =	vld [tilespmem:s9+$0xFFFFFFE0]  }
0x29c: {  	v16 =	vbroadcast v16, $0x0;
	v18 =	vshll.u32 v18, v1;
	[tilespmem:s9+$0xFFFFFF80] =	vst v6;
	v5 =	vmul.f32 v10, v5;
	v10 =	vld [tilespmem:s9+$0xFFFFFFF0]  }
0x29d: {  	v17 =	vbroadcast v17, $0x0;
	v7 =	vld.idx.msk [tilespmem:v7+s28+$0x0], $0xffff;
	v6 =	vadd.s32 $0x107, v18;
	[tilespmem:s9+$0xFFFFFF90] =	vst v9;
	v9 =	vmul.f32 v11, v4  }
0x29e: {  	v11 =	vld.idx.msk [tilespmem:v12+s28+$0x0], $0xffff;
	v12 =	vbroadcast v6, $0x0;
	[tilespmem:s9+$0xFFFFFFA0] =	vst v5;
	v4 =	vmul.f32 v13, v4  }
0x29f: {  	v13 =	vld.idx.msk [tilespmem:v14+s28+$0x0], $0xffff;
	[tilespmem:s9+$0xFFFFFFB0] =	vst v9;
	v8 =	vmul.f32 v8, v2  }
0x2a0: {  	v6 =	vld.idx.msk [tilespmem:v19+s28+$0x0], $0xffff;
	[tilespmem:s9+$0xFFFFFFC0] =	vst v4;
	v2 =	vmul.f32 v20, v2  }
0x2a1: {  	v5 =	vld.idx.msk [tilespmem:v15+s28+$0x0], $0xffff;
	[tilespmem:s9+$0xFFFFFFD0] =	vst v8;
	v3 =	vmul.f32 v10, v3  }
0x2a2: {  	v4 =	vld.idx.msk [tilespmem:v16+s28+$0x0], $0xffff;
	[tilespmem:s9+$0xFFFFFFE0] =	vst v2  }
0x2a3: {  	v2 =	vld.idx.msk [tilespmem:v17+s28+$0x0], $0xffff;
	[tilespmem:s9+$0xFFFFFFF0] =	vst v3  }
0x2a4: {  	s11 =	sadd.s32 $0x1, s4;
	v8 =	vmov s4;
	s9 =	sadd.s32 $0x100, s9;
	v3 =	vld.idx.msk [tilespmem:v12+s28+$0x0], $0xffff  }
0x2a5: {  	s14 =	sadd.s32 $0x3, s4;
	s18 =	sadd.s32 $0x4, s4;
	v9 =	vmov s11;
	s11 =	sadd.s32 $0x2, s4;
	v8 =	vshrl.u32 v8, $0x3;
	v10 =	vld [tilespmem:s9+$0x0]  }
0x2a6: {  	v14 =	vmov s14;
	s14 =	sadd.s32 $0x6, s4;
	v15 =	vmov s18;
	v12 =	vmov s11;
	s11 =	sadd.s32 $0x5, s4;
	v16 =	vld [tilespmem:s9+$0xFFFFFF10]  }
0x2a7: {  	v18 =	vmov s14;
	v8 =	vshll.u32 v8, v1;
	v17 =	vmov s11;
	v19 =	vld [tilespmem:s9+$0xFFFFFF20]  }
0x2a8: {  	v9 =	vshrl.u32 v9, $0x3;
	v14 =	vshrl.u32 v14, $0x3;
	v12 =	vshrl.u32 v12, $0x3;
	v20 =	vld [tilespmem:s9+$0xFFFFFF30]  }
0x2a9: {  	v18 =	vshrl.u32 v18, $0x3;
	v15 =	vshrl.u32 v15, $0x3;
	v17 =	vshrl.u32 v17, $0x3;
	v21 =	vld [tilespmem:s9+$0xFFFFFF40]  }
0x2aa: {  	v9 =	vshll.u32 v9, v1;
	v8 =	vadd.s32 $0x100, v8;
	v22 =	vld [tilespmem:s9+$0xFFFFFF50];
	v10 =	vmul.f32 v10, v3  }
0x2ab: {  	v14 =	vshll.u32 v14, v1;
	v12 =	vshll.u32 v12, v1;
	v16 =	vmul.f32 v16, v7;
	v23 =	vld [tilespmem:s9+$0xFFFFFF60]  }
0x2ac: {  	v15 =	vshll.u32 v15, v1;
	v17 =	vshll.u32 v17, v1;
	v19 =	vmul.f32 v19, v7;
	v24 =	vld [tilespmem:s9+$0xFFFFFF70];
	[tilespmem:s9+$0x0] =	vst v10  }
.Ltmp6:
0x2ad: {  	v25 =	vshll.u32 v18, v1;
	v7 =	vbroadcast v8, $0x0;
	[tilespmem:s9+$0xFFFFFF10] =	vst v16;
	v10 =	vmul.f32 v20, v11;
	v8 =	vld [tilespmem:s9+$0xFFFFFF80];
	(pc) =	sbr.rel @p0 .LBB2_15-.Ltmp6, $4  }
0x2ae: {  	v16 =	vadd.s32 $0x101, v9;
	v20 =	vadd.s32 $0x102, v12;
	[tilespmem:s9+$0xFFFFFF20] =	vst v19;
	v11 =	vmul.f32 v21, v11;
	v9 =	vld [tilespmem:s9+$0xFFFFFF90]  }
0x2af: {  	v15 =	vadd.s32 $0x104, v15;
	v19 =	vadd.s32 $0x103, v14;
	[tilespmem:s9+$0xFFFFFF30] =	vst v10;
	v21 =	vmul.f32 v22, v13;
	v10 =	vld [tilespmem:s9+$0xFFFFFFA0]  }
0x2b0: {  	v12 =	vbroadcast v16, $0x0;
	v16 =	vadd.s32 $0x105, v17;
	[tilespmem:s9+$0xFFFFFF40] =	vst v11;
	v18 =	vmul.f32 v23, v13;
	v11 =	vld [tilespmem:s9+$0xFFFFFFB0]  }
0x2b1: {  	s11 =	sadd.s32 $0x7, s4;
	s4 =	sadd.s32 $0x8, s4;
	v14 =	vbroadcast v20, $0x0;
	v17 =	vadd.s32 $0x106, v25;
	[tilespmem:s9+$0xFFFFFF50] =	vst v21;
	v20 =	vmul.f32 v24, v6;
	v13 =	vld [tilespmem:s9+$0xFFFFFFC0]  }
0x2b2: {  	_ = 	snop  }
0x2b3: {  	v22 =	vld [tilespmem:s9+$0xFFFFFFD0]  }
0x2b4: {  	v23 =	vld [tilespmem:s9+$0xFFFFFFE0]  }
0x2b5: {  	v24 =	vld [tilespmem:s9+$0xFFFFFFF0]  }
0x2b6: {  	v7 =	vld.idx.msk [tilespmem:v7+s28+$0x0], $0xffff  }
0x2b7: {  	v12 =	vld.idx.msk [tilespmem:v12+s28+$0x0], $0xffff  }
0x2b8: {  	s4 =	sadd.s32 $0x100, s9;
	v14 =	vld.idx.msk [tilespmem:v14+s28+$0x0], $0xffff  }
0x2b9: {  	v47 =	vld [tilespmem:s4+$0x0]  }
0x2ba: {  	v49 =	vld [tilespmem:s4+$0xFFFFFF10]  }
0x2bb: {  	[tilespmem:s9+$0xFFFFFF60] =	vst v18;
	v6 =	vmul.f32 v8, v6;
	v51 =	vld [tilespmem:s4+$0xFFFFFF20]  }
0x2bc: {  	v21 =	vmov s11;
	[tilespmem:s9+$0xFFFFFF70] =	vst v20;
	v9 =	vmul.f32 v9, v5;
	v52 =	vld [tilespmem:s4+$0xFFFFFF30]  }
0x2bd: {  	v21 =	vshrl.u32 v21, $0x3;
	v53 =	vld [tilespmem:s4+$0xFFFFFF40];
	[tilespmem:s9+$0xFFFFFF80] =	vst v6;
	v44 =	vmul.f32 v10, v5  }
0x2be: {  	v19 =	vbroadcast v19, $0x0;
	v54 =	vld [tilespmem:s4+$0xFFFFFF60];
	v21 =	vshll.u32 v21, v1;
	[tilespmem:s9+$0xFFFFFF90] =	vst v9;
	v46 =	vmul.f32 v11, v4  }
0x2bf: {  	v55 =	vld [tilespmem:s4+$0xFFFFFF70];
	v21 =	vadd.s32 $0x107, v21;
	[tilespmem:s9+$0xFFFFFFA0] =	vst v44;
	v48 =	vmul.f32 v13, v4  }
0x2c0: {  	v56 =	vld [tilespmem:s4+$0xFFFFFF80];
	v21 =	vbroadcast v21, $0x0;
	[tilespmem:s9+$0xFFFFFFB0] =	vst v46;
	v50 =	vmul.f32 v22, v2  }
0x2c1: {  	v15 =	vbroadcast v15, $0x0;
	v58 =	vld [tilespmem:s4+$0xFFFFFF90];
	v2 =	vmul.f32 v23, v2;
	[tilespmem:s9+$0xFFFFFFC0] =	vst v48  }
0x2c2: {  	v59 =	vld [tilespmem:s4+$0xFFFFFFB0];
	v3 =	vmul.f32 v24, v3;
	[tilespmem:s9+$0xFFFFFFD0] =	vst v50  }
0x2c3: {  	v16 =	vbroadcast v16, $0x0;
	v57 =	vmul.f32 v53, v12;
	[tilespmem:s9+$0xFFFFFFE0] =	vst v2;
	v2 =	vld [tilespmem:s4+$0xFFFFFF50]  }
0x2c4: {  	v19 =	vld.idx.msk [tilespmem:v19+s28+$0x0], $0xffff;
	[tilespmem:s9+$0xFFFFFFF0] =	vst v3;
	v3 =	vmul.f32 v49, v7  }
0x2c5: {  	v17 =	vbroadcast v17, $0x0;
	v60 =	vld [tilespmem:s4+$0xFFFFFFC0];
	v5 =	vmul.f32 v54, v14;
	[tilespmem:s4+$0xFFFFFF40] =	vst v57  }
0x2c6: {  	[tilespmem:s4+$0xFFFFFF10] =	vst v3;
	v3 =	vmul.f32 v52, v12;
	v45 =	vld.idx.msk [tilespmem:v21+s28+$0x0], $0xffff  }
0x2c7: {  	v15 =	vld.idx.msk [tilespmem:v15+s28+$0x0], $0xffff;
	v7 =	vmul.f32 v51, v7;
	[tilespmem:s4+$0xFFFFFF60] =	vst v5  }
0x2c8: {  	[tilespmem:s4+$0xFFFFFF30] =	vst v3;
	v3 =	vld [tilespmem:s4+$0xFFFFFFA0];
	v2 =	vmul.f32 v2, v14  }
0x2c9: {  	v42 =	vld.idx.msk [tilespmem:v16+s28+$0x0], $0xffff;
	[tilespmem:s4+$0xFFFFFF20] =	vst v7;
	v4 =	vmul.f32 v56, v19  }
0x2ca: {  	v61 =	vld [tilespmem:s4+$0xFFFFFFD0];
	[tilespmem:s4+$0xFFFFFF50] =	vst v2;
	v2 =	vmul.f32 v55, v19  }
0x2cb: {  	v43 =	vld.idx.msk [tilespmem:v17+s28+$0x0], $0xffff;
	[tilespmem:s4+$0xFFFFFF80] =	vst v4;
	v10 =	vmul.f32 v47, v45  }
0x2cc: {  	v62 =	vld [tilespmem:s4+$0xFFFFFFE0];
	[tilespmem:s4+$0xFFFFFF70] =	vst v2;
	v2 =	vmul.f32 v58, v15  }
0x2cd: {  	v63 =	vld [tilespmem:s4+$0xFFFFFFF0];
	v3 =	vmul.f32 v3, v15;
	[tilespmem:s4+$0x0] =	vst v10  }
0x2ce: {  	[tilespmem:s4+$0xFFFFFF90] =	vst v2;
	v2 =	vmul.f32 v59, v42  }
0x2cf: {  	s31 =	sadd.s32 $0x1, s31;
	[tilespmem:s4+$0xFFFFFFA0] =	vst v3;
	v3 =	vmul.f32 v60, v42  }
0x2d0: {  	p0 =	sne.s32 s31, $0x43;
	[tilespmem:s4+$0xFFFFFFB0] =	vst v2;
	v2 =	vmul.f32 v61, v43  }
.Ltmp7:
0x2d1: {  	[tilespmem:s4+$0xFFFFFFC0] =	vst v3;
	v3 =	vmul.f32 v62, v43;
	(pc) =	sbr.rel @p0 .LBB2_4-.Ltmp7, $4  }
0x2d2: {  	[tilespmem:s4+$0xFFFFFFD0] =	vst v2;
	v2 =	vmul.f32 v63, v45  }
0x2d3: {  	[tilespmem:s4+$0xFFFFFFE0] =	vst v3  }
0x2d4: {  	s23 =	simm.s32 $0x700;
	[tilespmem:s4+$0xFFFFFFF0] =	vst v2  }
0x2d5: {  	[spmem:s3] =	stream.indirect.scatter.add.f32 [tilespmem:s12], [sflag:$0x4], $0x20, s23, s21, $0xb8;
	[tilespmem:$0x1F100] =	vst v63  }
0x2d6: {  	s4 =	simm.s32 $0x4  }
0x2d7: {  	_ =	swait.ge [sflag:s4], $0x1000  }
0x2d8: {  	[sflag:s4] =	ssyncset.done $0x0  }
0x2d9: {  	[sflag:s4] =	ssyncadd.s32 $0xFFFFF000  }
0x2da: {  	_ =	swait.ge [sflag:s4], $0x1000  }
0x2db: {  	[sflag:s4] =	ssyncset.done $0x0  }
0x2dc: {  	[sflag:s4] =	ssyncadd.s32 $0xFFFFF000  }
0x2dd: {  	_ =	swait.ge [sflag:s4], $0x1000  }
0x2de: {  	[sflag:s4] =	ssyncset.done $0x0  }
0x2df: {  	[sflag:s4] =	ssyncadd.s32 $0xFFFFF000  }
0x2e0: {  	s18 =	stileid.u32;
	[bflag:$0x0] =	sbarrier.arrive $0xFFFF  }
0x2e1: {  	s4 =	sshll.u32 s18, $0x6;
	s14 =	rddreg [dreg:$0x4]  }
0x2e2: {  	s4 =	sor.u32 $0x1C07, s4;
	s11 =	rddreg [dreg:$0x1f];
	s9 =	sshrl.u32 s14, $0x3  }
0x2e3: {  	[hbm:s11], [sflag:s4] =	dma.local [spmem:s9], $0x3100  }
0x2e4: {  	_ =	swait.ge [sflag:s17], $0x3100  }
0x2e5: {  	s23 =	sld [smem:$0x7FA]  }
0x2e6: {  	s31 =	sld [smem:$0x7FB];
	_ =	sdelay $0x1  }
0x2e7: {  	s9 =	sadd.s32 $0x1, s23  }
0x2e8: {  	p0 =	sne.s32 s9, s31  }
.Ltmp8:
0x2e9: {  	_ = 	snop;
	(pc) =	sbr.rel @p0 .LBB2_1-.Ltmp8, $3  }
0x2ea: {  	_ =	sdelay $0x1  }
0x2eb: {  	[sflag:s17] =	ssyncset.done $0x0  }
0x2ec: {  	[sflag:s17] =	ssyncadd.s32 $0xFFFFCF00  }
0x2ed: {  	_ =	sfence.sel $0x180000  }
0x2ee: {  	[bflag:$0x0] =	sbarrier.arrive $0xFFFF  }
0x2ef: {  	_ =	strace $0x9000004A  }
0x2f0: {  	s0 =	stileid.u32;
	[bflag:$0x2] =	sbarrier.arrive $0xFFFF  }
0x2f1: {  	p0 =	sne.s32 s0, $0x0;
	s0 =	rddreg [dreg:$0x3]  }
0x2f2: {  	s0 =	sadd.s32 @!p0 $0x100000, s0  }
0x2f3: {  	[sflag:s0] =	ssyncadd.tile.s32 @!p0 $0x1;
	_ =	shalt  }
.Lfunc_end2:
_tile_overlayer_lowered:
.L_overlay_start_2:
0x2f4: {  	(tag) =	ssettag $0x2  }
0x2f5: {  	s0 =	rddreg [dreg:$0x0];
	s2 =	stileid.u32  }
0x2f6: {  	s1 =	rddreg [dreg:$0x1];
	p0 =	sne.s32 s2, $0x0  }
0x2f7: {  	s3 =	rddreg [dreg:$0x2];
	[bflag:$0x3] =	sbarrier.arrive $0xFFFF;
	s2 =	simm.s32 @!p0 $0x1C07  }
0x2f8: {  	[timem:s3], [sflag:s2] =	dma.local @!p0 [hbm:s0], s1  }
0x2f9: {  	s0 =	simm.s32 @!p0 $0x7  }
0x2fa: {  	_ =	swait.ge @!p0 [sflag:s0], s1  }
0x2fb: {  	s1 =	ssub.s32 @!p0 $0x0, s1;
	[sflag:s0] =	ssyncset.done @!p0 $0x0  }
0x2fc: {  	[sflag:s0] =	ssyncadd.s32 @!p0 s1  }
0x2fd: {  	[bflag:$0x3] =	sbarrier.arrive $0xFFFF  }
0x2fe: {  	_ =	shalt  }

</sc_bundles>
